<compile_context>
chip_gen: v7x
topology: tpu7x:2x2x1
jax: 0.10.2.dev20260603
libtpu: 0.0.44.dev20260713+nightly
codegen_flags: <defaults>
</compile_context>

<pallas_src>
import functools

import jax
import jax.numpy as jnp
from jax import lax
from jax.experimental import pallas as pl
from jax.experimental.pallas import tpu as pltpu
from jax.experimental.pallas import tpu_sc as plsc

F32 = jnp.float32
I32 = jnp.int32

N_BOXES = 5000
NPAD = 5120
BLK = 512
NBLK = NPAD // BLK
NMS_THR = 0.5
SCORE_THR = 0.2

N_PAIRS = 512
POOL_DIM = 12544
REP = 1024
NUM_CLASSES = 117
CPAD = 128
K_TILE = 1792
K_STEPS = POOL_DIM // K_TILE


def _iou_gt(bo, boT, s, t):
    rx1 = bo[s * BLK:(s + 1) * BLK, 0:1]
    ry1 = bo[s * BLK:(s + 1) * BLK, 1:2]
    rx2 = bo[s * BLK:(s + 1) * BLK, 2:3]
    ry2 = bo[s * BLK:(s + 1) * BLK, 3:4]
    cx1 = boT[0:1, t * BLK:(t + 1) * BLK]
    cy1 = boT[1:2, t * BLK:(t + 1) * BLK]
    cx2 = boT[2:3, t * BLK:(t + 1) * BLK]
    cy2 = boT[3:4, t * BLK:(t + 1) * BLK]
    ix1 = jnp.maximum(rx1, cx1)
    iy1 = jnp.maximum(ry1, cy1)
    ix2 = jnp.minimum(rx2, cx2)
    iy2 = jnp.minimum(ry2, cy2)
    inter = jnp.clip(ix2 - ix1, 0.0) * jnp.clip(iy2 - iy1, 0.0)
    ar = (rx2 - rx1) * (ry2 - ry1)
    ac = (cx2 - cx1) * (cy2 - cy1)
    iou = inter / (ar + ac - inter + 1e-8)
    return (iou > NMS_THR).astype(F32)


def _nms_body(bs_ref, bt_ref, lsc_ref, lsr_ref, li_ref, ss_ref, keep_ref,
              acc_ref):
    mc = jnp.max(bs_ref[...]) + 1.0
    bo = bs_ref[...] + lsc_ref[...] * mc
    boT = bt_ref[...] + lsr_ref[...] * mc

    ii = lax.broadcasted_iota(I32, (BLK, BLK), 0)
    jj = lax.broadcasted_iota(I32, (BLK, BLK), 1)
    upper = (ii < jj).astype(F32)

    lmin = [jnp.min(li_ref[0, t * BLK:(t + 1) * BLK]) for t in range(NBLK)]
    lmax = [jnp.max(li_ref[0, t * BLK:(t + 1) * BLK]) for t in range(NBLK)]

    for t in range(NBLK):
        cand0 = (ss_ref[0:1, t * BLK:(t + 1) * BLK] > SCORE_THR).astype(F32)
        acc_ref[...] = jnp.zeros((1, BLK), F32)
        for s in range(t):
            @pl.when(lmax[s] == lmin[t])
            def _(s=s, t=t):
                m = _iou_gt(bo, boT, s, t)
                ks = keep_ref[0:1, s * BLK:(s + 1) * BLK]
                acc_ref[...] += jnp.dot(ks, m, preferred_element_type=F32)
        cand = cand0 * (acc_ref[...] == 0.0).astype(F32)
        m_in = _iou_gt(bo, boT, t, t) * upper

        def step(alive):
            supp = jnp.dot(alive, m_in, preferred_element_type=F32)
            return cand * (supp == 0.0).astype(F32)

        def cond(st):
            new, old = st
            return jnp.any(new != old)

        def body(st):
            new, old = st
            return step(new), new

        alive, _ = lax.while_loop(cond, body, (step(cand), cand))
        keep_ref[0:1, t * BLK:(t + 1) * BLK] = alive


def _nms_keep_sorted(bs, bt, ls_col, ls_row, li_row, ss_row):
    return pl.pallas_call(
        _nms_body,
        out_shape=jax.ShapeDtypeStruct((1, NPAD), F32),
        scratch_shapes=[pltpu.VMEM((1, BLK), F32)],
    )(bs, bt, ls_col, ls_row, li_row, ss_row)


_SC_NC = 2
_SC_NS = 16
_SC_LANES = 16


def _sc_prior_body(keep_hbm, order_hbm, scores_hbm, labels_hbm, o2t_hbm,
                   h_hbm, o_hbm, out_hbm,
                   keep_v, order_v, korig_v, scores_v, labels_v, o2t_v,
                   h_v, o_v, out_v):
    wid = lax.axis_index("s") * _SC_NC + lax.axis_index("c")

    pltpu.sync_copy(keep_hbm, keep_v)
    pltpu.sync_copy(order_hbm, order_v)
    pltpu.sync_copy(scores_hbm, scores_v)
    pltpu.sync_copy(labels_hbm, labels_v)
    pltpu.sync_copy(o2t_hbm, o2t_v)
    pltpu.sync_copy(h_hbm.at[pl.ds(wid * _SC_LANES, _SC_LANES)], h_v)
    pltpu.sync_copy(o_hbm.at[pl.ds(wid * _SC_LANES, _SC_LANES)], o_v)

    def scatter_body(i, carry):
        kv = keep_v[pl.ds(i * _SC_LANES, _SC_LANES)]
        ov = order_v[pl.ds(i * _SC_LANES, _SC_LANES)]
        plsc.store_scatter(korig_v, [ov], kv)
        return carry

    lax.fori_loop(0, NPAD // _SC_LANES, scatter_body, 0)

    hv = h_v[...]
    ov = o_v[...]
    sh = plsc.load_gather(scores_v, [hv])
    so = plsc.load_gather(scores_v, [ov])
    kh = plsc.load_gather(korig_v, [hv])
    ko = plsc.load_gather(korig_v, [ov])
    lo = plsc.load_gather(labels_v, [ov])
    ne = (hv != ov).astype(F32)
    w = sh * so * kh * ko * ne
    base = lo * CPAD
    lanes = lax.iota(I32, _SC_LANES) * CPAD

    def col_body(c, carry):
        col = plsc.load_gather(o2t_v, [base + c])
        plsc.store_scatter(out_v, [lanes + c], w * col)
        return carry

    lax.fori_loop(0, CPAD, col_body, 0)
    pltpu.sync_copy(out_v, out_hbm.at[pl.ds(wid * _SC_LANES * CPAD,
                                            _SC_LANES * CPAD)])


@functools.partial(
    pl.kernel,
    mesh=plsc.VectorSubcoreMesh(core_axis_name="c", subcore_axis_name="s"),
    out_type=jax.ShapeDtypeStruct((N_PAIRS * CPAD,), F32),
    compiler_params=pltpu.CompilerParams(needs_layout_passes=False),
    scratch_types=[
        pltpu.VMEM((NPAD,), F32),
        pltpu.VMEM((NPAD,), I32),
        pltpu.VMEM((NPAD,), F32),
        pltpu.VMEM((NPAD,), F32),
        pltpu.VMEM((NPAD,), I32),
        pltpu.VMEM((80 * CPAD,), F32),
        pltpu.VMEM((_SC_LANES,), I32),
        pltpu.VMEM((_SC_LANES,), I32),
        pltpu.VMEM((_SC_LANES * CPAD,), F32),
    ],
)
def _sc_prior(*args):
    _sc_prior_body(*args)


def _mlp1_body(pf_ref, w1_ref, b1_ref, out_ref):
    k = pl.program_id(0)

    @pl.when(k == 0)
    def _():
        out_ref[...] = jnp.broadcast_to(b1_ref[...], (N_PAIRS, REP))

    out_ref[...] += jnp.dot(pf_ref[...].astype(jnp.bfloat16),
                            w1_ref[...].astype(jnp.bfloat16),
                            preferred_element_type=F32)

    @pl.when(k == K_STEPS - 1)
    def _():
        out_ref[...] = jnp.maximum(out_ref[...], 0.0)


def _mlp1(pf, W1, b1_row):
    return pl.pallas_call(
        _mlp1_body,
        grid=(K_STEPS,),
        in_specs=[
            pl.BlockSpec((N_PAIRS, K_TILE), lambda k: (0, k)),
            pl.BlockSpec((K_TILE, REP), lambda k: (k, 0)),
            pl.BlockSpec((1, REP), lambda k: (0, 0)),
        ],
        out_specs=pl.BlockSpec((N_PAIRS, REP), lambda k: (0, 0)),
        out_shape=jax.ShapeDtypeStruct((N_PAIRS, REP), F32),
    )(pf, W1, b1_row)


def _mlp2_body(x1_ref, w2_ref, b2_ref, w3_ref, b3_ref, prior_ref, out_ref):
    x = jnp.dot(x1_ref[...], w2_ref[...], preferred_element_type=F32)
    x = jnp.maximum(x + b2_ref[...], 0.0)
    logits = jnp.dot(x, w3_ref[...], preferred_element_type=F32) + b3_ref[...]
    sig = 1.0 / (1.0 + jnp.exp(-logits))
    out_ref[...] = sig * prior_ref[...]


def _mlp2(x1, W2, b2_row, W3p, b3p_row, prior):
    return pl.pallas_call(
        _mlp2_body,
        out_shape=jax.ShapeDtypeStruct((N_PAIRS, CPAD), F32),
    )(x1, W2, b2_row, W3p, b3p_row, prior)


def kernel(boxes, scores, pair_features, W1, b1, W2, b2, W3, b3, obj2tgt,
           labels, paired_idx):
    labels32 = labels.astype(I32)
    h = paired_idx[:, 0].astype(I32)
    o = paired_idx[:, 1].astype(I32)

    pad = NPAD - N_BOXES
    scores_p = jnp.concatenate([scores, jnp.full((pad,), -1.0, F32)])
    boxes_p = jnp.concatenate([boxes, jnp.broadcast_to(boxes[0:1], (pad, 4))])
    labels_p = jnp.concatenate([labels32, jnp.full((pad,), 80, I32)])
    iota = jnp.arange(NPAD, dtype=I32)

    lab_s, negss, order, bx1, by1, bx2, by2 = lax.sort(
        (labels_p, -scores_p, iota, boxes_p[:, 0], boxes_p[:, 1],
         boxes_p[:, 2], boxes_p[:, 3]),
        num_keys=2, is_stable=True)
    ss = -negss

    bs = jnp.stack([bx1, by1, bx2, by2], axis=1)
    bt = jnp.stack([bx1, by1, bx2, by2], axis=0)
    ls_col = lab_s.astype(F32)[:, None]
    ls_row = lab_s.astype(F32)[None, :]
    li_row = lab_s[None, :]
    ss_row = ss[None, :]

    keep_row = _nms_keep_sorted(bs, bt, ls_col, ls_row, li_row, ss_row)
    keep_sorted = keep_row[0]

    o2t_flat = jnp.pad(obj2tgt, ((0, 0), (0, CPAD - NUM_CLASSES))).reshape(-1)
    prior = _sc_prior(keep_sorted, order, scores_p, labels_p, o2t_flat,
                      h, o).reshape(N_PAIRS, CPAD)

    x1 = _mlp1(pair_features, W1, b1[None, :])
    W3p = jnp.pad(W3, ((0, 0), (0, CPAD - NUM_CLASSES)))
    b3p = jnp.pad(b3, (0, CPAD - NUM_CLASSES))
    out_pad = _mlp2(x1, W2, b2[None, :], W3p, b3p[None, :], prior)
    return out_pad[:, :NUM_CLASSES]

# --- scband reference (transcript-rebuilt; emitter-appended) ---
"""Pipeline reference for scband-interaction-head-7421703488011 (READ-ONLY COPY).

The authoritative reference and input builder live on the scoring server;
editing this copy changes nothing except your own understanding.
"""

import jax, jax.numpy as jnp
import numpy as np

N_BOXES = 5000
N_PAIRS = 512
NUM_OBJ = 80
NUM_CLASSES = 117
POOL_DIM = 256 * 7 * 7
REP = 1024
BOX_SCORE_THRESH = 0.2
BOX_NMS_THRESH = 0.5

def _iou_one_vs_all(box, boxes):
    x1 = jnp.maximum(box[0], boxes[:, 0])
    y1 = jnp.maximum(box[1], boxes[:, 1])
    x2 = jnp.minimum(box[2], boxes[:, 2])
    y2 = jnp.minimum(box[3], boxes[:, 3])
    inter = jnp.clip(x2 - x1, 0.0) * jnp.clip(y2 - y1, 0.0)
    a1 = (box[2] - box[0]) * (box[3] - box[1])
    a2 = (boxes[:, 2] - boxes[:, 0]) * (boxes[:, 3] - boxes[:, 1])
    return inter / (a1 + a2 - inter + 1e-8)

def _batched_nms_keep(boxes, scores, labels, iou_thresh, score_thresh):
    # class-aware NMS via coordinate offset trick (torchvision batched_nms)
    N = boxes.shape[0]
    max_coord = jax.lax.stop_gradient(jnp.max(boxes)) + 1.0
    b = boxes + labels.astype(boxes.dtype)[:, None] * max_coord
    order = jnp.argsort(-scores)
    bs = b[order]
    keep0 = scores[order] > score_thresh
    idx = jnp.arange(N)
    def body(i, keep):
        iou = _iou_one_vs_all(bs[i], bs)
        suppress = (iou > iou_thresh) & (idx > i) & keep[i]
        return keep & (~suppress)
    keep = jax.lax.fori_loop(0, N, body, keep0)
    return jnp.zeros(N, dtype=bool).at[order].set(keep)

def setup_inputs(seed: int = 0) -> dict:
    key = jax.random.key(seed)
    ks = jax.random.split(key, 12)
    xy1 = jax.random.uniform(ks[0], (N_BOXES, 2), minval=0.0, maxval=900.0)
    wh = jax.random.uniform(ks[1], (N_BOXES, 2), minval=1.0, maxval=120.0)
    boxes = jnp.concatenate([xy1, xy1 + wh], axis=1).astype(jnp.float32)
    scores = jax.random.uniform(ks[2], (N_BOXES,), dtype=jnp.float32)
    labels = jax.random.randint(ks[3], (N_BOXES,), 0, NUM_OBJ).astype(jnp.int64)
    paired_idx = jax.random.randint(ks[4], (N_PAIRS, 2), 0, N_BOXES).astype(jnp.int64)
    pair_features = jax.random.normal(ks[5], (N_PAIRS, POOL_DIM), dtype=jnp.float32)
    W1 = jax.random.normal(ks[6], (POOL_DIM, REP), dtype=jnp.float32) / np.sqrt(POOL_DIM)
    b1 = jnp.zeros((REP,), dtype=jnp.float32)
    W2 = jax.random.normal(ks[7], (REP, REP), dtype=jnp.float32) / np.sqrt(REP)
    b2 = jnp.zeros((REP,), dtype=jnp.float32)
    W3 = jax.random.normal(ks[8], (REP, NUM_CLASSES), dtype=jnp.float32) / np.sqrt(REP)
    b3 = jnp.zeros((NUM_CLASSES,), dtype=jnp.float32)
    # object_class_to_target_class as a binary [80, 117] membership matrix
    rng = np.random.default_rng(0)
    m = np.zeros((NUM_OBJ, NUM_CLASSES), dtype=np.float32)
    for c in range(NUM_OBJ):
        tgt = rng.choice(NUM_CLASSES, size=10, replace=False)
        m[c, tgt] = 1.0
    obj2tgt = jnp.asarray(m)
    return {"boxes": boxes, "scores": scores, "pair_features": pair_features,
            "W1": W1, "b1": b1, "W2": W2, "b2": b2, "W3": W3, "b3": b3,
            "obj2tgt": obj2tgt, "labels": labels, "paired_idx": paired_idx}

def reference(boxes, scores, pair_features, W1, b1, W2, b2, W3, b3, obj2tgt, labels, paired_idx):
    # 1) filter_detections: score threshold + class-aware NMS -> keep mask
    keep = _batched_nms_keep(boxes, scores, labels, BOX_NMS_THRESH, BOX_SCORE_THRESH)
    # 2) map object scores to interaction prior scores (gather-heavy)
    h = paired_idx[:, 0]
    o = paired_idx[:, 1]
    prior_scores = (scores[h] * scores[o])[:, None] * jnp.take(obj2tgt, labels[o], axis=0)
    valid = (keep[h] & keep[o] & (h != o)).astype(pair_features.dtype)
    # 3) box_pair_head MLP + logistic on pooled pair features
    x = jax.nn.relu(pair_features @ W1 + b1)
    x = jax.nn.relu(x @ W2 + b2)
    logits = x @ W3 + b3
    out = jax.nn.sigmoid(logits) * prior_scores * valid[:, None]
    return out

if __name__ == "__main__":
    import jax
    _d = setup_inputs()
    print(jax.jit(kernel)(*tuple(_d.values())))

</pallas_src>

<mosaic_0001>
#map = affine_map<(d0, d1) -> (0)>
module attributes {stable_mosaic.version = 14 : i64} {
  func.func @_sc_prior(%arg0: i32, %arg1: i32, %arg2: memref<5120xf32, #tpu.memory_space<hbm>>, %arg3: memref<5120xi32, #tpu.memory_space<hbm>>, %arg4: memref<5120xf32, #tpu.memory_space<hbm>>, %arg5: memref<5120xi32, #tpu.memory_space<hbm>>, %arg6: memref<10240xf32, #tpu.memory_space<hbm>>, %arg7: memref<512xi32, #tpu.memory_space<hbm>>, %arg8: memref<512xi32, #tpu.memory_space<hbm>>, %arg9: memref<65536xf32, #tpu.memory_space<hbm>>, %arg10: memref<5120xf32, #tpu.memory_space<vmem>>, %arg11: memref<5120xi32, #tpu.memory_space<vmem>>, %arg12: memref<5120xf32, #tpu.memory_space<vmem>>, %arg13: memref<5120xf32, #tpu.memory_space<vmem>>, %arg14: memref<5120xi32, #tpu.memory_space<vmem>>, %arg15: memref<10240xf32, #tpu.memory_space<vmem>>, %arg16: memref<16xi32, #tpu.memory_space<vmem>>, %arg17: memref<16xi32, #tpu.memory_space<vmem>>, %arg18: memref<2048xf32, #tpu.memory_space<vmem>>) attributes {dimension_semantics = [#tpu.dimension_semantics<core_parallel>, #tpu.dimension_semantics<subcore_parallel>], iteration_bounds = array<i64: 2, 16>, scalar_prefetch = 0 : i64, scratch_operands = 9 : i64, tpu.core_type = #tpu.core_type<sc_vector_subcore>, window_params = [{transform_indices = #map}, {transform_indices = #map}, {transform_indices = #map}, {transform_indices = #map}, {transform_indices = #map}, {transform_indices = #map}, {transform_indices = #map}, {transform_indices = #map}]} {
    %mul3A = arith.constant 2 : i32
    %mul3A_0 = arith.muli %arg1, %mul3A : i32
    %add3A = arith.addi %mul3A_0, %arg0 : i32
    "tpu.region"() ({
      %run_scoped3A = tpu.sem_alloc : memref<!tpu.dma_semaphore, #tpu.memory_space<semaphore_mem>>
      tpu.enqueue_dma source(%arg2 : memref<5120xf32, #tpu.memory_space<hbm>>) target(%arg10 : memref<5120xf32, #tpu.memory_space<vmem>>) target_semaphore(%run_scoped3A : memref<!tpu.dma_semaphore, #tpu.memory_space<semaphore_mem>>)
      tpu.wait_dma2 semaphore(%run_scoped3A : memref<!tpu.dma_semaphore, #tpu.memory_space<semaphore_mem>>) src(%arg2 : memref<5120xf32, #tpu.memory_space<hbm>>) dst(%arg10 : memref<5120xf32, #tpu.memory_space<vmem>>)
      tpu.yield
    }) : () -> ()
    "tpu.region"() ({
      %run_scoped3A = tpu.sem_alloc : memref<!tpu.dma_semaphore, #tpu.memory_space<semaphore_mem>>
      tpu.enqueue_dma source(%arg3 : memref<5120xi32, #tpu.memory_space<hbm>>) target(%arg11 : memref<5120xi32, #tpu.memory_space<vmem>>) target_semaphore(%run_scoped3A : memref<!tpu.dma_semaphore, #tpu.memory_space<semaphore_mem>>)
      tpu.wait_dma2 semaphore(%run_scoped3A : memref<!tpu.dma_semaphore, #tpu.memory_space<semaphore_mem>>) src(%arg3 : memref<5120xi32, #tpu.memory_space<hbm>>) dst(%arg11 : memref<5120xi32, #tpu.memory_space<vmem>>)
      tpu.yield
    }) : () -> ()
    "tpu.region"() ({
      %run_scoped3A = tpu.sem_alloc : memref<!tpu.dma_semaphore, #tpu.memory_space<semaphore_mem>>
      tpu.enqueue_dma source(%arg4 : memref<5120xf32, #tpu.memory_space<hbm>>) target(%arg13 : memref<5120xf32, #tpu.memory_space<vmem>>) target_semaphore(%run_scoped3A : memref<!tpu.dma_semaphore, #tpu.memory_space<semaphore_mem>>)
      tpu.wait_dma2 semaphore(%run_scoped3A : memref<!tpu.dma_semaphore, #tpu.memory_space<semaphore_mem>>) src(%arg4 : memref<5120xf32, #tpu.memory_space<hbm>>) dst(%arg13 : memref<5120xf32, #tpu.memory_space<vmem>>)
      tpu.yield
    }) : () -> ()
    "tpu.region"() ({
      %run_scoped3A = tpu.sem_alloc : memref<!tpu.dma_semaphore, #tpu.memory_space<semaphore_mem>>
      tpu.enqueue_dma source(%arg5 : memref<5120xi32, #tpu.memory_space<hbm>>) target(%arg14 : memref<5120xi32, #tpu.memory_space<vmem>>) target_semaphore(%run_scoped3A : memref<!tpu.dma_semaphore, #tpu.memory_space<semaphore_mem>>)
      tpu.wait_dma2 semaphore(%run_scoped3A : memref<!tpu.dma_semaphore, #tpu.memory_space<semaphore_mem>>) src(%arg5 : memref<5120xi32, #tpu.memory_space<hbm>>) dst(%arg14 : memref<5120xi32, #tpu.memory_space<vmem>>)
      tpu.yield
    }) : () -> ()
    "tpu.region"() ({
      %run_scoped3A = tpu.sem_alloc : memref<!tpu.dma_semaphore, #tpu.memory_space<semaphore_mem>>
      tpu.enqueue_dma source(%arg6 : memref<10240xf32, #tpu.memory_space<hbm>>) target(%arg15 : memref<10240xf32, #tpu.memory_space<vmem>>) target_semaphore(%run_scoped3A : memref<!tpu.dma_semaphore, #tpu.memory_space<semaphore_mem>>)
      tpu.wait_dma2 semaphore(%run_scoped3A : memref<!tpu.dma_semaphore, #tpu.memory_space<semaphore_mem>>) src(%arg6 : memref<10240xf32, #tpu.memory_space<hbm>>) dst(%arg15 : memref<10240xf32, #tpu.memory_space<vmem>>)
      tpu.yield
    }) : () -> ()
    %mul3A_1 = arith.constant 16 : i32
    %mul3A_2 = arith.muli %add3A, %mul3A_1 : i32
    "tpu.region"() ({
      %run_scoped3A = tpu.sem_alloc : memref<!tpu.dma_semaphore, #tpu.memory_space<semaphore_mem>>
      %dma_start3A = tpu.memref_slice %arg7[%mul3A_2] : memref<512xi32, #tpu.memory_space<hbm>> -> memref<16xi32, #tpu.memory_space<hbm>>
      %dma_start3A_38 = tpu.memref_slice %arg7[%mul3A_2] : memref<512xi32, #tpu.memory_space<hbm>> -> memref<16xi32, #tpu.memory_space<hbm>>
      tpu.enqueue_dma source(%dma_start3A_38 : memref<16xi32, #tpu.memory_space<hbm>>) target(%arg16 : memref<16xi32, #tpu.memory_space<vmem>>) target_semaphore(%run_scoped3A : memref<!tpu.dma_semaphore, #tpu.memory_space<semaphore_mem>>)
      %dma_wait3A = tpu.memref_slice %arg7[%mul3A_2] : memref<512xi32, #tpu.memory_space<hbm>> -> memref<16xi32, #tpu.memory_space<hbm>>
      %dma_wait3A_39 = tpu.memref_slice %arg7[%mul3A_2] : memref<512xi32, #tpu.memory_space<hbm>> -> memref<16xi32, #tpu.memory_space<hbm>>
      tpu.wait_dma2 semaphore(%run_scoped3A : memref<!tpu.dma_semaphore, #tpu.memory_space<semaphore_mem>>) src(%dma_wait3A_39 : memref<16xi32, #tpu.memory_space<hbm>>) dst(%arg16 : memref<16xi32, #tpu.memory_space<vmem>>)
      tpu.yield
    }) : () -> ()
    %mul3A_3 = arith.constant 16 : i32
    %mul3A_4 = arith.muli %add3A, %mul3A_3 : i32
    "tpu.region"() ({
      %run_scoped3A = tpu.sem_alloc : memref<!tpu.dma_semaphore, #tpu.memory_space<semaphore_mem>>
      %dma_start3A = tpu.memref_slice %arg8[%mul3A_4] : memref<512xi32, #tpu.memory_space<hbm>> -> memref<16xi32, #tpu.memory_space<hbm>>
      %dma_start3A_38 = tpu.memref_slice %arg8[%mul3A_4] : memref<512xi32, #tpu.memory_space<hbm>> -> memref<16xi32, #tpu.memory_space<hbm>>
      tpu.enqueue_dma source(%dma_start3A_38 : memref<16xi32, #tpu.memory_space<hbm>>) target(%arg17 : memref<16xi32, #tpu.memory_space<vmem>>) target_semaphore(%run_scoped3A : memref<!tpu.dma_semaphore, #tpu.memory_space<semaphore_mem>>)
      %dma_wait3A = tpu.memref_slice %arg8[%mul3A_4] : memref<512xi32, #tpu.memory_space<hbm>> -> memref<16xi32, #tpu.memory_space<hbm>>
      %dma_wait3A_39 = tpu.memref_slice %arg8[%mul3A_4] : memref<512xi32, #tpu.memory_space<hbm>> -> memref<16xi32, #tpu.memory_space<hbm>>
      tpu.wait_dma2 semaphore(%run_scoped3A : memref<!tpu.dma_semaphore, #tpu.memory_space<semaphore_mem>>) src(%dma_wait3A_39 : memref<16xi32, #tpu.memory_space<hbm>>) dst(%arg17 : memref<16xi32, #tpu.memory_space<vmem>>)
      tpu.yield
    }) : () -> ()
    %scan3A = arith.constant 0 : i32
    %scan3A_5 = arith.constant 0 : i32
    %scan3A_6 = arith.constant 320 : i32
    %scan3A_7 = arith.addi %scan3A_5, %scan3A_6 : i32
    %scan3A_8 = arith.constant 1 : i32
    scf.for %scan3A_38 = %scan3A_5 to %scan3A_7 step %scan3A_8  : i32 {
      %mul3A_39 = arith.constant 16 : i32
      %mul3A_40 = arith.muli %scan3A_38, %mul3A_39 : i32
      %get3A_41 = arith.index_cast %mul3A_40 : i32 to index
      %get3A_42 = tpu.vector_load %arg10[%get3A_41] {strides = array<i32>} : memref<5120xf32, #tpu.memory_space<vmem>>, vector<16xf32>,
      %mul3A_43 = arith.constant 16 : i32
      %mul3A_44 = arith.muli %scan3A_38, %mul3A_43 : i32
      %get3A_45 = arith.index_cast %mul3A_44 : i32 to index
      %get3A_46 = tpu.vector_load %arg11[%get3A_45] {strides = array<i32>} : memref<5120xi32, #tpu.memory_space<vmem>>, vector<16xi32>,
      tpu.vector_store_idx %arg12[%get3A_46], %get3A_42 : memref<5120xf32, #tpu.memory_space<vmem>>[vector<16xi32>], vector<16xf32>,
    }
    %scan3A_9 = arith.constant 320 : i32
    %get3A = arith.constant 0 : index
    %get3A_10 = tpu.vector_load %arg16[%get3A] {strides = array<i32>} : memref<16xi32, #tpu.memory_space<vmem>>, vector<16xi32>,
    %get3A_11 = arith.constant 0 : index
    %get3A_12 = tpu.vector_load %arg17[%get3A_11] {strides = array<i32>} : memref<16xi32, #tpu.memory_space<vmem>>, vector<16xi32>,
    %gather3A = tpu.vector_load_idx %arg13[%get3A_10] : memref<5120xf32, #tpu.memory_space<vmem>>[vector<16xi32>], vector<16xf32>,
    %gather3A_13 = tpu.vector_load_idx %arg13[%get3A_12] : memref<5120xf32, #tpu.memory_space<vmem>>[vector<16xi32>], vector<16xf32>,
    %gather3A_14 = tpu.vector_load_idx %arg12[%get3A_10] : memref<5120xf32, #tpu.memory_space<vmem>>[vector<16xi32>], vector<16xf32>,
    %gather3A_15 = tpu.vector_load_idx %arg12[%get3A_12] : memref<5120xf32, #tpu.memory_space<vmem>>[vector<16xi32>], vector<16xf32>,
    %gather3A_16 = tpu.vector_load_idx %arg14[%get3A_12] : memref<5120xi32, #tpu.memory_space<vmem>>[vector<16xi32>], vector<16xi32>,
    %ne3A = arith.cmpi ne, %get3A_10, %get3A_12 : vector<16xi32>
    %convert_element_type3A = arith.extui %ne3A : vector<16xi1> to vector<16xi32>
    %convert_element_type3A_17 = arith.sitofp %convert_element_type3A : vector<16xi32> to vector<16xf32>
    %mul3A_18 = arith.mulf %gather3A, %gather3A_13 : vector<16xf32>
    %mul3A_19 = arith.mulf %mul3A_18, %gather3A_14 : vector<16xf32>
    %mul3A_20 = arith.mulf %mul3A_19, %gather3A_15 : vector<16xf32>
    %mul3A_21 = arith.mulf %mul3A_20, %convert_element_type3A_17 : vector<16xf32>
    %mul3A_22 = arith.constant 128 : i32
    %mul3A_23 = vector.broadcast %mul3A_22 : i32 to vector<16xi32>
    %mul3A_24 = arith.muli %gather3A_16, %mul3A_23 : vector<16xi32>
    %iota3A = tpu.iota {dimensions = array<i32: 0>} : vector<16xi32>
    %mul3A_25 = arith.constant 128 : i32
    %mul3A_26 = vector.broadcast %mul3A_25 : i32 to vector<16xi32>
    %mul3A_27 = arith.muli %iota3A, %mul3A_26 : vector<16xi32>
    %scan3A_28 = arith.constant 0 : i32
    %scan3A_29 = arith.constant 0 : i32
    %scan3A_30 = arith.constant 128 : i32
    %scan3A_31 = arith.addi %scan3A_29, %scan3A_30 : i32
    %scan3A_32 = arith.constant 1 : i32
    scf.for %scan3A_38 = %scan3A_29 to %scan3A_31 step %scan3A_32  : i32 {
      %add3A_39 = vector.broadcast %scan3A_38 : i32 to vector<16xi32>
      %add3A_40 = arith.addi %mul3A_24, %add3A_39 : vector<16xi32>
      %gather3A_41 = tpu.vector_load_idx %arg15[%add3A_40] : memref<10240xf32, #tpu.memory_space<vmem>>[vector<16xi32>], vector<16xf32>,
      %add3A_42 = vector.broadcast %scan3A_38 : i32 to vector<16xi32>
      %add3A_43 = arith.addi %mul3A_27, %add3A_42 : vector<16xi32>
      %mul3A_44 = arith.mulf %mul3A_21, %gather3A_41 : vector<16xf32>
      tpu.vector_store_idx %arg18[%add3A_43], %mul3A_44 : memref<2048xf32, #tpu.memory_space<vmem>>[vector<16xi32>], vector<16xf32>,
    }
    %scan3A_33 = arith.constant 128 : i32
    %mul3A_34 = arith.constant 16 : i32
    %mul3A_35 = arith.muli %add3A, %mul3A_34 : i32
    %mul3A_36 = arith.constant 128 : i32
    %mul3A_37 = arith.muli %mul3A_35, %mul3A_36 : i32
    "tpu.region"() ({
      %run_scoped3A = tpu.sem_alloc : memref<!tpu.dma_semaphore, #tpu.memory_space<semaphore_mem>>
      %dma_start3A = tpu.memref_slice %arg9[%mul3A_37] : memref<65536xf32, #tpu.memory_space<hbm>> -> memref<2048xf32, #tpu.memory_space<hbm>>
      %dma_start3A_38 = tpu.memref_slice %arg9[%mul3A_37] : memref<65536xf32, #tpu.memory_space<hbm>> -> memref<2048xf32, #tpu.memory_space<hbm>>
      tpu.enqueue_dma source(%arg18 : memref<2048xf32, #tpu.memory_space<vmem>>) target(%dma_start3A_38 : memref<2048xf32, #tpu.memory_space<hbm>>) target_semaphore(%run_scoped3A : memref<!tpu.dma_semaphore, #tpu.memory_space<semaphore_mem>>)
      %dma_wait3A = tpu.memref_slice %arg9[%mul3A_37] : memref<65536xf32, #tpu.memory_space<hbm>> -> memref<2048xf32, #tpu.memory_space<hbm>>
      %dma_wait3A_39 = tpu.memref_slice %arg9[%mul3A_37] : memref<65536xf32, #tpu.memory_space<hbm>> -> memref<2048xf32, #tpu.memory_space<hbm>>
      tpu.wait_dma2 semaphore(%run_scoped3A : memref<!tpu.dma_semaphore, #tpu.memory_space<semaphore_mem>>) src(%arg18 : memref<2048xf32, #tpu.memory_space<vmem>>) dst(%dma_wait3A_39 : memref<2048xf32, #tpu.memory_space<hbm>>)
      tpu.yield
    }) : () -> ()
    return
  }
}

module attributes {stable_mosaic.version = 14 : i64} {
  func.func @_nms_body(%arg0: memref<5120x4xf32, #tpu.memory_space<vmem>>, %arg1: memref<4x5120xf32, #tpu.memory_space<vmem>>, %arg2: memref<5120x1xf32, #tpu.memory_space<vmem>>, %arg3: memref<1x5120xf32, #tpu.memory_space<vmem>>, %arg4: memref<1x5120xi32, #tpu.memory_space<vmem>>, %arg5: memref<1x5120xf32, #tpu.memory_space<vmem>>, %arg6: memref<1x5120xf32, #tpu.memory_space<vmem>>, %arg7: memref<1x512xf32, #tpu.memory_space<vmem>>) attributes {dimension_semantics = [], scalar_prefetch = 0 : i64, scratch_operands = 1 : i64, tpu.core_type = #tpu.core_type<tc>} {
    %get3A = arith.constant 0 : index
    %get3A_0 = arith.constant 0 : index
    %get3A_1 = vector.load %arg0[%get3A, %get3A_0] : memref<5120x4xf32, #tpu.memory_space<vmem>>, vector<5120x4xf32>
    %reduce_max3A = vector.shape_cast %get3A_1 : vector<5120x4xf32> to vector<1x5120x4xf32>
    %reduce_max3A_2 = arith.constant dense<0xFF800000> : vector<1xf32>
    %reduce_max3A_3 = vector.multi_reduction <maximumf>, %reduce_max3A, %reduce_max3A_2 [1, 2] : vector<1x5120x4xf32> to vector<1xf32>
    %reduce_max3A_4 = vector.shape_cast %reduce_max3A_3 : vector<1xf32> to vector<1x1x1xf32>
    %reduce_max3A_5 = vector.extract %reduce_max3A_4[0, 0, 0] : f32 from vector<1x1x1xf32>
    %add3A = arith.constant 1.000000e+00 : f32
    %add3A_6 = arith.addf %reduce_max3A_5, %add3A : f32
    %get3A_7 = arith.constant 0 : index
    %get3A_8 = arith.constant 0 : index
    %get3A_9 = vector.load %arg0[%get3A_7, %get3A_8] : memref<5120x4xf32, #tpu.memory_space<vmem>>, vector<5120x4xf32>
    %get3A_10 = arith.constant 0 : index
    %get3A_11 = arith.constant 0 : index
    %get3A_12 = vector.load %arg2[%get3A_10, %get3A_11] : memref<5120x1xf32, #tpu.memory_space<vmem>>, vector<5120x1xf32>
    %mul3A = vector.broadcast %add3A_6 : f32 to vector<5120x1xf32>
    %mul3A_13 = arith.mulf %get3A_12, %mul3A : vector<5120x1xf32>
    %add3A_14 = vector.broadcast %mul3A_13 : vector<5120x1xf32> to vector<5120x4xf32>
    %add3A_15 = arith.addf %get3A_9, %add3A_14 : vector<5120x4xf32>
    %get3A_16 = arith.constant 0 : index
    %get3A_17 = arith.constant 0 : index
    %get3A_18 = vector.load %arg1[%get3A_16, %get3A_17] : memref<4x5120xf32, #tpu.memory_space<vmem>>, vector<4x5120xf32>
    %get3A_19 = arith.constant 0 : index
    %get3A_20 = arith.constant 0 : index
    %get3A_21 = vector.load %arg3[%get3A_19, %get3A_20] : memref<1x5120xf32, #tpu.memory_space<vmem>>, vector<1x5120xf32>
    %mul3A_22 = vector.broadcast %add3A_6 : f32 to vector<1x5120xf32>
    %mul3A_23 = arith.mulf %get3A_21, %mul3A_22 : vector<1x5120xf32>
    %add3A_24 = vector.broadcast %mul3A_23 : vector<1x5120xf32> to vector<4x5120xf32>
    %add3A_25 = arith.addf %get3A_18, %add3A_24 : vector<4x5120xf32>
    %iota3A = tpu.iota {dimensions = array<i32: 0>} : vector<512x512xi32>
    %iota3A_26 = tpu.iota {dimensions = array<i32: 1>} : vector<512x512xi32>
    %lt3A = arith.cmpi slt, %iota3A, %iota3A_26 : vector<512x512xi32>
    %convert_element_type3A = arith.extui %lt3A : vector<512x512xi1> to vector<512x512xi32>
    %convert_element_type3A_27 = arith.sitofp %convert_element_type3A : vector<512x512xi32> to vector<512x512xf32>
    %get3A_28 = arith.constant 0 : index
    %get3A_29 = arith.constant 512 : index
    %get3A_30 = vector.load %arg4[%get3A_28, %get3A_29] : memref<1x5120xi32, #tpu.memory_space<vmem>>, vector<1x512xi32>
    %get3A_31 = vector.shape_cast %get3A_30 : vector<1x512xi32> to vector<512xi32>
    %reduce_min3A = vector.shape_cast %get3A_31 : vector<512xi32> to vector<1x512xi32>
    %reduce_min3A_32 = arith.constant dense<2147483647> : vector<1xi32>
    %reduce_min3A_33 = vector.multi_reduction <minsi>, %reduce_min3A, %reduce_min3A_32 [1] : vector<1x512xi32> to vector<1xi32>
    %reduce_min3A_34 = vector.shape_cast %reduce_min3A_33 : vector<1xi32> to vector<1x1xi32>
    %reduce_min3A_35 = vector.extract %reduce_min3A_34[0, 0] : i32 from vector<1x1xi32>
    %get3A_36 = arith.constant 0 : index
    %get3A_37 = arith.constant 1024 : index
    %get3A_38 = vector.load %arg4[%get3A_36, %get3A_37] : memref<1x5120xi32, #tpu.memory_space<vmem>>, vector<1x512xi32>
    %get3A_39 = vector.shape_cast %get3A_38 : vector<1x512xi32> to vector<512xi32>
    %reduce_min3A_40 = vector.shape_cast %get3A_39 : vector<512xi32> to vector<1x512xi32>
    %reduce_min3A_41 = arith.constant dense<2147483647> : vector<1xi32>
    %reduce_min3A_42 = vector.multi_reduction <minsi>, %reduce_min3A_40, %reduce_min3A_41 [1] : vector<1x512xi32> to vector<1xi32>
    %reduce_min3A_43 = vector.shape_cast %reduce_min3A_42 : vector<1xi32> to vector<1x1xi32>
    %reduce_min3A_44 = vector.extract %reduce_min3A_43[0, 0] : i32 from vector<1x1xi32>
    %get3A_45 = arith.constant 0 : index
    %get3A_46 = arith.constant 1536 : index
    %get3A_47 = vector.load %arg4[%get3A_45, %get3A_46] : memref<1x5120xi32, #tpu.memory_space<vmem>>, vector<1x512xi32>
    %get3A_48 = vector.shape_cast %get3A_47 : vector<1x512xi32> to vector<512xi32>
    %reduce_min3A_49 = vector.shape_cast %get3A_48 : vector<512xi32> to vector<1x512xi32>
    %reduce_min3A_50 = arith.constant dense<2147483647> : vector<1xi32>
    %reduce_min3A_51 = vector.multi_reduction <minsi>, %reduce_min3A_49, %reduce_min3A_50 [1] : vector<1x512xi32> to vector<1xi32>
    %reduce_min3A_52 = vector.shape_cast %reduce_min3A_51 : vector<1xi32> to vector<1x1xi32>
    %reduce_min3A_53 = vector.extract %reduce_min3A_52[0, 0] : i32 from vector<1x1xi32>
    %get3A_54 = arith.constant 0 : index
    %get3A_55 = arith.constant 2048 : index
    %get3A_56 = vector.load %arg4[%get3A_54, %get3A_55] : memref<1x5120xi32, #tpu.memory_space<vmem>>, vector<1x512xi32>
    %get3A_57 = vector.shape_cast %get3A_56 : vector<1x512xi32> to vector<512xi32>
    %reduce_min3A_58 = vector.shape_cast %get3A_57 : vector<512xi32> to vector<1x512xi32>
    %reduce_min3A_59 = arith.constant dense<2147483647> : vector<1xi32>
    %reduce_min3A_60 = vector.multi_reduction <minsi>, %reduce_min3A_58, %reduce_min3A_59 [1] : vector<1x512xi32> to vector<1xi32>
    %reduce_min3A_61 = vector.shape_cast %reduce_min3A_60 : vector<1xi32> to vector<1x1xi32>
    %reduce_min3A_62 = vector.extract %reduce_min3A_61[0, 0] : i32 from vector<1x1xi32>
    %get3A_63 = arith.constant 0 : index
    %get3A_64 = arith.constant 2560 : index
    %get3A_65 = vector.load %arg4[%get3A_63, %get3A_64] : memref<1x5120xi32, #tpu.memory_space<vmem>>, vector<1x512xi32>
    %get3A_66 = vector.shape_cast %get3A_65 : vector<1x512xi32> to vector<512xi32>
    %reduce_min3A_67 = vector.shape_cast %get3A_66 : vector<512xi32> to vector<1x512xi32>
    %reduce_min3A_68 = arith.constant dense<2147483647> : vector<1xi32>
    %reduce_min3A_69 = vector.multi_reduction <minsi>, %reduce_min3A_67, %reduce_min3A_68 [1] : vector<1x512xi32> to vector<1xi32>
    %reduce_min3A_70 = vector.shape_cast %reduce_min3A_69 : vector<1xi32> to vector<1x1xi32>
    %reduce_min3A_71 = vector.extract %reduce_min3A_70[0, 0] : i32 from vector<1x1xi32>
    %get3A_72 = arith.constant 0 : index
    %get3A_73 = arith.constant 3072 : index
    %get3A_74 = vector.load %arg4[%get3A_72, %get3A_73] : memref<1x5120xi32, #tpu.memory_space<vmem>>, vector<1x512xi32>
    %get3A_75 = vector.shape_cast %get3A_74 : vector<1x512xi32> to vector<512xi32>
    %reduce_min3A_76 = vector.shape_cast %get3A_75 : vector<512xi32> to vector<1x512xi32>
    %reduce_min3A_77 = arith.constant dense<2147483647> : vector<1xi32>
    %reduce_min3A_78 = vector.multi_reduction <minsi>, %reduce_min3A_76, %reduce_min3A_77 [1] : vector<1x512xi32> to vector<1xi32>
    %reduce_min3A_79 = vector.shape_cast %reduce_min3A_78 : vector<1xi32> to vector<1x1xi32>
    %reduce_min3A_80 = vector.extract %reduce_min3A_79[0, 0] : i32 from vector<1x1xi32>
    %get3A_81 = arith.constant 0 : index
    %get3A_82 = arith.constant 3584 : index
    %get3A_83 = vector.load %arg4[%get3A_81, %get3A_82] : memref<1x5120xi32, #tpu.memory_space<vmem>>, vector<1x512xi32>
    %get3A_84 = vector.shape_cast %get3A_83 : vector<1x512xi32> to vector<512xi32>
    %reduce_min3A_85 = vector.shape_cast %get3A_84 : vector<512xi32> to vector<1x512xi32>
    %reduce_min3A_86 = arith.constant dense<2147483647> : vector<1xi32>
    %reduce_min3A_87 = vector.multi_reduction <minsi>, %reduce_min3A_85, %reduce_min3A_86 [1] : vector<1x512xi32> to vector<1xi32>
    %reduce_min3A_88 = vector.shape_cast %reduce_min3A_87 : vector<1xi32> to vector<1x1xi32>
    %reduce_min3A_89 = vector.extract %reduce_min3A_88[0, 0] : i32 from vector<1x1xi32>
    %get3A_90 = arith.constant 0 : index
    %get3A_91 = arith.constant 4096 : index
    %get3A_92 = vector.load %arg4[%get3A_90, %get3A_91] : memref<1x5120xi32, #tpu.memory_space<vmem>>, vector<1x512xi32>
    %get3A_93 = vector.shape_cast %get3A_92 : vector<1x512xi32> to vector<512xi32>
    %reduce_min3A_94 = vector.shape_cast %get3A_93 : vector<512xi32> to vector<1x512xi32>
    %reduce_min3A_95 = arith.constant dense<2147483647> : vector<1xi32>
    %reduce_min3A_96 = vector.multi_reduction <minsi>, %reduce_min3A_94, %reduce_min3A_95 [1] : vector<1x512xi32> to vector<1xi32>
    %reduce_min3A_97 = vector.shape_cast %reduce_min3A_96 : vector<1xi32> to vector<1x1xi32>
    %reduce_min3A_98 = vector.extract %reduce_min3A_97[0, 0] : i32 from vector<1x1xi32>
    %get3A_99 = arith.constant 0 : index
    %get3A_100 = arith.constant 4608 : index
    %get3A_101 = vector.load %arg4[%get3A_99, %get3A_100] : memref<1x5120xi32, #tpu.memory_space<vmem>>, vector<1x512xi32>
    %get3A_102 = vector.shape_cast %get3A_101 : vector<1x512xi32> to vector<512xi32>
    %reduce_min3A_103 = vector.shape_cast %get3A_102 : vector<512xi32> to vector<1x512xi32>
    %reduce_min3A_104 = arith.constant dense<2147483647> : vector<1xi32>
    %reduce_min3A_105 = vector.multi_reduction <minsi>, %reduce_min3A_103, %reduce_min3A_104 [1] : vector<1x512xi32> to vector<1xi32>
    %reduce_min3A_106 = vector.shape_cast %reduce_min3A_105 : vector<1xi32> to vector<1x1xi32>
    %reduce_min3A_107 = vector.extract %reduce_min3A_106[0, 0] : i32 from vector<1x1xi32>
    %get3A_108 = arith.constant 0 : index
    %get3A_109 = arith.constant 0 : index
    %get3A_110 = vector.load %arg4[%get3A_108, %get3A_109] : memref<1x5120xi32, #tpu.memory_space<vmem>>, vector<1x512xi32>
    %get3A_111 = vector.shape_cast %get3A_110 : vector<1x512xi32> to vector<512xi32>
    %reduce_max3A_112 = vector.shape_cast %get3A_111 : vector<512xi32> to vector<1x512xi32>
    %reduce_max3A_113 = arith.constant dense<-2147483648> : vector<1xi32>
    %reduce_max3A_114 = vector.multi_reduction <maxsi>, %reduce_max3A_112, %reduce_max3A_113 [1] : vector<1x512xi32> to vector<1xi32>
    %reduce_max3A_115 = vector.shape_cast %reduce_max3A_114 : vector<1xi32> to vector<1x1xi32>
    %reduce_max3A_116 = vector.extract %reduce_max3A_115[0, 0] : i32 from vector<1x1xi32>
    %get3A_117 = arith.constant 0 : index
    %get3A_118 = arith.constant 512 : index
    %get3A_119 = vector.load %arg4[%get3A_117, %get3A_118] : memref<1x5120xi32, #tpu.memory_space<vmem>>, vector<1x512xi32>
    %get3A_120 = vector.shape_cast %get3A_119 : vector<1x512xi32> to vector<512xi32>
    %reduce_max3A_121 = vector.shape_cast %get3A_120 : vector<512xi32> to vector<1x512xi32>
    %reduce_max3A_122 = arith.constant dense<-2147483648> : vector<1xi32>
    %reduce_max3A_123 = vector.multi_reduction <maxsi>, %reduce_max3A_121, %reduce_max3A_122 [1] : vector<1x512xi32> to vector<1xi32>
    %reduce_max3A_124 = vector.shape_cast %reduce_max3A_123 : vector<1xi32> to vector<1x1xi32>
    %reduce_max3A_125 = vector.extract %reduce_max3A_124[0, 0] : i32 from vector<1x1xi32>
    %get3A_126 = arith.constant 0 : index
    %get3A_127 = arith.constant 1024 : index
    %get3A_128 = vector.load %arg4[%get3A_126, %get3A_127] : memref<1x5120xi32, #tpu.memory_space<vmem>>, vector<1x512xi32>
    %get3A_129 = vector.shape_cast %get3A_128 : vector<1x512xi32> to vector<512xi32>
    %reduce_max3A_130 = vector.shape_cast %get3A_129 : vector<512xi32> to vector<1x512xi32>
    %reduce_max3A_131 = arith.constant dense<-2147483648> : vector<1xi32>
    %reduce_max3A_132 = vector.multi_reduction <maxsi>, %reduce_max3A_130, %reduce_max3A_131 [1] : vector<1x512xi32> to vector<1xi32>
    %reduce_max3A_133 = vector.shape_cast %reduce_max3A_132 : vector<1xi32> to vector<1x1xi32>
    %reduce_max3A_134 = vector.extract %reduce_max3A_133[0, 0] : i32 from vector<1x1xi32>
    %get3A_135 = arith.constant 0 : index
    %get3A_136 = arith.constant 1536 : index
    %get3A_137 = vector.load %arg4[%get3A_135, %get3A_136] : memref<1x5120xi32, #tpu.memory_space<vmem>>, vector<1x512xi32>
    %get3A_138 = vector.shape_cast %get3A_137 : vector<1x512xi32> to vector<512xi32>
    %reduce_max3A_139 = vector.shape_cast %get3A_138 : vector<512xi32> to vector<1x512xi32>
    %reduce_max3A_140 = arith.constant dense<-2147483648> : vector<1xi32>
    %reduce_max3A_141 = vector.multi_reduction <maxsi>, %reduce_max3A_139, %reduce_max3A_140 [1] : vector<1x512xi32> to vector<1xi32>
    %reduce_max3A_142 = vector.shape_cast %reduce_max3A_141 : vector<1xi32> to vector<1x1xi32>
    %reduce_max3A_143 = vector.extract %reduce_max3A_142[0, 0] : i32 from vector<1x1xi32>
    %get3A_144 = arith.constant 0 : index
    %get3A_145 = arith.constant 2048 : index
    %get3A_146 = vector.load %arg4[%get3A_144, %get3A_145] : memref<1x5120xi32, #tpu.memory_space<vmem>>, vector<1x512xi32>
    %get3A_147 = vector.shape_cast %get3A_146 : vector<1x512xi32> to vector<512xi32>
    %reduce_max3A_148 = vector.shape_cast %get3A_147 : vector<512xi32> to vector<1x512xi32>
    %reduce_max3A_149 = arith.constant dense<-2147483648> : vector<1xi32>
    %reduce_max3A_150 = vector.multi_reduction <maxsi>, %reduce_max3A_148, %reduce_max3A_149 [1] : vector<1x512xi32> to vector<1xi32>
    %reduce_max3A_151 = vector.shape_cast %reduce_max3A_150 : vector<1xi32> to vector<1x1xi32>
    %reduce_max3A_152 = vector.extract %reduce_max3A_151[0, 0] : i32 from vector<1x1xi32>
    %get3A_153 = arith.constant 0 : index
    %get3A_154 = arith.constant 2560 : index
    %get3A_155 = vector.load %arg4[%get3A_153, %get3A_154] : memref<1x5120xi32, #tpu.memory_space<vmem>>, vector<1x512xi32>
    %get3A_156 = vector.shape_cast %get3A_155 : vector<1x512xi32> to vector<512xi32>
    %reduce_max3A_157 = vector.shape_cast %get3A_156 : vector<512xi32> to vector<1x512xi32>
    %reduce_max3A_158 = arith.constant dense<-2147483648> : vector<1xi32>
    %reduce_max3A_159 = vector.multi_reduction <maxsi>, %reduce_max3A_157, %reduce_max3A_158 [1] : vector<1x512xi32> to vector<1xi32>
    %reduce_max3A_160 = vector.shape_cast %reduce_max3A_159 : vector<1xi32> to vector<1x1xi32>
    %reduce_max3A_161 = vector.extract %reduce_max3A_160[0, 0] : i32 from vector<1x1xi32>
    %get3A_162 = arith.constant 0 : index
    %get3A_163 = arith.constant 3072 : index
    %get3A_164 = vector.load %arg4[%get3A_162, %get3A_163] : memref<1x5120xi32, #tpu.memory_space<vmem>>, vector<1x512xi32>
    %get3A_165 = vector.shape_cast %get3A_164 : vector<1x512xi32> to vector<512xi32>
    %reduce_max3A_166 = vector.shape_cast %get3A_165 : vector<512xi32> to vector<1x512xi32>
    %reduce_max3A_167 = arith.constant dense<-2147483648> : vector<1xi32>
    %reduce_max3A_168 = vector.multi_reduction <maxsi>, %reduce_max3A_166, %reduce_max3A_167 [1] : vector<1x512xi32> to vector<1xi32>
    %reduce_max3A_169 = vector.shape_cast %reduce_max3A_168 : vector<1xi32> to vector<1x1xi32>
    %reduce_max3A_170 = vector.extract %reduce_max3A_169[0, 0] : i32 from vector<1x1xi32>
    %get3A_171 = arith.constant 0 : index
    %get3A_172 = arith.constant 3584 : index
    %get3A_173 = vector.load %arg4[%get3A_171, %get3A_172] : memref<1x5120xi32, #tpu.memory_space<vmem>>, vector<1x512xi32>
    %get3A_174 = vector.shape_cast %get3A_173 : vector<1x512xi32> to vector<512xi32>
    %reduce_max3A_175 = vector.shape_cast %get3A_174 : vector<512xi32> to vector<1x512xi32>
    %reduce_max3A_176 = arith.constant dense<-2147483648> : vector<1xi32>
    %reduce_max3A_177 = vector.multi_reduction <maxsi>, %reduce_max3A_175, %reduce_max3A_176 [1] : vector<1x512xi32> to vector<1xi32>
    %reduce_max3A_178 = vector.shape_cast %reduce_max3A_177 : vector<1xi32> to vector<1x1xi32>
    %reduce_max3A_179 = vector.extract %reduce_max3A_178[0, 0] : i32 from vector<1x1xi32>
    %get3A_180 = arith.constant 0 : index
    %get3A_181 = arith.constant 4096 : index
    %get3A_182 = vector.load %arg4[%get3A_180, %get3A_181] : memref<1x5120xi32, #tpu.memory_space<vmem>>, vector<1x512xi32>
    %get3A_183 = vector.shape_cast %get3A_182 : vector<1x512xi32> to vector<512xi32>
    %reduce_max3A_184 = vector.shape_cast %get3A_183 : vector<512xi32> to vector<1x512xi32>
    %reduce_max3A_185 = arith.constant dense<-2147483648> : vector<1xi32>
    %reduce_max3A_186 = vector.multi_reduction <maxsi>, %reduce_max3A_184, %reduce_max3A_185 [1] : vector<1x512xi32> to vector<1xi32>
    %reduce_max3A_187 = vector.shape_cast %reduce_max3A_186 : vector<1xi32> to vector<1x1xi32>
    %reduce_max3A_188 = vector.extract %reduce_max3A_187[0, 0] : i32 from vector<1x1xi32>
    %get3A_189 = arith.constant 0 : index
    %get3A_190 = arith.constant 0 : index
    %get3A_191 = vector.load %arg5[%get3A_189, %get3A_190] : memref<1x5120xf32, #tpu.memory_space<vmem>>, vector<1x512xf32>
    %gt3A = arith.constant 2.000000e-01 : f32
    %gt3A_192 = vector.broadcast %gt3A : f32 to vector<1x512xf32>
    %gt3A_193 = arith.cmpf ogt, %get3A_191, %gt3A_192 : vector<1x512xf32>
    %convert_element_type3A_194 = arith.extui %gt3A_193 : vector<1x512xi1> to vector<1x512xi32>
    %convert_element_type3A_195 = arith.sitofp %convert_element_type3A_194 : vector<1x512xi32> to vector<1x512xf32>
    %broadcast_in_dim3A = arith.constant 0.000000e+00 : f32
    %broadcast_in_dim3A_196 = vector.broadcast %broadcast_in_dim3A : f32 to vector<1x512xf32>
    %swap3A = arith.constant 0 : index
    %swap3A_197 = arith.constant 0 : index
    %swap3A_198 = vector.load %arg7[%swap3A, %swap3A_197] : memref<1x512xf32, #tpu.memory_space<vmem>>, vector<1x512xf32>
    tpu.vector_store %arg7[%swap3A, %swap3A_197], %broadcast_in_dim3A_196 {strides = array<i32>} : memref<1x512xf32, #tpu.memory_space<vmem>>, vector<1x512xf32>,
    %get3A_199 = arith.constant 0 : index
    %get3A_200 = arith.constant 0 : index
    %get3A_201 = vector.load %arg7[%get3A_199, %get3A_200] : memref<1x512xf32, #tpu.memory_space<vmem>>, vector<1x512xf32>
    %eq3A = arith.constant 0.000000e+00 : f32
    %eq3A_202 = vector.broadcast %eq3A : f32 to vector<1x512xf32>
    %eq3A_203 = arith.cmpf oeq, %get3A_201, %eq3A_202 : vector<1x512xf32>
    %convert_element_type3A_204 = arith.extui %eq3A_203 : vector<1x512xi1> to vector<1x512xi32>
    %convert_element_type3A_205 = arith.sitofp %convert_element_type3A_204 : vector<1x512xi32> to vector<1x512xf32>
    %mul3A_206 = arith.mulf %convert_element_type3A_195, %convert_element_type3A_205 : vector<1x512xf32>
    %slice3A = vector.extract_strided_slice %add3A_15 {offsets = [0, 0], sizes = [512, 1], strides = [1, 1]} : vector<5120x4xf32> to vector<512x1xf32>
    %slice3A_207 = vector.extract_strided_slice %add3A_15 {offsets = [0, 1], sizes = [512, 1], strides = [1, 1]} : vector<5120x4xf32> to vector<512x1xf32>
    %slice3A_208 = vector.extract_strided_slice %add3A_15 {offsets = [0, 2], sizes = [512, 1], strides = [1, 1]} : vector<5120x4xf32> to vector<512x1xf32>
    %slice3A_209 = vector.extract_strided_slice %add3A_15 {offsets = [0, 3], sizes = [512, 1], strides = [1, 1]} : vector<5120x4xf32> to vector<512x1xf32>
    %slice3A_210 = vector.extract_strided_slice %add3A_25 {offsets = [0, 0], sizes = [1, 512], strides = [1, 1]} : vector<4x5120xf32> to vector<1x512xf32>
    %slice3A_211 = vector.extract_strided_slice %add3A_25 {offsets = [1, 0], sizes = [1, 512], strides = [1, 1]} : vector<4x5120xf32> to vector<1x512xf32>
    %slice3A_212 = vector.extract_strided_slice %add3A_25 {offsets = [2, 0], sizes = [1, 512], strides = [1, 1]} : vector<4x5120xf32> to vector<1x512xf32>
    %slice3A_213 = vector.extract_strided_slice %add3A_25 {offsets = [3, 0], sizes = [1, 512], strides = [1, 1]} : vector<4x5120xf32> to vector<1x512xf32>
    %max3A = vector.broadcast %slice3A : vector<512x1xf32> to vector<512x512xf32>
    %max3A_214 = vector.broadcast %slice3A_210 : vector<1x512xf32> to vector<512x512xf32>
    %max3A_215 = arith.maximumf %max3A, %max3A_214 : vector<512x512xf32>
    %max3A_216 = vector.broadcast %slice3A_207 : vector<512x1xf32> to vector<512x512xf32>
    %max3A_217 = vector.broadcast %slice3A_211 : vector<1x512xf32> to vector<512x512xf32>
    %max3A_218 = arith.maximumf %max3A_216, %max3A_217 : vector<512x512xf32>
    %min3A = vector.broadcast %slice3A_208 : vector<512x1xf32> to vector<512x512xf32>
    %min3A_219 = vector.broadcast %slice3A_212 : vector<1x512xf32> to vector<512x512xf32>
    %min3A_220 = arith.minimumf %min3A, %min3A_219 : vector<512x512xf32>
    %min3A_221 = vector.broadcast %slice3A_209 : vector<512x1xf32> to vector<512x512xf32>
    %min3A_222 = vector.broadcast %slice3A_213 : vector<1x512xf32> to vector<512x512xf32>
    %min3A_223 = arith.minimumf %min3A_221, %min3A_222 : vector<512x512xf32>
    %sub3A = arith.subf %min3A_220, %max3A_215 : vector<512x512xf32>
    %jit3A = arith.constant 0.000000e+00 : f32
    %max3A_224 = vector.broadcast %jit3A : f32 to vector<512x512xf32>
    %max3A_225 = arith.maximumf %max3A_224, %sub3A : vector<512x512xf32>
    %sub3A_226 = arith.subf %min3A_223, %max3A_218 : vector<512x512xf32>
    %jit3A_227 = arith.constant 0.000000e+00 : f32
    %max3A_228 = vector.broadcast %jit3A_227 : f32 to vector<512x512xf32>
    %max3A_229 = arith.maximumf %max3A_228, %sub3A_226 : vector<512x512xf32>
    %mul3A_230 = arith.mulf %max3A_225, %max3A_229 : vector<512x512xf32>
    %sub3A_231 = arith.subf %slice3A_208, %slice3A : vector<512x1xf32>
    %sub3A_232 = arith.subf %slice3A_209, %slice3A_207 : vector<512x1xf32>
    %mul3A_233 = arith.mulf %sub3A_231, %sub3A_232 : vector<512x1xf32>
    %sub3A_234 = arith.subf %slice3A_212, %slice3A_210 : vector<1x512xf32>
    %sub3A_235 = arith.subf %slice3A_213, %slice3A_211 : vector<1x512xf32>
    %mul3A_236 = arith.mulf %sub3A_234, %sub3A_235 : vector<1x512xf32>
    %add3A_237 = vector.broadcast %mul3A_233 : vector<512x1xf32> to vector<512x512xf32>
    %add3A_238 = vector.broadcast %mul3A_236 : vector<1x512xf32> to vector<512x512xf32>
    %add3A_239 = arith.addf %add3A_237, %add3A_238 : vector<512x512xf32>
    %sub3A_240 = arith.subf %add3A_239, %mul3A_230 : vector<512x512xf32>
    %add3A_241 = arith.constant 9.99999993E-9 : f32
    %add3A_242 = vector.broadcast %add3A_241 : f32 to vector<512x512xf32>
    %add3A_243 = arith.addf %sub3A_240, %add3A_242 : vector<512x512xf32>
    %div3A = arith.divf %mul3A_230, %add3A_243 : vector<512x512xf32>
    %gt3A_244 = arith.constant 5.000000e-01 : f32
    %gt3A_245 = vector.broadcast %gt3A_244 : f32 to vector<512x512xf32>
    %gt3A_246 = arith.cmpf ogt, %div3A, %gt3A_245 : vector<512x512xf32>
    %convert_element_type3A_247 = arith.extui %gt3A_246 : vector<512x512xi1> to vector<512x512xi32>
    %convert_element_type3A_248 = arith.sitofp %convert_element_type3A_247 : vector<512x512xi32> to vector<512x512xf32>
    %mul3A_249 = arith.mulf %convert_element_type3A_248, %convert_element_type3A_27 : vector<512x512xf32>
    %dot_general3A = arith.constant dense<0.000000e+00> : vector<1x512xf32>
    %dot_general3A_250 = tpu.matmul %mul3A_206, %mul3A_249, %dot_general3A {dimension_numbers = #tpu.dot_dimension_numbers<[1], [0], [0], [1], [0, 0, 1, 1], [], []>, transpose_lhs_hint = false} : vector<1x512xf32>, vector<512x512xf32>, vector<1x512xf32> -> vector<1x512xf32>
    %eq3A_251 = arith.constant 0.000000e+00 : f32
    %eq3A_252 = vector.broadcast %eq3A_251 : f32 to vector<1x512xf32>
    %eq3A_253 = arith.cmpf oeq, %dot_general3A_250, %eq3A_252 : vector<1x512xf32>
    %convert_element_type3A_254 = arith.extui %eq3A_253 : vector<1x512xi1> to vector<1x512xi32>
    %convert_element_type3A_255 = arith.sitofp %convert_element_type3A_254 : vector<1x512xi32> to vector<1x512xf32>
    %mul3A_256 = arith.mulf %mul3A_206, %convert_element_type3A_255 : vector<1x512xf32>
    %while3A:2 = scf.while (%while3A_1186 = %mul3A_256, %while3A_1187 = %mul3A_206) : (vector<1x512xf32>, vector<1x512xf32>) -> (vector<1x512xf32>, vector<1x512xf32>) {
      %ne3A = arith.cmpf one, %while3A_1186, %while3A_1187 : vector<1x512xf32>
      %reduce_or3A = arith.constant 1.000000e+00 : f32
      %reduce_or3A_1188 = arith.constant 0.000000e+00 : f32
      %reduce_or3A_1189 = vector.broadcast %reduce_or3A : f32 to vector<1x512xf32>
      %reduce_or3A_1190 = vector.broadcast %reduce_or3A_1188 : f32 to vector<1x512xf32>
      %reduce_or3A_1191 = arith.select %ne3A, %reduce_or3A_1189, %reduce_or3A_1190 : vector<1x512xi1>, vector<1x512xf32>
      %reduce_or3A_1192 = vector.shape_cast %reduce_or3A_1191 : vector<1x512xf32> to vector<1x1x512xf32>
      %reduce_or3A_1193 = arith.constant dense<0xFF800000> : vector<1xf32>
      %reduce_or3A_1194 = vector.multi_reduction <maximumf>, %reduce_or3A_1192, %reduce_or3A_1193 [1, 2] : vector<1x1x512xf32> to vector<1xf32>
      %reduce_or3A_1195 = vector.shape_cast %reduce_or3A_1194 : vector<1xf32> to vector<1x1x1xf32>
      %reduce_or3A_1196 = vector.extract %reduce_or3A_1195[0, 0, 0] : f32 from vector<1x1x1xf32>
      %reduce_or3A_1197 = arith.constant 0.000000e+00 : f32
      %reduce_or3A_1198 = arith.cmpf ogt, %reduce_or3A_1196, %reduce_or3A_1197 : f32
      scf.condition(%reduce_or3A_1198) %while3A_1186, %while3A_1187 : vector<1x512xf32>, vector<1x512xf32>
    } do {
    ^bb0(%while3A_1186: vector<1x512xf32>, %while3A_1187: vector<1x512xf32>):
      %dot_general3A_1188 = arith.constant dense<0.000000e+00> : vector<1x512xf32>
      %dot_general3A_1189 = tpu.matmul %while3A_1186, %mul3A_249, %dot_general3A_1188 {dimension_numbers = #tpu.dot_dimension_numbers<[1], [0], [0], [1], [0, 0, 1, 1], [], []>, transpose_lhs_hint = false} : vector<1x512xf32>, vector<512x512xf32>, vector<1x512xf32> -> vector<1x512xf32>
      %eq3A_1190 = arith.constant 0.000000e+00 : f32
      %eq3A_1191 = vector.broadcast %eq3A_1190 : f32 to vector<1x512xf32>
      %eq3A_1192 = arith.cmpf oeq, %dot_general3A_1189, %eq3A_1191 : vector<1x512xf32>
      %convert_element_type3A_1193 = arith.extui %eq3A_1192 : vector<1x512xi1> to vector<1x512xi32>
      %convert_element_type3A_1194 = arith.sitofp %convert_element_type3A_1193 : vector<1x512xi32> to vector<1x512xf32>
      %mul3A_1195 = arith.mulf %mul3A_206, %convert_element_type3A_1194 : vector<1x512xf32>
      scf.yield %mul3A_1195, %while3A_1186 : vector<1x512xf32>, vector<1x512xf32>
    }
    %swap3A_257 = arith.constant 0 : index
    %swap3A_258 = arith.constant 0 : index
    %swap3A_259 = vector.load %arg6[%swap3A_257, %swap3A_258] : memref<1x5120xf32, #tpu.memory_space<vmem>>, vector<1x512xf32>
    tpu.vector_store %arg6[%swap3A_257, %swap3A_258], %while3A#0 {strides = array<i32>} : memref<1x5120xf32, #tpu.memory_space<vmem>>, vector<1x512xf32>,
    %get3A_260 = arith.constant 0 : index
    %get3A_261 = arith.constant 512 : index
    %get3A_262 = vector.load %arg5[%get3A_260, %get3A_261] : memref<1x5120xf32, #tpu.memory_space<vmem>>, vector<1x512xf32>
    %gt3A_263 = arith.constant 2.000000e-01 : f32
    %gt3A_264 = vector.broadcast %gt3A_263 : f32 to vector<1x512xf32>
    %gt3A_265 = arith.cmpf ogt, %get3A_262, %gt3A_264 : vector<1x512xf32>
    %convert_element_type3A_266 = arith.extui %gt3A_265 : vector<1x512xi1> to vector<1x512xi32>
    %convert_element_type3A_267 = arith.sitofp %convert_element_type3A_266 : vector<1x512xi32> to vector<1x512xf32>
    %broadcast_in_dim3A_268 = arith.constant 0.000000e+00 : f32
    %broadcast_in_dim3A_269 = vector.broadcast %broadcast_in_dim3A_268 : f32 to vector<1x512xf32>
    %swap3A_270 = arith.constant 0 : index
    %swap3A_271 = arith.constant 0 : index
    %swap3A_272 = vector.load %arg7[%swap3A_270, %swap3A_271] : memref<1x512xf32, #tpu.memory_space<vmem>>, vector<1x512xf32>
    tpu.vector_store %arg7[%swap3A_270, %swap3A_271], %broadcast_in_dim3A_269 {strides = array<i32>} : memref<1x512xf32, #tpu.memory_space<vmem>>, vector<1x512xf32>,
    %eq3A_273 = arith.cmpi eq, %reduce_max3A_116, %reduce_min3A_35 : i32
    %convert_element_type3A_274 = arith.extui %eq3A_273 : i1 to i32
    %cond3A = arith.constant 0 : i32
    %cond3A_275 = arith.cmpi ne, %convert_element_type3A_274, %cond3A : i32
    scf.if %cond3A_275 {
      %slice3A_1186 = vector.extract_strided_slice %add3A_15 {offsets = [0, 0], sizes = [512, 1], strides = [1, 1]} : vector<5120x4xf32> to vector<512x1xf32>
      %slice3A_1187 = vector.extract_strided_slice %add3A_15 {offsets = [0, 1], sizes = [512, 1], strides = [1, 1]} : vector<5120x4xf32> to vector<512x1xf32>
      %slice3A_1188 = vector.extract_strided_slice %add3A_15 {offsets = [0, 2], sizes = [512, 1], strides = [1, 1]} : vector<5120x4xf32> to vector<512x1xf32>
      %slice3A_1189 = vector.extract_strided_slice %add3A_15 {offsets = [0, 3], sizes = [512, 1], strides = [1, 1]} : vector<5120x4xf32> to vector<512x1xf32>
      %slice3A_1190 = vector.extract_strided_slice %add3A_25 {offsets = [0, 512], sizes = [1, 512], strides = [1, 1]} : vector<4x5120xf32> to vector<1x512xf32>
      %slice3A_1191 = vector.extract_strided_slice %add3A_25 {offsets = [1, 512], sizes = [1, 512], strides = [1, 1]} : vector<4x5120xf32> to vector<1x512xf32>
      %slice3A_1192 = vector.extract_strided_slice %add3A_25 {offsets = [2, 512], sizes = [1, 512], strides = [1, 1]} : vector<4x5120xf32> to vector<1x512xf32>
      %slice3A_1193 = vector.extract_strided_slice %add3A_25 {offsets = [3, 512], sizes = [1, 512], strides = [1, 1]} : vector<4x5120xf32> to vector<1x512xf32>
      %max3A_1194 = vector.broadcast %slice3A_1186 : vector<512x1xf32> to vector<512x512xf32>
      %max3A_1195 = vector.broadcast %slice3A_1190 : vector<1x512xf32> to vector<512x512xf32>
      %max3A_1196 = arith.maximumf %max3A_1194, %max3A_1195 : vector<512x512xf32>
      %max3A_1197 = vector.broadcast %slice3A_1187 : vector<512x1xf32> to vector<512x512xf32>
      %max3A_1198 = vector.broadcast %slice3A_1191 : vector<1x512xf32> to vector<512x512xf32>
      %max3A_1199 = arith.maximumf %max3A_1197, %max3A_1198 : vector<512x512xf32>
      %min3A_1200 = vector.broadcast %slice3A_1188 : vector<512x1xf32> to vector<512x512xf32>
      %min3A_1201 = vector.broadcast %slice3A_1192 : vector<1x512xf32> to vector<512x512xf32>
      %min3A_1202 = arith.minimumf %min3A_1200, %min3A_1201 : vector<512x512xf32>
      %min3A_1203 = vector.broadcast %slice3A_1189 : vector<512x1xf32> to vector<512x512xf32>
      %min3A_1204 = vector.broadcast %slice3A_1193 : vector<1x512xf32> to vector<512x512xf32>
      %min3A_1205 = arith.minimumf %min3A_1203, %min3A_1204 : vector<512x512xf32>
      %sub3A_1206 = arith.subf %min3A_1202, %max3A_1196 : vector<512x512xf32>
      %jit3A_1207 = arith.constant 0.000000e+00 : f32
      %max3A_1208 = vector.broadcast %jit3A_1207 : f32 to vector<512x512xf32>
      %max3A_1209 = arith.maximumf %max3A_1208, %sub3A_1206 : vector<512x512xf32>
      %sub3A_1210 = arith.subf %min3A_1205, %max3A_1199 : vector<512x512xf32>
      %jit3A_1211 = arith.constant 0.000000e+00 : f32
      %max3A_1212 = vector.broadcast %jit3A_1211 : f32 to vector<512x512xf32>
      %max3A_1213 = arith.maximumf %max3A_1212, %sub3A_1210 : vector<512x512xf32>
      %mul3A_1214 = arith.mulf %max3A_1209, %max3A_1213 : vector<512x512xf32>
      %sub3A_1215 = arith.subf %slice3A_1188, %slice3A_1186 : vector<512x1xf32>
      %sub3A_1216 = arith.subf %slice3A_1189, %slice3A_1187 : vector<512x1xf32>
      %mul3A_1217 = arith.mulf %sub3A_1215, %sub3A_1216 : vector<512x1xf32>
      %sub3A_1218 = arith.subf %slice3A_1192, %slice3A_1190 : vector<1x512xf32>
      %sub3A_1219 = arith.subf %slice3A_1193, %slice3A_1191 : vector<1x512xf32>
      %mul3A_1220 = arith.mulf %sub3A_1218, %sub3A_1219 : vector<1x512xf32>
      %add3A_1221 = vector.broadcast %mul3A_1217 : vector<512x1xf32> to vector<512x512xf32>
      %add3A_1222 = vector.broadcast %mul3A_1220 : vector<1x512xf32> to vector<512x512xf32>
      %add3A_1223 = arith.addf %add3A_1221, %add3A_1222 : vector<512x512xf32>
      %sub3A_1224 = arith.subf %add3A_1223, %mul3A_1214 : vector<512x512xf32>
      %add3A_1225 = arith.constant 9.99999993E-9 : f32
      %add3A_1226 = vector.broadcast %add3A_1225 : f32 to vector<512x512xf32>
      %add3A_1227 = arith.addf %sub3A_1224, %add3A_1226 : vector<512x512xf32>
      %div3A_1228 = arith.divf %mul3A_1214, %add3A_1227 : vector<512x512xf32>
      %gt3A_1229 = arith.constant 5.000000e-01 : f32
      %gt3A_1230 = vector.broadcast %gt3A_1229 : f32 to vector<512x512xf32>
      %gt3A_1231 = arith.cmpf ogt, %div3A_1228, %gt3A_1230 : vector<512x512xf32>
      %convert_element_type3A_1232 = arith.extui %gt3A_1231 : vector<512x512xi1> to vector<512x512xi32>
      %convert_element_type3A_1233 = arith.sitofp %convert_element_type3A_1232 : vector<512x512xi32> to vector<512x512xf32>
      %get3A_1234 = arith.constant 0 : index
      %get3A_1235 = arith.constant 0 : index
      %get3A_1236 = vector.load %arg6[%get3A_1234, %get3A_1235] : memref<1x5120xf32, #tpu.memory_space<vmem>>, vector<1x512xf32>
      %get3A_1237 = arith.constant 0 : index
      %get3A_1238 = arith.constant 0 : index
      %get3A_1239 = vector.load %arg7[%get3A_1237, %get3A_1238] : memref<1x512xf32, #tpu.memory_space<vmem>>, vector<1x512xf32>
      %dot_general3A_1240 = arith.constant dense<0.000000e+00> : vector<1x512xf32>
      %dot_general3A_1241 = tpu.matmul %get3A_1236, %convert_element_type3A_1233, %dot_general3A_1240 {dimension_numbers = #tpu.dot_dimension_numbers<[1], [0], [0], [1], [0, 0, 1, 1], [], []>, transpose_lhs_hint = false} : vector<1x512xf32>, vector<512x512xf32>, vector<1x512xf32> -> vector<1x512xf32>
      %add3A_1242 = arith.addf %get3A_1239, %dot_general3A_1241 : vector<1x512xf32>
      %swap3A_1243 = arith.constant 0 : index
      %swap3A_1244 = arith.constant 0 : index
      %swap3A_1245 = vector.load %arg7[%swap3A_1243, %swap3A_1244] : memref<1x512xf32, #tpu.memory_space<vmem>>, vector<1x512xf32>
      tpu.vector_store %arg7[%swap3A_1243, %swap3A_1244], %add3A_1242 {strides = array<i32>} : memref<1x512xf32, #tpu.memory_space<vmem>>, vector<1x512xf32>,
    } else {
    }
    %get3A_276 = arith.constant 0 : index
    %get3A_277 = arith.constant 0 : index
    %get3A_278 = vector.load %arg7[%get3A_276, %get3A_277] : memref<1x512xf32, #tpu.memory_space<vmem>>, vector<1x512xf32>
    %eq3A_279 = arith.constant 0.000000e+00 : f32
    %eq3A_280 = vector.broadcast %eq3A_279 : f32 to vector<1x512xf32>
    %eq3A_281 = arith.cmpf oeq, %get3A_278, %eq3A_280 : vector<1x512xf32>
    %convert_element_type3A_282 = arith.extui %eq3A_281 : vector<1x512xi1> to vector<1x512xi32>
    %convert_element_type3A_283 = arith.sitofp %convert_element_type3A_282 : vector<1x512xi32> to vector<1x512xf32>
    %mul3A_284 = arith.mulf %convert_element_type3A_267, %convert_element_type3A_283 : vector<1x512xf32>
    %slice3A_285 = vector.extract_strided_slice %add3A_15 {offsets = [512, 0], sizes = [512, 1], strides = [1, 1]} : vector<5120x4xf32> to vector<512x1xf32>
    %slice3A_286 = vector.extract_strided_slice %add3A_15 {offsets = [512, 1], sizes = [512, 1], strides = [1, 1]} : vector<5120x4xf32> to vector<512x1xf32>
    %slice3A_287 = vector.extract_strided_slice %add3A_15 {offsets = [512, 2], sizes = [512, 1], strides = [1, 1]} : vector<5120x4xf32> to vector<512x1xf32>
    %slice3A_288 = vector.extract_strided_slice %add3A_15 {offsets = [512, 3], sizes = [512, 1], strides = [1, 1]} : vector<5120x4xf32> to vector<512x1xf32>
    %slice3A_289 = vector.extract_strided_slice %add3A_25 {offsets = [0, 512], sizes = [1, 512], strides = [1, 1]} : vector<4x5120xf32> to vector<1x512xf32>
    %slice3A_290 = vector.extract_strided_slice %add3A_25 {offsets = [1, 512], sizes = [1, 512], strides = [1, 1]} : vector<4x5120xf32> to vector<1x512xf32>
    %slice3A_291 = vector.extract_strided_slice %add3A_25 {offsets = [2, 512], sizes = [1, 512], strides = [1, 1]} : vector<4x5120xf32> to vector<1x512xf32>
    %slice3A_292 = vector.extract_strided_slice %add3A_25 {offsets = [3, 512], sizes = [1, 512], strides = [1, 1]} : vector<4x5120xf32> to vector<1x512xf32>
    %max3A_293 = vector.broadcast %slice3A_285 : vector<512x1xf32> to vector<512x512xf32>
    %max3A_294 = vector.broadcast %slice3A_289 : vector<1x512xf32> to vector<512x512xf32>
    %max3A_295 = arith.maximumf %max3A_293, %max3A_294 : vector<512x512xf32>
    %max3A_296 = vector.broadcast %slice3A_286 : vector<512x1xf32> to vector<512x512xf32>
    %max3A_297 = vector.broadcast %slice3A_290 : vector<1x512xf32> to vector<512x512xf32>
    %max3A_298 = arith.maximumf %max3A_296, %max3A_297 : vector<512x512xf32>
    %min3A_299 = vector.broadcast %slice3A_287 : vector<512x1xf32> to vector<512x512xf32>
    %min3A_300 = vector.broadcast %slice3A_291 : vector<1x512xf32> to vector<512x512xf32>
    %min3A_301 = arith.minimumf %min3A_299, %min3A_300 : vector<512x512xf32>
    %min3A_302 = vector.broadcast %slice3A_288 : vector<512x1xf32> to vector<512x512xf32>
    %min3A_303 = vector.broadcast %slice3A_292 : vector<1x512xf32> to vector<512x512xf32>
    %min3A_304 = arith.minimumf %min3A_302, %min3A_303 : vector<512x512xf32>
    %sub3A_305 = arith.subf %min3A_301, %max3A_295 : vector<512x512xf32>
    %jit3A_306 = arith.constant 0.000000e+00 : f32
    %max3A_307 = vector.broadcast %jit3A_306 : f32 to vector<512x512xf32>
    %max3A_308 = arith.maximumf %max3A_307, %sub3A_305 : vector<512x512xf32>
    %sub3A_309 = arith.subf %min3A_304, %max3A_298 : vector<512x512xf32>
    %jit3A_310 = arith.constant 0.000000e+00 : f32
    %max3A_311 = vector.broadcast %jit3A_310 : f32 to vector<512x512xf32>
    %max3A_312 = arith.maximumf %max3A_311, %sub3A_309 : vector<512x512xf32>
    %mul3A_313 = arith.mulf %max3A_308, %max3A_312 : vector<512x512xf32>
    %sub3A_314 = arith.subf %slice3A_287, %slice3A_285 : vector<512x1xf32>
    %sub3A_315 = arith.subf %slice3A_288, %slice3A_286 : vector<512x1xf32>
    %mul3A_316 = arith.mulf %sub3A_314, %sub3A_315 : vector<512x1xf32>
    %sub3A_317 = arith.subf %slice3A_291, %slice3A_289 : vector<1x512xf32>
    %sub3A_318 = arith.subf %slice3A_292, %slice3A_290 : vector<1x512xf32>
    %mul3A_319 = arith.mulf %sub3A_317, %sub3A_318 : vector<1x512xf32>
    %add3A_320 = vector.broadcast %mul3A_316 : vector<512x1xf32> to vector<512x512xf32>
    %add3A_321 = vector.broadcast %mul3A_319 : vector<1x512xf32> to vector<512x512xf32>
    %add3A_322 = arith.addf %add3A_320, %add3A_321 : vector<512x512xf32>
    %sub3A_323 = arith.subf %add3A_322, %mul3A_313 : vector<512x512xf32>
    %add3A_324 = arith.constant 9.99999993E-9 : f32
    %add3A_325 = vector.broadcast %add3A_324 : f32 to vector<512x512xf32>
    %add3A_326 = arith.addf %sub3A_323, %add3A_325 : vector<512x512xf32>
    %div3A_327 = arith.divf %mul3A_313, %add3A_326 : vector<512x512xf32>
    %gt3A_328 = arith.constant 5.000000e-01 : f32
    %gt3A_329 = vector.broadcast %gt3A_328 : f32 to vector<512x512xf32>
    %gt3A_330 = arith.cmpf ogt, %div3A_327, %gt3A_329 : vector<512x512xf32>
    %convert_element_type3A_331 = arith.extui %gt3A_330 : vector<512x512xi1> to vector<512x512xi32>
    %convert_element_type3A_332 = arith.sitofp %convert_element_type3A_331 : vector<512x512xi32> to vector<512x512xf32>
    %mul3A_333 = arith.mulf %convert_element_type3A_332, %convert_element_type3A_27 : vector<512x512xf32>
    %dot_general3A_334 = arith.constant dense<0.000000e+00> : vector<1x512xf32>
    %dot_general3A_335 = tpu.matmul %mul3A_284, %mul3A_333, %dot_general3A_334 {dimension_numbers = #tpu.dot_dimension_numbers<[1], [0], [0], [1], [0, 0, 1, 1], [], []>, transpose_lhs_hint = false} : vector<1x512xf32>, vector<512x512xf32>, vector<1x512xf32> -> vector<1x512xf32>
    %eq3A_336 = arith.constant 0.000000e+00 : f32
    %eq3A_337 = vector.broadcast %eq3A_336 : f32 to vector<1x512xf32>
    %eq3A_338 = arith.cmpf oeq, %dot_general3A_335, %eq3A_337 : vector<1x512xf32>
    %convert_element_type3A_339 = arith.extui %eq3A_338 : vector<1x512xi1> to vector<1x512xi32>
    %convert_element_type3A_340 = arith.sitofp %convert_element_type3A_339 : vector<1x512xi32> to vector<1x512xf32>
    %mul3A_341 = arith.mulf %mul3A_284, %convert_element_type3A_340 : vector<1x512xf32>
    %while3A_342:2 = scf.while (%while3A_1186 = %mul3A_341, %while3A_1187 = %mul3A_284) : (vector<1x512xf32>, vector<1x512xf32>) -> (vector<1x512xf32>, vector<1x512xf32>) {
      %ne3A = arith.cmpf one, %while3A_1186, %while3A_1187 : vector<1x512xf32>
      %reduce_or3A = arith.constant 1.000000e+00 : f32
      %reduce_or3A_1188 = arith.constant 0.000000e+00 : f32
      %reduce_or3A_1189 = vector.broadcast %reduce_or3A : f32 to vector<1x512xf32>
      %reduce_or3A_1190 = vector.broadcast %reduce_or3A_1188 : f32 to vector<1x512xf32>
      %reduce_or3A_1191 = arith.select %ne3A, %reduce_or3A_1189, %reduce_or3A_1190 : vector<1x512xi1>, vector<1x512xf32>
      %reduce_or3A_1192 = vector.shape_cast %reduce_or3A_1191 : vector<1x512xf32> to vector<1x1x512xf32>
      %reduce_or3A_1193 = arith.constant dense<0xFF800000> : vector<1xf32>
      %reduce_or3A_1194 = vector.multi_reduction <maximumf>, %reduce_or3A_1192, %reduce_or3A_1193 [1, 2] : vector<1x1x512xf32> to vector<1xf32>
      %reduce_or3A_1195 = vector.shape_cast %reduce_or3A_1194 : vector<1xf32> to vector<1x1x1xf32>
      %reduce_or3A_1196 = vector.extract %reduce_or3A_1195[0, 0, 0] : f32 from vector<1x1x1xf32>
      %reduce_or3A_1197 = arith.constant 0.000000e+00 : f32
      %reduce_or3A_1198 = arith.cmpf ogt, %reduce_or3A_1196, %reduce_or3A_1197 : f32
      scf.condition(%reduce_or3A_1198) %while3A_1186, %while3A_1187 : vector<1x512xf32>, vector<1x512xf32>
    } do {
    ^bb0(%while3A_1186: vector<1x512xf32>, %while3A_1187: vector<1x512xf32>):
      %dot_general3A_1188 = arith.constant dense<0.000000e+00> : vector<1x512xf32>
      %dot_general3A_1189 = tpu.matmul %while3A_1186, %mul3A_333, %dot_general3A_1188 {dimension_numbers = #tpu.dot_dimension_numbers<[1], [0], [0], [1], [0, 0, 1, 1], [], []>, transpose_lhs_hint = false} : vector<1x512xf32>, vector<512x512xf32>, vector<1x512xf32> -> vector<1x512xf32>
      %eq3A_1190 = arith.constant 0.000000e+00 : f32
      %eq3A_1191 = vector.broadcast %eq3A_1190 : f32 to vector<1x512xf32>
      %eq3A_1192 = arith.cmpf oeq, %dot_general3A_1189, %eq3A_1191 : vector<1x512xf32>
      %convert_element_type3A_1193 = arith.extui %eq3A_1192 : vector<1x512xi1> to vector<1x512xi32>
      %convert_element_type3A_1194 = arith.sitofp %convert_element_type3A_1193 : vector<1x512xi32> to vector<1x512xf32>
      %mul3A_1195 = arith.mulf %mul3A_284, %convert_element_type3A_1194 : vector<1x512xf32>
      scf.yield %mul3A_1195, %while3A_1186 : vector<1x512xf32>, vector<1x512xf32>
    }
    %swap3A_343 = arith.constant 0 : index
    %swap3A_344 = arith.constant 512 : index
    %swap3A_345 = vector.load %arg6[%swap3A_343, %swap3A_344] : memref<1x5120xf32, #tpu.memory_space<vmem>>, vector<1x512xf32>
    tpu.vector_store %arg6[%swap3A_343, %swap3A_344], %while3A_342#0 {strides = array<i32>} : memref<1x5120xf32, #tpu.memory_space<vmem>>, vector<1x512xf32>,
    %get3A_346 = arith.constant 0 : index
    %get3A_347 = arith.constant 1024 : index
    %get3A_348 = vector.load %arg5[%get3A_346, %get3A_347] : memref<1x5120xf32, #tpu.memory_space<vmem>>, vector<1x512xf32>
    %gt3A_349 = arith.constant 2.000000e-01 : f32
    %gt3A_350 = vector.broadcast %gt3A_349 : f32 to vector<1x512xf32>
    %gt3A_351 = arith.cmpf ogt, %get3A_348, %gt3A_350 : vector<1x512xf32>
    %convert_element_type3A_352 = arith.extui %gt3A_351 : vector<1x512xi1> to vector<1x512xi32>
    %convert_element_type3A_353 = arith.sitofp %convert_element_type3A_352 : vector<1x512xi32> to vector<1x512xf32>
    %broadcast_in_dim3A_354 = arith.constant 0.000000e+00 : f32
    %broadcast_in_dim3A_355 = vector.broadcast %broadcast_in_dim3A_354 : f32 to vector<1x512xf32>
    %swap3A_356 = arith.constant 0 : index
    %swap3A_357 = arith.constant 0 : index
    %swap3A_358 = vector.load %arg7[%swap3A_356, %swap3A_357] : memref<1x512xf32, #tpu.memory_space<vmem>>, vector<1x512xf32>
    tpu.vector_store %arg7[%swap3A_356, %swap3A_357], %broadcast_in_dim3A_355 {strides = array<i32>} : memref<1x512xf32, #tpu.memory_space<vmem>>, vector<1x512xf32>,
    %eq3A_359 = arith.cmpi eq, %reduce_max3A_116, %reduce_min3A_44 : i32
    %convert_element_type3A_360 = arith.extui %eq3A_359 : i1 to i32
    %cond3A_361 = arith.constant 0 : i32
    %cond3A_362 = arith.cmpi ne, %convert_element_type3A_360, %cond3A_361 : i32
    scf.if %cond3A_362 {
      %slice3A_1186 = vector.extract_strided_slice %add3A_15 {offsets = [0, 0], sizes = [512, 1], strides = [1, 1]} : vector<5120x4xf32> to vector<512x1xf32>
      %slice3A_1187 = vector.extract_strided_slice %add3A_15 {offsets = [0, 1], sizes = [512, 1], strides = [1, 1]} : vector<5120x4xf32> to vector<512x1xf32>
      %slice3A_1188 = vector.extract_strided_slice %add3A_15 {offsets = [0, 2], sizes = [512, 1], strides = [1, 1]} : vector<5120x4xf32> to vector<512x1xf32>
      %slice3A_1189 = vector.extract_strided_slice %add3A_15 {offsets = [0, 3], sizes = [512, 1], strides = [1, 1]} : vector<5120x4xf32> to vector<512x1xf32>
      %slice3A_1190 = vector.extract_strided_slice %add3A_25 {offsets = [0, 1024], sizes = [1, 512], strides = [1, 1]} : vector<4x5120xf32> to vector<1x512xf32>
      %slice3A_1191 = vector.extract_strided_slice %add3A_25 {offsets = [1, 1024], sizes = [1, 512], strides = [1, 1]} : vector<4x5120xf32> to vector<1x512xf32>
      %slice3A_1192 = vector.extract_strided_slice %add3A_25 {offsets = [2, 1024], sizes = [1, 512], strides = [1, 1]} : vector<4x5120xf32> to vector<1x512xf32>
      %slice3A_1193 = vector.extract_strided_slice %add3A_25 {offsets = [3, 1024], sizes = [1, 512], strides = [1, 1]} : vector<4x5120xf32> to vector<1x512xf32>
      %max3A_1194 = vector.broadcast %slice3A_1186 : vector<512x1xf32> to vector<512x512xf32>
      %max3A_1195 = vector.broadcast %slice3A_1190 : vector<1x512xf32> to vector<512x512xf32>
      %max3A_1196 = arith.maximumf %max3A_1194, %max3A_1195 : vector<512x512xf32>
      %max3A_1197 = vector.broadcast %slice3A_1187 : vector<512x1xf32> to vector<512x512xf32>
      %max3A_1198 = vector.broadcast %slice3A_1191 : vector<1x512xf32> to vector<512x512xf32>
      %max3A_1199 = arith.maximumf %max3A_1197, %max3A_1198 : vector<512x512xf32>
      %min3A_1200 = vector.broadcast %slice3A_1188 : vector<512x1xf32> to vector<512x512xf32>
      %min3A_1201 = vector.broadcast %slice3A_1192 : vector<1x512xf32> to vector<512x512xf32>
      %min3A_1202 = arith.minimumf %min3A_1200, %min3A_1201 : vector<512x512xf32>
      %min3A_1203 = vector.broadcast %slice3A_1189 : vector<512x1xf32> to vector<512x512xf32>
      %min3A_1204 = vector.broadcast %slice3A_1193 : vector<1x512xf32> to vector<512x512xf32>
      %min3A_1205 = arith.minimumf %min3A_1203, %min3A_1204 : vector<512x512xf32>
      %sub3A_1206 = arith.subf %min3A_1202, %max3A_1196 : vector<512x512xf32>
      %jit3A_1207 = arith.constant 0.000000e+00 : f32
      %max3A_1208 = vector.broadcast %jit3A_1207 : f32 to vector<512x512xf32>
      %max3A_1209 = arith.maximumf %max3A_1208, %sub3A_1206 : vector<512x512xf32>
      %sub3A_1210 = arith.subf %min3A_1205, %max3A_1199 : vector<512x512xf32>
      %jit3A_1211 = arith.constant 0.000000e+00 : f32
      %max3A_1212 = vector.broadcast %jit3A_1211 : f32 to vector<512x512xf32>
      %max3A_1213 = arith.maximumf %max3A_1212, %sub3A_1210 : vector<512x512xf32>
      %mul3A_1214 = arith.mulf %max3A_1209, %max3A_1213 : vector<512x512xf32>
      %sub3A_1215 = arith.subf %slice3A_1188, %slice3A_1186 : vector<512x1xf32>
      %sub3A_1216 = arith.subf %slice3A_1189, %slice3A_1187 : vector<512x1xf32>
      %mul3A_1217 = arith.mulf %sub3A_1215, %sub3A_1216 : vector<512x1xf32>
      %sub3A_1218 = arith.subf %slice3A_1192, %slice3A_1190 : vector<1x512xf32>
      %sub3A_1219 = arith.subf %slice3A_1193, %slice3A_1191 : vector<1x512xf32>
      %mul3A_1220 = arith.mulf %sub3A_1218, %sub3A_1219 : vector<1x512xf32>
      %add3A_1221 = vector.broadcast %mul3A_1217 : vector<512x1xf32> to vector<512x512xf32>
      %add3A_1222 = vector.broadcast %mul3A_1220 : vector<1x512xf32> to vector<512x512xf32>
      %add3A_1223 = arith.addf %add3A_1221, %add3A_1222 : vector<512x512xf32>
      %sub3A_1224 = arith.subf %add3A_1223, %mul3A_1214 : vector<512x512xf32>
      %add3A_1225 = arith.constant 9.99999993E-9 : f32
      %add3A_1226 = vector.broadcast %add3A_1225 : f32 to vector<512x512xf32>
      %add3A_1227 = arith.addf %sub3A_1224, %add3A_1226 : vector<512x512xf32>
      %div3A_1228 = arith.divf %mul3A_1214, %add3A_1227 : vector<512x512xf32>
      %gt3A_1229 = arith.constant 5.000000e-01 : f32
      %gt3A_1230 = vector.broadcast %gt3A_1229 : f32 to vector<512x512xf32>
      %gt3A_1231 = arith.cmpf ogt, %div3A_1228, %gt3A_1230 : vector<512x512xf32>
      %convert_element_type3A_1232 = arith.extui %gt3A_1231 : vector<512x512xi1> to vector<512x512xi32>
      %convert_element_type3A_1233 = arith.sitofp %convert_element_type3A_1232 : vector<512x512xi32> to vector<512x512xf32>
      %get3A_1234 = arith.constant 0 : index
      %get3A_1235 = arith.constant 0 : index
      %get3A_1236 = vector.load %arg6[%get3A_1234, %get3A_1235] : memref<1x5120xf32, #tpu.memory_space<vmem>>, vector<1x512xf32>
      %get3A_1237 = arith.constant 0 : index
      %get3A_1238 = arith.constant 0 : index
      %get3A_1239 = vector.load %arg7[%get3A_1237, %get3A_1238] : memref<1x512xf32, #tpu.memory_space<vmem>>, vector<1x512xf32>
      %dot_general3A_1240 = arith.constant dense<0.000000e+00> : vector<1x512xf32>
      %dot_general3A_1241 = tpu.matmul %get3A_1236, %convert_element_type3A_1233, %dot_general3A_1240 {dimension_numbers = #tpu.dot_dimension_numbers<[1], [0], [0], [1], [0, 0, 1, 1], [], []>, transpose_lhs_hint = false} : vector<1x512xf32>, vector<512x512xf32>, vector<1x512xf32> -> vector<1x512xf32>
      %add3A_1242 = arith.addf %get3A_1239, %dot_general3A_1241 : vector<1x512xf32>
      %swap3A_1243 = arith.constant 0 : index
      %swap3A_1244 = arith.constant 0 : index
      %swap3A_1245 = vector.load %arg7[%swap3A_1243, %swap3A_1244] : memref<1x512xf32, #tpu.memory_space<vmem>>, vector<1x512xf32>
      tpu.vector_store %arg7[%swap3A_1243, %swap3A_1244], %add3A_1242 {strides = array<i32>} : memref<1x512xf32, #tpu.memory_space<vmem>>, vector<1x512xf32>,
    } else {
    }
    %eq3A_363 = arith.cmpi eq, %reduce_max3A_125, %reduce_min3A_44 : i32
    %convert_element_type3A_364 = arith.extui %eq3A_363 : i1 to i32
    %cond3A_365 = arith.constant 0 : i32
    %cond3A_366 = arith.cmpi ne, %convert_element_type3A_364, %cond3A_365 : i32
    scf.if %cond3A_366 {
      %slice3A_1186 = vector.extract_strided_slice %add3A_15 {offsets = [512, 0], sizes = [512, 1], strides = [1, 1]} : vector<5120x4xf32> to vector<512x1xf32>
      %slice3A_1187 = vector.extract_strided_slice %add3A_15 {offsets = [512, 1], sizes = [512, 1], strides = [1, 1]} : vector<5120x4xf32> to vector<512x1xf32>
      %slice3A_1188 = vector.extract_strided_slice %add3A_15 {offsets = [512, 2], sizes = [512, 1], strides = [1, 1]} : vector<5120x4xf32> to vector<512x1xf32>
      %slice3A_1189 = vector.extract_strided_slice %add3A_15 {offsets = [512, 3], sizes = [512, 1], strides = [1, 1]} : vector<5120x4xf32> to vector<512x1xf32>
      %slice3A_1190 = vector.extract_strided_slice %add3A_25 {offsets = [0, 1024], sizes = [1, 512], strides = [1, 1]} : vector<4x5120xf32> to vector<1x512xf32>
      %slice3A_1191 = vector.extract_strided_slice %add3A_25 {offsets = [1, 1024], sizes = [1, 512], strides = [1, 1]} : vector<4x5120xf32> to vector<1x512xf32>
      %slice3A_1192 = vector.extract_strided_slice %add3A_25 {offsets = [2, 1024], sizes = [1, 512], strides = [1, 1]} : vector<4x5120xf32> to vector<1x512xf32>
      %slice3A_1193 = vector.extract_strided_slice %add3A_25 {offsets = [3, 1024], sizes = [1, 512], strides = [1, 1]} : vector<4x5120xf32> to vector<1x512xf32>
      %max3A_1194 = vector.broadcast %slice3A_1186 : vector<512x1xf32> to vector<512x512xf32>
      %max3A_1195 = vector.broadcast %slice3A_1190 : vector<1x512xf32> to vector<512x512xf32>
      %max3A_1196 = arith.maximumf %max3A_1194, %max3A_1195 : vector<512x512xf32>
      %max3A_1197 = vector.broadcast %slice3A_1187 : vector<512x1xf32> to vector<512x512xf32>
      %max3A_1198 = vector.broadcast %slice3A_1191 : vector<1x512xf32> to vector<512x512xf32>
      %max3A_1199 = arith.maximumf %max3A_1197, %max3A_1198 : vector<512x512xf32>
      %min3A_1200 = vector.broadcast %slice3A_1188 : vector<512x1xf32> to vector<512x512xf32>
      %min3A_1201 = vector.broadcast %slice3A_1192 : vector<1x512xf32> to vector<512x512xf32>
      %min3A_1202 = arith.minimumf %min3A_1200, %min3A_1201 : vector<512x512xf32>
      %min3A_1203 = vector.broadcast %slice3A_1189 : vector<512x1xf32> to vector<512x512xf32>
      %min3A_1204 = vector.broadcast %slice3A_1193 : vector<1x512xf32> to vector<512x512xf32>
      %min3A_1205 = arith.minimumf %min3A_1203, %min3A_1204 : vector<512x512xf32>
      %sub3A_1206 = arith.subf %min3A_1202, %max3A_1196 : vector<512x512xf32>
      %jit3A_1207 = arith.constant 0.000000e+00 : f32
      %max3A_1208 = vector.broadcast %jit3A_1207 : f32 to vector<512x512xf32>
      %max3A_1209 = arith.maximumf %max3A_1208, %sub3A_1206 : vector<512x512xf32>
      %sub3A_1210 = arith.subf %min3A_1205, %max3A_1199 : vector<512x512xf32>
      %jit3A_1211 = arith.constant 0.000000e+00 : f32
      %max3A_1212 = vector.broadcast %jit3A_1211 : f32 to vector<512x512xf32>
      %max3A_1213 = arith.maximumf %max3A_1212, %sub3A_1210 : vector<512x512xf32>
      %mul3A_1214 = arith.mulf %max3A_1209, %max3A_1213 : vector<512x512xf32>
      %sub3A_1215 = arith.subf %slice3A_1188, %slice3A_1186 : vector<512x1xf32>
      %sub3A_1216 = arith.subf %slice3A_1189, %slice3A_1187 : vector<512x1xf32>
      %mul3A_1217 = arith.mulf %sub3A_1215, %sub3A_1216 : vector<512x1xf32>
      %sub3A_1218 = arith.subf %slice3A_1192, %slice3A_1190 : vector<1x512xf32>
      %sub3A_1219 = arith.subf %slice3A_1193, %slice3A_1191 : vector<1x512xf32>
      %mul3A_1220 = arith.mulf %sub3A_1218, %sub3A_1219 : vector<1x512xf32>
      %add3A_1221 = vector.broadcast %mul3A_1217 : vector<512x1xf32> to vector<512x512xf32>
      %add3A_1222 = vector.broadcast %mul3A_1220 : vector<1x512xf32> to vector<512x512xf32>
      %add3A_1223 = arith.addf %add3A_1221, %add3A_1222 : vector<512x512xf32>
      %sub3A_1224 = arith.subf %add3A_1223, %mul3A_1214 : vector<512x512xf32>
      %add3A_1225 = arith.constant 9.99999993E-9 : f32
      %add3A_1226 = vector.broadcast %add3A_1225 : f32 to vector<512x512xf32>
      %add3A_1227 = arith.addf %sub3A_1224, %add3A_1226 : vector<512x512xf32>
      %div3A_1228 = arith.divf %mul3A_1214, %add3A_1227 : vector<512x512xf32>
      %gt3A_1229 = arith.constant 5.000000e-01 : f32
      %gt3A_1230 = vector.broadcast %gt3A_1229 : f32 to vector<512x512xf32>
      %gt3A_1231 = arith.cmpf ogt, %div3A_1228, %gt3A_1230 : vector<512x512xf32>
      %convert_element_type3A_1232 = arith.extui %gt3A_1231 : vector<512x512xi1> to vector<512x512xi32>
      %convert_element_type3A_1233 = arith.sitofp %convert_element_type3A_1232 : vector<512x512xi32> to vector<512x512xf32>
      %get3A_1234 = arith.constant 0 : index
      %get3A_1235 = arith.constant 512 : index
      %get3A_1236 = vector.load %arg6[%get3A_1234, %get3A_1235] : memref<1x5120xf32, #tpu.memory_space<vmem>>, vector<1x512xf32>
      %get3A_1237 = arith.constant 0 : index
      %get3A_1238 = arith.constant 0 : index
      %get3A_1239 = vector.load %arg7[%get3A_1237, %get3A_1238] : memref<1x512xf32, #tpu.memory_space<vmem>>, vector<1x512xf32>
      %dot_general3A_1240 = arith.constant dense<0.000000e+00> : vector<1x512xf32>
      %dot_general3A_1241 = tpu.matmul %get3A_1236, %convert_element_type3A_1233, %dot_general3A_1240 {dimension_numbers = #tpu.dot_dimension_numbers<[1], [0], [0], [1], [0, 0, 1, 1], [], []>, transpose_lhs_hint = false} : vector<1x512xf32>, vector<512x512xf32>, vector<1x512xf32> -> vector<1x512xf32>
      %add3A_1242 = arith.addf %get3A_1239, %dot_general3A_1241 : vector<1x512xf32>
      %swap3A_1243 = arith.constant 0 : index
      %swap3A_1244 = arith.constant 0 : index
      %swap3A_1245 = vector.load %arg7[%swap3A_1243, %swap3A_1244] : memref<1x512xf32, #tpu.memory_space<vmem>>, vector<1x512xf32>
      tpu.vector_store %arg7[%swap3A_1243, %swap3A_1244], %add3A_1242 {strides = array<i32>} : memref<1x512xf32, #tpu.memory_space<vmem>>, vector<1x512xf32>,
    } else {
    }
    %get3A_367 = arith.constant 0 : index
    %get3A_368 = arith.constant 0 : index
    %get3A_369 = vector.load %arg7[%get3A_367, %get3A_368] : memref<1x512xf32, #tpu.memory_space<vmem>>, vector<1x512xf32>
    %eq3A_370 = arith.constant 0.000000e+00 : f32
    %eq3A_371 = vector.broadcast %eq3A_370 : f32 to vector<1x512xf32>
    %eq3A_372 = arith.cmpf oeq, %get3A_369, %eq3A_371 : vector<1x512xf32>
    %convert_element_type3A_373 = arith.extui %eq3A_372 : vector<1x512xi1> to vector<1x512xi32>
    %convert_element_type3A_374 = arith.sitofp %convert_element_type3A_373 : vector<1x512xi32> to vector<1x512xf32>
    %mul3A_375 = arith.mulf %convert_element_type3A_353, %convert_element_type3A_374 : vector<1x512xf32>
    %slice3A_376 = vector.extract_strided_slice %add3A_15 {offsets = [1024, 0], sizes = [512, 1], strides = [1, 1]} : vector<5120x4xf32> to vector<512x1xf32>
    %slice3A_377 = vector.extract_strided_slice %add3A_15 {offsets = [1024, 1], sizes = [512, 1], strides = [1, 1]} : vector<5120x4xf32> to vector<512x1xf32>
    %slice3A_378 = vector.extract_strided_slice %add3A_15 {offsets = [1024, 2], sizes = [512, 1], strides = [1, 1]} : vector<5120x4xf32> to vector<512x1xf32>
    %slice3A_379 = vector.extract_strided_slice %add3A_15 {offsets = [1024, 3], sizes = [512, 1], strides = [1, 1]} : vector<5120x4xf32> to vector<512x1xf32>
    %slice3A_380 = vector.extract_strided_slice %add3A_25 {offsets = [0, 1024], sizes = [1, 512], strides = [1, 1]} : vector<4x5120xf32> to vector<1x512xf32>
    %slice3A_381 = vector.extract_strided_slice %add3A_25 {offsets = [1, 1024], sizes = [1, 512], strides = [1, 1]} : vector<4x5120xf32> to vector<1x512xf32>
    %slice3A_382 = vector.extract_strided_slice %add3A_25 {offsets = [2, 1024], sizes = [1, 512], strides = [1, 1]} : vector<4x5120xf32> to vector<1x512xf32>
    %slice3A_383 = vector.extract_strided_slice %add3A_25 {offsets = [3, 1024], sizes = [1, 512], strides = [1, 1]} : vector<4x5120xf32> to vector<1x512xf32>
    %max3A_384 = vector.broadcast %slice3A_376 : vector<512x1xf32> to vector<512x512xf32>
    %max3A_385 = vector.broadcast %slice3A_380 : vector<1x512xf32> to vector<512x512xf32>
    %max3A_386 = arith.maximumf %max3A_384, %max3A_385 : vector<512x512xf32>
    %max3A_387 = vector.broadcast %slice3A_377 : vector<512x1xf32> to vector<512x512xf32>
    %max3A_388 = vector.broadcast %slice3A_381 : vector<1x512xf32> to vector<512x512xf32>
    %max3A_389 = arith.maximumf %max3A_387, %max3A_388 : vector<512x512xf32>
    %min3A_390 = vector.broadcast %slice3A_378 : vector<512x1xf32> to vector<512x512xf32>
    %min3A_391 = vector.broadcast %slice3A_382 : vector<1x512xf32> to vector<512x512xf32>
    %min3A_392 = arith.minimumf %min3A_390, %min3A_391 : vector<512x512xf32>
    %min3A_393 = vector.broadcast %slice3A_379 : vector<512x1xf32> to vector<512x512xf32>
    %min3A_394 = vector.broadcast %slice3A_383 : vector<1x512xf32> to vector<512x512xf32>
    %min3A_395 = arith.minimumf %min3A_393, %min3A_394 : vector<512x512xf32>
    %sub3A_396 = arith.subf %min3A_392, %max3A_386 : vector<512x512xf32>
    %jit3A_397 = arith.constant 0.000000e+00 : f32
    %max3A_398 = vector.broadcast %jit3A_397 : f32 to vector<512x512xf32>
    %max3A_399 = arith.maximumf %max3A_398, %sub3A_396 : vector<512x512xf32>
    %sub3A_400 = arith.subf %min3A_395, %max3A_389 : vector<512x512xf32>
    %jit3A_401 = arith.constant 0.000000e+00 : f32
    %max3A_402 = vector.broadcast %jit3A_401 : f32 to vector<512x512xf32>
    %max3A_403 = arith.maximumf %max3A_402, %sub3A_400 : vector<512x512xf32>
    %mul3A_404 = arith.mulf %max3A_399, %max3A_403 : vector<512x512xf32>
    %sub3A_405 = arith.subf %slice3A_378, %slice3A_376 : vector<512x1xf32>
    %sub3A_406 = arith.subf %slice3A_379, %slice3A_377 : vector<512x1xf32>
    %mul3A_407 = arith.mulf %sub3A_405, %sub3A_406 : vector<512x1xf32>
    %sub3A_408 = arith.subf %slice3A_382, %slice3A_380 : vector<1x512xf32>
    %sub3A_409 = arith.subf %slice3A_383, %slice3A_381 : vector<1x512xf32>
    %mul3A_410 = arith.mulf %sub3A_408, %sub3A_409 : vector<1x512xf32>
    %add3A_411 = vector.broadcast %mul3A_407 : vector<512x1xf32> to vector<512x512xf32>
    %add3A_412 = vector.broadcast %mul3A_410 : vector<1x512xf32> to vector<512x512xf32>
    %add3A_413 = arith.addf %add3A_411, %add3A_412 : vector<512x512xf32>
    %sub3A_414 = arith.subf %add3A_413, %mul3A_404 : vector<512x512xf32>
    %add3A_415 = arith.constant 9.99999993E-9 : f32
    %add3A_416 = vector.broadcast %add3A_415 : f32 to vector<512x512xf32>
    %add3A_417 = arith.addf %sub3A_414, %add3A_416 : vector<512x512xf32>
    %div3A_418 = arith.divf %mul3A_404, %add3A_417 : vector<512x512xf32>
    %gt3A_419 = arith.constant 5.000000e-01 : f32
    %gt3A_420 = vector.broadcast %gt3A_419 : f32 to vector<512x512xf32>
    %gt3A_421 = arith.cmpf ogt, %div3A_418, %gt3A_420 : vector<512x512xf32>
    %convert_element_type3A_422 = arith.extui %gt3A_421 : vector<512x512xi1> to vector<512x512xi32>
    %convert_element_type3A_423 = arith.sitofp %convert_element_type3A_422 : vector<512x512xi32> to vector<512x512xf32>
    %mul3A_424 = arith.mulf %convert_element_type3A_423, %convert_element_type3A_27 : vector<512x512xf32>
    %dot_general3A_425 = arith.constant dense<0.000000e+00> : vector<1x512xf32>
    %dot_general3A_426 = tpu.matmul %mul3A_375, %mul3A_424, %dot_general3A_425 {dimension_numbers = #tpu.dot_dimension_numbers<[1], [0], [0], [1], [0, 0, 1, 1], [], []>, transpose_lhs_hint = false} : vector<1x512xf32>, vector<512x512xf32>, vector<1x512xf32> -> vector<1x512xf32>
    %eq3A_427 = arith.constant 0.000000e+00 : f32
    %eq3A_428 = vector.broadcast %eq3A_427 : f32 to vector<1x512xf32>
    %eq3A_429 = arith.cmpf oeq, %dot_general3A_426, %eq3A_428 : vector<1x512xf32>
    %convert_element_type3A_430 = arith.extui %eq3A_429 : vector<1x512xi1> to vector<1x512xi32>
    %convert_element_type3A_431 = arith.sitofp %convert_element_type3A_430 : vector<1x512xi32> to vector<1x512xf32>
    %mul3A_432 = arith.mulf %mul3A_375, %convert_element_type3A_431 : vector<1x512xf32>
    %while3A_433:2 = scf.while (%while3A_1186 = %mul3A_432, %while3A_1187 = %mul3A_375) : (vector<1x512xf32>, vector<1x512xf32>) -> (vector<1x512xf32>, vector<1x512xf32>) {
      %ne3A = arith.cmpf one, %while3A_1186, %while3A_1187 : vector<1x512xf32>
      %reduce_or3A = arith.constant 1.000000e+00 : f32
      %reduce_or3A_1188 = arith.constant 0.000000e+00 : f32
      %reduce_or3A_1189 = vector.broadcast %reduce_or3A : f32 to vector<1x512xf32>
      %reduce_or3A_1190 = vector.broadcast %reduce_or3A_1188 : f32 to vector<1x512xf32>
      %reduce_or3A_1191 = arith.select %ne3A, %reduce_or3A_1189, %reduce_or3A_1190 : vector<1x512xi1>, vector<1x512xf32>
      %reduce_or3A_1192 = vector.shape_cast %reduce_or3A_1191 : vector<1x512xf32> to vector<1x1x512xf32>
      %reduce_or3A_1193 = arith.constant dense<0xFF800000> : vector<1xf32>
      %reduce_or3A_1194 = vector.multi_reduction <maximumf>, %reduce_or3A_1192, %reduce_or3A_1193 [1, 2] : vector<1x1x512xf32> to vector<1xf32>
      %reduce_or3A_1195 = vector.shape_cast %reduce_or3A_1194 : vector<1xf32> to vector<1x1x1xf32>
      %reduce_or3A_1196 = vector.extract %reduce_or3A_1195[0, 0, 0] : f32 from vector<1x1x1xf32>
      %reduce_or3A_1197 = arith.constant 0.000000e+00 : f32
      %reduce_or3A_1198 = arith.cmpf ogt, %reduce_or3A_1196, %reduce_or3A_1197 : f32
      scf.condition(%reduce_or3A_1198) %while3A_1186, %while3A_1187 : vector<1x512xf32>, vector<1x512xf32>
    } do {
    ^bb0(%while3A_1186: vector<1x512xf32>, %while3A_1187: vector<1x512xf32>):
      %dot_general3A_1188 = arith.constant dense<0.000000e+00> : vector<1x512xf32>
      %dot_general3A_1189 = tpu.matmul %while3A_1186, %mul3A_424, %dot_general3A_1188 {dimension_numbers = #tpu.dot_dimension_numbers<[1], [0], [0], [1], [0, 0, 1, 1], [], []>, transpose_lhs_hint = false} : vector<1x512xf32>, vector<512x512xf32>, vector<1x512xf32> -> vector<1x512xf32>
      %eq3A_1190 = arith.constant 0.000000e+00 : f32
      %eq3A_1191 = vector.broadcast %eq3A_1190 : f32 to vector<1x512xf32>
      %eq3A_1192 = arith.cmpf oeq, %dot_general3A_1189, %eq3A_1191 : vector<1x512xf32>
      %convert_element_type3A_1193 = arith.extui %eq3A_1192 : vector<1x512xi1> to vector<1x512xi32>
      %convert_element_type3A_1194 = arith.sitofp %convert_element_type3A_1193 : vector<1x512xi32> to vector<1x512xf32>
      %mul3A_1195 = arith.mulf %mul3A_375, %convert_element_type3A_1194 : vector<1x512xf32>
      scf.yield %mul3A_1195, %while3A_1186 : vector<1x512xf32>, vector<1x512xf32>
    }
    %swap3A_434 = arith.constant 0 : index
    %swap3A_435 = arith.constant 1024 : index
    %swap3A_436 = vector.load %arg6[%swap3A_434, %swap3A_435] : memref<1x5120xf32, #tpu.memory_space<vmem>>, vector<1x512xf32>
    tpu.vector_store %arg6[%swap3A_434, %swap3A_435], %while3A_433#0 {strides = array<i32>} : memref<1x5120xf32, #tpu.memory_space<vmem>>, vector<1x512xf32>,
    %get3A_437 = arith.constant 0 : index
    %get3A_438 = arith.constant 1536 : index
    %get3A_439 = vector.load %arg5[%get3A_437, %get3A_438] : memref<1x5120xf32, #tpu.memory_space<vmem>>, vector<1x512xf32>
    %gt3A_440 = arith.constant 2.000000e-01 : f32
    %gt3A_441 = vector.broadcast %gt3A_440 : f32 to vector<1x512xf32>
    %gt3A_442 = arith.cmpf ogt, %get3A_439, %gt3A_441 : vector<1x512xf32>
    %convert_element_type3A_443 = arith.extui %gt3A_442 : vector<1x512xi1> to vector<1x512xi32>
    %convert_element_type3A_444 = arith.sitofp %convert_element_type3A_443 : vector<1x512xi32> to vector<1x512xf32>
    %broadcast_in_dim3A_445 = arith.constant 0.000000e+00 : f32
    %broadcast_in_dim3A_446 = vector.broadcast %broadcast_in_dim3A_445 : f32 to vector<1x512xf32>
    %swap3A_447 = arith.constant 0 : index
    %swap3A_448 = arith.constant 0 : index
    %swap3A_449 = vector.load %arg7[%swap3A_447, %swap3A_448] : memref<1x512xf32, #tpu.memory_space<vmem>>, vector<1x512xf32>
    tpu.vector_store %arg7[%swap3A_447, %swap3A_448], %broadcast_in_dim3A_446 {strides = array<i32>} : memref<1x512xf32, #tpu.memory_space<vmem>>, vector<1x512xf32>,
    %eq3A_450 = arith.cmpi eq, %reduce_max3A_116, %reduce_min3A_53 : i32
    %convert_element_type3A_451 = arith.extui %eq3A_450 : i1 to i32
    %cond3A_452 = arith.constant 0 : i32
    %cond3A_453 = arith.cmpi ne, %convert_element_type3A_451, %cond3A_452 : i32
    scf.if %cond3A_453 {
      %slice3A_1186 = vector.extract_strided_slice %add3A_15 {offsets = [0, 0], sizes = [512, 1], strides = [1, 1]} : vector<5120x4xf32> to vector<512x1xf32>
      %slice3A_1187 = vector.extract_strided_slice %add3A_15 {offsets = [0, 1], sizes = [512, 1], strides = [1, 1]} : vector<5120x4xf32> to vector<512x1xf32>
      %slice3A_1188 = vector.extract_strided_slice %add3A_15 {offsets = [0, 2], sizes = [512, 1], strides = [1, 1]} : vector<5120x4xf32> to vector<512x1xf32>
      %slice3A_1189 = vector.extract_strided_slice %add3A_15 {offsets = [0, 3], sizes = [512, 1], strides = [1, 1]} : vector<5120x4xf32> to vector<512x1xf32>
      %slice3A_1190 = vector.extract_strided_slice %add3A_25 {offsets = [0, 1536], sizes = [1, 512], strides = [1, 1]} : vector<4x5120xf32> to vector<1x512xf32>
      %slice3A_1191 = vector.extract_strided_slice %add3A_25 {offsets = [1, 1536], sizes = [1, 512], strides = [1, 1]} : vector<4x5120xf32> to vector<1x512xf32>
      %slice3A_1192 = vector.extract_strided_slice %add3A_25 {offsets = [2, 1536], sizes = [1, 512], strides = [1, 1]} : vector<4x5120xf32> to vector<1x512xf32>
      %slice3A_1193 = vector.extract_strided_slice %add3A_25 {offsets = [3, 1536], sizes = [1, 512], strides = [1, 1]} : vector<4x5120xf32> to vector<1x512xf32>
      %max3A_1194 = vector.broadcast %slice3A_1186 : vector<512x1xf32> to vector<512x512xf32>
      %max3A_1195 = vector.broadcast %slice3A_1190 : vector<1x512xf32> to vector<512x512xf32>
      %max3A_1196 = arith.maximumf %max3A_1194, %max3A_1195 : vector<512x512xf32>
      %max3A_1197 = vector.broadcast %slice3A_1187 : vector<512x1xf32> to vector<512x512xf32>
      %max3A_1198 = vector.broadcast %slice3A_1191 : vector<1x512xf32> to vector<512x512xf32>
      %max3A_1199 = arith.maximumf %max3A_1197, %max3A_1198 : vector<512x512xf32>
      %min3A_1200 = vector.broadcast %slice3A_1188 : vector<512x1xf32> to vector<512x512xf32>
      %min3A_1201 = vector.broadcast %slice3A_1192 : vector<1x512xf32> to vector<512x512xf32>
      %min3A_1202 = arith.minimumf %min3A_1200, %min3A_1201 : vector<512x512xf32>
      %min3A_1203 = vector.broadcast %slice3A_1189 : vector<512x1xf32> to vector<512x512xf32>
      %min3A_1204 = vector.broadcast %slice3A_1193 : vector<1x512xf32> to vector<512x512xf32>
      %min3A_1205 = arith.minimumf %min3A_1203, %min3A_1204 : vector<512x512xf32>
      %sub3A_1206 = arith.subf %min3A_1202, %max3A_1196 : vector<512x512xf32>
      %jit3A_1207 = arith.constant 0.000000e+00 : f32
      %max3A_1208 = vector.broadcast %jit3A_1207 : f32 to vector<512x512xf32>
      %max3A_1209 = arith.maximumf %max3A_1208, %sub3A_1206 : vector<512x512xf32>
      %sub3A_1210 = arith.subf %min3A_1205, %max3A_1199 : vector<512x512xf32>
      %jit3A_1211 = arith.constant 0.000000e+00 : f32
      %max3A_1212 = vector.broadcast %jit3A_1211 : f32 to vector<512x512xf32>
      %max3A_1213 = arith.maximumf %max3A_1212, %sub3A_1210 : vector<512x512xf32>
      %mul3A_1214 = arith.mulf %max3A_1209, %max3A_1213 : vector<512x512xf32>
      %sub3A_1215 = arith.subf %slice3A_1188, %slice3A_1186 : vector<512x1xf32>
      %sub3A_1216 = arith.subf %slice3A_1189, %slice3A_1187 : vector<512x1xf32>
      %mul3A_1217 = arith.mulf %sub3A_1215, %sub3A_1216 : vector<512x1xf32>
      %sub3A_1218 = arith.subf %slice3A_1192, %slice3A_1190 : vector<1x512xf32>
      %sub3A_1219 = arith.subf %slice3A_1193, %slice3A_1191 : vector<1x512xf32>
      %mul3A_1220 = arith.mulf %sub3A_1218, %sub3A_1219 : vector<1x512xf32>
      %add3A_1221 = vector.broadcast %mul3A_1217 : vector<512x1xf32> to vector<512x512xf32>
      %add3A_1222 = vector.broadcast %mul3A_1220 : vector<1x512xf32> to vector<512x512xf32>
      %add3A_1223 = arith.addf %add3A_1221, %add3A_1222 : vector<512x512xf32>
      %sub3A_1224 = arith.subf %add3A_1223, %mul3A_1214 : vector<512x512xf32>
      %add3A_1225 = arith.constant 9.99999993E-9 : f32
      %add3A_1226 = vector.broadcast %add3A_1225 : f32 to vector<512x512xf32>
      %add3A_1227 = arith.addf %sub3A_1224, %add3A_1226 : vector<512x512xf32>
      %div3A_1228 = arith.divf %mul3A_1214, %add3A_1227 : vector<512x512xf32>
      %gt3A_1229 = arith.constant 5.000000e-01 : f32
      %gt3A_1230 = vector.broadcast %gt3A_1229 : f32 to vector<512x512xf32>
      %gt3A_1231 = arith.cmpf ogt, %div3A_1228, %gt3A_1230 : vector<512x512xf32>
      %convert_element_type3A_1232 = arith.extui %gt3A_1231 : vector<512x512xi1> to vector<512x512xi32>
      %convert_element_type3A_1233 = arith.sitofp %convert_element_type3A_1232 : vector<512x512xi32> to vector<512x512xf32>
      %get3A_1234 = arith.constant 0 : index
      %get3A_1235 = arith.constant 0 : index
      %get3A_1236 = vector.load %arg6[%get3A_1234, %get3A_1235] : memref<1x5120xf32, #tpu.memory_space<vmem>>, vector<1x512xf32>
      %get3A_1237 = arith.constant 0 : index
      %get3A_1238 = arith.constant 0 : index
      %get3A_1239 = vector.load %arg7[%get3A_1237, %get3A_1238] : memref<1x512xf32, #tpu.memory_space<vmem>>, vector<1x512xf32>
      %dot_general3A_1240 = arith.constant dense<0.000000e+00> : vector<1x512xf32>
      %dot_general3A_1241 = tpu.matmul %get3A_1236, %convert_element_type3A_1233, %dot_general3A_1240 {dimension_numbers = #tpu.dot_dimension_numbers<[1], [0], [0], [1], [0, 0, 1, 1], [], []>, transpose_lhs_hint = false} : vector<1x512xf32>, vector<512x512xf32>, vector<1x512xf32> -> vector<1x512xf32>
      %add3A_1242 = arith.addf %get3A_1239, %dot_general3A_1241 : vector<1x512xf32>
      %swap3A_1243 = arith.constant 0 : index
      %swap3A_1244 = arith.constant 0 : index
      %swap3A_1245 = vector.load %arg7[%swap3A_1243, %swap3A_1244] : memref<1x512xf32, #tpu.memory_space<vmem>>, vector<1x512xf32>
      tpu.vector_store %arg7[%swap3A_1243, %swap3A_1244], %add3A_1242 {strides = array<i32>} : memref<1x512xf32, #tpu.memory_space<vmem>>, vector<1x512xf32>,
    } else {
    }
    %eq3A_454 = arith.cmpi eq, %reduce_max3A_125, %reduce_min3A_53 : i32
    %convert_element_type3A_455 = arith.extui %eq3A_454 : i1 to i32
    %cond3A_456 = arith.constant 0 : i32
    %cond3A_457 = arith.cmpi ne, %convert_element_type3A_455, %cond3A_456 : i32
    scf.if %cond3A_457 {
      %slice3A_1186 = vector.extract_strided_slice %add3A_15 {offsets = [512, 0], sizes = [512, 1], strides = [1, 1]} : vector<5120x4xf32> to vector<512x1xf32>
      %slice3A_1187 = vector.extract_strided_slice %add3A_15 {offsets = [512, 1], sizes = [512, 1], strides = [1, 1]} : vector<5120x4xf32> to vector<512x1xf32>
      %slice3A_1188 = vector.extract_strided_slice %add3A_15 {offsets = [512, 2], sizes = [512, 1], strides = [1, 1]} : vector<5120x4xf32> to vector<512x1xf32>
      %slice3A_1189 = vector.extract_strided_slice %add3A_15 {offsets = [512, 3], sizes = [512, 1], strides = [1, 1]} : vector<5120x4xf32> to vector<512x1xf32>
      %slice3A_1190 = vector.extract_strided_slice %add3A_25 {offsets = [0, 1536], sizes = [1, 512], strides = [1, 1]} : vector<4x5120xf32> to vector<1x512xf32>
      %slice3A_1191 = vector.extract_strided_slice %add3A_25 {offsets = [1, 1536], sizes = [1, 512], strides = [1, 1]} : vector<4x5120xf32> to vector<1x512xf32>
      %slice3A_1192 = vector.extract_strided_slice %add3A_25 {offsets = [2, 1536], sizes = [1, 512], strides = [1, 1]} : vector<4x5120xf32> to vector<1x512xf32>
      %slice3A_1193 = vector.extract_strided_slice %add3A_25 {offsets = [3, 1536], sizes = [1, 512], strides = [1, 1]} : vector<4x5120xf32> to vector<1x512xf32>
      %max3A_1194 = vector.broadcast %slice3A_1186 : vector<512x1xf32> to vector<512x512xf32>
      %max3A_1195 = vector.broadcast %slice3A_1190 : vector<1x512xf32> to vector<512x512xf32>
      %max3A_1196 = arith.maximumf %max3A_1194, %max3A_1195 : vector<512x512xf32>
      %max3A_1197 = vector.broadcast %slice3A_1187 : vector<512x1xf32> to vector<512x512xf32>
      %max3A_1198 = vector.broadcast %slice3A_1191 : vector<1x512xf32> to vector<512x512xf32>
      %max3A_1199 = arith.maximumf %max3A_1197, %max3A_1198 : vector<512x512xf32>
      %min3A_1200 = vector.broadcast %slice3A_1188 : vector<512x1xf32> to vector<512x512xf32>
      %min3A_1201 = vector.broadcast %slice3A_1192 : vector<1x512xf32> to vector<512x512xf32>
      %min3A_1202 = arith.minimumf %min3A_1200, %min3A_1201 : vector<512x512xf32>
      %min3A_1203 = vector.broadcast %slice3A_1189 : vector<512x1xf32> to vector<512x512xf32>
      %min3A_1204 = vector.broadcast %slice3A_1193 : vector<1x512xf32> to vector<512x512xf32>
      %min3A_1205 = arith.minimumf %min3A_1203, %min3A_1204 : vector<512x512xf32>
      %sub3A_1206 = arith.subf %min3A_1202, %max3A_1196 : vector<512x512xf32>
      %jit3A_1207 = arith.constant 0.000000e+00 : f32
      %max3A_1208 = vector.broadcast %jit3A_1207 : f32 to vector<512x512xf32>
      %max3A_1209 = arith.maximumf %max3A_1208, %sub3A_1206 : vector<512x512xf32>
      %sub3A_1210 = arith.subf %min3A_1205, %max3A_1199 : vector<512x512xf32>
      %jit3A_1211 = arith.constant 0.000000e+00 : f32
      %max3A_1212 = vector.broadcast %jit3A_1211 : f32 to vector<512x512xf32>
      %max3A_1213 = arith.maximumf %max3A_1212, %sub3A_1210 : vector<512x512xf32>
      %mul3A_1214 = arith.mulf %max3A_1209, %max3A_1213 : vector<512x512xf32>
      %sub3A_1215 = arith.subf %slice3A_1188, %slice3A_1186 : vector<512x1xf32>
      %sub3A_1216 = arith.subf %slice3A_1189, %slice3A_1187 : vector<512x1xf32>
      %mul3A_1217 = arith.mulf %sub3A_1215, %sub3A_1216 : vector<512x1xf32>
      %sub3A_1218 = arith.subf %slice3A_1192, %slice3A_1190 : vector<1x512xf32>
      %sub3A_1219 = arith.subf %slice3A_1193, %slice3A_1191 : vector<1x512xf32>
      %mul3A_1220 = arith.mulf %sub3A_1218, %sub3A_1219 : vector<1x512xf32>
      %add3A_1221 = vector.broadcast %mul3A_1217 : vector<512x1xf32> to vector<512x512xf32>
      %add3A_1222 = vector.broadcast %mul3A_1220 : vector<1x512xf32> to vector<512x512xf32>
      %add3A_1223 = arith.addf %add3A_1221, %add3A_1222 : vector<512x512xf32>
      %sub3A_1224 = arith.subf %add3A_1223, %mul3A_1214 : vector<512x512xf32>
      %add3A_1225 = arith.constant 9.99999993E-9 : f32
      %add3A_1226 = vector.broadcast %add3A_1225 : f32 to vector<512x512xf32>
      %add3A_1227 = arith.addf %sub3A_1224, %add3A_1226 : vector<512x512xf32>
      %div3A_1228 = arith.divf %mul3A_1214, %add3A_1227 : vector<512x512xf32>
      %gt3A_1229 = arith.constant 5.000000e-01 : f32
      %gt3A_1230 = vector.broadcast %gt3A_1229 : f32 to vector<512x512xf32>
      %gt3A_1231 = arith.cmpf ogt, %div3A_1228, %gt3A_1230 : vector<512x512xf32>
      %convert_element_type3A_1232 = arith.extui %gt3A_1231 : vector<512x512xi1> to vector<512x512xi32>
      %convert_element_type3A_1233 = arith.sitofp %convert_element_type3A_1232 : vector<512x512xi32> to vector<512x512xf32>
      %get3A_1234 = arith.constant 0 : index
      %get3A_1235 = arith.constant 512 : index
      %get3A_1236 = vector.load %arg6[%get3A_1234, %get3A_1235] : memref<1x5120xf32, #tpu.memory_space<vmem>>, vector<1x512xf32>
      %get3A_1237 = arith.constant 0 : index
      %get3A_1238 = arith.constant 0 : index
      %get3A_1239 = vector.load %arg7[%get3A_1237, %get3A_1238] : memref<1x512xf32, #tpu.memory_space<vmem>>, vector<1x512xf32>
      %dot_general3A_1240 = arith.constant dense<0.000000e+00> : vector<1x512xf32>
      %dot_general3A_1241 = tpu.matmul %get3A_1236, %convert_element_type3A_1233, %dot_general3A_1240 {dimension_numbers = #tpu.dot_dimension_numbers<[1], [0], [0], [1], [0, 0, 1, 1], [], []>, transpose_lhs_hint = false} : vector<1x512xf32>, vector<512x512xf32>, vector<1x512xf32> -> vector<1x512xf32>
      %add3A_1242 = arith.addf %get3A_1239, %dot_general3A_1241 : vector<1x512xf32>
      %swap3A_1243 = arith.constant 0 : index
      %swap3A_1244 = arith.constant 0 : index
      %swap3A_1245 = vector.load %arg7[%swap3A_1243, %swap3A_1244] : memref<1x512xf32, #tpu.memory_space<vmem>>, vector<1x512xf32>
      tpu.vector_store %arg7[%swap3A_1243, %swap3A_1244], %add3A_1242 {strides = array<i32>} : memref<1x512xf32, #tpu.memory_space<vmem>>, vector<1x512xf32>,
    } else {
    }
    %eq3A_458 = arith.cmpi eq, %reduce_max3A_134, %reduce_min3A_53 : i32
    %convert_element_type3A_459 = arith.extui %eq3A_458 : i1 to i32
    %cond3A_460 = arith.constant 0 : i32
    %cond3A_461 = arith.cmpi ne, %convert_element_type3A_459, %cond3A_460 : i32
    scf.if %cond3A_461 {
      %slice3A_1186 = vector.extract_strided_slice %add3A_15 {offsets = [1024, 0], sizes = [512, 1], strides = [1, 1]} : vector<5120x4xf32> to vector<512x1xf32>
      %slice3A_1187 = vector.extract_strided_slice %add3A_15 {offsets = [1024, 1], sizes = [512, 1], strides = [1, 1]} : vector<5120x4xf32> to vector<512x1xf32>
      %slice3A_1188 = vector.extract_strided_slice %add3A_15 {offsets = [1024, 2], sizes = [512, 1], strides = [1, 1]} : vector<5120x4xf32> to vector<512x1xf32>
      %slice3A_1189 = vector.extract_strided_slice %add3A_15 {offsets = [1024, 3], sizes = [512, 1], strides = [1, 1]} : vector<5120x4xf32> to vector<512x1xf32>
      %slice3A_1190 = vector.extract_strided_slice %add3A_25 {offsets = [0, 1536], sizes = [1, 512], strides = [1, 1]} : vector<4x5120xf32> to vector<1x512xf32>
      %slice3A_1191 = vector.extract_strided_slice %add3A_25 {offsets = [1, 1536], sizes = [1, 512], strides = [1, 1]} : vector<4x5120xf32> to vector<1x512xf32>
      %slice3A_1192 = vector.extract_strided_slice %add3A_25 {offsets = [2, 1536], sizes = [1, 512], strides = [1, 1]} : vector<4x5120xf32> to vector<1x512xf32>
      %slice3A_1193 = vector.extract_strided_slice %add3A_25 {offsets = [3, 1536], sizes = [1, 512], strides = [1, 1]} : vector<4x5120xf32> to vector<1x512xf32>
      %max3A_1194 = vector.broadcast %slice3A_1186 : vector<512x1xf32> to vector<512x512xf32>
      %max3A_1195 = vector.broadcast %slice3A_1190 : vector<1x512xf32> to vector<512x512xf32>
      %max3A_1196 = arith.maximumf %max3A_1194, %max3A_1195 : vector<512x512xf32>
      %max3A_1197 = vector.broadcast %slice3A_1187 : vector<512x1xf32> to vector<512x512xf32>
      %max3A_1198 = vector.broadcast %slice3A_1191 : vector<1x512xf32> to vector<512x512xf32>
      %max3A_1199 = arith.maximumf %max3A_1197, %max3A_1198 : vector<512x512xf32>
      %min3A_1200 = vector.broadcast %slice3A_1188 : vector<512x1xf32> to vector<512x512xf32>
      %min3A_1201 = vector.broadcast %slice3A_1192 : vector<1x512xf32> to vector<512x512xf32>
      %min3A_1202 = arith.minimumf %min3A_1200, %min3A_1201 : vector<512x512xf32>
      %min3A_1203 = vector.broadcast %slice3A_1189 : vector<512x1xf32> to vector<512x512xf32>
      %min3A_1204 = vector.broadcast %slice3A_1193 : vector<1x512xf32> to vector<512x512xf32>
      %min3A_1205 = arith.minimumf %min3A_1203, %min3A_1204 : vector<512x512xf32>
      %sub3A_1206 = arith.subf %min3A_1202, %max3A_1196 : vector<512x512xf32>
      %jit3A_1207 = arith.constant 0.000000e+00 : f32
      %max3A_1208 = vector.broadcast %jit3A_1207 : f32 to vector<512x512xf32>
      %max3A_1209 = arith.maximumf %max3A_1208, %sub3A_1206 : vector<512x512xf32>
      %sub3A_1210 = arith.subf %min3A_1205, %max3A_1199 : vector<512x512xf32>
      %jit3A_1211 = arith.constant 0.000000e+00 : f32
      %max3A_1212 = vector.broadcast %jit3A_1211 : f32 to vector<512x512xf32>
      %max3A_1213 = arith.maximumf %max3A_1212, %sub3A_1210 : vector<512x512xf32>
      %mul3A_1214 = arith.mulf %max3A_1209, %max3A_1213 : vector<512x512xf32>
      %sub3A_1215 = arith.subf %slice3A_1188, %slice3A_1186 : vector<512x1xf32>
      %sub3A_1216 = arith.subf %slice3A_1189, %slice3A_1187 : vector<512x1xf32>
      %mul3A_1217 = arith.mulf %sub3A_1215, %sub3A_1216 : vector<512x1xf32>
      %sub3A_1218 = arith.subf %slice3A_1192, %slice3A_1190 : vector<1x512xf32>
      %sub3A_1219 = arith.subf %slice3A_1193, %slice3A_1191 : vector<1x512xf32>
      %mul3A_1220 = arith.mulf %sub3A_1218, %sub3A_1219 : vector<1x512xf32>
      %add3A_1221 = vector.broadcast %mul3A_1217 : vector<512x1xf32> to vector<512x512xf32>
      %add3A_1222 = vector.broadcast %mul3A_1220 : vector<1x512xf32> to vector<512x512xf32>
      %add3A_1223 = arith.addf %add3A_1221, %add3A_1222 : vector<512x512xf32>
      %sub3A_1224 = arith.subf %add3A_1223, %mul3A_1214 : vector<512x512xf32>
      %add3A_1225 = arith.constant 9.99999993E-9 : f32
      %add3A_1226 = vector.broadcast %add3A_1225 : f32 to vector<512x512xf32>
      %add3A_1227 = arith.addf %sub3A_1224, %add3A_1226 : vector<512x512xf32>
      %div3A_1228 = arith.divf %mul3A_1214, %add3A_1227 : vector<512x512xf32>
      %gt3A_1229 = arith.constant 5.000000e-01 : f32
      %gt3A_1230 = vector.broadcast %gt3A_1229 : f32 to vector<512x512xf32>
      %gt3A_1231 = arith.cmpf ogt, %div3A_1228, %gt3A_1230 : vector<512x512xf32>
      %convert_element_type3A_1232 = arith.extui %gt3A_1231 : vector<512x512xi1> to vector<512x512xi32>
      %convert_element_type3A_1233 = arith.sitofp %convert_element_type3A_1232 : vector<512x512xi32> to vector<512x512xf32>
      %get3A_1234 = arith.constant 0 : index
      %get3A_1235 = arith.constant 1024 : index
      %get3A_1236 = vector.load %arg6[%get3A_1234, %get3A_1235] : memref<1x5120xf32, #tpu.memory_space<vmem>>, vector<1x512xf32>
      %get3A_1237 = arith.constant 0 : index
      %get3A_1238 = arith.constant 0 : index
      %get3A_1239 = vector.load %arg7[%get3A_1237, %get3A_1238] : memref<1x512xf32, #tpu.memory_space<vmem>>, vector<1x512xf32>
      %dot_general3A_1240 = arith.constant dense<0.000000e+00> : vector<1x512xf32>
      %dot_general3A_1241 = tpu.matmul %get3A_1236, %convert_element_type3A_1233, %dot_general3A_1240 {dimension_numbers = #tpu.dot_dimension_numbers<[1], [0], [0], [1], [0, 0, 1, 1], [], []>, transpose_lhs_hint = false} : vector<1x512xf32>, vector<512x512xf32>, vector<1x512xf32> -> vector<1x512xf32>
      %add3A_1242 = arith.addf %get3A_1239, %dot_general3A_1241 : vector<1x512xf32>
      %swap3A_1243 = arith.constant 0 : index
      %swap3A_1244 = arith.constant 0 : index
      %swap3A_1245 = vector.load %arg7[%swap3A_1243, %swap3A_1244] : memref<1x512xf32, #tpu.memory_space<vmem>>, vector<1x512xf32>
      tpu.vector_store %arg7[%swap3A_1243, %swap3A_1244], %add3A_1242 {strides = array<i32>} : memref<1x512xf32, #tpu.memory_space<vmem>>, vector<1x512xf32>,
    } else {
    }
    %get3A_462 = arith.constant 0 : index
    %get3A_463 = arith.constant 0 : index
    %get3A_464 = vector.load %arg7[%get3A_462, %get3A_463] : memref<1x512xf32, #tpu.memory_space<vmem>>, vector<1x512xf32>
    %eq3A_465 = arith.constant 0.000000e+00 : f32
    %eq3A_466 = vector.broadcast %eq3A_465 : f32 to vector<1x512xf32>
    %eq3A_467 = arith.cmpf oeq, %get3A_464, %eq3A_466 : vector<1x512xf32>
    %convert_element_type3A_468 = arith.extui %eq3A_467 : vector<1x512xi1> to vector<1x512xi32>
    %convert_element_type3A_469 = arith.sitofp %convert_element_type3A_468 : vector<1x512xi32> to vector<1x512xf32>
    %mul3A_470 = arith.mulf %convert_element_type3A_444, %convert_element_type3A_469 : vector<1x512xf32>
    %slice3A_471 = vector.extract_strided_slice %add3A_15 {offsets = [1536, 0], sizes = [512, 1], strides = [1, 1]} : vector<5120x4xf32> to vector<512x1xf32>
    %slice3A_472 = vector.extract_strided_slice %add3A_15 {offsets = [1536, 1], sizes = [512, 1], strides = [1, 1]} : vector<5120x4xf32> to vector<512x1xf32>
    %slice3A_473 = vector.extract_strided_slice %add3A_15 {offsets = [1536, 2], sizes = [512, 1], strides = [1, 1]} : vector<5120x4xf32> to vector<512x1xf32>
    %slice3A_474 = vector.extract_strided_slice %add3A_15 {offsets = [1536, 3], sizes = [512, 1], strides = [1, 1]} : vector<5120x4xf32> to vector<512x1xf32>
    %slice3A_475 = vector.extract_strided_slice %add3A_25 {offsets = [0, 1536], sizes = [1, 512], strides = [1, 1]} : vector<4x5120xf32> to vector<1x512xf32>
    %slice3A_476 = vector.extract_strided_slice %add3A_25 {offsets = [1, 1536], sizes = [1, 512], strides = [1, 1]} : vector<4x5120xf32> to vector<1x512xf32>
    %slice3A_477 = vector.extract_strided_slice %add3A_25 {offsets = [2, 1536], sizes = [1, 512], strides = [1, 1]} : vector<4x5120xf32> to vector<1x512xf32>
    %slice3A_478 = vector.extract_strided_slice %add3A_25 {offsets = [3, 1536], sizes = [1, 512], strides = [1, 1]} : vector<4x5120xf32> to vector<1x512xf32>
    %max3A_479 = vector.broadcast %slice3A_471 : vector<512x1xf32> to vector<512x512xf32>
    %max3A_480 = vector.broadcast %slice3A_475 : vector<1x512xf32> to vector<512x512xf32>
    %max3A_481 = arith.maximumf %max3A_479, %max3A_480 : vector<512x512xf32>
    %max3A_482 = vector.broadcast %slice3A_472 : vector<512x1xf32> to vector<512x512xf32>
    %max3A_483 = vector.broadcast %slice3A_476 : vector<1x512xf32> to vector<512x512xf32>
    %max3A_484 = arith.maximumf %max3A_482, %max3A_483 : vector<512x512xf32>
    %min3A_485 = vector.broadcast %slice3A_473 : vector<512x1xf32> to vector<512x512xf32>
    %min3A_486 = vector.broadcast %slice3A_477 : vector<1x512xf32> to vector<512x512xf32>
    %min3A_487 = arith.minimumf %min3A_485, %min3A_486 : vector<512x512xf32>
    %min3A_488 = vector.broadcast %slice3A_474 : vector<512x1xf32> to vector<512x512xf32>
    %min3A_489 = vector.broadcast %slice3A_478 : vector<1x512xf32> to vector<512x512xf32>
    %min3A_490 = arith.minimumf %min3A_488, %min3A_489 : vector<512x512xf32>
    %sub3A_491 = arith.subf %min3A_487, %max3A_481 : vector<512x512xf32>
    %jit3A_492 = arith.constant 0.000000e+00 : f32
    %max3A_493 = vector.broadcast %jit3A_492 : f32 to vector<512x512xf32>
    %max3A_494 = arith.maximumf %max3A_493, %sub3A_491 : vector<512x512xf32>
    %sub3A_495 = arith.subf %min3A_490, %max3A_484 : vector<512x512xf32>
    %jit3A_496 = arith.constant 0.000000e+00 : f32
    %max3A_497 = vector.broadcast %jit3A_496 : f32 to vector<512x512xf32>
    %max3A_498 = arith.maximumf %max3A_497, %sub3A_495 : vector<512x512xf32>
    %mul3A_499 = arith.mulf %max3A_494, %max3A_498 : vector<512x512xf32>
    %sub3A_500 = arith.subf %slice3A_473, %slice3A_471 : vector<512x1xf32>
    %sub3A_501 = arith.subf %slice3A_474, %slice3A_472 : vector<512x1xf32>
    %mul3A_502 = arith.mulf %sub3A_500, %sub3A_501 : vector<512x1xf32>
    %sub3A_503 = arith.subf %slice3A_477, %slice3A_475 : vector<1x512xf32>
    %sub3A_504 = arith.subf %slice3A_478, %slice3A_476 : vector<1x512xf32>
    %mul3A_505 = arith.mulf %sub3A_503, %sub3A_504 : vector<1x512xf32>
    %add3A_506 = vector.broadcast %mul3A_502 : vector<512x1xf32> to vector<512x512xf32>
    %add3A_507 = vector.broadcast %mul3A_505 : vector<1x512xf32> to vector<512x512xf32>
    %add3A_508 = arith.addf %add3A_506, %add3A_507 : vector<512x512xf32>
    %sub3A_509 = arith.subf %add3A_508, %mul3A_499 : vector<512x512xf32>
    %add3A_510 = arith.constant 9.99999993E-9 : f32
    %add3A_511 = vector.broadcast %add3A_510 : f32 to vector<512x512xf32>
    %add3A_512 = arith.addf %sub3A_509, %add3A_511 : vector<512x512xf32>
    %div3A_513 = arith.divf %mul3A_499, %add3A_512 : vector<512x512xf32>
    %gt3A_514 = arith.constant 5.000000e-01 : f32
    %gt3A_515 = vector.broadcast %gt3A_514 : f32 to vector<512x512xf32>
    %gt3A_516 = arith.cmpf ogt, %div3A_513, %gt3A_515 : vector<512x512xf32>
    %convert_element_type3A_517 = arith.extui %gt3A_516 : vector<512x512xi1> to vector<512x512xi32>
    %convert_element_type3A_518 = arith.sitofp %convert_element_type3A_517 : vector<512x512xi32> to vector<512x512xf32>
    %mul3A_519 = arith.mulf %convert_element_type3A_518, %convert_element_type3A_27 : vector<512x512xf32>
    %dot_general3A_520 = arith.constant dense<0.000000e+00> : vector<1x512xf32>
    %dot_general3A_521 = tpu.matmul %mul3A_470, %mul3A_519, %dot_general3A_520 {dimension_numbers = #tpu.dot_dimension_numbers<[1], [0], [0], [1], [0, 0, 1, 1], [], []>, transpose_lhs_hint = false} : vector<1x512xf32>, vector<512x512xf32>, vector<1x512xf32> -> vector<1x512xf32>
    %eq3A_522 = arith.constant 0.000000e+00 : f32
    %eq3A_523 = vector.broadcast %eq3A_522 : f32 to vector<1x512xf32>
    %eq3A_524 = arith.cmpf oeq, %dot_general3A_521, %eq3A_523 : vector<1x512xf32>
    %convert_element_type3A_525 = arith.extui %eq3A_524 : vector<1x512xi1> to vector<1x512xi32>
    %convert_element_type3A_526 = arith.sitofp %convert_element_type3A_525 : vector<1x512xi32> to vector<1x512xf32>
    %mul3A_527 = arith.mulf %mul3A_470, %convert_element_type3A_526 : vector<1x512xf32>
    %while3A_528:2 = scf.while (%while3A_1186 = %mul3A_527, %while3A_1187 = %mul3A_470) : (vector<1x512xf32>, vector<1x512xf32>) -> (vector<1x512xf32>, vector<1x512xf32>) {
      %ne3A = arith.cmpf one, %while3A_1186, %while3A_1187 : vector<1x512xf32>
      %reduce_or3A = arith.constant 1.000000e+00 : f32
      %reduce_or3A_1188 = arith.constant 0.000000e+00 : f32
      %reduce_or3A_1189 = vector.broadcast %reduce_or3A : f32 to vector<1x512xf32>
      %reduce_or3A_1190 = vector.broadcast %reduce_or3A_1188 : f32 to vector<1x512xf32>
      %reduce_or3A_1191 = arith.select %ne3A, %reduce_or3A_1189, %reduce_or3A_1190 : vector<1x512xi1>, vector<1x512xf32>
      %reduce_or3A_1192 = vector.shape_cast %reduce_or3A_1191 : vector<1x512xf32> to vector<1x1x512xf32>
      %reduce_or3A_1193 = arith.constant dense<0xFF800000> : vector<1xf32>
      %reduce_or3A_1194 = vector.multi_reduction <maximumf>, %reduce_or3A_1192, %reduce_or3A_1193 [1, 2] : vector<1x1x512xf32> to vector<1xf32>
      %reduce_or3A_1195 = vector.shape_cast %reduce_or3A_1194 : vector<1xf32> to vector<1x1x1xf32>
      %reduce_or3A_1196 = vector.extract %reduce_or3A_1195[0, 0, 0] : f32 from vector<1x1x1xf32>
      %reduce_or3A_1197 = arith.constant 0.000000e+00 : f32
      %reduce_or3A_1198 = arith.cmpf ogt, %reduce_or3A_1196, %reduce_or3A_1197 : f32
      scf.condition(%reduce_or3A_1198) %while3A_1186, %while3A_1187 : vector<1x512xf32>, vector<1x512xf32>
    } do {
    ^bb0(%while3A_1186: vector<1x512xf32>, %while3A_1187: vector<1x512xf32>):
      %dot_general3A_1188 = arith.constant dense<0.000000e+00> : vector<1x512xf32>
      %dot_general3A_1189 = tpu.matmul %while3A_1186, %mul3A_519, %dot_general3A_1188 {dimension_numbers = #tpu.dot_dimension_numbers<[1], [0], [0], [1], [0, 0, 1, 1], [], []>, transpose_lhs_hint = false} : vector<1x512xf32>, vector<512x512xf32>, vector<1x512xf32> -> vector<1x512xf32>
      %eq3A_1190 = arith.constant 0.000000e+00 : f32
      %eq3A_1191 = vector.broadcast %eq3A_1190 : f32 to vector<1x512xf32>
      %eq3A_1192 = arith.cmpf oeq, %dot_general3A_1189, %eq3A_1191 : vector<1x512xf32>
      %convert_element_type3A_1193 = arith.extui %eq3A_1192 : vector<1x512xi1> to vector<1x512xi32>
      %convert_element_type3A_1194 = arith.sitofp %convert_element_type3A_1193 : vector<1x512xi32> to vector<1x512xf32>
      %mul3A_1195 = arith.mulf %mul3A_470, %convert_element_type3A_1194 : vector<1x512xf32>
      scf.yield %mul3A_1195, %while3A_1186 : vector<1x512xf32>, vector<1x512xf32>
    }
    %swap3A_529 = arith.constant 0 : index
    %swap3A_530 = arith.constant 1536 : index
    %swap3A_531 = vector.load %arg6[%swap3A_529, %swap3A_530] : memref<1x5120xf32, #tpu.memory_space<vmem>>, vector<1x512xf32>
    tpu.vector_store %arg6[%swap3A_529, %swap3A_530], %while3A_528#0 {strides = array<i32>} : memref<1x5120xf32, #tpu.memory_space<vmem>>, vector<1x512xf32>,
    %get3A_532 = arith.constant 0 : index
    %get3A_533 = arith.constant 2048 : index
    %get3A_534 = vector.load %arg5[%get3A_532, %get3A_533] : memref<1x5120xf32, #tpu.memory_space<vmem>>, vector<1x512xf32>
    %gt3A_535 = arith.constant 2.000000e-01 : f32
    %gt3A_536 = vector.broadcast %gt3A_535 : f32 to vector<1x512xf32>
    %gt3A_537 = arith.cmpf ogt, %get3A_534, %gt3A_536 : vector<1x512xf32>
    %convert_element_type3A_538 = arith.extui %gt3A_537 : vector<1x512xi1> to vector<1x512xi32>
    %convert_element_type3A_539 = arith.sitofp %convert_element_type3A_538 : vector<1x512xi32> to vector<1x512xf32>
    %broadcast_in_dim3A_540 = arith.constant 0.000000e+00 : f32
    %broadcast_in_dim3A_541 = vector.broadcast %broadcast_in_dim3A_540 : f32 to vector<1x512xf32>
    %swap3A_542 = arith.constant 0 : index
    %swap3A_543 = arith.constant 0 : index
    %swap3A_544 = vector.load %arg7[%swap3A_542, %swap3A_543] : memref<1x512xf32, #tpu.memory_space<vmem>>, vector<1x512xf32>
    tpu.vector_store %arg7[%swap3A_542, %swap3A_543], %broadcast_in_dim3A_541 {strides = array<i32>} : memref<1x512xf32, #tpu.memory_space<vmem>>, vector<1x512xf32>,
    %eq3A_545 = arith.cmpi eq, %reduce_max3A_116, %reduce_min3A_62 : i32
    %convert_element_type3A_546 = arith.extui %eq3A_545 : i1 to i32
    %cond3A_547 = arith.constant 0 : i32
    %cond3A_548 = arith.cmpi ne, %convert_element_type3A_546, %cond3A_547 : i32
    scf.if %cond3A_548 {
      %slice3A_1186 = vector.extract_strided_slice %add3A_15 {offsets = [0, 0], sizes = [512, 1], strides = [1, 1]} : vector<5120x4xf32> to vector<512x1xf32>
      %slice3A_1187 = vector.extract_strided_slice %add3A_15 {offsets = [0, 1], sizes = [512, 1], strides = [1, 1]} : vector<5120x4xf32> to vector<512x1xf32>
      %slice3A_1188 = vector.extract_strided_slice %add3A_15 {offsets = [0, 2], sizes = [512, 1], strides = [1, 1]} : vector<5120x4xf32> to vector<512x1xf32>
      %slice3A_1189 = vector.extract_strided_slice %add3A_15 {offsets = [0, 3], sizes = [512, 1], strides = [1, 1]} : vector<5120x4xf32> to vector<512x1xf32>
      %slice3A_1190 = vector.extract_strided_slice %add3A_25 {offsets = [0, 2048], sizes = [1, 512], strides = [1, 1]} : vector<4x5120xf32> to vector<1x512xf32>
      %slice3A_1191 = vector.extract_strided_slice %add3A_25 {offsets = [1, 2048], sizes = [1, 512], strides = [1, 1]} : vector<4x5120xf32> to vector<1x512xf32>
      %slice3A_1192 = vector.extract_strided_slice %add3A_25 {offsets = [2, 2048], sizes = [1, 512], strides = [1, 1]} : vector<4x5120xf32> to vector<1x512xf32>
      %slice3A_1193 = vector.extract_strided_slice %add3A_25 {offsets = [3, 2048], sizes = [1, 512], strides = [1, 1]} : vector<4x5120xf32> to vector<1x512xf32>
      %max3A_1194 = vector.broadcast %slice3A_1186 : vector<512x1xf32> to vector<512x512xf32>
      %max3A_1195 = vector.broadcast %slice3A_1190 : vector<1x512xf32> to vector<512x512xf32>
      %max3A_1196 = arith.maximumf %max3A_1194, %max3A_1195 : vector<512x512xf32>
      %max3A_1197 = vector.broadcast %slice3A_1187 : vector<512x1xf32> to vector<512x512xf32>
      %max3A_1198 = vector.broadcast %slice3A_1191 : vector<1x512xf32> to vector<512x512xf32>
      %max3A_1199 = arith.maximumf %max3A_1197, %max3A_1198 : vector<512x512xf32>
      %min3A_1200 = vector.broadcast %slice3A_1188 : vector<512x1xf32> to vector<512x512xf32>
      %min3A_1201 = vector.broadcast %slice3A_1192 : vector<1x512xf32> to vector<512x512xf32>
      %min3A_1202 = arith.minimumf %min3A_1200, %min3A_1201 : vector<512x512xf32>
      %min3A_1203 = vector.broadcast %slice3A_1189 : vector<512x1xf32> to vector<512x512xf32>
      %min3A_1204 = vector.broadcast %slice3A_1193 : vector<1x512xf32> to vector<512x512xf32>
      %min3A_1205 = arith.minimumf %min3A_1203, %min3A_1204 : vector<512x512xf32>
      %sub3A_1206 = arith.subf %min3A_1202, %max3A_1196 : vector<512x512xf32>
      %jit3A_1207 = arith.constant 0.000000e+00 : f32
      %max3A_1208 = vector.broadcast %jit3A_1207 : f32 to vector<512x512xf32>
      %max3A_1209 = arith.maximumf %max3A_1208, %sub3A_1206 : vector<512x512xf32>
      %sub3A_1210 = arith.subf %min3A_1205, %max3A_1199 : vector<512x512xf32>
      %jit3A_1211 = arith.constant 0.000000e+00 : f32
      %max3A_1212 = vector.broadcast %jit3A_1211 : f32 to vector<512x512xf32>
      %max3A_1213 = arith.maximumf %max3A_1212, %sub3A_1210 : vector<512x512xf32>
      %mul3A_1214 = arith.mulf %max3A_1209, %max3A_1213 : vector<512x512xf32>
      %sub3A_1215 = arith.subf %slice3A_1188, %slice3A_1186 : vector<512x1xf32>
      %sub3A_1216 = arith.subf %slice3A_1189, %slice3A_1187 : vector<512x1xf32>
      %mul3A_1217 = arith.mulf %sub3A_1215, %sub3A_1216 : vector<512x1xf32>
      %sub3A_1218 = arith.subf %slice3A_1192, %slice3A_1190 : vector<1x512xf32>
      %sub3A_1219 = arith.subf %slice3A_1193, %slice3A_1191 : vector<1x512xf32>
      %mul3A_1220 = arith.mulf %sub3A_1218, %sub3A_1219 : vector<1x512xf32>
      %add3A_1221 = vector.broadcast %mul3A_1217 : vector<512x1xf32> to vector<512x512xf32>
      %add3A_1222 = vector.broadcast %mul3A_1220 : vector<1x512xf32> to vector<512x512xf32>
      %add3A_1223 = arith.addf %add3A_1221, %add3A_1222 : vector<512x512xf32>
      %sub3A_1224 = arith.subf %add3A_1223, %mul3A_1214 : vector<512x512xf32>
      %add3A_1225 = arith.constant 9.99999993E-9 : f32
      %add3A_1226 = vector.broadcast %add3A_1225 : f32 to vector<512x512xf32>
      %add3A_1227 = arith.addf %sub3A_1224, %add3A_1226 : vector<512x512xf32>
      %div3A_1228 = arith.divf %mul3A_1214, %add3A_1227 : vector<512x512xf32>
      %gt3A_1229 = arith.constant 5.000000e-01 : f32
      %gt3A_1230 = vector.broadcast %gt3A_1229 : f32 to vector<512x512xf32>
      %gt3A_1231 = arith.cmpf ogt, %div3A_1228, %gt3A_1230 : vector<512x512xf32>
      %convert_element_type3A_1232 = arith.extui %gt3A_1231 : vector<512x512xi1> to vector<512x512xi32>
      %convert_element_type3A_1233 = arith.sitofp %convert_element_type3A_1232 : vector<512x512xi32> to vector<512x512xf32>
      %get3A_1234 = arith.constant 0 : index
      %get3A_1235 = arith.constant 0 : index
      %get3A_1236 = vector.load %arg6[%get3A_1234, %get3A_1235] : memref<1x5120xf32, #tpu.memory_space<vmem>>, vector<1x512xf32>
      %get3A_1237 = arith.constant 0 : index
      %get3A_1238 = arith.constant 0 : index
      %get3A_1239 = vector.load %arg7[%get3A_1237, %get3A_1238] : memref<1x512xf32, #tpu.memory_space<vmem>>, vector<1x512xf32>
      %dot_general3A_1240 = arith.constant dense<0.000000e+00> : vector<1x512xf32>
      %dot_general3A_1241 = tpu.matmul %get3A_1236, %convert_element_type3A_1233, %dot_general3A_1240 {dimension_numbers = #tpu.dot_dimension_numbers<[1], [0], [0], [1], [0, 0, 1, 1], [], []>, transpose_lhs_hint = false} : vector<1x512xf32>, vector<512x512xf32>, vector<1x512xf32> -> vector<1x512xf32>
      %add3A_1242 = arith.addf %get3A_1239, %dot_general3A_1241 : vector<1x512xf32>
      %swap3A_1243 = arith.constant 0 : index
      %swap3A_1244 = arith.constant 0 : index
      %swap3A_1245 = vector.load %arg7[%swap3A_1243, %swap3A_1244] : memref<1x512xf32, #tpu.memory_space<vmem>>, vector<1x512xf32>
      tpu.vector_store %arg7[%swap3A_1243, %swap3A_1244], %add3A_1242 {strides = array<i32>} : memref<1x512xf32, #tpu.memory_space<vmem>>, vector<1x512xf32>,
    } else {
    }
    %eq3A_549 = arith.cmpi eq, %reduce_max3A_125, %reduce_min3A_62 : i32
    %convert_element_type3A_550 = arith.extui %eq3A_549 : i1 to i32
    %cond3A_551 = arith.constant 0 : i32
    %cond3A_552 = arith.cmpi ne, %convert_element_type3A_550, %cond3A_551 : i32
    scf.if %cond3A_552 {
      %slice3A_1186 = vector.extract_strided_slice %add3A_15 {offsets = [512, 0], sizes = [512, 1], strides = [1, 1]} : vector<5120x4xf32> to vector<512x1xf32>
      %slice3A_1187 = vector.extract_strided_slice %add3A_15 {offsets = [512, 1], sizes = [512, 1], strides = [1, 1]} : vector<5120x4xf32> to vector<512x1xf32>
      %slice3A_1188 = vector.extract_strided_slice %add3A_15 {offsets = [512, 2], sizes = [512, 1], strides = [1, 1]} : vector<5120x4xf32> to vector<512x1xf32>
      %slice3A_1189 = vector.extract_strided_slice %add3A_15 {offsets = [512, 3], sizes = [512, 1], strides = [1, 1]} : vector<5120x4xf32> to vector<512x1xf32>
      %slice3A_1190 = vector.extract_strided_slice %add3A_25 {offsets = [0, 2048], sizes = [1, 512], strides = [1, 1]} : vector<4x5120xf32> to vector<1x512xf32>
      %slice3A_1191 = vector.extract_strided_slice %add3A_25 {offsets = [1, 2048], sizes = [1, 512], strides = [1, 1]} : vector<4x5120xf32> to vector<1x512xf32>
      %slice3A_1192 = vector.extract_strided_slice %add3A_25 {offsets = [2, 2048], sizes = [1, 512], strides = [1, 1]} : vector<4x5120xf32> to vector<1x512xf32>
      %slice3A_1193 = vector.extract_strided_slice %add3A_25 {offsets = [3, 2048], sizes = [1, 512], strides = [1, 1]} : vector<4x5120xf32> to vector<1x512xf32>
      %max3A_1194 = vector.broadcast %slice3A_1186 : vector<512x1xf32> to vector<512x512xf32>
      %max3A_1195 = vector.broadcast %slice3A_1190 : vector<1x512xf32> to vector<512x512xf32>
      %max3A_1196 = arith.maximumf %max3A_1194, %max3A_1195 : vector<512x512xf32>
      %max3A_1197 = vector.broadcast %slice3A_1187 : vector<512x1xf32> to vector<512x512xf32>
      %max3A_1198 = vector.broadcast %slice3A_1191 : vector<1x512xf32> to vector<512x512xf32>
      %max3A_1199 = arith.maximumf %max3A_1197, %max3A_1198 : vector<512x512xf32>
      %min3A_1200 = vector.broadcast %slice3A_1188 : vector<512x1xf32> to vector<512x512xf32>
      %min3A_1201 = vector.broadcast %slice3A_1192 : vector<1x512xf32> to vector<512x512xf32>
      %min3A_1202 = arith.minimumf %min3A_1200, %min3A_1201 : vector<512x512xf32>
      %min3A_1203 = vector.broadcast %slice3A_1189 : vector<512x1xf32> to vector<512x512xf32>
      %min3A_1204 = vector.broadcast %slice3A_1193 : vector<1x512xf32> to vector<512x512xf32>
      %min3A_1205 = arith.minimumf %min3A_1203, %min3A_1204 : vector<512x512xf32>
      %sub3A_1206 = arith.subf %min3A_1202, %max3A_1196 : vector<512x512xf32>
      %jit3A_1207 = arith.constant 0.000000e+00 : f32
      %max3A_1208 = vector.broadcast %jit3A_1207 : f32 to vector<512x512xf32>
      %max3A_1209 = arith.maximumf %max3A_1208, %sub3A_1206 : vector<512x512xf32>
      %sub3A_1210 = arith.subf %min3A_1205, %max3A_1199 : vector<512x512xf32>
      %jit3A_1211 = arith.constant 0.000000e+00 : f32
      %max3A_1212 = vector.broadcast %jit3A_1211 : f32 to vector<512x512xf32>
      %max3A_1213 = arith.maximumf %max3A_1212, %sub3A_1210 : vector<512x512xf32>
      %mul3A_1214 = arith.mulf %max3A_1209, %max3A_1213 : vector<512x512xf32>
      %sub3A_1215 = arith.subf %slice3A_1188, %slice3A_1186 : vector<512x1xf32>
      %sub3A_1216 = arith.subf %slice3A_1189, %slice3A_1187 : vector<512x1xf32>
      %mul3A_1217 = arith.mulf %sub3A_1215, %sub3A_1216 : vector<512x1xf32>
      %sub3A_1218 = arith.subf %slice3A_1192, %slice3A_1190 : vector<1x512xf32>
      %sub3A_1219 = arith.subf %slice3A_1193, %slice3A_1191 : vector<1x512xf32>
      %mul3A_1220 = arith.mulf %sub3A_1218, %sub3A_1219 : vector<1x512xf32>
      %add3A_1221 = vector.broadcast %mul3A_1217 : vector<512x1xf32> to vector<512x512xf32>
      %add3A_1222 = vector.broadcast %mul3A_1220 : vector<1x512xf32> to vector<512x512xf32>
      %add3A_1223 = arith.addf %add3A_1221, %add3A_1222 : vector<512x512xf32>
      %sub3A_1224 = arith.subf %add3A_1223, %mul3A_1214 : vector<512x512xf32>
      %add3A_1225 = arith.constant 9.99999993E-9 : f32
      %add3A_1226 = vector.broadcast %add3A_1225 : f32 to vector<512x512xf32>
      %add3A_1227 = arith.addf %sub3A_1224, %add3A_1226 : vector<512x512xf32>
      %div3A_1228 = arith.divf %mul3A_1214, %add3A_1227 : vector<512x512xf32>
      %gt3A_1229 = arith.constant 5.000000e-01 : f32
      %gt3A_1230 = vector.broadcast %gt3A_1229 : f32 to vector<512x512xf32>
      %gt3A_1231 = arith.cmpf ogt, %div3A_1228, %gt3A_1230 : vector<512x512xf32>
      %convert_element_type3A_1232 = arith.extui %gt3A_1231 : vector<512x512xi1> to vector<512x512xi32>
      %convert_element_type3A_1233 = arith.sitofp %convert_element_type3A_1232 : vector<512x512xi32> to vector<512x512xf32>
      %get3A_1234 = arith.constant 0 : index
      %get3A_1235 = arith.constant 512 : index
      %get3A_1236 = vector.load %arg6[%get3A_1234, %get3A_1235] : memref<1x5120xf32, #tpu.memory_space<vmem>>, vector<1x512xf32>
      %get3A_1237 = arith.constant 0 : index
      %get3A_1238 = arith.constant 0 : index
      %get3A_1239 = vector.load %arg7[%get3A_1237, %get3A_1238] : memref<1x512xf32, #tpu.memory_space<vmem>>, vector<1x512xf32>
      %dot_general3A_1240 = arith.constant dense<0.000000e+00> : vector<1x512xf32>
      %dot_general3A_1241 = tpu.matmul %get3A_1236, %convert_element_type3A_1233, %dot_general3A_1240 {dimension_numbers = #tpu.dot_dimension_numbers<[1], [0], [0], [1], [0, 0, 1, 1], [], []>, transpose_lhs_hint = false} : vector<1x512xf32>, vector<512x512xf32>, vector<1x512xf32> -> vector<1x512xf32>
      %add3A_1242 = arith.addf %get3A_1239, %dot_general3A_1241 : vector<1x512xf32>
      %swap3A_1243 = arith.constant 0 : index
      %swap3A_1244 = arith.constant 0 : index
      %swap3A_1245 = vector.load %arg7[%swap3A_1243, %swap3A_1244] : memref<1x512xf32, #tpu.memory_space<vmem>>, vector<1x512xf32>
      tpu.vector_store %arg7[%swap3A_1243, %swap3A_1244], %add3A_1242 {strides = array<i32>} : memref<1x512xf32, #tpu.memory_space<vmem>>, vector<1x512xf32>,
    } else {
    }
    %eq3A_553 = arith.cmpi eq, %reduce_max3A_134, %reduce_min3A_62 : i32
    %convert_element_type3A_554 = arith.extui %eq3A_553 : i1 to i32
    %cond3A_555 = arith.constant 0 : i32
    %cond3A_556 = arith.cmpi ne, %convert_element_type3A_554, %cond3A_555 : i32
    scf.if %cond3A_556 {
      %slice3A_1186 = vector.extract_strided_slice %add3A_15 {offsets = [1024, 0], sizes = [512, 1], strides = [1, 1]} : vector<5120x4xf32> to vector<512x1xf32>
      %slice3A_1187 = vector.extract_strided_slice %add3A_15 {offsets = [1024, 1], sizes = [512, 1], strides = [1, 1]} : vector<5120x4xf32> to vector<512x1xf32>
      %slice3A_1188 = vector.extract_strided_slice %add3A_15 {offsets = [1024, 2], sizes = [512, 1], strides = [1, 1]} : vector<5120x4xf32> to vector<512x1xf32>
      %slice3A_1189 = vector.extract_strided_slice %add3A_15 {offsets = [1024, 3], sizes = [512, 1], strides = [1, 1]} : vector<5120x4xf32> to vector<512x1xf32>
      %slice3A_1190 = vector.extract_strided_slice %add3A_25 {offsets = [0, 2048], sizes = [1, 512], strides = [1, 1]} : vector<4x5120xf32> to vector<1x512xf32>
      %slice3A_1191 = vector.extract_strided_slice %add3A_25 {offsets = [1, 2048], sizes = [1, 512], strides = [1, 1]} : vector<4x5120xf32> to vector<1x512xf32>
      %slice3A_1192 = vector.extract_strided_slice %add3A_25 {offsets = [2, 2048], sizes = [1, 512], strides = [1, 1]} : vector<4x5120xf32> to vector<1x512xf32>
      %slice3A_1193 = vector.extract_strided_slice %add3A_25 {offsets = [3, 2048], sizes = [1, 512], strides = [1, 1]} : vector<4x5120xf32> to vector<1x512xf32>
      %max3A_1194 = vector.broadcast %slice3A_1186 : vector<512x1xf32> to vector<512x512xf32>
      %max3A_1195 = vector.broadcast %slice3A_1190 : vector<1x512xf32> to vector<512x512xf32>
      %max3A_1196 = arith.maximumf %max3A_1194, %max3A_1195 : vector<512x512xf32>
      %max3A_1197 = vector.broadcast %slice3A_1187 : vector<512x1xf32> to vector<512x512xf32>
      %max3A_1198 = vector.broadcast %slice3A_1191 : vector<1x512xf32> to vector<512x512xf32>
      %max3A_1199 = arith.maximumf %max3A_1197, %max3A_1198 : vector<512x512xf32>
      %min3A_1200 = vector.broadcast %slice3A_1188 : vector<512x1xf32> to vector<512x512xf32>
      %min3A_1201 = vector.broadcast %slice3A_1192 : vector<1x512xf32> to vector<512x512xf32>
      %min3A_1202 = arith.minimumf %min3A_1200, %min3A_1201 : vector<512x512xf32>
      %min3A_1203 = vector.broadcast %slice3A_1189 : vector<512x1xf32> to vector<512x512xf32>
      %min3A_1204 = vector.broadcast %slice3A_1193 : vector<1x512xf32> to vector<512x512xf32>
      %min3A_1205 = arith.minimumf %min3A_1203, %min3A_1204 : vector<512x512xf32>
      %sub3A_1206 = arith.subf %min3A_1202, %max3A_1196 : vector<512x512xf32>
      %jit3A_1207 = arith.constant 0.000000e+00 : f32
      %max3A_1208 = vector.broadcast %jit3A_1207 : f32 to vector<512x512xf32>
      %max3A_1209 = arith.maximumf %max3A_1208, %sub3A_1206 : vector<512x512xf32>
      %sub3A_1210 = arith.subf %min3A_1205, %max3A_1199 : vector<512x512xf32>
      %jit3A_1211 = arith.constant 0.000000e+00 : f32
      %max3A_1212 = vector.broadcast %jit3A_1211 : f32 to vector<512x512xf32>
      %max3A_1213 = arith.maximumf %max3A_1212, %sub3A_1210 : vector<512x512xf32>
      %mul3A_1214 = arith.mulf %max3A_1209, %max3A_1213 : vector<512x512xf32>
      %sub3A_1215 = arith.subf %slice3A_1188, %slice3A_1186 : vector<512x1xf32>
      %sub3A_1216 = arith.subf %slice3A_1189, %slice3A_1187 : vector<512x1xf32>
      %mul3A_1217 = arith.mulf %sub3A_1215, %sub3A_1216 : vector<512x1xf32>
      %sub3A_1218 = arith.subf %slice3A_1192, %slice3A_1190 : vector<1x512xf32>
      %sub3A_1219 = arith.subf %slice3A_1193, %slice3A_1191 : vector<1x512xf32>
      %mul3A_1220 = arith.mulf %sub3A_1218, %sub3A_1219 : vector<1x512xf32>
      %add3A_1221 = vector.broadcast %mul3A_1217 : vector<512x1xf32> to vector<512x512xf32>
      %add3A_1222 = vector.broadcast %mul3A_1220 : vector<1x512xf32> to vector<512x512xf32>
      %add3A_1223 = arith.addf %add3A_1221, %add3A_1222 : vector<512x512xf32>
      %sub3A_1224 = arith.subf %add3A_1223, %mul3A_1214 : vector<512x512xf32>
      %add3A_1225 = arith.constant 9.99999993E-9 : f32
      %add3A_1226 = vector.broadcast %add3A_1225 : f32 to vector<512x512xf32>
      %add3A_1227 = arith.addf %sub3A_1224, %add3A_1226 : vector<512x512xf32>
      %div3A_1228 = arith.divf %mul3A_1214, %add3A_1227 : vector<512x512xf32>
      %gt3A_1229 = arith.constant 5.000000e-01 : f32
      %gt3A_1230 = vector.broadcast %gt3A_1229 : f32 to vector<512x512xf32>
      %gt3A_1231 = arith.cmpf ogt, %div3A_1228, %gt3A_1230 : vector<512x512xf32>
      %convert_element_type3A_1232 = arith.extui %gt3A_1231 : vector<512x512xi1> to vector<512x512xi32>
      %convert_element_type3A_1233 = arith.sitofp %convert_element_type3A_1232 : vector<512x512xi32> to vector<512x512xf32>
      %get3A_1234 = arith.constant 0 : index
      %get3A_1235 = arith.constant 1024 : index
      %get3A_1236 = vector.load %arg6[%get3A_1234, %get3A_1235] : memref<1x5120xf32, #tpu.memory_space<vmem>>, vector<1x512xf32>
      %get3A_1237 = arith.constant 0 : index
      %get3A_1238 = arith.constant 0 : index
      %get3A_1239 = vector.load %arg7[%get3A_1237, %get3A_1238] : memref<1x512xf32, #tpu.memory_space<vmem>>, vector<1x512xf32>
      %dot_general3A_1240 = arith.constant dense<0.000000e+00> : vector<1x512xf32>
      %dot_general3A_1241 = tpu.matmul %get3A_1236, %convert_element_type3A_1233, %dot_general3A_1240 {dimension_numbers = #tpu.dot_dimension_numbers<[1], [0], [0], [1], [0, 0, 1, 1], [], []>, transpose_lhs_hint = false} : vector<1x512xf32>, vector<512x512xf32>, vector<1x512xf32> -> vector<1x512xf32>
      %add3A_1242 = arith.addf %get3A_1239, %dot_general3A_1241 : vector<1x512xf32>
      %swap3A_1243 = arith.constant 0 : index
      %swap3A_1244 = arith.constant 0 : index
      %swap3A_1245 = vector.load %arg7[%swap3A_1243, %swap3A_1244] : memref<1x512xf32, #tpu.memory_space<vmem>>, vector<1x512xf32>
      tpu.vector_store %arg7[%swap3A_1243, %swap3A_1244], %add3A_1242 {strides = array<i32>} : memref<1x512xf32, #tpu.memory_space<vmem>>, vector<1x512xf32>,
    } else {
    }
    %eq3A_557 = arith.cmpi eq, %reduce_max3A_143, %reduce_min3A_62 : i32
    %convert_element_type3A_558 = arith.extui %eq3A_557 : i1 to i32
    %cond3A_559 = arith.constant 0 : i32
    %cond3A_560 = arith.cmpi ne, %convert_element_type3A_558, %cond3A_559 : i32
    scf.if %cond3A_560 {
      %slice3A_1186 = vector.extract_strided_slice %add3A_15 {offsets = [1536, 0], sizes = [512, 1], strides = [1, 1]} : vector<5120x4xf32> to vector<512x1xf32>
      %slice3A_1187 = vector.extract_strided_slice %add3A_15 {offsets = [1536, 1], sizes = [512, 1], strides = [1, 1]} : vector<5120x4xf32> to vector<512x1xf32>
      %slice3A_1188 = vector.extract_strided_slice %add3A_15 {offsets = [1536, 2], sizes = [512, 1], strides = [1, 1]} : vector<5120x4xf32> to vector<512x1xf32>
      %slice3A_1189 = vector.extract_strided_slice %add3A_15 {offsets = [1536, 3], sizes = [512, 1], strides = [1, 1]} : vector<5120x4xf32> to vector<512x1xf32>
      %slice3A_1190 = vector.extract_strided_slice %add3A_25 {offsets = [0, 2048], sizes = [1, 512], strides = [1, 1]} : vector<4x5120xf32> to vector<1x512xf32>
      %slice3A_1191 = vector.extract_strided_slice %add3A_25 {offsets = [1, 2048], sizes = [1, 512], strides = [1, 1]} : vector<4x5120xf32> to vector<1x512xf32>
      %slice3A_1192 = vector.extract_strided_slice %add3A_25 {offsets = [2, 2048], sizes = [1, 512], strides = [1, 1]} : vector<4x5120xf32> to vector<1x512xf32>
      %slice3A_1193 = vector.extract_strided_slice %add3A_25 {offsets = [3, 2048], sizes = [1, 512], strides = [1, 1]} : vector<4x5120xf32> to vector<1x512xf32>
      %max3A_1194 = vector.broadcast %slice3A_1186 : vector<512x1xf32> to vector<512x512xf32>
      %max3A_1195 = vector.broadcast %slice3A_1190 : vector<1x512xf32> to vector<512x512xf32>
      %max3A_1196 = arith.maximumf %max3A_1194, %max3A_1195 : vector<512x512xf32>
      %max3A_1197 = vector.broadcast %slice3A_1187 : vector<512x1xf32> to vector<512x512xf32>
      %max3A_1198 = vector.broadcast %slice3A_1191 : vector<1x512xf32> to vector<512x512xf32>
      %max3A_1199 = arith.maximumf %max3A_1197, %max3A_1198 : vector<512x512xf32>
      %min3A_1200 = vector.broadcast %slice3A_1188 : vector<512x1xf32> to vector<512x512xf32>
      %min3A_1201 = vector.broadcast %slice3A_1192 : vector<1x512xf32> to vector<512x512xf32>
      %min3A_1202 = arith.minimumf %min3A_1200, %min3A_1201 : vector<512x512xf32>
      %min3A_1203 = vector.broadcast %slice3A_1189 : vector<512x1xf32> to vector<512x512xf32>
      %min3A_1204 = vector.broadcast %slice3A_1193 : vector<1x512xf32> to vector<512x512xf32>
      %min3A_1205 = arith.minimumf %min3A_1203, %min3A_1204 : vector<512x512xf32>
      %sub3A_1206 = arith.subf %min3A_1202, %max3A_1196 : vector<512x512xf32>
      %jit3A_1207 = arith.constant 0.000000e+00 : f32
      %max3A_1208 = vector.broadcast %jit3A_1207 : f32 to vector<512x512xf32>
      %max3A_1209 = arith.maximumf %max3A_1208, %sub3A_1206 : vector<512x512xf32>
      %sub3A_1210 = arith.subf %min3A_1205, %max3A_1199 : vector<512x512xf32>
      %jit3A_1211 = arith.constant 0.000000e+00 : f32
      %max3A_1212 = vector.broadcast %jit3A_1211 : f32 to vector<512x512xf32>
      %max3A_1213 = arith.maximumf %max3A_1212, %sub3A_1210 : vector<512x512xf32>
      %mul3A_1214 = arith.mulf %max3A_1209, %max3A_1213 : vector<512x512xf32>
      %sub3A_1215 = arith.subf %slice3A_1188, %slice3A_1186 : vector<512x1xf32>
      %sub3A_1216 = arith.subf %slice3A_1189, %slice3A_1187 : vector<512x1xf32>
      %mul3A_1217 = arith.mulf %sub3A_1215, %sub3A_1216 : vector<512x1xf32>
      %sub3A_1218 = arith.subf %slice3A_1192, %slice3A_1190 : vector<1x512xf32>
      %sub3A_1219 = arith.subf %slice3A_1193, %slice3A_1191 : vector<1x512xf32>
      %mul3A_1220 = arith.mulf %sub3A_1218, %sub3A_1219 : vector<1x512xf32>
      %add3A_1221 = vector.broadcast %mul3A_1217 : vector<512x1xf32> to vector<512x512xf32>
      %add3A_1222 = vector.broadcast %mul3A_1220 : vector<1x512xf32> to vector<512x512xf32>
      %add3A_1223 = arith.addf %add3A_1221, %add3A_1222 : vector<512x512xf32>
      %sub3A_1224 = arith.subf %add3A_1223, %mul3A_1214 : vector<512x512xf32>
      %add3A_1225 = arith.constant 9.99999993E-9 : f32
      %add3A_1226 = vector.broadcast %add3A_1225 : f32 to vector<512x512xf32>
      %add3A_1227 = arith.addf %sub3A_1224, %add3A_1226 : vector<512x512xf32>
      %div3A_1228 = arith.divf %mul3A_1214, %add3A_1227 : vector<512x512xf32>
      %gt3A_1229 = arith.constant 5.000000e-01 : f32
      %gt3A_1230 = vector.broadcast %gt3A_1229 : f32 to vector<512x512xf32>
      %gt3A_1231 = arith.cmpf ogt, %div3A_1228, %gt3A_1230 : vector<512x512xf32>
      %convert_element_type3A_1232 = arith.extui %gt3A_1231 : vector<512x512xi1> to vector<512x512xi32>
      %convert_element_type3A_1233 = arith.sitofp %convert_element_type3A_1232 : vector<512x512xi32> to vector<512x512xf32>
      %get3A_1234 = arith.constant 0 : index
      %get3A_1235 = arith.constant 1536 : index
      %get3A_1236 = vector.load %arg6[%get3A_1234, %get3A_1235] : memref<1x5120xf32, #tpu.memory_space<vmem>>, vector<1x512xf32>
      %get3A_1237 = arith.constant 0 : index
      %get3A_1238 = arith.constant 0 : index
      %get3A_1239 = vector.load %arg7[%get3A_1237, %get3A_1238] : memref<1x512xf32, #tpu.memory_space<vmem>>, vector<1x512xf32>
      %dot_general3A_1240 = arith.constant dense<0.000000e+00> : vector<1x512xf32>
      %dot_general3A_1241 = tpu.matmul %get3A_1236, %convert_element_type3A_1233, %dot_general3A_1240 {dimension_numbers = #tpu.dot_dimension_numbers<[1], [0], [0], [1], [0, 0, 1, 1], [], []>, transpose_lhs_hint = false} : vector<1x512xf32>, vector<512x512xf32>, vector<1x512xf32> -> vector<1x512xf32>
      %add3A_1242 = arith.addf %get3A_1239, %dot_general3A_1241 : vector<1x512xf32>
      %swap3A_1243 = arith.constant 0 : index
      %swap3A_1244 = arith.constant 0 : index
      %swap3A_1245 = vector.load %arg7[%swap3A_1243, %swap3A_1244] : memref<1x512xf32, #tpu.memory_space<vmem>>, vector<1x512xf32>
      tpu.vector_store %arg7[%swap3A_1243, %swap3A_1244], %add3A_1242 {strides = array<i32>} : memref<1x512xf32, #tpu.memory_space<vmem>>, vector<1x512xf32>,
    } else {
    }
    %get3A_561 = arith.constant 0 : index
    %get3A_562 = arith.constant 0 : index
    %get3A_563 = vector.load %arg7[%get3A_561, %get3A_562] : memref<1x512xf32, #tpu.memory_space<vmem>>, vector<1x512xf32>
    %eq3A_564 = arith.constant 0.000000e+00 : f32
    %eq3A_565 = vector.broadcast %eq3A_564 : f32 to vector<1x512xf32>
    %eq3A_566 = arith.cmpf oeq, %get3A_563, %eq3A_565 : vector<1x512xf32>
    %convert_element_type3A_567 = arith.extui %eq3A_566 : vector<1x512xi1> to vector<1x512xi32>
    %convert_element_type3A_568 = arith.sitofp %convert_element_type3A_567 : vector<1x512xi32> to vector<1x512xf32>
    %mul3A_569 = arith.mulf %convert_element_type3A_539, %convert_element_type3A_568 : vector<1x512xf32>
    %slice3A_570 = vector.extract_strided_slice %add3A_15 {offsets = [2048, 0], sizes = [512, 1], strides = [1, 1]} : vector<5120x4xf32> to vector<512x1xf32>
    %slice3A_571 = vector.extract_strided_slice %add3A_15 {offsets = [2048, 1], sizes = [512, 1], strides = [1, 1]} : vector<5120x4xf32> to vector<512x1xf32>
    %slice3A_572 = vector.extract_strided_slice %add3A_15 {offsets = [2048, 2], sizes = [512, 1], strides = [1, 1]} : vector<5120x4xf32> to vector<512x1xf32>
    %slice3A_573 = vector.extract_strided_slice %add3A_15 {offsets = [2048, 3], sizes = [512, 1], strides = [1, 1]} : vector<5120x4xf32> to vector<512x1xf32>
    %slice3A_574 = vector.extract_strided_slice %add3A_25 {offsets = [0, 2048], sizes = [1, 512], strides = [1, 1]} : vector<4x5120xf32> to vector<1x512xf32>
    %slice3A_575 = vector.extract_strided_slice %add3A_25 {offsets = [1, 2048], sizes = [1, 512], strides = [1, 1]} : vector<4x5120xf32> to vector<1x512xf32>
    %slice3A_576 = vector.extract_strided_slice %add3A_25 {offsets = [2, 2048], sizes = [1, 512], strides = [1, 1]} : vector<4x5120xf32> to vector<1x512xf32>
    %slice3A_577 = vector.extract_strided_slice %add3A_25 {offsets = [3, 2048], sizes = [1, 512], strides = [1, 1]} : vector<4x5120xf32> to vector<1x512xf32>
    %max3A_578 = vector.broadcast %slice3A_570 : vector<512x1xf32> to vector<512x512xf32>
    %max3A_579 = vector.broadcast %slice3A_574 : vector<1x512xf32> to vector<512x512xf32>
    %max3A_580 = arith.maximumf %max3A_578, %max3A_579 : vector<512x512xf32>
    %max3A_581 = vector.broadcast %slice3A_571 : vector<512x1xf32> to vector<512x512xf32>
    %max3A_582 = vector.broadcast %slice3A_575 : vector<1x512xf32> to vector<512x512xf32>
    %max3A_583 = arith.maximumf %max3A_581, %max3A_582 : vector<512x512xf32>
    %min3A_584 = vector.broadcast %slice3A_572 : vector<512x1xf32> to vector<512x512xf32>
    %min3A_585 = vector.broadcast %slice3A_576 : vector<1x512xf32> to vector<512x512xf32>
    %min3A_586 = arith.minimumf %min3A_584, %min3A_585 : vector<512x512xf32>
    %min3A_587 = vector.broadcast %slice3A_573 : vector<512x1xf32> to vector<512x512xf32>
    %min3A_588 = vector.broadcast %slice3A_577 : vector<1x512xf32> to vector<512x512xf32>
    %min3A_589 = arith.minimumf %min3A_587, %min3A_588 : vector<512x512xf32>
    %sub3A_590 = arith.subf %min3A_586, %max3A_580 : vector<512x512xf32>
    %jit3A_591 = arith.constant 0.000000e+00 : f32
    %max3A_592 = vector.broadcast %jit3A_591 : f32 to vector<512x512xf32>
    %max3A_593 = arith.maximumf %max3A_592, %sub3A_590 : vector<512x512xf32>
    %sub3A_594 = arith.subf %min3A_589, %max3A_583 : vector<512x512xf32>
    %jit3A_595 = arith.constant 0.000000e+00 : f32
    %max3A_596 = vector.broadcast %jit3A_595 : f32 to vector<512x512xf32>
    %max3A_597 = arith.maximumf %max3A_596, %sub3A_594 : vector<512x512xf32>
    %mul3A_598 = arith.mulf %max3A_593, %max3A_597 : vector<512x512xf32>
    %sub3A_599 = arith.subf %slice3A_572, %slice3A_570 : vector<512x1xf32>
    %sub3A_600 = arith.subf %slice3A_573, %slice3A_571 : vector<512x1xf32>
    %mul3A_601 = arith.mulf %sub3A_599, %sub3A_600 : vector<512x1xf32>
    %sub3A_602 = arith.subf %slice3A_576, %slice3A_574 : vector<1x512xf32>
    %sub3A_603 = arith.subf %slice3A_577, %slice3A_575 : vector<1x512xf32>
    %mul3A_604 = arith.mulf %sub3A_602, %sub3A_603 : vector<1x512xf32>
    %add3A_605 = vector.broadcast %mul3A_601 : vector<512x1xf32> to vector<512x512xf32>
    %add3A_606 = vector.broadcast %mul3A_604 : vector<1x512xf32> to vector<512x512xf32>
    %add3A_607 = arith.addf %add3A_605, %add3A_606 : vector<512x512xf32>
    %sub3A_608 = arith.subf %add3A_607, %mul3A_598 : vector<512x512xf32>
    %add3A_609 = arith.constant 9.99999993E-9 : f32
    %add3A_610 = vector.broadcast %add3A_609 : f32 to vector<512x512xf32>
    %add3A_611 = arith.addf %sub3A_608, %add3A_610 : vector<512x512xf32>
    %div3A_612 = arith.divf %mul3A_598, %add3A_611 : vector<512x512xf32>
    %gt3A_613 = arith.constant 5.000000e-01 : f32
    %gt3A_614 = vector.broadcast %gt3A_613 : f32 to vector<512x512xf32>
    %gt3A_615 = arith.cmpf ogt, %div3A_612, %gt3A_614 : vector<512x512xf32>
    %convert_element_type3A_616 = arith.extui %gt3A_615 : vector<512x512xi1> to vector<512x512xi32>
    %convert_element_type3A_617 = arith.sitofp %convert_element_type3A_616 : vector<512x512xi32> to vector<512x512xf32>
    %mul3A_618 = arith.mulf %convert_element_type3A_617, %convert_element_type3A_27 : vector<512x512xf32>
    %dot_general3A_619 = arith.constant dense<0.000000e+00> : vector<1x512xf32>
    %dot_general3A_620 = tpu.matmul %mul3A_569, %mul3A_618, %dot_general3A_619 {dimension_numbers = #tpu.dot_dimension_numbers<[1], [0], [0], [1], [0, 0, 1, 1], [], []>, transpose_lhs_hint = false} : vector<1x512xf32>, vector<512x512xf32>, vector<1x512xf32> -> vector<1x512xf32>
    %eq3A_621 = arith.constant 0.000000e+00 : f32
    %eq3A_622 = vector.broadcast %eq3A_621 : f32 to vector<1x512xf32>
    %eq3A_623 = arith.cmpf oeq, %dot_general3A_620, %eq3A_622 : vector<1x512xf32>
    %convert_element_type3A_624 = arith.extui %eq3A_623 : vector<1x512xi1> to vector<1x512xi32>
    %convert_element_type3A_625 = arith.sitofp %convert_element_type3A_624 : vector<1x512xi32> to vector<1x512xf32>
    %mul3A_626 = arith.mulf %mul3A_569, %convert_element_type3A_625 : vector<1x512xf32>
    %while3A_627:2 = scf.while (%while3A_1186 = %mul3A_626, %while3A_1187 = %mul3A_569) : (vector<1x512xf32>, vector<1x512xf32>) -> (vector<1x512xf32>, vector<1x512xf32>) {
      %ne3A = arith.cmpf one, %while3A_1186, %while3A_1187 : vector<1x512xf32>
      %reduce_or3A = arith.constant 1.000000e+00 : f32
      %reduce_or3A_1188 = arith.constant 0.000000e+00 : f32
      %reduce_or3A_1189 = vector.broadcast %reduce_or3A : f32 to vector<1x512xf32>
      %reduce_or3A_1190 = vector.broadcast %reduce_or3A_1188 : f32 to vector<1x512xf32>
      %reduce_or3A_1191 = arith.select %ne3A, %reduce_or3A_1189, %reduce_or3A_1190 : vector<1x512xi1>, vector<1x512xf32>
      %reduce_or3A_1192 = vector.shape_cast %reduce_or3A_1191 : vector<1x512xf32> to vector<1x1x512xf32>
      %reduce_or3A_1193 = arith.constant dense<0xFF800000> : vector<1xf32>
      %reduce_or3A_1194 = vector.multi_reduction <maximumf>, %reduce_or3A_1192, %reduce_or3A_1193 [1, 2] : vector<1x1x512xf32> to vector<1xf32>
      %reduce_or3A_1195 = vector.shape_cast %reduce_or3A_1194 : vector<1xf32> to vector<1x1x1xf32>
      %reduce_or3A_1196 = vector.extract %reduce_or3A_1195[0, 0, 0] : f32 from vector<1x1x1xf32>
      %reduce_or3A_1197 = arith.constant 0.000000e+00 : f32
      %reduce_or3A_1198 = arith.cmpf ogt, %reduce_or3A_1196, %reduce_or3A_1197 : f32
      scf.condition(%reduce_or3A_1198) %while3A_1186, %while3A_1187 : vector<1x512xf32>, vector<1x512xf32>
    } do {
    ^bb0(%while3A_1186: vector<1x512xf32>, %while3A_1187: vector<1x512xf32>):
      %dot_general3A_1188 = arith.constant dense<0.000000e+00> : vector<1x512xf32>
      %dot_general3A_1189 = tpu.matmul %while3A_1186, %mul3A_618, %dot_general3A_1188 {dimension_numbers = #tpu.dot_dimension_numbers<[1], [0], [0], [1], [0, 0, 1, 1], [], []>, transpose_lhs_hint = false} : vector<1x512xf32>, vector<512x512xf32>, vector<1x512xf32> -> vector<1x512xf32>
      %eq3A_1190 = arith.constant 0.000000e+00 : f32
      %eq3A_1191 = vector.broadcast %eq3A_1190 : f32 to vector<1x512xf32>
      %eq3A_1192 = arith.cmpf oeq, %dot_general3A_1189, %eq3A_1191 : vector<1x512xf32>
      %convert_element_type3A_1193 = arith.extui %eq3A_1192 : vector<1x512xi1> to vector<1x512xi32>
      %convert_element_type3A_1194 = arith.sitofp %convert_element_type3A_1193 : vector<1x512xi32> to vector<1x512xf32>
      %mul3A_1195 = arith.mulf %mul3A_569, %convert_element_type3A_1194 : vector<1x512xf32>
      scf.yield %mul3A_1195, %while3A_1186 : vector<1x512xf32>, vector<1x512xf32>
    }
    %swap3A_628 = arith.constant 0 : index
    %swap3A_629 = arith.constant 2048 : index
    %swap3A_630 = vector.load %arg6[%swap3A_628, %swap3A_629] : memref<1x5120xf32, #tpu.memory_space<vmem>>, vector<1x512xf32>
    tpu.vector_store %arg6[%swap3A_628, %swap3A_629], %while3A_627#0 {strides = array<i32>} : memref<1x5120xf32, #tpu.memory_space<vmem>>, vector<1x512xf32>,
    %get3A_631 = arith.constant 0 : index
    %get3A_632 = arith.constant 2560 : index
    %get3A_633 = vector.load %arg5[%get3A_631, %get3A_632] : memref<1x5120xf32, #tpu.memory_space<vmem>>, vector<1x512xf32>
    %gt3A_634 = arith.constant 2.000000e-01 : f32
    %gt3A_635 = vector.broadcast %gt3A_634 : f32 to vector<1x512xf32>
    %gt3A_636 = arith.cmpf ogt, %get3A_633, %gt3A_635 : vector<1x512xf32>
    %convert_element_type3A_637 = arith.extui %gt3A_636 : vector<1x512xi1> to vector<1x512xi32>
    %convert_element_type3A_638 = arith.sitofp %convert_element_type3A_637 : vector<1x512xi32> to vector<1x512xf32>
    %broadcast_in_dim3A_639 = arith.constant 0.000000e+00 : f32
    %broadcast_in_dim3A_640 = vector.broadcast %broadcast_in_dim3A_639 : f32 to vector<1x512xf32>
    %swap3A_641 = arith.constant 0 : index
    %swap3A_642 = arith.constant 0 : index
    %swap3A_643 = vector.load %arg7[%swap3A_641, %swap3A_642] : memref<1x512xf32, #tpu.memory_space<vmem>>, vector<1x512xf32>
    tpu.vector_store %arg7[%swap3A_641, %swap3A_642], %broadcast_in_dim3A_640 {strides = array<i32>} : memref<1x512xf32, #tpu.memory_space<vmem>>, vector<1x512xf32>,
    %eq3A_644 = arith.cmpi eq, %reduce_max3A_116, %reduce_min3A_71 : i32
    %convert_element_type3A_645 = arith.extui %eq3A_644 : i1 to i32
    %cond3A_646 = arith.constant 0 : i32
    %cond3A_647 = arith.cmpi ne, %convert_element_type3A_645, %cond3A_646 : i32
    scf.if %cond3A_647 {
      %slice3A_1186 = vector.extract_strided_slice %add3A_15 {offsets = [0, 0], sizes = [512, 1], strides = [1, 1]} : vector<5120x4xf32> to vector<512x1xf32>
      %slice3A_1187 = vector.extract_strided_slice %add3A_15 {offsets = [0, 1], sizes = [512, 1], strides = [1, 1]} : vector<5120x4xf32> to vector<512x1xf32>
      %slice3A_1188 = vector.extract_strided_slice %add3A_15 {offsets = [0, 2], sizes = [512, 1], strides = [1, 1]} : vector<5120x4xf32> to vector<512x1xf32>
      %slice3A_1189 = vector.extract_strided_slice %add3A_15 {offsets = [0, 3], sizes = [512, 1], strides = [1, 1]} : vector<5120x4xf32> to vector<512x1xf32>
      %slice3A_1190 = vector.extract_strided_slice %add3A_25 {offsets = [0, 2560], sizes = [1, 512], strides = [1, 1]} : vector<4x5120xf32> to vector<1x512xf32>
      %slice3A_1191 = vector.extract_strided_slice %add3A_25 {offsets = [1, 2560], sizes = [1, 512], strides = [1, 1]} : vector<4x5120xf32> to vector<1x512xf32>
      %slice3A_1192 = vector.extract_strided_slice %add3A_25 {offsets = [2, 2560], sizes = [1, 512], strides = [1, 1]} : vector<4x5120xf32> to vector<1x512xf32>
      %slice3A_1193 = vector.extract_strided_slice %add3A_25 {offsets = [3, 2560], sizes = [1, 512], strides = [1, 1]} : vector<4x5120xf32> to vector<1x512xf32>
      %max3A_1194 = vector.broadcast %slice3A_1186 : vector<512x1xf32> to vector<512x512xf32>
      %max3A_1195 = vector.broadcast %slice3A_1190 : vector<1x512xf32> to vector<512x512xf32>
      %max3A_1196 = arith.maximumf %max3A_1194, %max3A_1195 : vector<512x512xf32>
      %max3A_1197 = vector.broadcast %slice3A_1187 : vector<512x1xf32> to vector<512x512xf32>
      %max3A_1198 = vector.broadcast %slice3A_1191 : vector<1x512xf32> to vector<512x512xf32>
      %max3A_1199 = arith.maximumf %max3A_1197, %max3A_1198 : vector<512x512xf32>
      %min3A_1200 = vector.broadcast %slice3A_1188 : vector<512x1xf32> to vector<512x512xf32>
      %min3A_1201 = vector.broadcast %slice3A_1192 : vector<1x512xf32> to vector<512x512xf32>
      %min3A_1202 = arith.minimumf %min3A_1200, %min3A_1201 : vector<512x512xf32>
      %min3A_1203 = vector.broadcast %slice3A_1189 : vector<512x1xf32> to vector<512x512xf32>
      %min3A_1204 = vector.broadcast %slice3A_1193 : vector<1x512xf32> to vector<512x512xf32>
      %min3A_1205 = arith.minimumf %min3A_1203, %min3A_1204 : vector<512x512xf32>
      %sub3A_1206 = arith.subf %min3A_1202, %max3A_1196 : vector<512x512xf32>
      %jit3A_1207 = arith.constant 0.000000e+00 : f32
      %max3A_1208 = vector.broadcast %jit3A_1207 : f32 to vector<512x512xf32>
      %max3A_1209 = arith.maximumf %max3A_1208, %sub3A_1206 : vector<512x512xf32>
      %sub3A_1210 = arith.subf %min3A_1205, %max3A_1199 : vector<512x512xf32>
      %jit3A_1211 = arith.constant 0.000000e+00 : f32
      %max3A_1212 = vector.broadcast %jit3A_1211 : f32 to vector<512x512xf32>
      %max3A_1213 = arith.maximumf %max3A_1212, %sub3A_1210 : vector<512x512xf32>
      %mul3A_1214 = arith.mulf %max3A_1209, %max3A_1213 : vector<512x512xf32>
      %sub3A_1215 = arith.subf %slice3A_1188, %slice3A_1186 : vector<512x1xf32>
      %sub3A_1216 = arith.subf %slice3A_1189, %slice3A_1187 : vector<512x1xf32>
      %mul3A_1217 = arith.mulf %sub3A_1215, %sub3A_1216 : vector<512x1xf32>
      %sub3A_1218 = arith.subf %slice3A_1192, %slice3A_1190 : vector<1x512xf32>
      %sub3A_1219 = arith.subf %slice3A_1193, %slice3A_1191 : vector<1x512xf32>
      %mul3A_1220 = arith.mulf %sub3A_1218, %sub3A_1219 : vector<1x512xf32>
      %add3A_1221 = vector.broadcast %mul3A_1217 : vector<512x1xf32> to vector<512x512xf32>
      %add3A_1222 = vector.broadcast %mul3A_1220 : vector<1x512xf32> to vector<512x512xf32>
      %add3A_1223 = arith.addf %add3A_1221, %add3A_1222 : vector<512x512xf32>
      %sub3A_1224 = arith.subf %add3A_1223, %mul3A_1214 : vector<512x512xf32>
      %add3A_1225 = arith.constant 9.99999993E-9 : f32
      %add3A_1226 = vector.broadcast %add3A_1225 : f32 to vector<512x512xf32>
      %add3A_1227 = arith.addf %sub3A_1224, %add3A_1226 : vector<512x512xf32>
      %div3A_1228 = arith.divf %mul3A_1214, %add3A_1227 : vector<512x512xf32>
      %gt3A_1229 = arith.constant 5.000000e-01 : f32
      %gt3A_1230 = vector.broadcast %gt3A_1229 : f32 to vector<512x512xf32>
      %gt3A_1231 = arith.cmpf ogt, %div3A_1228, %gt3A_1230 : vector<512x512xf32>
      %convert_element_type3A_1232 = arith.extui %gt3A_1231 : vector<512x512xi1> to vector<512x512xi32>
      %convert_element_type3A_1233 = arith.sitofp %convert_element_type3A_1232 : vector<512x512xi32> to vector<512x512xf32>
      %get3A_1234 = arith.constant 0 : index
      %get3A_1235 = arith.constant 0 : index
      %get3A_1236 = vector.load %arg6[%get3A_1234, %get3A_1235] : memref<1x5120xf32, #tpu.memory_space<vmem>>, vector<1x512xf32>
      %get3A_1237 = arith.constant 0 : index
      %get3A_1238 = arith.constant 0 : index
      %get3A_1239 = vector.load %arg7[%get3A_1237, %get3A_1238] : memref<1x512xf32, #tpu.memory_space<vmem>>, vector<1x512xf32>
      %dot_general3A_1240 = arith.constant dense<0.000000e+00> : vector<1x512xf32>
      %dot_general3A_1241 = tpu.matmul %get3A_1236, %convert_element_type3A_1233, %dot_general3A_1240 {dimension_numbers = #tpu.dot_dimension_numbers<[1], [0], [0], [1], [0, 0, 1, 1], [], []>, transpose_lhs_hint = false} : vector<1x512xf32>, vector<512x512xf32>, vector<1x512xf32> -> vector<1x512xf32>
      %add3A_1242 = arith.addf %get3A_1239, %dot_general3A_1241 : vector<1x512xf32>
      %swap3A_1243 = arith.constant 0 : index
      %swap3A_1244 = arith.constant 0 : index
      %swap3A_1245 = vector.load %arg7[%swap3A_1243, %swap3A_1244] : memref<1x512xf32, #tpu.memory_space<vmem>>, vector<1x512xf32>
      tpu.vector_store %arg7[%swap3A_1243, %swap3A_1244], %add3A_1242 {strides = array<i32>} : memref<1x512xf32, #tpu.memory_space<vmem>>, vector<1x512xf32>,
    } else {
    }
    %eq3A_648 = arith.cmpi eq, %reduce_max3A_125, %reduce_min3A_71 : i32
    %convert_element_type3A_649 = arith.extui %eq3A_648 : i1 to i32
    %cond3A_650 = arith.constant 0 : i32
    %cond3A_651 = arith.cmpi ne, %convert_element_type3A_649, %cond3A_650 : i32
    scf.if %cond3A_651 {
      %slice3A_1186 = vector.extract_strided_slice %add3A_15 {offsets = [512, 0], sizes = [512, 1], strides = [1, 1]} : vector<5120x4xf32> to vector<512x1xf32>
      %slice3A_1187 = vector.extract_strided_slice %add3A_15 {offsets = [512, 1], sizes = [512, 1], strides = [1, 1]} : vector<5120x4xf32> to vector<512x1xf32>
      %slice3A_1188 = vector.extract_strided_slice %add3A_15 {offsets = [512, 2], sizes = [512, 1], strides = [1, 1]} : vector<5120x4xf32> to vector<512x1xf32>
      %slice3A_1189 = vector.extract_strided_slice %add3A_15 {offsets = [512, 3], sizes = [512, 1], strides = [1, 1]} : vector<5120x4xf32> to vector<512x1xf32>
      %slice3A_1190 = vector.extract_strided_slice %add3A_25 {offsets = [0, 2560], sizes = [1, 512], strides = [1, 1]} : vector<4x5120xf32> to vector<1x512xf32>
      %slice3A_1191 = vector.extract_strided_slice %add3A_25 {offsets = [1, 2560], sizes = [1, 512], strides = [1, 1]} : vector<4x5120xf32> to vector<1x512xf32>
      %slice3A_1192 = vector.extract_strided_slice %add3A_25 {offsets = [2, 2560], sizes = [1, 512], strides = [1, 1]} : vector<4x5120xf32> to vector<1x512xf32>
      %slice3A_1193 = vector.extract_strided_slice %add3A_25 {offsets = [3, 2560], sizes = [1, 512], strides = [1, 1]} : vector<4x5120xf32> to vector<1x512xf32>
      %max3A_1194 = vector.broadcast %slice3A_1186 : vector<512x1xf32> to vector<512x512xf32>
      %max3A_1195 = vector.broadcast %slice3A_1190 : vector<1x512xf32> to vector<512x512xf32>
      %max3A_1196 = arith.maximumf %max3A_1194, %max3A_1195 : vector<512x512xf32>
      %max3A_1197 = vector.broadcast %slice3A_1187 : vector<512x1xf32> to vector<512x512xf32>
      %max3A_1198 = vector.broadcast %slice3A_1191 : vector<1x512xf32> to vector<512x512xf32>
      %max3A_1199 = arith.maximumf %max3A_1197, %max3A_1198 : vector<512x512xf32>
      %min3A_1200 = vector.broadcast %slice3A_1188 : vector<512x1xf32> to vector<512x512xf32>
      %min3A_1201 = vector.broadcast %slice3A_1192 : vector<1x512xf32> to vector<512x512xf32>
      %min3A_1202 = arith.minimumf %min3A_1200, %min3A_1201 : vector<512x512xf32>
      %min3A_1203 = vector.broadcast %slice3A_1189 : vector<512x1xf32> to vector<512x512xf32>
      %min3A_1204 = vector.broadcast %slice3A_1193 : vector<1x512xf32> to vector<512x512xf32>
      %min3A_1205 = arith.minimumf %min3A_1203, %min3A_1204 : vector<512x512xf32>
      %sub3A_1206 = arith.subf %min3A_1202, %max3A_1196 : vector<512x512xf32>
      %jit3A_1207 = arith.constant 0.000000e+00 : f32
      %max3A_1208 = vector.broadcast %jit3A_1207 : f32 to vector<512x512xf32>
      %max3A_1209 = arith.maximumf %max3A_1208, %sub3A_1206 : vector<512x512xf32>
      %sub3A_1210 = arith.subf %min3A_1205, %max3A_1199 : vector<512x512xf32>
      %jit3A_1211 = arith.constant 0.000000e+00 : f32
      %max3A_1212 = vector.broadcast %jit3A_1211 : f32 to vector<512x512xf32>
      %max3A_1213 = arith.maximumf %max3A_1212, %sub3A_1210 : vector<512x512xf32>
      %mul3A_1214 = arith.mulf %max3A_1209, %max3A_1213 : vector<512x512xf32>
      %sub3A_1215 = arith.subf %slice3A_1188, %slice3A_1186 : vector<512x1xf32>
      %sub3A_1216 = arith.subf %slice3A_1189, %slice3A_1187 : vector<512x1xf32>
      %mul3A_1217 = arith.mulf %sub3A_1215, %sub3A_1216 : vector<512x1xf32>
      %sub3A_1218 = arith.subf %slice3A_1192, %slice3A_1190 : vector<1x512xf32>
      %sub3A_1219 = arith.subf %slice3A_1193, %slice3A_1191 : vector<1x512xf32>
      %mul3A_1220 = arith.mulf %sub3A_1218, %sub3A_1219 : vector<1x512xf32>
      %add3A_1221 = vector.broadcast %mul3A_1217 : vector<512x1xf32> to vector<512x512xf32>
      %add3A_1222 = vector.broadcast %mul3A_1220 : vector<1x512xf32> to vector<512x512xf32>
      %add3A_1223 = arith.addf %add3A_1221, %add3A_1222 : vector<512x512xf32>
      %sub3A_1224 = arith.subf %add3A_1223, %mul3A_1214 : vector<512x512xf32>
      %add3A_1225 = arith.constant 9.99999993E-9 : f32
      %add3A_1226 = vector.broadcast %add3A_1225 : f32 to vector<512x512xf32>
      %add3A_1227 = arith.addf %sub3A_1224, %add3A_1226 : vector<512x512xf32>
      %div3A_1228 = arith.divf %mul3A_1214, %add3A_1227 : vector<512x512xf32>
      %gt3A_1229 = arith.constant 5.000000e-01 : f32
      %gt3A_1230 = vector.broadcast %gt3A_1229 : f32 to vector<512x512xf32>
      %gt3A_1231 = arith.cmpf ogt, %div3A_1228, %gt3A_1230 : vector<512x512xf32>
      %convert_element_type3A_1232 = arith.extui %gt3A_1231 : vector<512x512xi1> to vector<512x512xi32>
      %convert_element_type3A_1233 = arith.sitofp %convert_element_type3A_1232 : vector<512x512xi32> to vector<512x512xf32>
      %get3A_1234 = arith.constant 0 : index
      %get3A_1235 = arith.constant 512 : index
      %get3A_1236 = vector.load %arg6[%get3A_1234, %get3A_1235] : memref<1x5120xf32, #tpu.memory_space<vmem>>, vector<1x512xf32>
      %get3A_1237 = arith.constant 0 : index
      %get3A_1238 = arith.constant 0 : index
      %get3A_1239 = vector.load %arg7[%get3A_1237, %get3A_1238] : memref<1x512xf32, #tpu.memory_space<vmem>>, vector<1x512xf32>
      %dot_general3A_1240 = arith.constant dense<0.000000e+00> : vector<1x512xf32>
      %dot_general3A_1241 = tpu.matmul %get3A_1236, %convert_element_type3A_1233, %dot_general3A_1240 {dimension_numbers = #tpu.dot_dimension_numbers<[1], [0], [0], [1], [0, 0, 1, 1], [], []>, transpose_lhs_hint = false} : vector<1x512xf32>, vector<512x512xf32>, vector<1x512xf32> -> vector<1x512xf32>
      %add3A_1242 = arith.addf %get3A_1239, %dot_general3A_1241 : vector<1x512xf32>
      %swap3A_1243 = arith.constant 0 : index
      %swap3A_1244 = arith.constant 0 : index
      %swap3A_1245 = vector.load %arg7[%swap3A_1243, %swap3A_1244] : memref<1x512xf32, #tpu.memory_space<vmem>>, vector<1x512xf32>
      tpu.vector_store %arg7[%swap3A_1243, %swap3A_1244], %add3A_1242 {strides = array<i32>} : memref<1x512xf32, #tpu.memory_space<vmem>>, vector<1x512xf32>,
    } else {
    }
    %eq3A_652 = arith.cmpi eq, %reduce_max3A_134, %reduce_min3A_71 : i32
    %convert_element_type3A_653 = arith.extui %eq3A_652 : i1 to i32
    %cond3A_654 = arith.constant 0 : i32
    %cond3A_655 = arith.cmpi ne, %convert_element_type3A_653, %cond3A_654 : i32
    scf.if %cond3A_655 {
      %slice3A_1186 = vector.extract_strided_slice %add3A_15 {offsets = [1024, 0], sizes = [512, 1], strides = [1, 1]} : vector<5120x4xf32> to vector<512x1xf32>
      %slice3A_1187 = vector.extract_strided_slice %add3A_15 {offsets = [1024, 1], sizes = [512, 1], strides = [1, 1]} : vector<5120x4xf32> to vector<512x1xf32>
      %slice3A_1188 = vector.extract_strided_slice %add3A_15 {offsets = [1024, 2], sizes = [512, 1], strides = [1, 1]} : vector<5120x4xf32> to vector<512x1xf32>
      %slice3A_1189 = vector.extract_strided_slice %add3A_15 {offsets = [1024, 3], sizes = [512, 1], strides = [1, 1]} : vector<5120x4xf32> to vector<512x1xf32>
      %slice3A_1190 = vector.extract_strided_slice %add3A_25 {offsets = [0, 2560], sizes = [1, 512], strides = [1, 1]} : vector<4x5120xf32> to vector<1x512xf32>
      %slice3A_1191 = vector.extract_strided_slice %add3A_25 {offsets = [1, 2560], sizes = [1, 512], strides = [1, 1]} : vector<4x5120xf32> to vector<1x512xf32>
      %slice3A_1192 = vector.extract_strided_slice %add3A_25 {offsets = [2, 2560], sizes = [1, 512], strides = [1, 1]} : vector<4x5120xf32> to vector<1x512xf32>
      %slice3A_1193 = vector.extract_strided_slice %add3A_25 {offsets = [3, 2560], sizes = [1, 512], strides = [1, 1]} : vector<4x5120xf32> to vector<1x512xf32>
      %max3A_1194 = vector.broadcast %slice3A_1186 : vector<512x1xf32> to vector<512x512xf32>
      %max3A_1195 = vector.broadcast %slice3A_1190 : vector<1x512xf32> to vector<512x512xf32>
      %max3A_1196 = arith.maximumf %max3A_1194, %max3A_1195 : vector<512x512xf32>
      %max3A_1197 = vector.broadcast %slice3A_1187 : vector<512x1xf32> to vector<512x512xf32>
      %max3A_1198 = vector.broadcast %slice3A_1191 : vector<1x512xf32> to vector<512x512xf32>
      %max3A_1199 = arith.maximumf %max3A_1197, %max3A_1198 : vector<512x512xf32>
      %min3A_1200 = vector.broadcast %slice3A_1188 : vector<512x1xf32> to vector<512x512xf32>
      %min3A_1201 = vector.broadcast %slice3A_1192 : vector<1x512xf32> to vector<512x512xf32>
      %min3A_1202 = arith.minimumf %min3A_1200, %min3A_1201 : vector<512x512xf32>
      %min3A_1203 = vector.broadcast %slice3A_1189 : vector<512x1xf32> to vector<512x512xf32>
      %min3A_1204 = vector.broadcast %slice3A_1193 : vector<1x512xf32> to vector<512x512xf32>
      %min3A_1205 = arith.minimumf %min3A_1203, %min3A_1204 : vector<512x512xf32>
      %sub3A_1206 = arith.subf %min3A_1202, %max3A_1196 : vector<512x512xf32>
      %jit3A_1207 = arith.constant 0.000000e+00 : f32
      %max3A_1208 = vector.broadcast %jit3A_1207 : f32 to vector<512x512xf32>
      %max3A_1209 = arith.maximumf %max3A_1208, %sub3A_1206 : vector<512x512xf32>
      %sub3A_1210 = arith.subf %min3A_1205, %max3A_1199 : vector<512x512xf32>
      %jit3A_1211 = arith.constant 0.000000e+00 : f32
      %max3A_1212 = vector.broadcast %jit3A_1211 : f32 to vector<512x512xf32>
      %max3A_1213 = arith.maximumf %max3A_1212, %sub3A_1210 : vector<512x512xf32>
      %mul3A_1214 = arith.mulf %max3A_1209, %max3A_1213 : vector<512x512xf32>
      %sub3A_1215 = arith.subf %slice3A_1188, %slice3A_1186 : vector<512x1xf32>
      %sub3A_1216 = arith.subf %slice3A_1189, %slice3A_1187 : vector<512x1xf32>
      %mul3A_1217 = arith.mulf %sub3A_1215, %sub3A_1216 : vector<512x1xf32>
      %sub3A_1218 = arith.subf %slice3A_1192, %slice3A_1190 : vector<1x512xf32>
      %sub3A_1219 = arith.subf %slice3A_1193, %slice3A_1191 : vector<1x512xf32>
      %mul3A_1220 = arith.mulf %sub3A_1218, %sub3A_1219 : vector<1x512xf32>
      %add3A_1221 = vector.broadcast %mul3A_1217 : vector<512x1xf32> to vector<512x512xf32>
      %add3A_1222 = vector.broadcast %mul3A_1220 : vector<1x512xf32> to vector<512x512xf32>
      %add3A_1223 = arith.addf %add3A_1221, %add3A_1222 : vector<512x512xf32>
      %sub3A_1224 = arith.subf %add3A_1223, %mul3A_1214 : vector<512x512xf32>
      %add3A_1225 = arith.constant 9.99999993E-9 : f32
      %add3A_1226 = vector.broadcast %add3A_1225 : f32 to vector<512x512xf32>
      %add3A_1227 = arith.addf %sub3A_1224, %add3A_1226 : vector<512x512xf32>
      %div3A_1228 = arith.divf %mul3A_1214, %add3A_1227 : vector<512x512xf32>
      %gt3A_1229 = arith.constant 5.000000e-01 : f32
      %gt3A_1230 = vector.broadcast %gt3A_1229 : f32 to vector<512x512xf32>
      %gt3A_1231 = arith.cmpf ogt, %div3A_1228, %gt3A_1230 : vector<512x512xf32>
      %convert_element_type3A_1232 = arith.extui %gt3A_1231 : vector<512x512xi1> to vector<512x512xi32>
      %convert_element_type3A_1233 = arith.sitofp %convert_element_type3A_1232 : vector<512x512xi32> to vector<512x512xf32>
      %get3A_1234 = arith.constant 0 : index
      %get3A_1235 = arith.constant 1024 : index
      %get3A_1236 = vector.load %arg6[%get3A_1234, %get3A_1235] : memref<1x5120xf32, #tpu.memory_space<vmem>>, vector<1x512xf32>
      %get3A_1237 = arith.constant 0 : index
      %get3A_1238 = arith.constant 0 : index
      %get3A_1239 = vector.load %arg7[%get3A_1237, %get3A_1238] : memref<1x512xf32, #tpu.memory_space<vmem>>, vector<1x512xf32>
      %dot_general3A_1240 = arith.constant dense<0.000000e+00> : vector<1x512xf32>
      %dot_general3A_1241 = tpu.matmul %get3A_1236, %convert_element_type3A_1233, %dot_general3A_1240 {dimension_numbers = #tpu.dot_dimension_numbers<[1], [0], [0], [1], [0, 0, 1, 1], [], []>, transpose_lhs_hint = false} : vector<1x512xf32>, vector<512x512xf32>, vector<1x512xf32> -> vector<1x512xf32>
      %add3A_1242 = arith.addf %get3A_1239, %dot_general3A_1241 : vector<1x512xf32>
      %swap3A_1243 = arith.constant 0 : index
      %swap3A_1244 = arith.constant 0 : index
      %swap3A_1245 = vector.load %arg7[%swap3A_1243, %swap3A_1244] : memref<1x512xf32, #tpu.memory_space<vmem>>, vector<1x512xf32>
      tpu.vector_store %arg7[%swap3A_1243, %swap3A_1244], %add3A_1242 {strides = array<i32>} : memref<1x512xf32, #tpu.memory_space<vmem>>, vector<1x512xf32>,
    } else {
    }
    %eq3A_656 = arith.cmpi eq, %reduce_max3A_143, %reduce_min3A_71 : i32
    %convert_element_type3A_657 = arith.extui %eq3A_656 : i1 to i32
    %cond3A_658 = arith.constant 0 : i32
    %cond3A_659 = arith.cmpi ne, %convert_element_type3A_657, %cond3A_658 : i32
    scf.if %cond3A_659 {
      %slice3A_1186 = vector.extract_strided_slice %add3A_15 {offsets = [1536, 0], sizes = [512, 1], strides = [1, 1]} : vector<5120x4xf32> to vector<512x1xf32>
      %slice3A_1187 = vector.extract_strided_slice %add3A_15 {offsets = [1536, 1], sizes = [512, 1], strides = [1, 1]} : vector<5120x4xf32> to vector<512x1xf32>
      %slice3A_1188 = vector.extract_strided_slice %add3A_15 {offsets = [1536, 2], sizes = [512, 1], strides = [1, 1]} : vector<5120x4xf32> to vector<512x1xf32>
      %slice3A_1189 = vector.extract_strided_slice %add3A_15 {offsets = [1536, 3], sizes = [512, 1], strides = [1, 1]} : vector<5120x4xf32> to vector<512x1xf32>
      %slice3A_1190 = vector.extract_strided_slice %add3A_25 {offsets = [0, 2560], sizes = [1, 512], strides = [1, 1]} : vector<4x5120xf32> to vector<1x512xf32>
      %slice3A_1191 = vector.extract_strided_slice %add3A_25 {offsets = [1, 2560], sizes = [1, 512], strides = [1, 1]} : vector<4x5120xf32> to vector<1x512xf32>
      %slice3A_1192 = vector.extract_strided_slice %add3A_25 {offsets = [2, 2560], sizes = [1, 512], strides = [1, 1]} : vector<4x5120xf32> to vector<1x512xf32>
      %slice3A_1193 = vector.extract_strided_slice %add3A_25 {offsets = [3, 2560], sizes = [1, 512], strides = [1, 1]} : vector<4x5120xf32> to vector<1x512xf32>
      %max3A_1194 = vector.broadcast %slice3A_1186 : vector<512x1xf32> to vector<512x512xf32>
      %max3A_1195 = vector.broadcast %slice3A_1190 : vector<1x512xf32> to vector<512x512xf32>
      %max3A_1196 = arith.maximumf %max3A_1194, %max3A_1195 : vector<512x512xf32>
      %max3A_1197 = vector.broadcast %slice3A_1187 : vector<512x1xf32> to vector<512x512xf32>
      %max3A_1198 = vector.broadcast %slice3A_1191 : vector<1x512xf32> to vector<512x512xf32>
      %max3A_1199 = arith.maximumf %max3A_1197, %max3A_1198 : vector<512x512xf32>
      %min3A_1200 = vector.broadcast %slice3A_1188 : vector<512x1xf32> to vector<512x512xf32>
      %min3A_1201 = vector.broadcast %slice3A_1192 : vector<1x512xf32> to vector<512x512xf32>
      %min3A_1202 = arith.minimumf %min3A_1200, %min3A_1201 : vector<512x512xf32>
      %min3A_1203 = vector.broadcast %slice3A_1189 : vector<512x1xf32> to vector<512x512xf32>
      %min3A_1204 = vector.broadcast %slice3A_1193 : vector<1x512xf32> to vector<512x512xf32>
      %min3A_1205 = arith.minimumf %min3A_1203, %min3A_1204 : vector<512x512xf32>
      %sub3A_1206 = arith.subf %min3A_1202, %max3A_1196 : vector<512x512xf32>
      %jit3A_1207 = arith.constant 0.000000e+00 : f32
      %max3A_1208 = vector.broadcast %jit3A_1207 : f32 to vector<512x512xf32>
      %max3A_1209 = arith.maximumf %max3A_1208, %sub3A_1206 : vector<512x512xf32>
      %sub3A_1210 = arith.subf %min3A_1205, %max3A_1199 : vector<512x512xf32>
      %jit3A_1211 = arith.constant 0.000000e+00 : f32
      %max3A_1212 = vector.broadcast %jit3A_1211 : f32 to vector<512x512xf32>
      %max3A_1213 = arith.maximumf %max3A_1212, %sub3A_1210 : vector<512x512xf32>
      %mul3A_1214 = arith.mulf %max3A_1209, %max3A_1213 : vector<512x512xf32>
      %sub3A_1215 = arith.subf %slice3A_1188, %slice3A_1186 : vector<512x1xf32>
      %sub3A_1216 = arith.subf %slice3A_1189, %slice3A_1187 : vector<512x1xf32>
      %mul3A_1217 = arith.mulf %sub3A_1215, %sub3A_1216 : vector<512x1xf32>
      %sub3A_1218 = arith.subf %slice3A_1192, %slice3A_1190 : vector<1x512xf32>
      %sub3A_1219 = arith.subf %slice3A_1193, %slice3A_1191 : vector<1x512xf32>
      %mul3A_1220 = arith.mulf %sub3A_1218, %sub3A_1219 : vector<1x512xf32>
      %add3A_1221 = vector.broadcast %mul3A_1217 : vector<512x1xf32> to vector<512x512xf32>
      %add3A_1222 = vector.broadcast %mul3A_1220 : vector<1x512xf32> to vector<512x512xf32>
      %add3A_1223 = arith.addf %add3A_1221, %add3A_1222 : vector<512x512xf32>
      %sub3A_1224 = arith.subf %add3A_1223, %mul3A_1214 : vector<512x512xf32>
      %add3A_1225 = arith.constant 9.99999993E-9 : f32
      %add3A_1226 = vector.broadcast %add3A_1225 : f32 to vector<512x512xf32>
      %add3A_1227 = arith.addf %sub3A_1224, %add3A_1226 : vector<512x512xf32>
      %div3A_1228 = arith.divf %mul3A_1214, %add3A_1227 : vector<512x512xf32>
      %gt3A_1229 = arith.constant 5.000000e-01 : f32
      %gt3A_1230 = vector.broadcast %gt3A_1229 : f32 to vector<512x512xf32>
      %gt3A_1231 = arith.cmpf ogt, %div3A_1228, %gt3A_1230 : vector<512x512xf32>
      %convert_element_type3A_1232 = arith.extui %gt3A_1231 : vector<512x512xi1> to vector<512x512xi32>
      %convert_element_type3A_1233 = arith.sitofp %convert_element_type3A_1232 : vector<512x512xi32> to vector<512x512xf32>
      %get3A_1234 = arith.constant 0 : index
      %get3A_1235 = arith.constant 1536 : index
      %get3A_1236 = vector.load %arg6[%get3A_1234, %get3A_1235] : memref<1x5120xf32, #tpu.memory_space<vmem>>, vector<1x512xf32>
      %get3A_1237 = arith.constant 0 : index
      %get3A_1238 = arith.constant 0 : index
      %get3A_1239 = vector.load %arg7[%get3A_1237, %get3A_1238] : memref<1x512xf32, #tpu.memory_space<vmem>>, vector<1x512xf32>
      %dot_general3A_1240 = arith.constant dense<0.000000e+00> : vector<1x512xf32>
      %dot_general3A_1241 = tpu.matmul %get3A_1236, %convert_element_type3A_1233, %dot_general3A_1240 {dimension_numbers = #tpu.dot_dimension_numbers<[1], [0], [0], [1], [0, 0, 1, 1], [], []>, transpose_lhs_hint = false} : vector<1x512xf32>, vector<512x512xf32>, vector<1x512xf32> -> vector<1x512xf32>
      %add3A_1242 = arith.addf %get3A_1239, %dot_general3A_1241 : vector<1x512xf32>
      %swap3A_1243 = arith.constant 0 : index
      %swap3A_1244 = arith.constant 0 : index
      %swap3A_1245 = vector.load %arg7[%swap3A_1243, %swap3A_1244] : memref<1x512xf32, #tpu.memory_space<vmem>>, vector<1x512xf32>
      tpu.vector_store %arg7[%swap3A_1243, %swap3A_1244], %add3A_1242 {strides = array<i32>} : memref<1x512xf32, #tpu.memory_space<vmem>>, vector<1x512xf32>,
    } else {
    }
    %eq3A_660 = arith.cmpi eq, %reduce_max3A_152, %reduce_min3A_71 : i32
    %convert_element_type3A_661 = arith.extui %eq3A_660 : i1 to i32
    %cond3A_662 = arith.constant 0 : i32
    %cond3A_663 = arith.cmpi ne, %convert_element_type3A_661, %cond3A_662 : i32
    scf.if %cond3A_663 {
      %slice3A_1186 = vector.extract_strided_slice %add3A_15 {offsets = [2048, 0], sizes = [512, 1], strides = [1, 1]} : vector<5120x4xf32> to vector<512x1xf32>
      %slice3A_1187 = vector.extract_strided_slice %add3A_15 {offsets = [2048, 1], sizes = [512, 1], strides = [1, 1]} : vector<5120x4xf32> to vector<512x1xf32>
      %slice3A_1188 = vector.extract_strided_slice %add3A_15 {offsets = [2048, 2], sizes = [512, 1], strides = [1, 1]} : vector<5120x4xf32> to vector<512x1xf32>
      %slice3A_1189 = vector.extract_strided_slice %add3A_15 {offsets = [2048, 3], sizes = [512, 1], strides = [1, 1]} : vector<5120x4xf32> to vector<512x1xf32>
      %slice3A_1190 = vector.extract_strided_slice %add3A_25 {offsets = [0, 2560], sizes = [1, 512], strides = [1, 1]} : vector<4x5120xf32> to vector<1x512xf32>
      %slice3A_1191 = vector.extract_strided_slice %add3A_25 {offsets = [1, 2560], sizes = [1, 512], strides = [1, 1]} : vector<4x5120xf32> to vector<1x512xf32>
      %slice3A_1192 = vector.extract_strided_slice %add3A_25 {offsets = [2, 2560], sizes = [1, 512], strides = [1, 1]} : vector<4x5120xf32> to vector<1x512xf32>
      %slice3A_1193 = vector.extract_strided_slice %add3A_25 {offsets = [3, 2560], sizes = [1, 512], strides = [1, 1]} : vector<4x5120xf32> to vector<1x512xf32>
      %max3A_1194 = vector.broadcast %slice3A_1186 : vector<512x1xf32> to vector<512x512xf32>
      %max3A_1195 = vector.broadcast %slice3A_1190 : vector<1x512xf32> to vector<512x512xf32>
      %max3A_1196 = arith.maximumf %max3A_1194, %max3A_1195 : vector<512x512xf32>
      %max3A_1197 = vector.broadcast %slice3A_1187 : vector<512x1xf32> to vector<512x512xf32>
      %max3A_1198 = vector.broadcast %slice3A_1191 : vector<1x512xf32> to vector<512x512xf32>
      %max3A_1199 = arith.maximumf %max3A_1197, %max3A_1198 : vector<512x512xf32>
      %min3A_1200 = vector.broadcast %slice3A_1188 : vector<512x1xf32> to vector<512x512xf32>
      %min3A_1201 = vector.broadcast %slice3A_1192 : vector<1x512xf32> to vector<512x512xf32>
      %min3A_1202 = arith.minimumf %min3A_1200, %min3A_1201 : vector<512x512xf32>
      %min3A_1203 = vector.broadcast %slice3A_1189 : vector<512x1xf32> to vector<512x512xf32>
      %min3A_1204 = vector.broadcast %slice3A_1193 : vector<1x512xf32> to vector<512x512xf32>
      %min3A_1205 = arith.minimumf %min3A_1203, %min3A_1204 : vector<512x512xf32>
      %sub3A_1206 = arith.subf %min3A_1202, %max3A_1196 : vector<512x512xf32>
      %jit3A_1207 = arith.constant 0.000000e+00 : f32
      %max3A_1208 = vector.broadcast %jit3A_1207 : f32 to vector<512x512xf32>
      %max3A_1209 = arith.maximumf %max3A_1208, %sub3A_1206 : vector<512x512xf32>
      %sub3A_1210 = arith.subf %min3A_1205, %max3A_1199 : vector<512x512xf32>
      %jit3A_1211 = arith.constant 0.000000e+00 : f32
      %max3A_1212 = vector.broadcast %jit3A_1211 : f32 to vector<512x512xf32>
      %max3A_1213 = arith.maximumf %max3A_1212, %sub3A_1210 : vector<512x512xf32>
      %mul3A_1214 = arith.mulf %max3A_1209, %max3A_1213 : vector<512x512xf32>
      %sub3A_1215 = arith.subf %slice3A_1188, %slice3A_1186 : vector<512x1xf32>
      %sub3A_1216 = arith.subf %slice3A_1189, %slice3A_1187 : vector<512x1xf32>
      %mul3A_1217 = arith.mulf %sub3A_1215, %sub3A_1216 : vector<512x1xf32>
      %sub3A_1218 = arith.subf %slice3A_1192, %slice3A_1190 : vector<1x512xf32>
      %sub3A_1219 = arith.subf %slice3A_1193, %slice3A_1191 : vector<1x512xf32>
      %mul3A_1220 = arith.mulf %sub3A_1218, %sub3A_1219 : vector<1x512xf32>
      %add3A_1221 = vector.broadcast %mul3A_1217 : vector<512x1xf32> to vector<512x512xf32>
      %add3A_1222 = vector.broadcast %mul3A_1220 : vector<1x512xf32> to vector<512x512xf32>
      %add3A_1223 = arith.addf %add3A_1221, %add3A_1222 : vector<512x512xf32>
      %sub3A_1224 = arith.subf %add3A_1223, %mul3A_1214 : vector<512x512xf32>
      %add3A_1225 = arith.constant 9.99999993E-9 : f32
      %add3A_1226 = vector.broadcast %add3A_1225 : f32 to vector<512x512xf32>
      %add3A_1227 = arith.addf %sub3A_1224, %add3A_1226 : vector<512x512xf32>
      %div3A_1228 = arith.divf %mul3A_1214, %add3A_1227 : vector<512x512xf32>
      %gt3A_1229 = arith.constant 5.000000e-01 : f32
      %gt3A_1230 = vector.broadcast %gt3A_1229 : f32 to vector<512x512xf32>
      %gt3A_1231 = arith.cmpf ogt, %div3A_1228, %gt3A_1230 : vector<512x512xf32>
      %convert_element_type3A_1232 = arith.extui %gt3A_1231 : vector<512x512xi1> to vector<512x512xi32>
      %convert_element_type3A_1233 = arith.sitofp %convert_element_type3A_1232 : vector<512x512xi32> to vector<512x512xf32>
      %get3A_1234 = arith.constant 0 : index
      %get3A_1235 = arith.constant 2048 : index
      %get3A_1236 = vector.load %arg6[%get3A_1234, %get3A_1235] : memref<1x5120xf32, #tpu.memory_space<vmem>>, vector<1x512xf32>
      %get3A_1237 = arith.constant 0 : index
      %get3A_1238 = arith.constant 0 : index
      %get3A_1239 = vector.load %arg7[%get3A_1237, %get3A_1238] : memref<1x512xf32, #tpu.memory_space<vmem>>, vector<1x512xf32>
      %dot_general3A_1240 = arith.constant dense<0.000000e+00> : vector<1x512xf32>
      %dot_general3A_1241 = tpu.matmul %get3A_1236, %convert_element_type3A_1233, %dot_general3A_1240 {dimension_numbers = #tpu.dot_dimension_numbers<[1], [0], [0], [1], [0, 0, 1, 1], [], []>, transpose_lhs_hint = false} : vector<1x512xf32>, vector<512x512xf32>, vector<1x512xf32> -> vector<1x512xf32>
      %add3A_1242 = arith.addf %get3A_1239, %dot_general3A_1241 : vector<1x512xf32>
      %swap3A_1243 = arith.constant 0 : index
      %swap3A_1244 = arith.constant 0 : index
      %swap3A_1245 = vector.load %arg7[%swap3A_1243, %swap3A_1244] : memref<1x512xf32, #tpu.memory_space<vmem>>, vector<1x512xf32>
      tpu.vector_store %arg7[%swap3A_1243, %swap3A_1244], %add3A_1242 {strides = array<i32>} : memref<1x512xf32, #tpu.memory_space<vmem>>, vector<1x512xf32>,
    } else {
    }
    %get3A_664 = arith.constant 0 : index
    %get3A_665 = arith.constant 0 : index
    %get3A_666 = vector.load %arg7[%get3A_664, %get3A_665] : memref<1x512xf32, #tpu.memory_space<vmem>>, vector<1x512xf32>
    %eq3A_667 = arith.constant 0.000000e+00 : f32
    %eq3A_668 = vector.broadcast %eq3A_667 : f32 to vector<1x512xf32>
    %eq3A_669 = arith.cmpf oeq, %get3A_666, %eq3A_668 : vector<1x512xf32>
    %convert_element_type3A_670 = arith.extui %eq3A_669 : vector<1x512xi1> to vector<1x512xi32>
    %convert_element_type3A_671 = arith.sitofp %convert_element_type3A_670 : vector<1x512xi32> to vector<1x512xf32>
    %mul3A_672 = arith.mulf %convert_element_type3A_638, %convert_element_type3A_671 : vector<1x512xf32>
    %slice3A_673 = vector.extract_strided_slice %add3A_15 {offsets = [2560, 0], sizes = [512, 1], strides = [1, 1]} : vector<5120x4xf32> to vector<512x1xf32>
    %slice3A_674 = vector.extract_strided_slice %add3A_15 {offsets = [2560, 1], sizes = [512, 1], strides = [1, 1]} : vector<5120x4xf32> to vector<512x1xf32>
    %slice3A_675 = vector.extract_strided_slice %add3A_15 {offsets = [2560, 2], sizes = [512, 1], strides = [1, 1]} : vector<5120x4xf32> to vector<512x1xf32>
    %slice3A_676 = vector.extract_strided_slice %add3A_15 {offsets = [2560, 3], sizes = [512, 1], strides = [1, 1]} : vector<5120x4xf32> to vector<512x1xf32>
    %slice3A_677 = vector.extract_strided_slice %add3A_25 {offsets = [0, 2560], sizes = [1, 512], strides = [1, 1]} : vector<4x5120xf32> to vector<1x512xf32>
    %slice3A_678 = vector.extract_strided_slice %add3A_25 {offsets = [1, 2560], sizes = [1, 512], strides = [1, 1]} : vector<4x5120xf32> to vector<1x512xf32>
    %slice3A_679 = vector.extract_strided_slice %add3A_25 {offsets = [2, 2560], sizes = [1, 512], strides = [1, 1]} : vector<4x5120xf32> to vector<1x512xf32>
    %slice3A_680 = vector.extract_strided_slice %add3A_25 {offsets = [3, 2560], sizes = [1, 512], strides = [1, 1]} : vector<4x5120xf32> to vector<1x512xf32>
    %max3A_681 = vector.broadcast %slice3A_673 : vector<512x1xf32> to vector<512x512xf32>
    %max3A_682 = vector.broadcast %slice3A_677 : vector<1x512xf32> to vector<512x512xf32>
    %max3A_683 = arith.maximumf %max3A_681, %max3A_682 : vector<512x512xf32>
    %max3A_684 = vector.broadcast %slice3A_674 : vector<512x1xf32> to vector<512x512xf32>
    %max3A_685 = vector.broadcast %slice3A_678 : vector<1x512xf32> to vector<512x512xf32>
    %max3A_686 = arith.maximumf %max3A_684, %max3A_685 : vector<512x512xf32>
    %min3A_687 = vector.broadcast %slice3A_675 : vector<512x1xf32> to vector<512x512xf32>
    %min3A_688 = vector.broadcast %slice3A_679 : vector<1x512xf32> to vector<512x512xf32>
    %min3A_689 = arith.minimumf %min3A_687, %min3A_688 : vector<512x512xf32>
    %min3A_690 = vector.broadcast %slice3A_676 : vector<512x1xf32> to vector<512x512xf32>
    %min3A_691 = vector.broadcast %slice3A_680 : vector<1x512xf32> to vector<512x512xf32>
    %min3A_692 = arith.minimumf %min3A_690, %min3A_691 : vector<512x512xf32>
    %sub3A_693 = arith.subf %min3A_689, %max3A_683 : vector<512x512xf32>
    %jit3A_694 = arith.constant 0.000000e+00 : f32
    %max3A_695 = vector.broadcast %jit3A_694 : f32 to vector<512x512xf32>
    %max3A_696 = arith.maximumf %max3A_695, %sub3A_693 : vector<512x512xf32>
    %sub3A_697 = arith.subf %min3A_692, %max3A_686 : vector<512x512xf32>
    %jit3A_698 = arith.constant 0.000000e+00 : f32
    %max3A_699 = vector.broadcast %jit3A_698 : f32 to vector<512x512xf32>
    %max3A_700 = arith.maximumf %max3A_699, %sub3A_697 : vector<512x512xf32>
    %mul3A_701 = arith.mulf %max3A_696, %max3A_700 : vector<512x512xf32>
    %sub3A_702 = arith.subf %slice3A_675, %slice3A_673 : vector<512x1xf32>
    %sub3A_703 = arith.subf %slice3A_676, %slice3A_674 : vector<512x1xf32>
    %mul3A_704 = arith.mulf %sub3A_702, %sub3A_703 : vector<512x1xf32>
    %sub3A_705 = arith.subf %slice3A_679, %slice3A_677 : vector<1x512xf32>
    %sub3A_706 = arith.subf %slice3A_680, %slice3A_678 : vector<1x512xf32>
    %mul3A_707 = arith.mulf %sub3A_705, %sub3A_706 : vector<1x512xf32>
    %add3A_708 = vector.broadcast %mul3A_704 : vector<512x1xf32> to vector<512x512xf32>
    %add3A_709 = vector.broadcast %mul3A_707 : vector<1x512xf32> to vector<512x512xf32>
    %add3A_710 = arith.addf %add3A_708, %add3A_709 : vector<512x512xf32>
    %sub3A_711 = arith.subf %add3A_710, %mul3A_701 : vector<512x512xf32>
    %add3A_712 = arith.constant 9.99999993E-9 : f32
    %add3A_713 = vector.broadcast %add3A_712 : f32 to vector<512x512xf32>
    %add3A_714 = arith.addf %sub3A_711, %add3A_713 : vector<512x512xf32>
    %div3A_715 = arith.divf %mul3A_701, %add3A_714 : vector<512x512xf32>
    %gt3A_716 = arith.constant 5.000000e-01 : f32
    %gt3A_717 = vector.broadcast %gt3A_716 : f32 to vector<512x512xf32>
    %gt3A_718 = arith.cmpf ogt, %div3A_715, %gt3A_717 : vector<512x512xf32>
    %convert_element_type3A_719 = arith.extui %gt3A_718 : vector<512x512xi1> to vector<512x512xi32>
    %convert_element_type3A_720 = arith.sitofp %convert_element_type3A_719 : vector<512x512xi32> to vector<512x512xf32>
    %mul3A_721 = arith.mulf %convert_element_type3A_720, %convert_element_type3A_27 : vector<512x512xf32>
    %dot_general3A_722 = arith.constant dense<0.000000e+00> : vector<1x512xf32>
    %dot_general3A_723 = tpu.matmul %mul3A_672, %mul3A_721, %dot_general3A_722 {dimension_numbers = #tpu.dot_dimension_numbers<[1], [0], [0], [1], [0, 0, 1, 1], [], []>, transpose_lhs_hint = false} : vector<1x512xf32>, vector<512x512xf32>, vector<1x512xf32> -> vector<1x512xf32>
    %eq3A_724 = arith.constant 0.000000e+00 : f32
    %eq3A_725 = vector.broadcast %eq3A_724 : f32 to vector<1x512xf32>
    %eq3A_726 = arith.cmpf oeq, %dot_general3A_723, %eq3A_725 : vector<1x512xf32>
    %convert_element_type3A_727 = arith.extui %eq3A_726 : vector<1x512xi1> to vector<1x512xi32>
    %convert_element_type3A_728 = arith.sitofp %convert_element_type3A_727 : vector<1x512xi32> to vector<1x512xf32>
    %mul3A_729 = arith.mulf %mul3A_672, %convert_element_type3A_728 : vector<1x512xf32>
    %while3A_730:2 = scf.while (%while3A_1186 = %mul3A_729, %while3A_1187 = %mul3A_672) : (vector<1x512xf32>, vector<1x512xf32>) -> (vector<1x512xf32>, vector<1x512xf32>) {
      %ne3A = arith.cmpf one, %while3A_1186, %while3A_1187 : vector<1x512xf32>
      %reduce_or3A = arith.constant 1.000000e+00 : f32
      %reduce_or3A_1188 = arith.constant 0.000000e+00 : f32
      %reduce_or3A_1189 = vector.broadcast %reduce_or3A : f32 to vector<1x512xf32>
      %reduce_or3A_1190 = vector.broadcast %reduce_or3A_1188 : f32 to vector<1x512xf32>
      %reduce_or3A_1191 = arith.select %ne3A, %reduce_or3A_1189, %reduce_or3A_1190 : vector<1x512xi1>, vector<1x512xf32>
      %reduce_or3A_1192 = vector.shape_cast %reduce_or3A_1191 : vector<1x512xf32> to vector<1x1x512xf32>
      %reduce_or3A_1193 = arith.constant dense<0xFF800000> : vector<1xf32>
      %reduce_or3A_1194 = vector.multi_reduction <maximumf>, %reduce_or3A_1192, %reduce_or3A_1193 [1, 2] : vector<1x1x512xf32> to vector<1xf32>
      %reduce_or3A_1195 = vector.shape_cast %reduce_or3A_1194 : vector<1xf32> to vector<1x1x1xf32>
      %reduce_or3A_1196 = vector.extract %reduce_or3A_1195[0, 0, 0] : f32 from vector<1x1x1xf32>
      %reduce_or3A_1197 = arith.constant 0.000000e+00 : f32
      %reduce_or3A_1198 = arith.cmpf ogt, %reduce_or3A_1196, %reduce_or3A_1197 : f32
      scf.condition(%reduce_or3A_1198) %while3A_1186, %while3A_1187 : vector<1x512xf32>, vector<1x512xf32>
    } do {
    ^bb0(%while3A_1186: vector<1x512xf32>, %while3A_1187: vector<1x512xf32>):
      %dot_general3A_1188 = arith.constant dense<0.000000e+00> : vector<1x512xf32>
      %dot_general3A_1189 = tpu.matmul %while3A_1186, %mul3A_721, %dot_general3A_1188 {dimension_numbers = #tpu.dot_dimension_numbers<[1], [0], [0], [1], [0, 0, 1, 1], [], []>, transpose_lhs_hint = false} : vector<1x512xf32>, vector<512x512xf32>, vector<1x512xf32> -> vector<1x512xf32>
      %eq3A_1190 = arith.constant 0.000000e+00 : f32
      %eq3A_1191 = vector.broadcast %eq3A_1190 : f32 to vector<1x512xf32>
      %eq3A_1192 = arith.cmpf oeq, %dot_general3A_1189, %eq3A_1191 : vector<1x512xf32>
      %convert_element_type3A_1193 = arith.extui %eq3A_1192 : vector<1x512xi1> to vector<1x512xi32>
      %convert_element_type3A_1194 = arith.sitofp %convert_element_type3A_1193 : vector<1x512xi32> to vector<1x512xf32>
      %mul3A_1195 = arith.mulf %mul3A_672, %convert_element_type3A_1194 : vector<1x512xf32>
      scf.yield %mul3A_1195, %while3A_1186 : vector<1x512xf32>, vector<1x512xf32>
    }
    %swap3A_731 = arith.constant 0 : index
    %swap3A_732 = arith.constant 2560 : index
    %swap3A_733 = vector.load %arg6[%swap3A_731, %swap3A_732] : memref<1x5120xf32, #tpu.memory_space<vmem>>, vector<1x512xf32>
    tpu.vector_store %arg6[%swap3A_731, %swap3A_732], %while3A_730#0 {strides = array<i32>} : memref<1x5120xf32, #tpu.memory_space<vmem>>, vector<1x512xf32>,
    %get3A_734 = arith.constant 0 : index
    %get3A_735 = arith.constant 3072 : index
    %get3A_736 = vector.load %arg5[%get3A_734, %get3A_735] : memref<1x5120xf32, #tpu.memory_space<vmem>>, vector<1x512xf32>
    %gt3A_737 = arith.constant 2.000000e-01 : f32
    %gt3A_738 = vector.broadcast %gt3A_737 : f32 to vector<1x512xf32>
    %gt3A_739 = arith.cmpf ogt, %get3A_736, %gt3A_738 : vector<1x512xf32>
    %convert_element_type3A_740 = arith.extui %gt3A_739 : vector<1x512xi1> to vector<1x512xi32>
    %convert_element_type3A_741 = arith.sitofp %convert_element_type3A_740 : vector<1x512xi32> to vector<1x512xf32>
    %broadcast_in_dim3A_742 = arith.constant 0.000000e+00 : f32
    %broadcast_in_dim3A_743 = vector.broadcast %broadcast_in_dim3A_742 : f32 to vector<1x512xf32>
    %swap3A_744 = arith.constant 0 : index
    %swap3A_745 = arith.constant 0 : index
    %swap3A_746 = vector.load %arg7[%swap3A_744, %swap3A_745] : memref<1x512xf32, #tpu.memory_space<vmem>>, vector<1x512xf32>
    tpu.vector_store %arg7[%swap3A_744, %swap3A_745], %broadcast_in_dim3A_743 {strides = array<i32>} : memref<1x512xf32, #tpu.memory_space<vmem>>, vector<1x512xf32>,
    %eq3A_747 = arith.cmpi eq, %reduce_max3A_116, %reduce_min3A_80 : i32
    %convert_element_type3A_748 = arith.extui %eq3A_747 : i1 to i32
    %cond3A_749 = arith.constant 0 : i32
    %cond3A_750 = arith.cmpi ne, %convert_element_type3A_748, %cond3A_749 : i32
    scf.if %cond3A_750 {
      %slice3A_1186 = vector.extract_strided_slice %add3A_15 {offsets = [0, 0], sizes = [512, 1], strides = [1, 1]} : vector<5120x4xf32> to vector<512x1xf32>
      %slice3A_1187 = vector.extract_strided_slice %add3A_15 {offsets = [0, 1], sizes = [512, 1], strides = [1, 1]} : vector<5120x4xf32> to vector<512x1xf32>
      %slice3A_1188 = vector.extract_strided_slice %add3A_15 {offsets = [0, 2], sizes = [512, 1], strides = [1, 1]} : vector<5120x4xf32> to vector<512x1xf32>
      %slice3A_1189 = vector.extract_strided_slice %add3A_15 {offsets = [0, 3], sizes = [512, 1], strides = [1, 1]} : vector<5120x4xf32> to vector<512x1xf32>
      %slice3A_1190 = vector.extract_strided_slice %add3A_25 {offsets = [0, 3072], sizes = [1, 512], strides = [1, 1]} : vector<4x5120xf32> to vector<1x512xf32>
      %slice3A_1191 = vector.extract_strided_slice %add3A_25 {offsets = [1, 3072], sizes = [1, 512], strides = [1, 1]} : vector<4x5120xf32> to vector<1x512xf32>
      %slice3A_1192 = vector.extract_strided_slice %add3A_25 {offsets = [2, 3072], sizes = [1, 512], strides = [1, 1]} : vector<4x5120xf32> to vector<1x512xf32>
      %slice3A_1193 = vector.extract_strided_slice %add3A_25 {offsets = [3, 3072], sizes = [1, 512], strides = [1, 1]} : vector<4x5120xf32> to vector<1x512xf32>
      %max3A_1194 = vector.broadcast %slice3A_1186 : vector<512x1xf32> to vector<512x512xf32>
      %max3A_1195 = vector.broadcast %slice3A_1190 : vector<1x512xf32> to vector<512x512xf32>
      %max3A_1196 = arith.maximumf %max3A_1194, %max3A_1195 : vector<512x512xf32>
      %max3A_1197 = vector.broadcast %slice3A_1187 : vector<512x1xf32> to vector<512x512xf32>
      %max3A_1198 = vector.broadcast %slice3A_1191 : vector<1x512xf32> to vector<512x512xf32>
      %max3A_1199 = arith.maximumf %max3A_1197, %max3A_1198 : vector<512x512xf32>
      %min3A_1200 = vector.broadcast %slice3A_1188 : vector<512x1xf32> to vector<512x512xf32>
      %min3A_1201 = vector.broadcast %slice3A_1192 : vector<1x512xf32> to vector<512x512xf32>
      %min3A_1202 = arith.minimumf %min3A_1200, %min3A_1201 : vector<512x512xf32>
      %min3A_1203 = vector.broadcast %slice3A_1189 : vector<512x1xf32> to vector<512x512xf32>
      %min3A_1204 = vector.broadcast %slice3A_1193 : vector<1x512xf32> to vector<512x512xf32>
      %min3A_1205 = arith.minimumf %min3A_1203, %min3A_1204 : vector<512x512xf32>
      %sub3A_1206 = arith.subf %min3A_1202, %max3A_1196 : vector<512x512xf32>
      %jit3A_1207 = arith.constant 0.000000e+00 : f32
      %max3A_1208 = vector.broadcast %jit3A_1207 : f32 to vector<512x512xf32>
      %max3A_1209 = arith.maximumf %max3A_1208, %sub3A_1206 : vector<512x512xf32>
      %sub3A_1210 = arith.subf %min3A_1205, %max3A_1199 : vector<512x512xf32>
      %jit3A_1211 = arith.constant 0.000000e+00 : f32
      %max3A_1212 = vector.broadcast %jit3A_1211 : f32 to vector<512x512xf32>
      %max3A_1213 = arith.maximumf %max3A_1212, %sub3A_1210 : vector<512x512xf32>
      %mul3A_1214 = arith.mulf %max3A_1209, %max3A_1213 : vector<512x512xf32>
      %sub3A_1215 = arith.subf %slice3A_1188, %slice3A_1186 : vector<512x1xf32>
      %sub3A_1216 = arith.subf %slice3A_1189, %slice3A_1187 : vector<512x1xf32>
      %mul3A_1217 = arith.mulf %sub3A_1215, %sub3A_1216 : vector<512x1xf32>
      %sub3A_1218 = arith.subf %slice3A_1192, %slice3A_1190 : vector<1x512xf32>
      %sub3A_1219 = arith.subf %slice3A_1193, %slice3A_1191 : vector<1x512xf32>
      %mul3A_1220 = arith.mulf %sub3A_1218, %sub3A_1219 : vector<1x512xf32>
      %add3A_1221 = vector.broadcast %mul3A_1217 : vector<512x1xf32> to vector<512x512xf32>
      %add3A_1222 = vector.broadcast %mul3A_1220 : vector<1x512xf32> to vector<512x512xf32>
      %add3A_1223 = arith.addf %add3A_1221, %add3A_1222 : vector<512x512xf32>
      %sub3A_1224 = arith.subf %add3A_1223, %mul3A_1214 : vector<512x512xf32>
      %add3A_1225 = arith.constant 9.99999993E-9 : f32
      %add3A_1226 = vector.broadcast %add3A_1225 : f32 to vector<512x512xf32>
      %add3A_1227 = arith.addf %sub3A_1224, %add3A_1226 : vector<512x512xf32>
      %div3A_1228 = arith.divf %mul3A_1214, %add3A_1227 : vector<512x512xf32>
      %gt3A_1229 = arith.constant 5.000000e-01 : f32
      %gt3A_1230 = vector.broadcast %gt3A_1229 : f32 to vector<512x512xf32>
      %gt3A_1231 = arith.cmpf ogt, %div3A_1228, %gt3A_1230 : vector<512x512xf32>
      %convert_element_type3A_1232 = arith.extui %gt3A_1231 : vector<512x512xi1> to vector<512x512xi32>
      %convert_element_type3A_1233 = arith.sitofp %convert_element_type3A_1232 : vector<512x512xi32> to vector<512x512xf32>
      %get3A_1234 = arith.constant 0 : index
      %get3A_1235 = arith.constant 0 : index
      %get3A_1236 = vector.load %arg6[%get3A_1234, %get3A_1235] : memref<1x5120xf32, #tpu.memory_space<vmem>>, vector<1x512xf32>
      %get3A_1237 = arith.constant 0 : index
      %get3A_1238 = arith.constant 0 : index
      %get3A_1239 = vector.load %arg7[%get3A_1237, %get3A_1238] : memref<1x512xf32, #tpu.memory_space<vmem>>, vector<1x512xf32>
      %dot_general3A_1240 = arith.constant dense<0.000000e+00> : vector<1x512xf32>
      %dot_general3A_1241 = tpu.matmul %get3A_1236, %convert_element_type3A_1233, %dot_general3A_1240 {dimension_numbers = #tpu.dot_dimension_numbers<[1], [0], [0], [1], [0, 0, 1, 1], [], []>, transpose_lhs_hint = false} : vector<1x512xf32>, vector<512x512xf32>, vector<1x512xf32> -> vector<1x512xf32>
      %add3A_1242 = arith.addf %get3A_1239, %dot_general3A_1241 : vector<1x512xf32>
      %swap3A_1243 = arith.constant 0 : index
      %swap3A_1244 = arith.constant 0 : index
      %swap3A_1245 = vector.load %arg7[%swap3A_1243, %swap3A_1244] : memref<1x512xf32, #tpu.memory_space<vmem>>, vector<1x512xf32>
      tpu.vector_store %arg7[%swap3A_1243, %swap3A_1244], %add3A_1242 {strides = array<i32>} : memref<1x512xf32, #tpu.memory_space<vmem>>, vector<1x512xf32>,
    } else {
    }
    %eq3A_751 = arith.cmpi eq, %reduce_max3A_125, %reduce_min3A_80 : i32
    %convert_element_type3A_752 = arith.extui %eq3A_751 : i1 to i32
    %cond3A_753 = arith.constant 0 : i32
    %cond3A_754 = arith.cmpi ne, %convert_element_type3A_752, %cond3A_753 : i32
    scf.if %cond3A_754 {
      %slice3A_1186 = vector.extract_strided_slice %add3A_15 {offsets = [512, 0], sizes = [512, 1], strides = [1, 1]} : vector<5120x4xf32> to vector<512x1xf32>
      %slice3A_1187 = vector.extract_strided_slice %add3A_15 {offsets = [512, 1], sizes = [512, 1], strides = [1, 1]} : vector<5120x4xf32> to vector<512x1xf32>
      %slice3A_1188 = vector.extract_strided_slice %add3A_15 {offsets = [512, 2], sizes = [512, 1], strides = [1, 1]} : vector<5120x4xf32> to vector<512x1xf32>
      %slice3A_1189 = vector.extract_strided_slice %add3A_15 {offsets = [512, 3], sizes = [512, 1], strides = [1, 1]} : vector<5120x4xf32> to vector<512x1xf32>
      %slice3A_1190 = vector.extract_strided_slice %add3A_25 {offsets = [0, 3072], sizes = [1, 512], strides = [1, 1]} : vector<4x5120xf32> to vector<1x512xf32>
      %slice3A_1191 = vector.extract_strided_slice %add3A_25 {offsets = [1, 3072], sizes = [1, 512], strides = [1, 1]} : vector<4x5120xf32> to vector<1x512xf32>
      %slice3A_1192 = vector.extract_strided_slice %add3A_25 {offsets = [2, 3072], sizes = [1, 512], strides = [1, 1]} : vector<4x5120xf32> to vector<1x512xf32>
      %slice3A_1193 = vector.extract_strided_slice %add3A_25 {offsets = [3, 3072], sizes = [1, 512], strides = [1, 1]} : vector<4x5120xf32> to vector<1x512xf32>
      %max3A_1194 = vector.broadcast %slice3A_1186 : vector<512x1xf32> to vector<512x512xf32>
      %max3A_1195 = vector.broadcast %slice3A_1190 : vector<1x512xf32> to vector<512x512xf32>
      %max3A_1196 = arith.maximumf %max3A_1194, %max3A_1195 : vector<512x512xf32>
      %max3A_1197 = vector.broadcast %slice3A_1187 : vector<512x1xf32> to vector<512x512xf32>
      %max3A_1198 = vector.broadcast %slice3A_1191 : vector<1x512xf32> to vector<512x512xf32>
      %max3A_1199 = arith.maximumf %max3A_1197, %max3A_1198 : vector<512x512xf32>
      %min3A_1200 = vector.broadcast %slice3A_1188 : vector<512x1xf32> to vector<512x512xf32>
      %min3A_1201 = vector.broadcast %slice3A_1192 : vector<1x512xf32> to vector<512x512xf32>
      %min3A_1202 = arith.minimumf %min3A_1200, %min3A_1201 : vector<512x512xf32>
      %min3A_1203 = vector.broadcast %slice3A_1189 : vector<512x1xf32> to vector<512x512xf32>
      %min3A_1204 = vector.broadcast %slice3A_1193 : vector<1x512xf32> to vector<512x512xf32>
      %min3A_1205 = arith.minimumf %min3A_1203, %min3A_1204 : vector<512x512xf32>
      %sub3A_1206 = arith.subf %min3A_1202, %max3A_1196 : vector<512x512xf32>
      %jit3A_1207 = arith.constant 0.000000e+00 : f32
      %max3A_1208 = vector.broadcast %jit3A_1207 : f32 to vector<512x512xf32>
      %max3A_1209 = arith.maximumf %max3A_1208, %sub3A_1206 : vector<512x512xf32>
      %sub3A_1210 = arith.subf %min3A_1205, %max3A_1199 : vector<512x512xf32>
      %jit3A_1211 = arith.constant 0.000000e+00 : f32
      %max3A_1212 = vector.broadcast %jit3A_1211 : f32 to vector<512x512xf32>
      %max3A_1213 = arith.maximumf %max3A_1212, %sub3A_1210 : vector<512x512xf32>
      %mul3A_1214 = arith.mulf %max3A_1209, %max3A_1213 : vector<512x512xf32>
      %sub3A_1215 = arith.subf %slice3A_1188, %slice3A_1186 : vector<512x1xf32>
      %sub3A_1216 = arith.subf %slice3A_1189, %slice3A_1187 : vector<512x1xf32>
      %mul3A_1217 = arith.mulf %sub3A_1215, %sub3A_1216 : vector<512x1xf32>
      %sub3A_1218 = arith.subf %slice3A_1192, %slice3A_1190 : vector<1x512xf32>
      %sub3A_1219 = arith.subf %slice3A_1193, %slice3A_1191 : vector<1x512xf32>
      %mul3A_1220 = arith.mulf %sub3A_1218, %sub3A_1219 : vector<1x512xf32>
      %add3A_1221 = vector.broadcast %mul3A_1217 : vector<512x1xf32> to vector<512x512xf32>
      %add3A_1222 = vector.broadcast %mul3A_1220 : vector<1x512xf32> to vector<512x512xf32>
      %add3A_1223 = arith.addf %add3A_1221, %add3A_1222 : vector<512x512xf32>
      %sub3A_1224 = arith.subf %add3A_1223, %mul3A_1214 : vector<512x512xf32>
      %add3A_1225 = arith.constant 9.99999993E-9 : f32
      %add3A_1226 = vector.broadcast %add3A_1225 : f32 to vector<512x512xf32>
      %add3A_1227 = arith.addf %sub3A_1224, %add3A_1226 : vector<512x512xf32>
      %div3A_1228 = arith.divf %mul3A_1214, %add3A_1227 : vector<512x512xf32>
      %gt3A_1229 = arith.constant 5.000000e-01 : f32
      %gt3A_1230 = vector.broadcast %gt3A_1229 : f32 to vector<512x512xf32>
      %gt3A_1231 = arith.cmpf ogt, %div3A_1228, %gt3A_1230 : vector<512x512xf32>
      %convert_element_type3A_1232 = arith.extui %gt3A_1231 : vector<512x512xi1> to vector<512x512xi32>
      %convert_element_type3A_1233 = arith.sitofp %convert_element_type3A_1232 : vector<512x512xi32> to vector<512x512xf32>
      %get3A_1234 = arith.constant 0 : index
      %get3A_1235 = arith.constant 512 : index
      %get3A_1236 = vector.load %arg6[%get3A_1234, %get3A_1235] : memref<1x5120xf32, #tpu.memory_space<vmem>>, vector<1x512xf32>
      %get3A_1237 = arith.constant 0 : index
      %get3A_1238 = arith.constant 0 : index
      %get3A_1239 = vector.load %arg7[%get3A_1237, %get3A_1238] : memref<1x512xf32, #tpu.memory_space<vmem>>, vector<1x512xf32>
      %dot_general3A_1240 = arith.constant dense<0.000000e+00> : vector<1x512xf32>
      %dot_general3A_1241 = tpu.matmul %get3A_1236, %convert_element_type3A_1233, %dot_general3A_1240 {dimension_numbers = #tpu.dot_dimension_numbers<[1], [0], [0], [1], [0, 0, 1, 1], [], []>, transpose_lhs_hint = false} : vector<1x512xf32>, vector<512x512xf32>, vector<1x512xf32> -> vector<1x512xf32>
      %add3A_1242 = arith.addf %get3A_1239, %dot_general3A_1241 : vector<1x512xf32>
      %swap3A_1243 = arith.constant 0 : index
      %swap3A_1244 = arith.constant 0 : index
      %swap3A_1245 = vector.load %arg7[%swap3A_1243, %swap3A_1244] : memref<1x512xf32, #tpu.memory_space<vmem>>, vector<1x512xf32>
      tpu.vector_store %arg7[%swap3A_1243, %swap3A_1244], %add3A_1242 {strides = array<i32>} : memref<1x512xf32, #tpu.memory_space<vmem>>, vector<1x512xf32>,
    } else {
    }
    %eq3A_755 = arith.cmpi eq, %reduce_max3A_134, %reduce_min3A_80 : i32
    %convert_element_type3A_756 = arith.extui %eq3A_755 : i1 to i32
    %cond3A_757 = arith.constant 0 : i32
    %cond3A_758 = arith.cmpi ne, %convert_element_type3A_756, %cond3A_757 : i32
    scf.if %cond3A_758 {
      %slice3A_1186 = vector.extract_strided_slice %add3A_15 {offsets = [1024, 0], sizes = [512, 1], strides = [1, 1]} : vector<5120x4xf32> to vector<512x1xf32>
      %slice3A_1187 = vector.extract_strided_slice %add3A_15 {offsets = [1024, 1], sizes = [512, 1], strides = [1, 1]} : vector<5120x4xf32> to vector<512x1xf32>
      %slice3A_1188 = vector.extract_strided_slice %add3A_15 {offsets = [1024, 2], sizes = [512, 1], strides = [1, 1]} : vector<5120x4xf32> to vector<512x1xf32>
      %slice3A_1189 = vector.extract_strided_slice %add3A_15 {offsets = [1024, 3], sizes = [512, 1], strides = [1, 1]} : vector<5120x4xf32> to vector<512x1xf32>
      %slice3A_1190 = vector.extract_strided_slice %add3A_25 {offsets = [0, 3072], sizes = [1, 512], strides = [1, 1]} : vector<4x5120xf32> to vector<1x512xf32>
      %slice3A_1191 = vector.extract_strided_slice %add3A_25 {offsets = [1, 3072], sizes = [1, 512], strides = [1, 1]} : vector<4x5120xf32> to vector<1x512xf32>
      %slice3A_1192 = vector.extract_strided_slice %add3A_25 {offsets = [2, 3072], sizes = [1, 512], strides = [1, 1]} : vector<4x5120xf32> to vector<1x512xf32>
      %slice3A_1193 = vector.extract_strided_slice %add3A_25 {offsets = [3, 3072], sizes = [1, 512], strides = [1, 1]} : vector<4x5120xf32> to vector<1x512xf32>
      %max3A_1194 = vector.broadcast %slice3A_1186 : vector<512x1xf32> to vector<512x512xf32>
      %max3A_1195 = vector.broadcast %slice3A_1190 : vector<1x512xf32> to vector<512x512xf32>
      %max3A_1196 = arith.maximumf %max3A_1194, %max3A_1195 : vector<512x512xf32>
      %max3A_1197 = vector.broadcast %slice3A_1187 : vector<512x1xf32> to vector<512x512xf32>
      %max3A_1198 = vector.broadcast %slice3A_1191 : vector<1x512xf32> to vector<512x512xf32>
      %max3A_1199 = arith.maximumf %max3A_1197, %max3A_1198 : vector<512x512xf32>
      %min3A_1200 = vector.broadcast %slice3A_1188 : vector<512x1xf32> to vector<512x512xf32>
      %min3A_1201 = vector.broadcast %slice3A_1192 : vector<1x512xf32> to vector<512x512xf32>
      %min3A_1202 = arith.minimumf %min3A_1200, %min3A_1201 : vector<512x512xf32>
      %min3A_1203 = vector.broadcast %slice3A_1189 : vector<512x1xf32> to vector<512x512xf32>
      %min3A_1204 = vector.broadcast %slice3A_1193 : vector<1x512xf32> to vector<512x512xf32>
      %min3A_1205 = arith.minimumf %min3A_1203, %min3A_1204 : vector<512x512xf32>
      %sub3A_1206 = arith.subf %min3A_1202, %max3A_1196 : vector<512x512xf32>
      %jit3A_1207 = arith.constant 0.000000e+00 : f32
      %max3A_1208 = vector.broadcast %jit3A_1207 : f32 to vector<512x512xf32>
      %max3A_1209 = arith.maximumf %max3A_1208, %sub3A_1206 : vector<512x512xf32>
      %sub3A_1210 = arith.subf %min3A_1205, %max3A_1199 : vector<512x512xf32>
      %jit3A_1211 = arith.constant 0.000000e+00 : f32
      %max3A_1212 = vector.broadcast %jit3A_1211 : f32 to vector<512x512xf32>
      %max3A_1213 = arith.maximumf %max3A_1212, %sub3A_1210 : vector<512x512xf32>
      %mul3A_1214 = arith.mulf %max3A_1209, %max3A_1213 : vector<512x512xf32>
      %sub3A_1215 = arith.subf %slice3A_1188, %slice3A_1186 : vector<512x1xf32>
      %sub3A_1216 = arith.subf %slice3A_1189, %slice3A_1187 : vector<512x1xf32>
      %mul3A_1217 = arith.mulf %sub3A_1215, %sub3A_1216 : vector<512x1xf32>
      %sub3A_1218 = arith.subf %slice3A_1192, %slice3A_1190 : vector<1x512xf32>
      %sub3A_1219 = arith.subf %slice3A_1193, %slice3A_1191 : vector<1x512xf32>
      %mul3A_1220 = arith.mulf %sub3A_1218, %sub3A_1219 : vector<1x512xf32>
      %add3A_1221 = vector.broadcast %mul3A_1217 : vector<512x1xf32> to vector<512x512xf32>
      %add3A_1222 = vector.broadcast %mul3A_1220 : vector<1x512xf32> to vector<512x512xf32>
      %add3A_1223 = arith.addf %add3A_1221, %add3A_1222 : vector<512x512xf32>
      %sub3A_1224 = arith.subf %add3A_1223, %mul3A_1214 : vector<512x512xf32>
      %add3A_1225 = arith.constant 9.99999993E-9 : f32
      %add3A_1226 = vector.broadcast %add3A_1225 : f32 to vector<512x512xf32>
      %add3A_1227 = arith.addf %sub3A_1224, %add3A_1226 : vector<512x512xf32>
      %div3A_1228 = arith.divf %mul3A_1214, %add3A_1227 : vector<512x512xf32>
      %gt3A_1229 = arith.constant 5.000000e-01 : f32
      %gt3A_1230 = vector.broadcast %gt3A_1229 : f32 to vector<512x512xf32>
      %gt3A_1231 = arith.cmpf ogt, %div3A_1228, %gt3A_1230 : vector<512x512xf32>
      %convert_element_type3A_1232 = arith.extui %gt3A_1231 : vector<512x512xi1> to vector<512x512xi32>
      %convert_element_type3A_1233 = arith.sitofp %convert_element_type3A_1232 : vector<512x512xi32> to vector<512x512xf32>
      %get3A_1234 = arith.constant 0 : index
      %get3A_1235 = arith.constant 1024 : index
      %get3A_1236 = vector.load %arg6[%get3A_1234, %get3A_1235] : memref<1x5120xf32, #tpu.memory_space<vmem>>, vector<1x512xf32>
      %get3A_1237 = arith.constant 0 : index
      %get3A_1238 = arith.constant 0 : index
      %get3A_1239 = vector.load %arg7[%get3A_1237, %get3A_1238] : memref<1x512xf32, #tpu.memory_space<vmem>>, vector<1x512xf32>
      %dot_general3A_1240 = arith.constant dense<0.000000e+00> : vector<1x512xf32>
      %dot_general3A_1241 = tpu.matmul %get3A_1236, %convert_element_type3A_1233, %dot_general3A_1240 {dimension_numbers = #tpu.dot_dimension_numbers<[1], [0], [0], [1], [0, 0, 1, 1], [], []>, transpose_lhs_hint = false} : vector<1x512xf32>, vector<512x512xf32>, vector<1x512xf32> -> vector<1x512xf32>
      %add3A_1242 = arith.addf %get3A_1239, %dot_general3A_1241 : vector<1x512xf32>
      %swap3A_1243 = arith.constant 0 : index
      %swap3A_1244 = arith.constant 0 : index
      %swap3A_1245 = vector.load %arg7[%swap3A_1243, %swap3A_1244] : memref<1x512xf32, #tpu.memory_space<vmem>>, vector<1x512xf32>
      tpu.vector_store %arg7[%swap3A_1243, %swap3A_1244], %add3A_1242 {strides = array<i32>} : memref<1x512xf32, #tpu.memory_space<vmem>>, vector<1x512xf32>,
    } else {
    }
    %eq3A_759 = arith.cmpi eq, %reduce_max3A_143, %reduce_min3A_80 : i32
    %convert_element_type3A_760 = arith.extui %eq3A_759 : i1 to i32
    %cond3A_761 = arith.constant 0 : i32
    %cond3A_762 = arith.cmpi ne, %convert_element_type3A_760, %cond3A_761 : i32
    scf.if %cond3A_762 {
      %slice3A_1186 = vector.extract_strided_slice %add3A_15 {offsets = [1536, 0], sizes = [512, 1], strides = [1, 1]} : vector<5120x4xf32> to vector<512x1xf32>
      %slice3A_1187 = vector.extract_strided_slice %add3A_15 {offsets = [1536, 1], sizes = [512, 1], strides = [1, 1]} : vector<5120x4xf32> to vector<512x1xf32>
      %slice3A_1188 = vector.extract_strided_slice %add3A_15 {offsets = [1536, 2], sizes = [512, 1], strides = [1, 1]} : vector<5120x4xf32> to vector<512x1xf32>
      %slice3A_1189 = vector.extract_strided_slice %add3A_15 {offsets = [1536, 3], sizes = [512, 1], strides = [1, 1]} : vector<5120x4xf32> to vector<512x1xf32>
      %slice3A_1190 = vector.extract_strided_slice %add3A_25 {offsets = [0, 3072], sizes = [1, 512], strides = [1, 1]} : vector<4x5120xf32> to vector<1x512xf32>
      %slice3A_1191 = vector.extract_strided_slice %add3A_25 {offsets = [1, 3072], sizes = [1, 512], strides = [1, 1]} : vector<4x5120xf32> to vector<1x512xf32>
      %slice3A_1192 = vector.extract_strided_slice %add3A_25 {offsets = [2, 3072], sizes = [1, 512], strides = [1, 1]} : vector<4x5120xf32> to vector<1x512xf32>
      %slice3A_1193 = vector.extract_strided_slice %add3A_25 {offsets = [3, 3072], sizes = [1, 512], strides = [1, 1]} : vector<4x5120xf32> to vector<1x512xf32>
      %max3A_1194 = vector.broadcast %slice3A_1186 : vector<512x1xf32> to vector<512x512xf32>
      %max3A_1195 = vector.broadcast %slice3A_1190 : vector<1x512xf32> to vector<512x512xf32>
      %max3A_1196 = arith.maximumf %max3A_1194, %max3A_1195 : vector<512x512xf32>
      %max3A_1197 = vector.broadcast %slice3A_1187 : vector<512x1xf32> to vector<512x512xf32>
      %max3A_1198 = vector.broadcast %slice3A_1191 : vector<1x512xf32> to vector<512x512xf32>
      %max3A_1199 = arith.maximumf %max3A_1197, %max3A_1198 : vector<512x512xf32>
      %min3A_1200 = vector.broadcast %slice3A_1188 : vector<512x1xf32> to vector<512x512xf32>
      %min3A_1201 = vector.broadcast %slice3A_1192 : vector<1x512xf32> to vector<512x512xf32>
      %min3A_1202 = arith.minimumf %min3A_1200, %min3A_1201 : vector<512x512xf32>
      %min3A_1203 = vector.broadcast %slice3A_1189 : vector<512x1xf32> to vector<512x512xf32>
      %min3A_1204 = vector.broadcast %slice3A_1193 : vector<1x512xf32> to vector<512x512xf32>
      %min3A_1205 = arith.minimumf %min3A_1203, %min3A_1204 : vector<512x512xf32>
      %sub3A_1206 = arith.subf %min3A_1202, %max3A_1196 : vector<512x512xf32>
      %jit3A_1207 = arith.constant 0.000000e+00 : f32
      %max3A_1208 = vector.broadcast %jit3A_1207 : f32 to vector<512x512xf32>
      %max3A_1209 = arith.maximumf %max3A_1208, %sub3A_1206 : vector<512x512xf32>
      %sub3A_1210 = arith.subf %min3A_1205, %max3A_1199 : vector<512x512xf32>
      %jit3A_1211 = arith.constant 0.000000e+00 : f32
      %max3A_1212 = vector.broadcast %jit3A_1211 : f32 to vector<512x512xf32>
      %max3A_1213 = arith.maximumf %max3A_1212, %sub3A_1210 : vector<512x512xf32>
      %mul3A_1214 = arith.mulf %max3A_1209, %max3A_1213 : vector<512x512xf32>
      %sub3A_1215 = arith.subf %slice3A_1188, %slice3A_1186 : vector<512x1xf32>
      %sub3A_1216 = arith.subf %slice3A_1189, %slice3A_1187 : vector<512x1xf32>
      %mul3A_1217 = arith.mulf %sub3A_1215, %sub3A_1216 : vector<512x1xf32>
      %sub3A_1218 = arith.subf %slice3A_1192, %slice3A_1190 : vector<1x512xf32>
      %sub3A_1219 = arith.subf %slice3A_1193, %slice3A_1191 : vector<1x512xf32>
      %mul3A_1220 = arith.mulf %sub3A_1218, %sub3A_1219 : vector<1x512xf32>
      %add3A_1221 = vector.broadcast %mul3A_1217 : vector<512x1xf32> to vector<512x512xf32>
      %add3A_1222 = vector.broadcast %mul3A_1220 : vector<1x512xf32> to vector<512x512xf32>
      %add3A_1223 = arith.addf %add3A_1221, %add3A_1222 : vector<512x512xf32>
      %sub3A_1224 = arith.subf %add3A_1223, %mul3A_1214 : vector<512x512xf32>
      %add3A_1225 = arith.constant 9.99999993E-9 : f32
      %add3A_1226 = vector.broadcast %add3A_1225 : f32 to vector<512x512xf32>
      %add3A_1227 = arith.addf %sub3A_1224, %add3A_1226 : vector<512x512xf32>
      %div3A_1228 = arith.divf %mul3A_1214, %add3A_1227 : vector<512x512xf32>
      %gt3A_1229 = arith.constant 5.000000e-01 : f32
      %gt3A_1230 = vector.broadcast %gt3A_1229 : f32 to vector<512x512xf32>
      %gt3A_1231 = arith.cmpf ogt, %div3A_1228, %gt3A_1230 : vector<512x512xf32>
      %convert_element_type3A_1232 = arith.extui %gt3A_1231 : vector<512x512xi1> to vector<512x512xi32>
      %convert_element_type3A_1233 = arith.sitofp %convert_element_type3A_1232 : vector<512x512xi32> to vector<512x512xf32>
      %get3A_1234 = arith.constant 0 : index
      %get3A_1235 = arith.constant 1536 : index
      %get3A_1236 = vector.load %arg6[%get3A_1234, %get3A_1235] : memref<1x5120xf32, #tpu.memory_space<vmem>>, vector<1x512xf32>
      %get3A_1237 = arith.constant 0 : index
      %get3A_1238 = arith.constant 0 : index
      %get3A_1239 = vector.load %arg7[%get3A_1237, %get3A_1238] : memref<1x512xf32, #tpu.memory_space<vmem>>, vector<1x512xf32>
      %dot_general3A_1240 = arith.constant dense<0.000000e+00> : vector<1x512xf32>
      %dot_general3A_1241 = tpu.matmul %get3A_1236, %convert_element_type3A_1233, %dot_general3A_1240 {dimension_numbers = #tpu.dot_dimension_numbers<[1], [0], [0], [1], [0, 0, 1, 1], [], []>, transpose_lhs_hint = false} : vector<1x512xf32>, vector<512x512xf32>, vector<1x512xf32> -> vector<1x512xf32>
      %add3A_1242 = arith.addf %get3A_1239, %dot_general3A_1241 : vector<1x512xf32>
      %swap3A_1243 = arith.constant 0 : index
      %swap3A_1244 = arith.constant 0 : index
      %swap3A_1245 = vector.load %arg7[%swap3A_1243, %swap3A_1244] : memref<1x512xf32, #tpu.memory_space<vmem>>, vector<1x512xf32>
      tpu.vector_store %arg7[%swap3A_1243, %swap3A_1244], %add3A_1242 {strides = array<i32>} : memref<1x512xf32, #tpu.memory_space<vmem>>, vector<1x512xf32>,
    } else {
    }
    %eq3A_763 = arith.cmpi eq, %reduce_max3A_152, %reduce_min3A_80 : i32
    %convert_element_type3A_764 = arith.extui %eq3A_763 : i1 to i32
    %cond3A_765 = arith.constant 0 : i32
    %cond3A_766 = arith.cmpi ne, %convert_element_type3A_764, %cond3A_765 : i32
    scf.if %cond3A_766 {
      %slice3A_1186 = vector.extract_strided_slice %add3A_15 {offsets = [2048, 0], sizes = [512, 1], strides = [1, 1]} : vector<5120x4xf32> to vector<512x1xf32>
      %slice3A_1187 = vector.extract_strided_slice %add3A_15 {offsets = [2048, 1], sizes = [512, 1], strides = [1, 1]} : vector<5120x4xf32> to vector<512x1xf32>
      %slice3A_1188 = vector.extract_strided_slice %add3A_15 {offsets = [2048, 2], sizes = [512, 1], strides = [1, 1]} : vector<5120x4xf32> to vector<512x1xf32>
      %slice3A_1189 = vector.extract_strided_slice %add3A_15 {offsets = [2048, 3], sizes = [512, 1], strides = [1, 1]} : vector<5120x4xf32> to vector<512x1xf32>
      %slice3A_1190 = vector.extract_strided_slice %add3A_25 {offsets = [0, 3072], sizes = [1, 512], strides = [1, 1]} : vector<4x5120xf32> to vector<1x512xf32>
      %slice3A_1191 = vector.extract_strided_slice %add3A_25 {offsets = [1, 3072], sizes = [1, 512], strides = [1, 1]} : vector<4x5120xf32> to vector<1x512xf32>
      %slice3A_1192 = vector.extract_strided_slice %add3A_25 {offsets = [2, 3072], sizes = [1, 512], strides = [1, 1]} : vector<4x5120xf32> to vector<1x512xf32>
      %slice3A_1193 = vector.extract_strided_slice %add3A_25 {offsets = [3, 3072], sizes = [1, 512], strides = [1, 1]} : vector<4x5120xf32> to vector<1x512xf32>
      %max3A_1194 = vector.broadcast %slice3A_1186 : vector<512x1xf32> to vector<512x512xf32>
      %max3A_1195 = vector.broadcast %slice3A_1190 : vector<1x512xf32> to vector<512x512xf32>
      %max3A_1196 = arith.maximumf %max3A_1194, %max3A_1195 : vector<512x512xf32>
      %max3A_1197 = vector.broadcast %slice3A_1187 : vector<512x1xf32> to vector<512x512xf32>
      %max3A_1198 = vector.broadcast %slice3A_1191 : vector<1x512xf32> to vector<512x512xf32>
      %max3A_1199 = arith.maximumf %max3A_1197, %max3A_1198 : vector<512x512xf32>
      %min3A_1200 = vector.broadcast %slice3A_1188 : vector<512x1xf32> to vector<512x512xf32>
      %min3A_1201 = vector.broadcast %slice3A_1192 : vector<1x512xf32> to vector<512x512xf32>
      %min3A_1202 = arith.minimumf %min3A_1200, %min3A_1201 : vector<512x512xf32>
      %min3A_1203 = vector.broadcast %slice3A_1189 : vector<512x1xf32> to vector<512x512xf32>
      %min3A_1204 = vector.broadcast %slice3A_1193 : vector<1x512xf32> to vector<512x512xf32>
      %min3A_1205 = arith.minimumf %min3A_1203, %min3A_1204 : vector<512x512xf32>
      %sub3A_1206 = arith.subf %min3A_1202, %max3A_1196 : vector<512x512xf32>
      %jit3A_1207 = arith.constant 0.000000e+00 : f32
      %max3A_1208 = vector.broadcast %jit3A_1207 : f32 to vector<512x512xf32>
      %max3A_1209 = arith.maximumf %max3A_1208, %sub3A_1206 : vector<512x512xf32>
      %sub3A_1210 = arith.subf %min3A_1205, %max3A_1199 : vector<512x512xf32>
      %jit3A_1211 = arith.constant 0.000000e+00 : f32
      %max3A_1212 = vector.broadcast %jit3A_1211 : f32 to vector<512x512xf32>
      %max3A_1213 = arith.maximumf %max3A_1212, %sub3A_1210 : vector<512x512xf32>
      %mul3A_1214 = arith.mulf %max3A_1209, %max3A_1213 : vector<512x512xf32>
      %sub3A_1215 = arith.subf %slice3A_1188, %slice3A_1186 : vector<512x1xf32>
      %sub3A_1216 = arith.subf %slice3A_1189, %slice3A_1187 : vector<512x1xf32>
      %mul3A_1217 = arith.mulf %sub3A_1215, %sub3A_1216 : vector<512x1xf32>
      %sub3A_1218 = arith.subf %slice3A_1192, %slice3A_1190 : vector<1x512xf32>
      %sub3A_1219 = arith.subf %slice3A_1193, %slice3A_1191 : vector<1x512xf32>
      %mul3A_1220 = arith.mulf %sub3A_1218, %sub3A_1219 : vector<1x512xf32>
      %add3A_1221 = vector.broadcast %mul3A_1217 : vector<512x1xf32> to vector<512x512xf32>
      %add3A_1222 = vector.broadcast %mul3A_1220 : vector<1x512xf32> to vector<512x512xf32>
      %add3A_1223 = arith.addf %add3A_1221, %add3A_1222 : vector<512x512xf32>
      %sub3A_1224 = arith.subf %add3A_1223, %mul3A_1214 : vector<512x512xf32>
      %add3A_1225 = arith.constant 9.99999993E-9 : f32
      %add3A_1226 = vector.broadcast %add3A_1225 : f32 to vector<512x512xf32>
      %add3A_1227 = arith.addf %sub3A_1224, %add3A_1226 : vector<512x512xf32>
      %div3A_1228 = arith.divf %mul3A_1214, %add3A_1227 : vector<512x512xf32>
      %gt3A_1229 = arith.constant 5.000000e-01 : f32
      %gt3A_1230 = vector.broadcast %gt3A_1229 : f32 to vector<512x512xf32>
      %gt3A_1231 = arith.cmpf ogt, %div3A_1228, %gt3A_1230 : vector<512x512xf32>
      %convert_element_type3A_1232 = arith.extui %gt3A_1231 : vector<512x512xi1> to vector<512x512xi32>
      %convert_element_type3A_1233 = arith.sitofp %convert_element_type3A_1232 : vector<512x512xi32> to vector<512x512xf32>
      %get3A_1234 = arith.constant 0 : index
      %get3A_1235 = arith.constant 2048 : index
      %get3A_1236 = vector.load %arg6[%get3A_1234, %get3A_1235] : memref<1x5120xf32, #tpu.memory_space<vmem>>, vector<1x512xf32>
      %get3A_1237 = arith.constant 0 : index
      %get3A_1238 = arith.constant 0 : index
      %get3A_1239 = vector.load %arg7[%get3A_1237, %get3A_1238] : memref<1x512xf32, #tpu.memory_space<vmem>>, vector<1x512xf32>
      %dot_general3A_1240 = arith.constant dense<0.000000e+00> : vector<1x512xf32>
      %dot_general3A_1241 = tpu.matmul %get3A_1236, %convert_element_type3A_1233, %dot_general3A_1240 {dimension_numbers = #tpu.dot_dimension_numbers<[1], [0], [0], [1], [0, 0, 1, 1], [], []>, transpose_lhs_hint = false} : vector<1x512xf32>, vector<512x512xf32>, vector<1x512xf32> -> vector<1x512xf32>
      %add3A_1242 = arith.addf %get3A_1239, %dot_general3A_1241 : vector<1x512xf32>
      %swap3A_1243 = arith.constant 0 : index
      %swap3A_1244 = arith.constant 0 : index
      %swap3A_1245 = vector.load %arg7[%swap3A_1243, %swap3A_1244] : memref<1x512xf32, #tpu.memory_space<vmem>>, vector<1x512xf32>
      tpu.vector_store %arg7[%swap3A_1243, %swap3A_1244], %add3A_1242 {strides = array<i32>} : memref<1x512xf32, #tpu.memory_space<vmem>>, vector<1x512xf32>,
    } else {
    }
    %eq3A_767 = arith.cmpi eq, %reduce_max3A_161, %reduce_min3A_80 : i32
    %convert_element_type3A_768 = arith.extui %eq3A_767 : i1 to i32
    %cond3A_769 = arith.constant 0 : i32
    %cond3A_770 = arith.cmpi ne, %convert_element_type3A_768, %cond3A_769 : i32
    scf.if %cond3A_770 {
      %slice3A_1186 = vector.extract_strided_slice %add3A_15 {offsets = [2560, 0], sizes = [512, 1], strides = [1, 1]} : vector<5120x4xf32> to vector<512x1xf32>
      %slice3A_1187 = vector.extract_strided_slice %add3A_15 {offsets = [2560, 1], sizes = [512, 1], strides = [1, 1]} : vector<5120x4xf32> to vector<512x1xf32>
      %slice3A_1188 = vector.extract_strided_slice %add3A_15 {offsets = [2560, 2], sizes = [512, 1], strides = [1, 1]} : vector<5120x4xf32> to vector<512x1xf32>
      %slice3A_1189 = vector.extract_strided_slice %add3A_15 {offsets = [2560, 3], sizes = [512, 1], strides = [1, 1]} : vector<5120x4xf32> to vector<512x1xf32>
      %slice3A_1190 = vector.extract_strided_slice %add3A_25 {offsets = [0, 3072], sizes = [1, 512], strides = [1, 1]} : vector<4x5120xf32> to vector<1x512xf32>
      %slice3A_1191 = vector.extract_strided_slice %add3A_25 {offsets = [1, 3072], sizes = [1, 512], strides = [1, 1]} : vector<4x5120xf32> to vector<1x512xf32>
      %slice3A_1192 = vector.extract_strided_slice %add3A_25 {offsets = [2, 3072], sizes = [1, 512], strides = [1, 1]} : vector<4x5120xf32> to vector<1x512xf32>
      %slice3A_1193 = vector.extract_strided_slice %add3A_25 {offsets = [3, 3072], sizes = [1, 512], strides = [1, 1]} : vector<4x5120xf32> to vector<1x512xf32>
      %max3A_1194 = vector.broadcast %slice3A_1186 : vector<512x1xf32> to vector<512x512xf32>
      %max3A_1195 = vector.broadcast %slice3A_1190 : vector<1x512xf32> to vector<512x512xf32>
      %max3A_1196 = arith.maximumf %max3A_1194, %max3A_1195 : vector<512x512xf32>
      %max3A_1197 = vector.broadcast %slice3A_1187 : vector<512x1xf32> to vector<512x512xf32>
      %max3A_1198 = vector.broadcast %slice3A_1191 : vector<1x512xf32> to vector<512x512xf32>
      %max3A_1199 = arith.maximumf %max3A_1197, %max3A_1198 : vector<512x512xf32>
      %min3A_1200 = vector.broadcast %slice3A_1188 : vector<512x1xf32> to vector<512x512xf32>
      %min3A_1201 = vector.broadcast %slice3A_1192 : vector<1x512xf32> to vector<512x512xf32>
      %min3A_1202 = arith.minimumf %min3A_1200, %min3A_1201 : vector<512x512xf32>
      %min3A_1203 = vector.broadcast %slice3A_1189 : vector<512x1xf32> to vector<512x512xf32>
      %min3A_1204 = vector.broadcast %slice3A_1193 : vector<1x512xf32> to vector<512x512xf32>
      %min3A_1205 = arith.minimumf %min3A_1203, %min3A_1204 : vector<512x512xf32>
      %sub3A_1206 = arith.subf %min3A_1202, %max3A_1196 : vector<512x512xf32>
      %jit3A_1207 = arith.constant 0.000000e+00 : f32
      %max3A_1208 = vector.broadcast %jit3A_1207 : f32 to vector<512x512xf32>
      %max3A_1209 = arith.maximumf %max3A_1208, %sub3A_1206 : vector<512x512xf32>
      %sub3A_1210 = arith.subf %min3A_1205, %max3A_1199 : vector<512x512xf32>
      %jit3A_1211 = arith.constant 0.000000e+00 : f32
      %max3A_1212 = vector.broadcast %jit3A_1211 : f32 to vector<512x512xf32>
      %max3A_1213 = arith.maximumf %max3A_1212, %sub3A_1210 : vector<512x512xf32>
      %mul3A_1214 = arith.mulf %max3A_1209, %max3A_1213 : vector<512x512xf32>
      %sub3A_1215 = arith.subf %slice3A_1188, %slice3A_1186 : vector<512x1xf32>
      %sub3A_1216 = arith.subf %slice3A_1189, %slice3A_1187 : vector<512x1xf32>
      %mul3A_1217 = arith.mulf %sub3A_1215, %sub3A_1216 : vector<512x1xf32>
      %sub3A_1218 = arith.subf %slice3A_1192, %slice3A_1190 : vector<1x512xf32>
      %sub3A_1219 = arith.subf %slice3A_1193, %slice3A_1191 : vector<1x512xf32>
      %mul3A_1220 = arith.mulf %sub3A_1218, %sub3A_1219 : vector<1x512xf32>
      %add3A_1221 = vector.broadcast %mul3A_1217 : vector<512x1xf32> to vector<512x512xf32>
      %add3A_1222 = vector.broadcast %mul3A_1220 : vector<1x512xf32> to vector<512x512xf32>
      %add3A_1223 = arith.addf %add3A_1221, %add3A_1222 : vector<512x512xf32>
      %sub3A_1224 = arith.subf %add3A_1223, %mul3A_1214 : vector<512x512xf32>
      %add3A_1225 = arith.constant 9.99999993E-9 : f32
      %add3A_1226 = vector.broadcast %add3A_1225 : f32 to vector<512x512xf32>
      %add3A_1227 = arith.addf %sub3A_1224, %add3A_1226 : vector<512x512xf32>
      %div3A_1228 = arith.divf %mul3A_1214, %add3A_1227 : vector<512x512xf32>
      %gt3A_1229 = arith.constant 5.000000e-01 : f32
      %gt3A_1230 = vector.broadcast %gt3A_1229 : f32 to vector<512x512xf32>
      %gt3A_1231 = arith.cmpf ogt, %div3A_1228, %gt3A_1230 : vector<512x512xf32>
      %convert_element_type3A_1232 = arith.extui %gt3A_1231 : vector<512x512xi1> to vector<512x512xi32>
      %convert_element_type3A_1233 = arith.sitofp %convert_element_type3A_1232 : vector<512x512xi32> to vector<512x512xf32>
      %get3A_1234 = arith.constant 0 : index
      %get3A_1235 = arith.constant 2560 : index
      %get3A_1236 = vector.load %arg6[%get3A_1234, %get3A_1235] : memref<1x5120xf32, #tpu.memory_space<vmem>>, vector<1x512xf32>
      %get3A_1237 = arith.constant 0 : index
      %get3A_1238 = arith.constant 0 : index
      %get3A_1239 = vector.load %arg7[%get3A_1237, %get3A_1238] : memref<1x512xf32, #tpu.memory_space<vmem>>, vector<1x512xf32>
      %dot_general3A_1240 = arith.constant dense<0.000000e+00> : vector<1x512xf32>
      %dot_general3A_1241 = tpu.matmul %get3A_1236, %convert_element_type3A_1233, %dot_general3A_1240 {dimension_numbers = #tpu.dot_dimension_numbers<[1], [0], [0], [1], [0, 0, 1, 1], [], []>, transpose_lhs_hint = false} : vector<1x512xf32>, vector<512x512xf32>, vector<1x512xf32> -> vector<1x512xf32>
      %add3A_1242 = arith.addf %get3A_1239, %dot_general3A_1241 : vector<1x512xf32>
      %swap3A_1243 = arith.constant 0 : index
      %swap3A_1244 = arith.constant 0 : index
      %swap3A_1245 = vector.load %arg7[%swap3A_1243, %swap3A_1244] : memref<1x512xf32, #tpu.memory_space<vmem>>, vector<1x512xf32>
      tpu.vector_store %arg7[%swap3A_1243, %swap3A_1244], %add3A_1242 {strides = array<i32>} : memref<1x512xf32, #tpu.memory_space<vmem>>, vector<1x512xf32>,
    } else {
    }
    %get3A_771 = arith.constant 0 : index
    %get3A_772 = arith.constant 0 : index
    %get3A_773 = vector.load %arg7[%get3A_771, %get3A_772] : memref<1x512xf32, #tpu.memory_space<vmem>>, vector<1x512xf32>
    %eq3A_774 = arith.constant 0.000000e+00 : f32
    %eq3A_775 = vector.broadcast %eq3A_774 : f32 to vector<1x512xf32>
    %eq3A_776 = arith.cmpf oeq, %get3A_773, %eq3A_775 : vector<1x512xf32>
    %convert_element_type3A_777 = arith.extui %eq3A_776 : vector<1x512xi1> to vector<1x512xi32>
    %convert_element_type3A_778 = arith.sitofp %convert_element_type3A_777 : vector<1x512xi32> to vector<1x512xf32>
    %mul3A_779 = arith.mulf %convert_element_type3A_741, %convert_element_type3A_778 : vector<1x512xf32>
    %slice3A_780 = vector.extract_strided_slice %add3A_15 {offsets = [3072, 0], sizes = [512, 1], strides = [1, 1]} : vector<5120x4xf32> to vector<512x1xf32>
    %slice3A_781 = vector.extract_strided_slice %add3A_15 {offsets = [3072, 1], sizes = [512, 1], strides = [1, 1]} : vector<5120x4xf32> to vector<512x1xf32>
    %slice3A_782 = vector.extract_strided_slice %add3A_15 {offsets = [3072, 2], sizes = [512, 1], strides = [1, 1]} : vector<5120x4xf32> to vector<512x1xf32>
    %slice3A_783 = vector.extract_strided_slice %add3A_15 {offsets = [3072, 3], sizes = [512, 1], strides = [1, 1]} : vector<5120x4xf32> to vector<512x1xf32>
    %slice3A_784 = vector.extract_strided_slice %add3A_25 {offsets = [0, 3072], sizes = [1, 512], strides = [1, 1]} : vector<4x5120xf32> to vector<1x512xf32>
    %slice3A_785 = vector.extract_strided_slice %add3A_25 {offsets = [1, 3072], sizes = [1, 512], strides = [1, 1]} : vector<4x5120xf32> to vector<1x512xf32>
    %slice3A_786 = vector.extract_strided_slice %add3A_25 {offsets = [2, 3072], sizes = [1, 512], strides = [1, 1]} : vector<4x5120xf32> to vector<1x512xf32>
    %slice3A_787 = vector.extract_strided_slice %add3A_25 {offsets = [3, 3072], sizes = [1, 512], strides = [1, 1]} : vector<4x5120xf32> to vector<1x512xf32>
    %max3A_788 = vector.broadcast %slice3A_780 : vector<512x1xf32> to vector<512x512xf32>
    %max3A_789 = vector.broadcast %slice3A_784 : vector<1x512xf32> to vector<512x512xf32>
    %max3A_790 = arith.maximumf %max3A_788, %max3A_789 : vector<512x512xf32>
    %max3A_791 = vector.broadcast %slice3A_781 : vector<512x1xf32> to vector<512x512xf32>
    %max3A_792 = vector.broadcast %slice3A_785 : vector<1x512xf32> to vector<512x512xf32>
    %max3A_793 = arith.maximumf %max3A_791, %max3A_792 : vector<512x512xf32>
    %min3A_794 = vector.broadcast %slice3A_782 : vector<512x1xf32> to vector<512x512xf32>
    %min3A_795 = vector.broadcast %slice3A_786 : vector<1x512xf32> to vector<512x512xf32>
    %min3A_796 = arith.minimumf %min3A_794, %min3A_795 : vector<512x512xf32>
    %min3A_797 = vector.broadcast %slice3A_783 : vector<512x1xf32> to vector<512x512xf32>
    %min3A_798 = vector.broadcast %slice3A_787 : vector<1x512xf32> to vector<512x512xf32>
    %min3A_799 = arith.minimumf %min3A_797, %min3A_798 : vector<512x512xf32>
    %sub3A_800 = arith.subf %min3A_796, %max3A_790 : vector<512x512xf32>
    %jit3A_801 = arith.constant 0.000000e+00 : f32
    %max3A_802 = vector.broadcast %jit3A_801 : f32 to vector<512x512xf32>
    %max3A_803 = arith.maximumf %max3A_802, %sub3A_800 : vector<512x512xf32>
    %sub3A_804 = arith.subf %min3A_799, %max3A_793 : vector<512x512xf32>
    %jit3A_805 = arith.constant 0.000000e+00 : f32
    %max3A_806 = vector.broadcast %jit3A_805 : f32 to vector<512x512xf32>
    %max3A_807 = arith.maximumf %max3A_806, %sub3A_804 : vector<512x512xf32>
    %mul3A_808 = arith.mulf %max3A_803, %max3A_807 : vector<512x512xf32>
    %sub3A_809 = arith.subf %slice3A_782, %slice3A_780 : vector<512x1xf32>
    %sub3A_810 = arith.subf %slice3A_783, %slice3A_781 : vector<512x1xf32>
    %mul3A_811 = arith.mulf %sub3A_809, %sub3A_810 : vector<512x1xf32>
    %sub3A_812 = arith.subf %slice3A_786, %slice3A_784 : vector<1x512xf32>
    %sub3A_813 = arith.subf %slice3A_787, %slice3A_785 : vector<1x512xf32>
    %mul3A_814 = arith.mulf %sub3A_812, %sub3A_813 : vector<1x512xf32>
    %add3A_815 = vector.broadcast %mul3A_811 : vector<512x1xf32> to vector<512x512xf32>
    %add3A_816 = vector.broadcast %mul3A_814 : vector<1x512xf32> to vector<512x512xf32>
    %add3A_817 = arith.addf %add3A_815, %add3A_816 : vector<512x512xf32>
    %sub3A_818 = arith.subf %add3A_817, %mul3A_808 : vector<512x512xf32>
    %add3A_819 = arith.constant 9.99999993E-9 : f32
    %add3A_820 = vector.broadcast %add3A_819 : f32 to vector<512x512xf32>
    %add3A_821 = arith.addf %sub3A_818, %add3A_820 : vector<512x512xf32>
    %div3A_822 = arith.divf %mul3A_808, %add3A_821 : vector<512x512xf32>
    %gt3A_823 = arith.constant 5.000000e-01 : f32
    %gt3A_824 = vector.broadcast %gt3A_823 : f32 to vector<512x512xf32>
    %gt3A_825 = arith.cmpf ogt, %div3A_822, %gt3A_824 : vector<512x512xf32>
    %convert_element_type3A_826 = arith.extui %gt3A_825 : vector<512x512xi1> to vector<512x512xi32>
    %convert_element_type3A_827 = arith.sitofp %convert_element_type3A_826 : vector<512x512xi32> to vector<512x512xf32>
    %mul3A_828 = arith.mulf %convert_element_type3A_827, %convert_element_type3A_27 : vector<512x512xf32>
    %dot_general3A_829 = arith.constant dense<0.000000e+00> : vector<1x512xf32>
    %dot_general3A_830 = tpu.matmul %mul3A_779, %mul3A_828, %dot_general3A_829 {dimension_numbers = #tpu.dot_dimension_numbers<[1], [0], [0], [1], [0, 0, 1, 1], [], []>, transpose_lhs_hint = false} : vector<1x512xf32>, vector<512x512xf32>, vector<1x512xf32> -> vector<1x512xf32>
    %eq3A_831 = arith.constant 0.000000e+00 : f32
    %eq3A_832 = vector.broadcast %eq3A_831 : f32 to vector<1x512xf32>
    %eq3A_833 = arith.cmpf oeq, %dot_general3A_830, %eq3A_832 : vector<1x512xf32>
    %convert_element_type3A_834 = arith.extui %eq3A_833 : vector<1x512xi1> to vector<1x512xi32>
    %convert_element_type3A_835 = arith.sitofp %convert_element_type3A_834 : vector<1x512xi32> to vector<1x512xf32>
    %mul3A_836 = arith.mulf %mul3A_779, %convert_element_type3A_835 : vector<1x512xf32>
    %while3A_837:2 = scf.while (%while3A_1186 = %mul3A_836, %while3A_1187 = %mul3A_779) : (vector<1x512xf32>, vector<1x512xf32>) -> (vector<1x512xf32>, vector<1x512xf32>) {
      %ne3A = arith.cmpf one, %while3A_1186, %while3A_1187 : vector<1x512xf32>
      %reduce_or3A = arith.constant 1.000000e+00 : f32
      %reduce_or3A_1188 = arith.constant 0.000000e+00 : f32
      %reduce_or3A_1189 = vector.broadcast %reduce_or3A : f32 to vector<1x512xf32>
      %reduce_or3A_1190 = vector.broadcast %reduce_or3A_1188 : f32 to vector<1x512xf32>
      %reduce_or3A_1191 = arith.select %ne3A, %reduce_or3A_1189, %reduce_or3A_1190 : vector<1x512xi1>, vector<1x512xf32>
      %reduce_or3A_1192 = vector.shape_cast %reduce_or3A_1191 : vector<1x512xf32> to vector<1x1x512xf32>
      %reduce_or3A_1193 = arith.constant dense<0xFF800000> : vector<1xf32>
      %reduce_or3A_1194 = vector.multi_reduction <maximumf>, %reduce_or3A_1192, %reduce_or3A_1193 [1, 2] : vector<1x1x512xf32> to vector<1xf32>
      %reduce_or3A_1195 = vector.shape_cast %reduce_or3A_1194 : vector<1xf32> to vector<1x1x1xf32>
      %reduce_or3A_1196 = vector.extract %reduce_or3A_1195[0, 0, 0] : f32 from vector<1x1x1xf32>
      %reduce_or3A_1197 = arith.constant 0.000000e+00 : f32
      %reduce_or3A_1198 = arith.cmpf ogt, %reduce_or3A_1196, %reduce_or3A_1197 : f32
      scf.condition(%reduce_or3A_1198) %while3A_1186, %while3A_1187 : vector<1x512xf32>, vector<1x512xf32>
    } do {
    ^bb0(%while3A_1186: vector<1x512xf32>, %while3A_1187: vector<1x512xf32>):
      %dot_general3A_1188 = arith.constant dense<0.000000e+00> : vector<1x512xf32>
      %dot_general3A_1189 = tpu.matmul %while3A_1186, %mul3A_828, %dot_general3A_1188 {dimension_numbers = #tpu.dot_dimension_numbers<[1], [0], [0], [1], [0, 0, 1, 1], [], []>, transpose_lhs_hint = false} : vector<1x512xf32>, vector<512x512xf32>, vector<1x512xf32> -> vector<1x512xf32>
      %eq3A_1190 = arith.constant 0.000000e+00 : f32
      %eq3A_1191 = vector.broadcast %eq3A_1190 : f32 to vector<1x512xf32>
      %eq3A_1192 = arith.cmpf oeq, %dot_general3A_1189, %eq3A_1191 : vector<1x512xf32>
      %convert_element_type3A_1193 = arith.extui %eq3A_1192 : vector<1x512xi1> to vector<1x512xi32>
      %convert_element_type3A_1194 = arith.sitofp %convert_element_type3A_1193 : vector<1x512xi32> to vector<1x512xf32>
      %mul3A_1195 = arith.mulf %mul3A_779, %convert_element_type3A_1194 : vector<1x512xf32>
      scf.yield %mul3A_1195, %while3A_1186 : vector<1x512xf32>, vector<1x512xf32>
    }
    %swap3A_838 = arith.constant 0 : index
    %swap3A_839 = arith.constant 3072 : index
    %swap3A_840 = vector.load %arg6[%swap3A_838, %swap3A_839] : memref<1x5120xf32, #tpu.memory_space<vmem>>, vector<1x512xf32>
    tpu.vector_store %arg6[%swap3A_838, %swap3A_839], %while3A_837#0 {strides = array<i32>} : memref<1x5120xf32, #tpu.memory_space<vmem>>, vector<1x512xf32>,
    %get3A_841 = arith.constant 0 : index
    %get3A_842 = arith.constant 3584 : index
    %get3A_843 = vector.load %arg5[%get3A_841, %get3A_842] : memref<1x5120xf32, #tpu.memory_space<vmem>>, vector<1x512xf32>
    %gt3A_844 = arith.constant 2.000000e-01 : f32
    %gt3A_845 = vector.broadcast %gt3A_844 : f32 to vector<1x512xf32>
    %gt3A_846 = arith.cmpf ogt, %get3A_843, %gt3A_845 : vector<1x512xf32>
    %convert_element_type3A_847 = arith.extui %gt3A_846 : vector<1x512xi1> to vector<1x512xi32>
    %convert_element_type3A_848 = arith.sitofp %convert_element_type3A_847 : vector<1x512xi32> to vector<1x512xf32>
    %broadcast_in_dim3A_849 = arith.constant 0.000000e+00 : f32
    %broadcast_in_dim3A_850 = vector.broadcast %broadcast_in_dim3A_849 : f32 to vector<1x512xf32>
    %swap3A_851 = arith.constant 0 : index
    %swap3A_852 = arith.constant 0 : index
    %swap3A_853 = vector.load %arg7[%swap3A_851, %swap3A_852] : memref<1x512xf32, #tpu.memory_space<vmem>>, vector<1x512xf32>
    tpu.vector_store %arg7[%swap3A_851, %swap3A_852], %broadcast_in_dim3A_850 {strides = array<i32>} : memref<1x512xf32, #tpu.memory_space<vmem>>, vector<1x512xf32>,
    %eq3A_854 = arith.cmpi eq, %reduce_max3A_116, %reduce_min3A_89 : i32
    %convert_element_type3A_855 = arith.extui %eq3A_854 : i1 to i32
    %cond3A_856 = arith.constant 0 : i32
    %cond3A_857 = arith.cmpi ne, %convert_element_type3A_855, %cond3A_856 : i32
    scf.if %cond3A_857 {
      %slice3A_1186 = vector.extract_strided_slice %add3A_15 {offsets = [0, 0], sizes = [512, 1], strides = [1, 1]} : vector<5120x4xf32> to vector<512x1xf32>
      %slice3A_1187 = vector.extract_strided_slice %add3A_15 {offsets = [0, 1], sizes = [512, 1], strides = [1, 1]} : vector<5120x4xf32> to vector<512x1xf32>
      %slice3A_1188 = vector.extract_strided_slice %add3A_15 {offsets = [0, 2], sizes = [512, 1], strides = [1, 1]} : vector<5120x4xf32> to vector<512x1xf32>
      %slice3A_1189 = vector.extract_strided_slice %add3A_15 {offsets = [0, 3], sizes = [512, 1], strides = [1, 1]} : vector<5120x4xf32> to vector<512x1xf32>
      %slice3A_1190 = vector.extract_strided_slice %add3A_25 {offsets = [0, 3584], sizes = [1, 512], strides = [1, 1]} : vector<4x5120xf32> to vector<1x512xf32>
      %slice3A_1191 = vector.extract_strided_slice %add3A_25 {offsets = [1, 3584], sizes = [1, 512], strides = [1, 1]} : vector<4x5120xf32> to vector<1x512xf32>
      %slice3A_1192 = vector.extract_strided_slice %add3A_25 {offsets = [2, 3584], sizes = [1, 512], strides = [1, 1]} : vector<4x5120xf32> to vector<1x512xf32>
      %slice3A_1193 = vector.extract_strided_slice %add3A_25 {offsets = [3, 3584], sizes = [1, 512], strides = [1, 1]} : vector<4x5120xf32> to vector<1x512xf32>
      %max3A_1194 = vector.broadcast %slice3A_1186 : vector<512x1xf32> to vector<512x512xf32>
      %max3A_1195 = vector.broadcast %slice3A_1190 : vector<1x512xf32> to vector<512x512xf32>
      %max3A_1196 = arith.maximumf %max3A_1194, %max3A_1195 : vector<512x512xf32>
      %max3A_1197 = vector.broadcast %slice3A_1187 : vector<512x1xf32> to vector<512x512xf32>
      %max3A_1198 = vector.broadcast %slice3A_1191 : vector<1x512xf32> to vector<512x512xf32>
      %max3A_1199 = arith.maximumf %max3A_1197, %max3A_1198 : vector<512x512xf32>
      %min3A_1200 = vector.broadcast %slice3A_1188 : vector<512x1xf32> to vector<512x512xf32>
      %min3A_1201 = vector.broadcast %slice3A_1192 : vector<1x512xf32> to vector<512x512xf32>
      %min3A_1202 = arith.minimumf %min3A_1200, %min3A_1201 : vector<512x512xf32>
      %min3A_1203 = vector.broadcast %slice3A_1189 : vector<512x1xf32> to vector<512x512xf32>
      %min3A_1204 = vector.broadcast %slice3A_1193 : vector<1x512xf32> to vector<512x512xf32>
      %min3A_1205 = arith.minimumf %min3A_1203, %min3A_1204 : vector<512x512xf32>
      %sub3A_1206 = arith.subf %min3A_1202, %max3A_1196 : vector<512x512xf32>
      %jit3A_1207 = arith.constant 0.000000e+00 : f32
      %max3A_1208 = vector.broadcast %jit3A_1207 : f32 to vector<512x512xf32>
      %max3A_1209 = arith.maximumf %max3A_1208, %sub3A_1206 : vector<512x512xf32>
      %sub3A_1210 = arith.subf %min3A_1205, %max3A_1199 : vector<512x512xf32>
      %jit3A_1211 = arith.constant 0.000000e+00 : f32
      %max3A_1212 = vector.broadcast %jit3A_1211 : f32 to vector<512x512xf32>
      %max3A_1213 = arith.maximumf %max3A_1212, %sub3A_1210 : vector<512x512xf32>
      %mul3A_1214 = arith.mulf %max3A_1209, %max3A_1213 : vector<512x512xf32>
      %sub3A_1215 = arith.subf %slice3A_1188, %slice3A_1186 : vector<512x1xf32>
      %sub3A_1216 = arith.subf %slice3A_1189, %slice3A_1187 : vector<512x1xf32>
      %mul3A_1217 = arith.mulf %sub3A_1215, %sub3A_1216 : vector<512x1xf32>
      %sub3A_1218 = arith.subf %slice3A_1192, %slice3A_1190 : vector<1x512xf32>
      %sub3A_1219 = arith.subf %slice3A_1193, %slice3A_1191 : vector<1x512xf32>
      %mul3A_1220 = arith.mulf %sub3A_1218, %sub3A_1219 : vector<1x512xf32>
      %add3A_1221 = vector.broadcast %mul3A_1217 : vector<512x1xf32> to vector<512x512xf32>
      %add3A_1222 = vector.broadcast %mul3A_1220 : vector<1x512xf32> to vector<512x512xf32>
      %add3A_1223 = arith.addf %add3A_1221, %add3A_1222 : vector<512x512xf32>
      %sub3A_1224 = arith.subf %add3A_1223, %mul3A_1214 : vector<512x512xf32>
      %add3A_1225 = arith.constant 9.99999993E-9 : f32
      %add3A_1226 = vector.broadcast %add3A_1225 : f32 to vector<512x512xf32>
      %add3A_1227 = arith.addf %sub3A_1224, %add3A_1226 : vector<512x512xf32>
      %div3A_1228 = arith.divf %mul3A_1214, %add3A_1227 : vector<512x512xf32>
      %gt3A_1229 = arith.constant 5.000000e-01 : f32
      %gt3A_1230 = vector.broadcast %gt3A_1229 : f32 to vector<512x512xf32>
      %gt3A_1231 = arith.cmpf ogt, %div3A_1228, %gt3A_1230 : vector<512x512xf32>
      %convert_element_type3A_1232 = arith.extui %gt3A_1231 : vector<512x512xi1> to vector<512x512xi32>
      %convert_element_type3A_1233 = arith.sitofp %convert_element_type3A_1232 : vector<512x512xi32> to vector<512x512xf32>
      %get3A_1234 = arith.constant 0 : index
      %get3A_1235 = arith.constant 0 : index
      %get3A_1236 = vector.load %arg6[%get3A_1234, %get3A_1235] : memref<1x5120xf32, #tpu.memory_space<vmem>>, vector<1x512xf32>
      %get3A_1237 = arith.constant 0 : index
      %get3A_1238 = arith.constant 0 : index
      %get3A_1239 = vector.load %arg7[%get3A_1237, %get3A_1238] : memref<1x512xf32, #tpu.memory_space<vmem>>, vector<1x512xf32>
      %dot_general3A_1240 = arith.constant dense<0.000000e+00> : vector<1x512xf32>
      %dot_general3A_1241 = tpu.matmul %get3A_1236, %convert_element_type3A_1233, %dot_general3A_1240 {dimension_numbers = #tpu.dot_dimension_numbers<[1], [0], [0], [1], [0, 0, 1, 1], [], []>, transpose_lhs_hint = false} : vector<1x512xf32>, vector<512x512xf32>, vector<1x512xf32> -> vector<1x512xf32>
      %add3A_1242 = arith.addf %get3A_1239, %dot_general3A_1241 : vector<1x512xf32>
      %swap3A_1243 = arith.constant 0 : index
      %swap3A_1244 = arith.constant 0 : index
      %swap3A_1245 = vector.load %arg7[%swap3A_1243, %swap3A_1244] : memref<1x512xf32, #tpu.memory_space<vmem>>, vector<1x512xf32>
      tpu.vector_store %arg7[%swap3A_1243, %swap3A_1244], %add3A_1242 {strides = array<i32>} : memref<1x512xf32, #tpu.memory_space<vmem>>, vector<1x512xf32>,
    } else {
    }
    %eq3A_858 = arith.cmpi eq, %reduce_max3A_125, %reduce_min3A_89 : i32
    %convert_element_type3A_859 = arith.extui %eq3A_858 : i1 to i32
    %cond3A_860 = arith.constant 0 : i32
    %cond3A_861 = arith.cmpi ne, %convert_element_type3A_859, %cond3A_860 : i32
    scf.if %cond3A_861 {
      %slice3A_1186 = vector.extract_strided_slice %add3A_15 {offsets = [512, 0], sizes = [512, 1], strides = [1, 1]} : vector<5120x4xf32> to vector<512x1xf32>
      %slice3A_1187 = vector.extract_strided_slice %add3A_15 {offsets = [512, 1], sizes = [512, 1], strides = [1, 1]} : vector<5120x4xf32> to vector<512x1xf32>
      %slice3A_1188 = vector.extract_strided_slice %add3A_15 {offsets = [512, 2], sizes = [512, 1], strides = [1, 1]} : vector<5120x4xf32> to vector<512x1xf32>
      %slice3A_1189 = vector.extract_strided_slice %add3A_15 {offsets = [512, 3], sizes = [512, 1], strides = [1, 1]} : vector<5120x4xf32> to vector<512x1xf32>
      %slice3A_1190 = vector.extract_strided_slice %add3A_25 {offsets = [0, 3584], sizes = [1, 512], strides = [1, 1]} : vector<4x5120xf32> to vector<1x512xf32>
      %slice3A_1191 = vector.extract_strided_slice %add3A_25 {offsets = [1, 3584], sizes = [1, 512], strides = [1, 1]} : vector<4x5120xf32> to vector<1x512xf32>
      %slice3A_1192 = vector.extract_strided_slice %add3A_25 {offsets = [2, 3584], sizes = [1, 512], strides = [1, 1]} : vector<4x5120xf32> to vector<1x512xf32>
      %slice3A_1193 = vector.extract_strided_slice %add3A_25 {offsets = [3, 3584], sizes = [1, 512], strides = [1, 1]} : vector<4x5120xf32> to vector<1x512xf32>
      %max3A_1194 = vector.broadcast %slice3A_1186 : vector<512x1xf32> to vector<512x512xf32>
      %max3A_1195 = vector.broadcast %slice3A_1190 : vector<1x512xf32> to vector<512x512xf32>
      %max3A_1196 = arith.maximumf %max3A_1194, %max3A_1195 : vector<512x512xf32>
      %max3A_1197 = vector.broadcast %slice3A_1187 : vector<512x1xf32> to vector<512x512xf32>
      %max3A_1198 = vector.broadcast %slice3A_1191 : vector<1x512xf32> to vector<512x512xf32>
      %max3A_1199 = arith.maximumf %max3A_1197, %max3A_1198 : vector<512x512xf32>
      %min3A_1200 = vector.broadcast %slice3A_1188 : vector<512x1xf32> to vector<512x512xf32>
      %min3A_1201 = vector.broadcast %slice3A_1192 : vector<1x512xf32> to vector<512x512xf32>
      %min3A_1202 = arith.minimumf %min3A_1200, %min3A_1201 : vector<512x512xf32>
      %min3A_1203 = vector.broadcast %slice3A_1189 : vector<512x1xf32> to vector<512x512xf32>
      %min3A_1204 = vector.broadcast %slice3A_1193 : vector<1x512xf32> to vector<512x512xf32>
      %min3A_1205 = arith.minimumf %min3A_1203, %min3A_1204 : vector<512x512xf32>
      %sub3A_1206 = arith.subf %min3A_1202, %max3A_1196 : vector<512x512xf32>
      %jit3A_1207 = arith.constant 0.000000e+00 : f32
      %max3A_1208 = vector.broadcast %jit3A_1207 : f32 to vector<512x512xf32>
      %max3A_1209 = arith.maximumf %max3A_1208, %sub3A_1206 : vector<512x512xf32>
      %sub3A_1210 = arith.subf %min3A_1205, %max3A_1199 : vector<512x512xf32>
      %jit3A_1211 = arith.constant 0.000000e+00 : f32
      %max3A_1212 = vector.broadcast %jit3A_1211 : f32 to vector<512x512xf32>
      %max3A_1213 = arith.maximumf %max3A_1212, %sub3A_1210 : vector<512x512xf32>
      %mul3A_1214 = arith.mulf %max3A_1209, %max3A_1213 : vector<512x512xf32>
      %sub3A_1215 = arith.subf %slice3A_1188, %slice3A_1186 : vector<512x1xf32>
      %sub3A_1216 = arith.subf %slice3A_1189, %slice3A_1187 : vector<512x1xf32>
      %mul3A_1217 = arith.mulf %sub3A_1215, %sub3A_1216 : vector<512x1xf32>
      %sub3A_1218 = arith.subf %slice3A_1192, %slice3A_1190 : vector<1x512xf32>
      %sub3A_1219 = arith.subf %slice3A_1193, %slice3A_1191 : vector<1x512xf32>
      %mul3A_1220 = arith.mulf %sub3A_1218, %sub3A_1219 : vector<1x512xf32>
      %add3A_1221 = vector.broadcast %mul3A_1217 : vector<512x1xf32> to vector<512x512xf32>
      %add3A_1222 = vector.broadcast %mul3A_1220 : vector<1x512xf32> to vector<512x512xf32>
      %add3A_1223 = arith.addf %add3A_1221, %add3A_1222 : vector<512x512xf32>
      %sub3A_1224 = arith.subf %add3A_1223, %mul3A_1214 : vector<512x512xf32>
      %add3A_1225 = arith.constant 9.99999993E-9 : f32
      %add3A_1226 = vector.broadcast %add3A_1225 : f32 to vector<512x512xf32>
      %add3A_1227 = arith.addf %sub3A_1224, %add3A_1226 : vector<512x512xf32>
      %div3A_1228 = arith.divf %mul3A_1214, %add3A_1227 : vector<512x512xf32>
      %gt3A_1229 = arith.constant 5.000000e-01 : f32
      %gt3A_1230 = vector.broadcast %gt3A_1229 : f32 to vector<512x512xf32>
      %gt3A_1231 = arith.cmpf ogt, %div3A_1228, %gt3A_1230 : vector<512x512xf32>
      %convert_element_type3A_1232 = arith.extui %gt3A_1231 : vector<512x512xi1> to vector<512x512xi32>
      %convert_element_type3A_1233 = arith.sitofp %convert_element_type3A_1232 : vector<512x512xi32> to vector<512x512xf32>
      %get3A_1234 = arith.constant 0 : index
      %get3A_1235 = arith.constant 512 : index
      %get3A_1236 = vector.load %arg6[%get3A_1234, %get3A_1235] : memref<1x5120xf32, #tpu.memory_space<vmem>>, vector<1x512xf32>
      %get3A_1237 = arith.constant 0 : index
      %get3A_1238 = arith.constant 0 : index
      %get3A_1239 = vector.load %arg7[%get3A_1237, %get3A_1238] : memref<1x512xf32, #tpu.memory_space<vmem>>, vector<1x512xf32>
      %dot_general3A_1240 = arith.constant dense<0.000000e+00> : vector<1x512xf32>
      %dot_general3A_1241 = tpu.matmul %get3A_1236, %convert_element_type3A_1233, %dot_general3A_1240 {dimension_numbers = #tpu.dot_dimension_numbers<[1], [0], [0], [1], [0, 0, 1, 1], [], []>, transpose_lhs_hint = false} : vector<1x512xf32>, vector<512x512xf32>, vector<1x512xf32> -> vector<1x512xf32>
      %add3A_1242 = arith.addf %get3A_1239, %dot_general3A_1241 : vector<1x512xf32>
      %swap3A_1243 = arith.constant 0 : index
      %swap3A_1244 = arith.constant 0 : index
      %swap3A_1245 = vector.load %arg7[%swap3A_1243, %swap3A_1244] : memref<1x512xf32, #tpu.memory_space<vmem>>, vector<1x512xf32>
      tpu.vector_store %arg7[%swap3A_1243, %swap3A_1244], %add3A_1242 {strides = array<i32>} : memref<1x512xf32, #tpu.memory_space<vmem>>, vector<1x512xf32>,
    } else {
    }
    %eq3A_862 = arith.cmpi eq, %reduce_max3A_134, %reduce_min3A_89 : i32
    %convert_element_type3A_863 = arith.extui %eq3A_862 : i1 to i32
    %cond3A_864 = arith.constant 0 : i32
    %cond3A_865 = arith.cmpi ne, %convert_element_type3A_863, %cond3A_864 : i32
    scf.if %cond3A_865 {
      %slice3A_1186 = vector.extract_strided_slice %add3A_15 {offsets = [1024, 0], sizes = [512, 1], strides = [1, 1]} : vector<5120x4xf32> to vector<512x1xf32>
      %slice3A_1187 = vector.extract_strided_slice %add3A_15 {offsets = [1024, 1], sizes = [512, 1], strides = [1, 1]} : vector<5120x4xf32> to vector<512x1xf32>
      %slice3A_1188 = vector.extract_strided_slice %add3A_15 {offsets = [1024, 2], sizes = [512, 1], strides = [1, 1]} : vector<5120x4xf32> to vector<512x1xf32>
      %slice3A_1189 = vector.extract_strided_slice %add3A_15 {offsets = [1024, 3], sizes = [512, 1], strides = [1, 1]} : vector<5120x4xf32> to vector<512x1xf32>
      %slice3A_1190 = vector.extract_strided_slice %add3A_25 {offsets = [0, 3584], sizes = [1, 512], strides = [1, 1]} : vector<4x5120xf32> to vector<1x512xf32>
      %slice3A_1191 = vector.extract_strided_slice %add3A_25 {offsets = [1, 3584], sizes = [1, 512], strides = [1, 1]} : vector<4x5120xf32> to vector<1x512xf32>
      %slice3A_1192 = vector.extract_strided_slice %add3A_25 {offsets = [2, 3584], sizes = [1, 512], strides = [1, 1]} : vector<4x5120xf32> to vector<1x512xf32>
      %slice3A_1193 = vector.extract_strided_slice %add3A_25 {offsets = [3, 3584], sizes = [1, 512], strides = [1, 1]} : vector<4x5120xf32> to vector<1x512xf32>
      %max3A_1194 = vector.broadcast %slice3A_1186 : vector<512x1xf32> to vector<512x512xf32>
      %max3A_1195 = vector.broadcast %slice3A_1190 : vector<1x512xf32> to vector<512x512xf32>
      %max3A_1196 = arith.maximumf %max3A_1194, %max3A_1195 : vector<512x512xf32>
      %max3A_1197 = vector.broadcast %slice3A_1187 : vector<512x1xf32> to vector<512x512xf32>
      %max3A_1198 = vector.broadcast %slice3A_1191 : vector<1x512xf32> to vector<512x512xf32>
      %max3A_1199 = arith.maximumf %max3A_1197, %max3A_1198 : vector<512x512xf32>
      %min3A_1200 = vector.broadcast %slice3A_1188 : vector<512x1xf32> to vector<512x512xf32>
      %min3A_1201 = vector.broadcast %slice3A_1192 : vector<1x512xf32> to vector<512x512xf32>
      %min3A_1202 = arith.minimumf %min3A_1200, %min3A_1201 : vector<512x512xf32>
      %min3A_1203 = vector.broadcast %slice3A_1189 : vector<512x1xf32> to vector<512x512xf32>
      %min3A_1204 = vector.broadcast %slice3A_1193 : vector<1x512xf32> to vector<512x512xf32>
      %min3A_1205 = arith.minimumf %min3A_1203, %min3A_1204 : vector<512x512xf32>
      %sub3A_1206 = arith.subf %min3A_1202, %max3A_1196 : vector<512x512xf32>
      %jit3A_1207 = arith.constant 0.000000e+00 : f32
      %max3A_1208 = vector.broadcast %jit3A_1207 : f32 to vector<512x512xf32>
      %max3A_1209 = arith.maximumf %max3A_1208, %sub3A_1206 : vector<512x512xf32>
      %sub3A_1210 = arith.subf %min3A_1205, %max3A_1199 : vector<512x512xf32>
      %jit3A_1211 = arith.constant 0.000000e+00 : f32
      %max3A_1212 = vector.broadcast %jit3A_1211 : f32 to vector<512x512xf32>
      %max3A_1213 = arith.maximumf %max3A_1212, %sub3A_1210 : vector<512x512xf32>
      %mul3A_1214 = arith.mulf %max3A_1209, %max3A_1213 : vector<512x512xf32>
      %sub3A_1215 = arith.subf %slice3A_1188, %slice3A_1186 : vector<512x1xf32>
      %sub3A_1216 = arith.subf %slice3A_1189, %slice3A_1187 : vector<512x1xf32>
      %mul3A_1217 = arith.mulf %sub3A_1215, %sub3A_1216 : vector<512x1xf32>
      %sub3A_1218 = arith.subf %slice3A_1192, %slice3A_1190 : vector<1x512xf32>
      %sub3A_1219 = arith.subf %slice3A_1193, %slice3A_1191 : vector<1x512xf32>
      %mul3A_1220 = arith.mulf %sub3A_1218, %sub3A_1219 : vector<1x512xf32>
      %add3A_1221 = vector.broadcast %mul3A_1217 : vector<512x1xf32> to vector<512x512xf32>
      %add3A_1222 = vector.broadcast %mul3A_1220 : vector<1x512xf32> to vector<512x512xf32>
      %add3A_1223 = arith.addf %add3A_1221, %add3A_1222 : vector<512x512xf32>
      %sub3A_1224 = arith.subf %add3A_1223, %mul3A_1214 : vector<512x512xf32>
      %add3A_1225 = arith.constant 9.99999993E-9 : f32
      %add3A_1226 = vector.broadcast %add3A_1225 : f32 to vector<512x512xf32>
      %add3A_1227 = arith.addf %sub3A_1224, %add3A_1226 : vector<512x512xf32>
      %div3A_1228 = arith.divf %mul3A_1214, %add3A_1227 : vector<512x512xf32>
      %gt3A_1229 = arith.constant 5.000000e-01 : f32
      %gt3A_1230 = vector.broadcast %gt3A_1229 : f32 to vector<512x512xf32>
      %gt3A_1231 = arith.cmpf ogt, %div3A_1228, %gt3A_1230 : vector<512x512xf32>
      %convert_element_type3A_1232 = arith.extui %gt3A_1231 : vector<512x512xi1> to vector<512x512xi32>
      %convert_element_type3A_1233 = arith.sitofp %convert_element_type3A_1232 : vector<512x512xi32> to vector<512x512xf32>
      %get3A_1234 = arith.constant 0 : index
      %get3A_1235 = arith.constant 1024 : index
      %get3A_1236 = vector.load %arg6[%get3A_1234, %get3A_1235] : memref<1x5120xf32, #tpu.memory_space<vmem>>, vector<1x512xf32>
      %get3A_1237 = arith.constant 0 : index
      %get3A_1238 = arith.constant 0 : index
      %get3A_1239 = vector.load %arg7[%get3A_1237, %get3A_1238] : memref<1x512xf32, #tpu.memory_space<vmem>>, vector<1x512xf32>
      %dot_general3A_1240 = arith.constant dense<0.000000e+00> : vector<1x512xf32>
      %dot_general3A_1241 = tpu.matmul %get3A_1236, %convert_element_type3A_1233, %dot_general3A_1240 {dimension_numbers = #tpu.dot_dimension_numbers<[1], [0], [0], [1], [0, 0, 1, 1], [], []>, transpose_lhs_hint = false} : vector<1x512xf32>, vector<512x512xf32>, vector<1x512xf32> -> vector<1x512xf32>
      %add3A_1242 = arith.addf %get3A_1239, %dot_general3A_1241 : vector<1x512xf32>
      %swap3A_1243 = arith.constant 0 : index
      %swap3A_1244 = arith.constant 0 : index
      %swap3A_1245 = vector.load %arg7[%swap3A_1243, %swap3A_1244] : memref<1x512xf32, #tpu.memory_space<vmem>>, vector<1x512xf32>
      tpu.vector_store %arg7[%swap3A_1243, %swap3A_1244], %add3A_1242 {strides = array<i32>} : memref<1x512xf32, #tpu.memory_space<vmem>>, vector<1x512xf32>,
    } else {
    }
    %eq3A_866 = arith.cmpi eq, %reduce_max3A_143, %reduce_min3A_89 : i32
    %convert_element_type3A_867 = arith.extui %eq3A_866 : i1 to i32
    %cond3A_868 = arith.constant 0 : i32
    %cond3A_869 = arith.cmpi ne, %convert_element_type3A_867, %cond3A_868 : i32
    scf.if %cond3A_869 {
      %slice3A_1186 = vector.extract_strided_slice %add3A_15 {offsets = [1536, 0], sizes = [512, 1], strides = [1, 1]} : vector<5120x4xf32> to vector<512x1xf32>
      %slice3A_1187 = vector.extract_strided_slice %add3A_15 {offsets = [1536, 1], sizes = [512, 1], strides = [1, 1]} : vector<5120x4xf32> to vector<512x1xf32>
      %slice3A_1188 = vector.extract_strided_slice %add3A_15 {offsets = [1536, 2], sizes = [512, 1], strides = [1, 1]} : vector<5120x4xf32> to vector<512x1xf32>
      %slice3A_1189 = vector.extract_strided_slice %add3A_15 {offsets = [1536, 3], sizes = [512, 1], strides = [1, 1]} : vector<5120x4xf32> to vector<512x1xf32>
      %slice3A_1190 = vector.extract_strided_slice %add3A_25 {offsets = [0, 3584], sizes = [1, 512], strides = [1, 1]} : vector<4x5120xf32> to vector<1x512xf32>
      %slice3A_1191 = vector.extract_strided_slice %add3A_25 {offsets = [1, 3584], sizes = [1, 512], strides = [1, 1]} : vector<4x5120xf32> to vector<1x512xf32>
      %slice3A_1192 = vector.extract_strided_slice %add3A_25 {offsets = [2, 3584], sizes = [1, 512], strides = [1, 1]} : vector<4x5120xf32> to vector<1x512xf32>
      %slice3A_1193 = vector.extract_strided_slice %add3A_25 {offsets = [3, 3584], sizes = [1, 512], strides = [1, 1]} : vector<4x5120xf32> to vector<1x512xf32>
      %max3A_1194 = vector.broadcast %slice3A_1186 : vector<512x1xf32> to vector<512x512xf32>
      %max3A_1195 = vector.broadcast %slice3A_1190 : vector<1x512xf32> to vector<512x512xf32>
      %max3A_1196 = arith.maximumf %max3A_1194, %max3A_1195 : vector<512x512xf32>
      %max3A_1197 = vector.broadcast %slice3A_1187 : vector<512x1xf32> to vector<512x512xf32>
      %max3A_1198 = vector.broadcast %slice3A_1191 : vector<1x512xf32> to vector<512x512xf32>
      %max3A_1199 = arith.maximumf %max3A_1197, %max3A_1198 : vector<512x512xf32>
      %min3A_1200 = vector.broadcast %slice3A_1188 : vector<512x1xf32> to vector<512x512xf32>
      %min3A_1201 = vector.broadcast %slice3A_1192 : vector<1x512xf32> to vector<512x512xf32>
      %min3A_1202 = arith.minimumf %min3A_1200, %min3A_1201 : vector<512x512xf32>
      %min3A_1203 = vector.broadcast %slice3A_1189 : vector<512x1xf32> to vector<512x512xf32>
      %min3A_1204 = vector.broadcast %slice3A_1193 : vector<1x512xf32> to vector<512x512xf32>
      %min3A_1205 = arith.minimumf %min3A_1203, %min3A_1204 : vector<512x512xf32>
      %sub3A_1206 = arith.subf %min3A_1202, %max3A_1196 : vector<512x512xf32>
      %jit3A_1207 = arith.constant 0.000000e+00 : f32
      %max3A_1208 = vector.broadcast %jit3A_1207 : f32 to vector<512x512xf32>
      %max3A_1209 = arith.maximumf %max3A_1208, %sub3A_1206 : vector<512x512xf32>
      %sub3A_1210 = arith.subf %min3A_1205, %max3A_1199 : vector<512x512xf32>
      %jit3A_1211 = arith.constant 0.000000e+00 : f32
      %max3A_1212 = vector.broadcast %jit3A_1211 : f32 to vector<512x512xf32>
      %max3A_1213 = arith.maximumf %max3A_1212, %sub3A_1210 : vector<512x512xf32>
      %mul3A_1214 = arith.mulf %max3A_1209, %max3A_1213 : vector<512x512xf32>
      %sub3A_1215 = arith.subf %slice3A_1188, %slice3A_1186 : vector<512x1xf32>
      %sub3A_1216 = arith.subf %slice3A_1189, %slice3A_1187 : vector<512x1xf32>
      %mul3A_1217 = arith.mulf %sub3A_1215, %sub3A_1216 : vector<512x1xf32>
      %sub3A_1218 = arith.subf %slice3A_1192, %slice3A_1190 : vector<1x512xf32>
      %sub3A_1219 = arith.subf %slice3A_1193, %slice3A_1191 : vector<1x512xf32>
      %mul3A_1220 = arith.mulf %sub3A_1218, %sub3A_1219 : vector<1x512xf32>
      %add3A_1221 = vector.broadcast %mul3A_1217 : vector<512x1xf32> to vector<512x512xf32>
      %add3A_1222 = vector.broadcast %mul3A_1220 : vector<1x512xf32> to vector<512x512xf32>
      %add3A_1223 = arith.addf %add3A_1221, %add3A_1222 : vector<512x512xf32>
      %sub3A_1224 = arith.subf %add3A_1223, %mul3A_1214 : vector<512x512xf32>
      %add3A_1225 = arith.constant 9.99999993E-9 : f32
      %add3A_1226 = vector.broadcast %add3A_1225 : f32 to vector<512x512xf32>
      %add3A_1227 = arith.addf %sub3A_1224, %add3A_1226 : vector<512x512xf32>
      %div3A_1228 = arith.divf %mul3A_1214, %add3A_1227 : vector<512x512xf32>
      %gt3A_1229 = arith.constant 5.000000e-01 : f32
      %gt3A_1230 = vector.broadcast %gt3A_1229 : f32 to vector<512x512xf32>
      %gt3A_1231 = arith.cmpf ogt, %div3A_1228, %gt3A_1230 : vector<512x512xf32>
      %convert_element_type3A_1232 = arith.extui %gt3A_1231 : vector<512x512xi1> to vector<512x512xi32>
      %convert_element_type3A_1233 = arith.sitofp %convert_element_type3A_1232 : vector<512x512xi32> to vector<512x512xf32>
      %get3A_1234 = arith.constant 0 : index
      %get3A_1235 = arith.constant 1536 : index
      %get3A_1236 = vector.load %arg6[%get3A_1234, %get3A_1235] : memref<1x5120xf32, #tpu.memory_space<vmem>>, vector<1x512xf32>
      %get3A_1237 = arith.constant 0 : index
      %get3A_1238 = arith.constant 0 : index
      %get3A_1239 = vector.load %arg7[%get3A_1237, %get3A_1238] : memref<1x512xf32, #tpu.memory_space<vmem>>, vector<1x512xf32>
      %dot_general3A_1240 = arith.constant dense<0.000000e+00> : vector<1x512xf32>
      %dot_general3A_1241 = tpu.matmul %get3A_1236, %convert_element_type3A_1233, %dot_general3A_1240 {dimension_numbers = #tpu.dot_dimension_numbers<[1], [0], [0], [1], [0, 0, 1, 1], [], []>, transpose_lhs_hint = false} : vector<1x512xf32>, vector<512x512xf32>, vector<1x512xf32> -> vector<1x512xf32>
      %add3A_1242 = arith.addf %get3A_1239, %dot_general3A_1241 : vector<1x512xf32>
      %swap3A_1243 = arith.constant 0 : index
      %swap3A_1244 = arith.constant 0 : index
      %swap3A_1245 = vector.load %arg7[%swap3A_1243, %swap3A_1244] : memref<1x512xf32, #tpu.memory_space<vmem>>, vector<1x512xf32>
      tpu.vector_store %arg7[%swap3A_1243, %swap3A_1244], %add3A_1242 {strides = array<i32>} : memref<1x512xf32, #tpu.memory_space<vmem>>, vector<1x512xf32>,
    } else {
    }
    %eq3A_870 = arith.cmpi eq, %reduce_max3A_152, %reduce_min3A_89 : i32
    %convert_element_type3A_871 = arith.extui %eq3A_870 : i1 to i32
    %cond3A_872 = arith.constant 0 : i32
    %cond3A_873 = arith.cmpi ne, %convert_element_type3A_871, %cond3A_872 : i32
    scf.if %cond3A_873 {
      %slice3A_1186 = vector.extract_strided_slice %add3A_15 {offsets = [2048, 0], sizes = [512, 1], strides = [1, 1]} : vector<5120x4xf32> to vector<512x1xf32>
      %slice3A_1187 = vector.extract_strided_slice %add3A_15 {offsets = [2048, 1], sizes = [512, 1], strides = [1, 1]} : vector<5120x4xf32> to vector<512x1xf32>
      %slice3A_1188 = vector.extract_strided_slice %add3A_15 {offsets = [2048, 2], sizes = [512, 1], strides = [1, 1]} : vector<5120x4xf32> to vector<512x1xf32>
      %slice3A_1189 = vector.extract_strided_slice %add3A_15 {offsets = [2048, 3], sizes = [512, 1], strides = [1, 1]} : vector<5120x4xf32> to vector<512x1xf32>
      %slice3A_1190 = vector.extract_strided_slice %add3A_25 {offsets = [0, 3584], sizes = [1, 512], strides = [1, 1]} : vector<4x5120xf32> to vector<1x512xf32>
      %slice3A_1191 = vector.extract_strided_slice %add3A_25 {offsets = [1, 3584], sizes = [1, 512], strides = [1, 1]} : vector<4x5120xf32> to vector<1x512xf32>
      %slice3A_1192 = vector.extract_strided_slice %add3A_25 {offsets = [2, 3584], sizes = [1, 512], strides = [1, 1]} : vector<4x5120xf32> to vector<1x512xf32>
      %slice3A_1193 = vector.extract_strided_slice %add3A_25 {offsets = [3, 3584], sizes = [1, 512], strides = [1, 1]} : vector<4x5120xf32> to vector<1x512xf32>
      %max3A_1194 = vector.broadcast %slice3A_1186 : vector<512x1xf32> to vector<512x512xf32>
      %max3A_1195 = vector.broadcast %slice3A_1190 : vector<1x512xf32> to vector<512x512xf32>
      %max3A_1196 = arith.maximumf %max3A_1194, %max3A_1195 : vector<512x512xf32>
      %max3A_1197 = vector.broadcast %slice3A_1187 : vector<512x1xf32> to vector<512x512xf32>
      %max3A_1198 = vector.broadcast %slice3A_1191 : vector<1x512xf32> to vector<512x512xf32>
      %max3A_1199 = arith.maximumf %max3A_1197, %max3A_1198 : vector<512x512xf32>
      %min3A_1200 = vector.broadcast %slice3A_1188 : vector<512x1xf32> to vector<512x512xf32>
      %min3A_1201 = vector.broadcast %slice3A_1192 : vector<1x512xf32> to vector<512x512xf32>
      %min3A_1202 = arith.minimumf %min3A_1200, %min3A_1201 : vector<512x512xf32>
      %min3A_1203 = vector.broadcast %slice3A_1189 : vector<512x1xf32> to vector<512x512xf32>
      %min3A_1204 = vector.broadcast %slice3A_1193 : vector<1x512xf32> to vector<512x512xf32>
      %min3A_1205 = arith.minimumf %min3A_1203, %min3A_1204 : vector<512x512xf32>
      %sub3A_1206 = arith.subf %min3A_1202, %max3A_1196 : vector<512x512xf32>
      %jit3A_1207 = arith.constant 0.000000e+00 : f32
      %max3A_1208 = vector.broadcast %jit3A_1207 : f32 to vector<512x512xf32>
      %max3A_1209 = arith.maximumf %max3A_1208, %sub3A_1206 : vector<512x512xf32>
      %sub3A_1210 = arith.subf %min3A_1205, %max3A_1199 : vector<512x512xf32>
      %jit3A_1211 = arith.constant 0.000000e+00 : f32
      %max3A_1212 = vector.broadcast %jit3A_1211 : f32 to vector<512x512xf32>
      %max3A_1213 = arith.maximumf %max3A_1212, %sub3A_1210 : vector<512x512xf32>
      %mul3A_1214 = arith.mulf %max3A_1209, %max3A_1213 : vector<512x512xf32>
      %sub3A_1215 = arith.subf %slice3A_1188, %slice3A_1186 : vector<512x1xf32>
      %sub3A_1216 = arith.subf %slice3A_1189, %slice3A_1187 : vector<512x1xf32>
      %mul3A_1217 = arith.mulf %sub3A_1215, %sub3A_1216 : vector<512x1xf32>
      %sub3A_1218 = arith.subf %slice3A_1192, %slice3A_1190 : vector<1x512xf32>
      %sub3A_1219 = arith.subf %slice3A_1193, %slice3A_1191 : vector<1x512xf32>
      %mul3A_1220 = arith.mulf %sub3A_1218, %sub3A_1219 : vector<1x512xf32>
      %add3A_1221 = vector.broadcast %mul3A_1217 : vector<512x1xf32> to vector<512x512xf32>
      %add3A_1222 = vector.broadcast %mul3A_1220 : vector<1x512xf32> to vector<512x512xf32>
      %add3A_1223 = arith.addf %add3A_1221, %add3A_1222 : vector<512x512xf32>
      %sub3A_1224 = arith.subf %add3A_1223, %mul3A_1214 : vector<512x512xf32>
      %add3A_1225 = arith.constant 9.99999993E-9 : f32
      %add3A_1226 = vector.broadcast %add3A_1225 : f32 to vector<512x512xf32>
      %add3A_1227 = arith.addf %sub3A_1224, %add3A_1226 : vector<512x512xf32>
      %div3A_1228 = arith.divf %mul3A_1214, %add3A_1227 : vector<512x512xf32>
      %gt3A_1229 = arith.constant 5.000000e-01 : f32
      %gt3A_1230 = vector.broadcast %gt3A_1229 : f32 to vector<512x512xf32>
      %gt3A_1231 = arith.cmpf ogt, %div3A_1228, %gt3A_1230 : vector<512x512xf32>
      %convert_element_type3A_1232 = arith.extui %gt3A_1231 : vector<512x512xi1> to vector<512x512xi32>
      %convert_element_type3A_1233 = arith.sitofp %convert_element_type3A_1232 : vector<512x512xi32> to vector<512x512xf32>
      %get3A_1234 = arith.constant 0 : index
      %get3A_1235 = arith.constant 2048 : index
      %get3A_1236 = vector.load %arg6[%get3A_1234, %get3A_1235] : memref<1x5120xf32, #tpu.memory_space<vmem>>, vector<1x512xf32>
      %get3A_1237 = arith.constant 0 : index
      %get3A_1238 = arith.constant 0 : index
      %get3A_1239 = vector.load %arg7[%get3A_1237, %get3A_1238] : memref<1x512xf32, #tpu.memory_space<vmem>>, vector<1x512xf32>
      %dot_general3A_1240 = arith.constant dense<0.000000e+00> : vector<1x512xf32>
      %dot_general3A_1241 = tpu.matmul %get3A_1236, %convert_element_type3A_1233, %dot_general3A_1240 {dimension_numbers = #tpu.dot_dimension_numbers<[1], [0], [0], [1], [0, 0, 1, 1], [], []>, transpose_lhs_hint = false} : vector<1x512xf32>, vector<512x512xf32>, vector<1x512xf32> -> vector<1x512xf32>
      %add3A_1242 = arith.addf %get3A_1239, %dot_general3A_1241 : vector<1x512xf32>
      %swap3A_1243 = arith.constant 0 : index
      %swap3A_1244 = arith.constant 0 : index
      %swap3A_1245 = vector.load %arg7[%swap3A_1243, %swap3A_1244] : memref<1x512xf32, #tpu.memory_space<vmem>>, vector<1x512xf32>
      tpu.vector_store %arg7[%swap3A_1243, %swap3A_1244], %add3A_1242 {strides = array<i32>} : memref<1x512xf32, #tpu.memory_space<vmem>>, vector<1x512xf32>,
    } else {
    }
    %eq3A_874 = arith.cmpi eq, %reduce_max3A_161, %reduce_min3A_89 : i32
    %convert_element_type3A_875 = arith.extui %eq3A_874 : i1 to i32
    %cond3A_876 = arith.constant 0 : i32
    %cond3A_877 = arith.cmpi ne, %convert_element_type3A_875, %cond3A_876 : i32
    scf.if %cond3A_877 {
      %slice3A_1186 = vector.extract_strided_slice %add3A_15 {offsets = [2560, 0], sizes = [512, 1], strides = [1, 1]} : vector<5120x4xf32> to vector<512x1xf32>
      %slice3A_1187 = vector.extract_strided_slice %add3A_15 {offsets = [2560, 1], sizes = [512, 1], strides = [1, 1]} : vector<5120x4xf32> to vector<512x1xf32>
      %slice3A_1188 = vector.extract_strided_slice %add3A_15 {offsets = [2560, 2], sizes = [512, 1], strides = [1, 1]} : vector<5120x4xf32> to vector<512x1xf32>
      %slice3A_1189 = vector.extract_strided_slice %add3A_15 {offsets = [2560, 3], sizes = [512, 1], strides = [1, 1]} : vector<5120x4xf32> to vector<512x1xf32>
      %slice3A_1190 = vector.extract_strided_slice %add3A_25 {offsets = [0, 3584], sizes = [1, 512], strides = [1, 1]} : vector<4x5120xf32> to vector<1x512xf32>
      %slice3A_1191 = vector.extract_strided_slice %add3A_25 {offsets = [1, 3584], sizes = [1, 512], strides = [1, 1]} : vector<4x5120xf32> to vector<1x512xf32>
      %slice3A_1192 = vector.extract_strided_slice %add3A_25 {offsets = [2, 3584], sizes = [1, 512], strides = [1, 1]} : vector<4x5120xf32> to vector<1x512xf32>
      %slice3A_1193 = vector.extract_strided_slice %add3A_25 {offsets = [3, 3584], sizes = [1, 512], strides = [1, 1]} : vector<4x5120xf32> to vector<1x512xf32>
      %max3A_1194 = vector.broadcast %slice3A_1186 : vector<512x1xf32> to vector<512x512xf32>
      %max3A_1195 = vector.broadcast %slice3A_1190 : vector<1x512xf32> to vector<512x512xf32>
      %max3A_1196 = arith.maximumf %max3A_1194, %max3A_1195 : vector<512x512xf32>
      %max3A_1197 = vector.broadcast %slice3A_1187 : vector<512x1xf32> to vector<512x512xf32>
      %max3A_1198 = vector.broadcast %slice3A_1191 : vector<1x512xf32> to vector<512x512xf32>
      %max3A_1199 = arith.maximumf %max3A_1197, %max3A_1198 : vector<512x512xf32>
      %min3A_1200 = vector.broadcast %slice3A_1188 : vector<512x1xf32> to vector<512x512xf32>
      %min3A_1201 = vector.broadcast %slice3A_1192 : vector<1x512xf32> to vector<512x512xf32>
      %min3A_1202 = arith.minimumf %min3A_1200, %min3A_1201 : vector<512x512xf32>
      %min3A_1203 = vector.broadcast %slice3A_1189 : vector<512x1xf32> to vector<512x512xf32>
      %min3A_1204 = vector.broadcast %slice3A_1193 : vector<1x512xf32> to vector<512x512xf32>
      %min3A_1205 = arith.minimumf %min3A_1203, %min3A_1204 : vector<512x512xf32>
      %sub3A_1206 = arith.subf %min3A_1202, %max3A_1196 : vector<512x512xf32>
      %jit3A_1207 = arith.constant 0.000000e+00 : f32
      %max3A_1208 = vector.broadcast %jit3A_1207 : f32 to vector<512x512xf32>
      %max3A_1209 = arith.maximumf %max3A_1208, %sub3A_1206 : vector<512x512xf32>
      %sub3A_1210 = arith.subf %min3A_1205, %max3A_1199 : vector<512x512xf32>
      %jit3A_1211 = arith.constant 0.000000e+00 : f32
      %max3A_1212 = vector.broadcast %jit3A_1211 : f32 to vector<512x512xf32>
      %max3A_1213 = arith.maximumf %max3A_1212, %sub3A_1210 : vector<512x512xf32>
      %mul3A_1214 = arith.mulf %max3A_1209, %max3A_1213 : vector<512x512xf32>
      %sub3A_1215 = arith.subf %slice3A_1188, %slice3A_1186 : vector<512x1xf32>
      %sub3A_1216 = arith.subf %slice3A_1189, %slice3A_1187 : vector<512x1xf32>
      %mul3A_1217 = arith.mulf %sub3A_1215, %sub3A_1216 : vector<512x1xf32>
      %sub3A_1218 = arith.subf %slice3A_1192, %slice3A_1190 : vector<1x512xf32>
      %sub3A_1219 = arith.subf %slice3A_1193, %slice3A_1191 : vector<1x512xf32>
      %mul3A_1220 = arith.mulf %sub3A_1218, %sub3A_1219 : vector<1x512xf32>
      %add3A_1221 = vector.broadcast %mul3A_1217 : vector<512x1xf32> to vector<512x512xf32>
      %add3A_1222 = vector.broadcast %mul3A_1220 : vector<1x512xf32> to vector<512x512xf32>
      %add3A_1223 = arith.addf %add3A_1221, %add3A_1222 : vector<512x512xf32>
      %sub3A_1224 = arith.subf %add3A_1223, %mul3A_1214 : vector<512x512xf32>
      %add3A_1225 = arith.constant 9.99999993E-9 : f32
      %add3A_1226 = vector.broadcast %add3A_1225 : f32 to vector<512x512xf32>
      %add3A_1227 = arith.addf %sub3A_1224, %add3A_1226 : vector<512x512xf32>
      %div3A_1228 = arith.divf %mul3A_1214, %add3A_1227 : vector<512x512xf32>
      %gt3A_1229 = arith.constant 5.000000e-01 : f32
      %gt3A_1230 = vector.broadcast %gt3A_1229 : f32 to vector<512x512xf32>
      %gt3A_1231 = arith.cmpf ogt, %div3A_1228, %gt3A_1230 : vector<512x512xf32>
      %convert_element_type3A_1232 = arith.extui %gt3A_1231 : vector<512x512xi1> to vector<512x512xi32>
      %convert_element_type3A_1233 = arith.sitofp %convert_element_type3A_1232 : vector<512x512xi32> to vector<512x512xf32>
      %get3A_1234 = arith.constant 0 : index
      %get3A_1235 = arith.constant 2560 : index
      %get3A_1236 = vector.load %arg6[%get3A_1234, %get3A_1235] : memref<1x5120xf32, #tpu.memory_space<vmem>>, vector<1x512xf32>
      %get3A_1237 = arith.constant 0 : index
      %get3A_1238 = arith.constant 0 : index
      %get3A_1239 = vector.load %arg7[%get3A_1237, %get3A_1238] : memref<1x512xf32, #tpu.memory_space<vmem>>, vector<1x512xf32>
      %dot_general3A_1240 = arith.constant dense<0.000000e+00> : vector<1x512xf32>
      %dot_general3A_1241 = tpu.matmul %get3A_1236, %convert_element_type3A_1233, %dot_general3A_1240 {dimension_numbers = #tpu.dot_dimension_numbers<[1], [0], [0], [1], [0, 0, 1, 1], [], []>, transpose_lhs_hint = false} : vector<1x512xf32>, vector<512x512xf32>, vector<1x512xf32> -> vector<1x512xf32>
      %add3A_1242 = arith.addf %get3A_1239, %dot_general3A_1241 : vector<1x512xf32>
      %swap3A_1243 = arith.constant 0 : index
      %swap3A_1244 = arith.constant 0 : index
      %swap3A_1245 = vector.load %arg7[%swap3A_1243, %swap3A_1244] : memref<1x512xf32, #tpu.memory_space<vmem>>, vector<1x512xf32>
      tpu.vector_store %arg7[%swap3A_1243, %swap3A_1244], %add3A_1242 {strides = array<i32>} : memref<1x512xf32, #tpu.memory_space<vmem>>, vector<1x512xf32>,
    } else {
    }
    %eq3A_878 = arith.cmpi eq, %reduce_max3A_170, %reduce_min3A_89 : i32
    %convert_element_type3A_879 = arith.extui %eq3A_878 : i1 to i32
    %cond3A_880 = arith.constant 0 : i32
    %cond3A_881 = arith.cmpi ne, %convert_element_type3A_879, %cond3A_880 : i32
    scf.if %cond3A_881 {
      %slice3A_1186 = vector.extract_strided_slice %add3A_15 {offsets = [3072, 0], sizes = [512, 1], strides = [1, 1]} : vector<5120x4xf32> to vector<512x1xf32>
      %slice3A_1187 = vector.extract_strided_slice %add3A_15 {offsets = [3072, 1], sizes = [512, 1], strides = [1, 1]} : vector<5120x4xf32> to vector<512x1xf32>
      %slice3A_1188 = vector.extract_strided_slice %add3A_15 {offsets = [3072, 2], sizes = [512, 1], strides = [1, 1]} : vector<5120x4xf32> to vector<512x1xf32>
      %slice3A_1189 = vector.extract_strided_slice %add3A_15 {offsets = [3072, 3], sizes = [512, 1], strides = [1, 1]} : vector<5120x4xf32> to vector<512x1xf32>
      %slice3A_1190 = vector.extract_strided_slice %add3A_25 {offsets = [0, 3584], sizes = [1, 512], strides = [1, 1]} : vector<4x5120xf32> to vector<1x512xf32>
      %slice3A_1191 = vector.extract_strided_slice %add3A_25 {offsets = [1, 3584], sizes = [1, 512], strides = [1, 1]} : vector<4x5120xf32> to vector<1x512xf32>
      %slice3A_1192 = vector.extract_strided_slice %add3A_25 {offsets = [2, 3584], sizes = [1, 512], strides = [1, 1]} : vector<4x5120xf32> to vector<1x512xf32>
      %slice3A_1193 = vector.extract_strided_slice %add3A_25 {offsets = [3, 3584], sizes = [1, 512], strides = [1, 1]} : vector<4x5120xf32> to vector<1x512xf32>
      %max3A_1194 = vector.broadcast %slice3A_1186 : vector<512x1xf32> to vector<512x512xf32>
      %max3A_1195 = vector.broadcast %slice3A_1190 : vector<1x512xf32> to vector<512x512xf32>
      %max3A_1196 = arith.maximumf %max3A_1194, %max3A_1195 : vector<512x512xf32>
      %max3A_1197 = vector.broadcast %slice3A_1187 : vector<512x1xf32> to vector<512x512xf32>
      %max3A_1198 = vector.broadcast %slice3A_1191 : vector<1x512xf32> to vector<512x512xf32>
      %max3A_1199 = arith.maximumf %max3A_1197, %max3A_1198 : vector<512x512xf32>
      %min3A_1200 = vector.broadcast %slice3A_1188 : vector<512x1xf32> to vector<512x512xf32>
      %min3A_1201 = vector.broadcast %slice3A_1192 : vector<1x512xf32> to vector<512x512xf32>
      %min3A_1202 = arith.minimumf %min3A_1200, %min3A_1201 : vector<512x512xf32>
      %min3A_1203 = vector.broadcast %slice3A_1189 : vector<512x1xf32> to vector<512x512xf32>
      %min3A_1204 = vector.broadcast %slice3A_1193 : vector<1x512xf32> to vector<512x512xf32>
      %min3A_1205 = arith.minimumf %min3A_1203, %min3A_1204 : vector<512x512xf32>
      %sub3A_1206 = arith.subf %min3A_1202, %max3A_1196 : vector<512x512xf32>
      %jit3A_1207 = arith.constant 0.000000e+00 : f32
      %max3A_1208 = vector.broadcast %jit3A_1207 : f32 to vector<512x512xf32>
      %max3A_1209 = arith.maximumf %max3A_1208, %sub3A_1206 : vector<512x512xf32>
      %sub3A_1210 = arith.subf %min3A_1205, %max3A_1199 : vector<512x512xf32>
      %jit3A_1211 = arith.constant 0.000000e+00 : f32
      %max3A_1212 = vector.broadcast %jit3A_1211 : f32 to vector<512x512xf32>
      %max3A_1213 = arith.maximumf %max3A_1212, %sub3A_1210 : vector<512x512xf32>
      %mul3A_1214 = arith.mulf %max3A_1209, %max3A_1213 : vector<512x512xf32>
      %sub3A_1215 = arith.subf %slice3A_1188, %slice3A_1186 : vector<512x1xf32>
      %sub3A_1216 = arith.subf %slice3A_1189, %slice3A_1187 : vector<512x1xf32>
      %mul3A_1217 = arith.mulf %sub3A_1215, %sub3A_1216 : vector<512x1xf32>
      %sub3A_1218 = arith.subf %slice3A_1192, %slice3A_1190 : vector<1x512xf32>
      %sub3A_1219 = arith.subf %slice3A_1193, %slice3A_1191 : vector<1x512xf32>
      %mul3A_1220 = arith.mulf %sub3A_1218, %sub3A_1219 : vector<1x512xf32>
      %add3A_1221 = vector.broadcast %mul3A_1217 : vector<512x1xf32> to vector<512x512xf32>
      %add3A_1222 = vector.broadcast %mul3A_1220 : vector<1x512xf32> to vector<512x512xf32>
      %add3A_1223 = arith.addf %add3A_1221, %add3A_1222 : vector<512x512xf32>
      %sub3A_1224 = arith.subf %add3A_1223, %mul3A_1214 : vector<512x512xf32>
      %add3A_1225 = arith.constant 9.99999993E-9 : f32
      %add3A_1226 = vector.broadcast %add3A_1225 : f32 to vector<512x512xf32>
      %add3A_1227 = arith.addf %sub3A_1224, %add3A_1226 : vector<512x512xf32>
      %div3A_1228 = arith.divf %mul3A_1214, %add3A_1227 : vector<512x512xf32>
      %gt3A_1229 = arith.constant 5.000000e-01 : f32
      %gt3A_1230 = vector.broadcast %gt3A_1229 : f32 to vector<512x512xf32>
      %gt3A_1231 = arith.cmpf ogt, %div3A_1228, %gt3A_1230 : vector<512x512xf32>
      %convert_element_type3A_1232 = arith.extui %gt3A_1231 : vector<512x512xi1> to vector<512x512xi32>
      %convert_element_type3A_1233 = arith.sitofp %convert_element_type3A_1232 : vector<512x512xi32> to vector<512x512xf32>
      %get3A_1234 = arith.constant 0 : index
      %get3A_1235 = arith.constant 3072 : index
      %get3A_1236 = vector.load %arg6[%get3A_1234, %get3A_1235] : memref<1x5120xf32, #tpu.memory_space<vmem>>, vector<1x512xf32>
      %get3A_1237 = arith.constant 0 : index
      %get3A_1238 = arith.constant 0 : index
      %get3A_1239 = vector.load %arg7[%get3A_1237, %get3A_1238] : memref<1x512xf32, #tpu.memory_space<vmem>>, vector<1x512xf32>
      %dot_general3A_1240 = arith.constant dense<0.000000e+00> : vector<1x512xf32>
      %dot_general3A_1241 = tpu.matmul %get3A_1236, %convert_element_type3A_1233, %dot_general3A_1240 {dimension_numbers = #tpu.dot_dimension_numbers<[1], [0], [0], [1], [0, 0, 1, 1], [], []>, transpose_lhs_hint = false} : vector<1x512xf32>, vector<512x512xf32>, vector<1x512xf32> -> vector<1x512xf32>
      %add3A_1242 = arith.addf %get3A_1239, %dot_general3A_1241 : vector<1x512xf32>
      %swap3A_1243 = arith.constant 0 : index
      %swap3A_1244 = arith.constant 0 : index
      %swap3A_1245 = vector.load %arg7[%swap3A_1243, %swap3A_1244] : memref<1x512xf32, #tpu.memory_space<vmem>>, vector<1x512xf32>
      tpu.vector_store %arg7[%swap3A_1243, %swap3A_1244], %add3A_1242 {strides = array<i32>} : memref<1x512xf32, #tpu.memory_space<vmem>>, vector<1x512xf32>,
    } else {
    }
    %get3A_882 = arith.constant 0 : index
    %get3A_883 = arith.constant 0 : index
    %get3A_884 = vector.load %arg7[%get3A_882, %get3A_883] : memref<1x512xf32, #tpu.memory_space<vmem>>, vector<1x512xf32>
    %eq3A_885 = arith.constant 0.000000e+00 : f32
    %eq3A_886 = vector.broadcast %eq3A_885 : f32 to vector<1x512xf32>
    %eq3A_887 = arith.cmpf oeq, %get3A_884, %eq3A_886 : vector<1x512xf32>
    %convert_element_type3A_888 = arith.extui %eq3A_887 : vector<1x512xi1> to vector<1x512xi32>
    %convert_element_type3A_889 = arith.sitofp %convert_element_type3A_888 : vector<1x512xi32> to vector<1x512xf32>
    %mul3A_890 = arith.mulf %convert_element_type3A_848, %convert_element_type3A_889 : vector<1x512xf32>
    %slice3A_891 = vector.extract_strided_slice %add3A_15 {offsets = [3584, 0], sizes = [512, 1], strides = [1, 1]} : vector<5120x4xf32> to vector<512x1xf32>
    %slice3A_892 = vector.extract_strided_slice %add3A_15 {offsets = [3584, 1], sizes = [512, 1], strides = [1, 1]} : vector<5120x4xf32> to vector<512x1xf32>
    %slice3A_893 = vector.extract_strided_slice %add3A_15 {offsets = [3584, 2], sizes = [512, 1], strides = [1, 1]} : vector<5120x4xf32> to vector<512x1xf32>
    %slice3A_894 = vector.extract_strided_slice %add3A_15 {offsets = [3584, 3], sizes = [512, 1], strides = [1, 1]} : vector<5120x4xf32> to vector<512x1xf32>
    %slice3A_895 = vector.extract_strided_slice %add3A_25 {offsets = [0, 3584], sizes = [1, 512], strides = [1, 1]} : vector<4x5120xf32> to vector<1x512xf32>
    %slice3A_896 = vector.extract_strided_slice %add3A_25 {offsets = [1, 3584], sizes = [1, 512], strides = [1, 1]} : vector<4x5120xf32> to vector<1x512xf32>
    %slice3A_897 = vector.extract_strided_slice %add3A_25 {offsets = [2, 3584], sizes = [1, 512], strides = [1, 1]} : vector<4x5120xf32> to vector<1x512xf32>
    %slice3A_898 = vector.extract_strided_slice %add3A_25 {offsets = [3, 3584], sizes = [1, 512], strides = [1, 1]} : vector<4x5120xf32> to vector<1x512xf32>
    %max3A_899 = vector.broadcast %slice3A_891 : vector<512x1xf32> to vector<512x512xf32>
    %max3A_900 = vector.broadcast %slice3A_895 : vector<1x512xf32> to vector<512x512xf32>
    %max3A_901 = arith.maximumf %max3A_899, %max3A_900 : vector<512x512xf32>
    %max3A_902 = vector.broadcast %slice3A_892 : vector<512x1xf32> to vector<512x512xf32>
    %max3A_903 = vector.broadcast %slice3A_896 : vector<1x512xf32> to vector<512x512xf32>
    %max3A_904 = arith.maximumf %max3A_902, %max3A_903 : vector<512x512xf32>
    %min3A_905 = vector.broadcast %slice3A_893 : vector<512x1xf32> to vector<512x512xf32>
    %min3A_906 = vector.broadcast %slice3A_897 : vector<1x512xf32> to vector<512x512xf32>
    %min3A_907 = arith.minimumf %min3A_905, %min3A_906 : vector<512x512xf32>
    %min3A_908 = vector.broadcast %slice3A_894 : vector<512x1xf32> to vector<512x512xf32>
    %min3A_909 = vector.broadcast %slice3A_898 : vector<1x512xf32> to vector<512x512xf32>
    %min3A_910 = arith.minimumf %min3A_908, %min3A_909 : vector<512x512xf32>
    %sub3A_911 = arith.subf %min3A_907, %max3A_901 : vector<512x512xf32>
    %jit3A_912 = arith.constant 0.000000e+00 : f32
    %max3A_913 = vector.broadcast %jit3A_912 : f32 to vector<512x512xf32>
    %max3A_914 = arith.maximumf %max3A_913, %sub3A_911 : vector<512x512xf32>
    %sub3A_915 = arith.subf %min3A_910, %max3A_904 : vector<512x512xf32>
    %jit3A_916 = arith.constant 0.000000e+00 : f32
    %max3A_917 = vector.broadcast %jit3A_916 : f32 to vector<512x512xf32>
    %max3A_918 = arith.maximumf %max3A_917, %sub3A_915 : vector<512x512xf32>
    %mul3A_919 = arith.mulf %max3A_914, %max3A_918 : vector<512x512xf32>
    %sub3A_920 = arith.subf %slice3A_893, %slice3A_891 : vector<512x1xf32>
    %sub3A_921 = arith.subf %slice3A_894, %slice3A_892 : vector<512x1xf32>
    %mul3A_922 = arith.mulf %sub3A_920, %sub3A_921 : vector<512x1xf32>
    %sub3A_923 = arith.subf %slice3A_897, %slice3A_895 : vector<1x512xf32>
    %sub3A_924 = arith.subf %slice3A_898, %slice3A_896 : vector<1x512xf32>
    %mul3A_925 = arith.mulf %sub3A_923, %sub3A_924 : vector<1x512xf32>
    %add3A_926 = vector.broadcast %mul3A_922 : vector<512x1xf32> to vector<512x512xf32>
    %add3A_927 = vector.broadcast %mul3A_925 : vector<1x512xf32> to vector<512x512xf32>
    %add3A_928 = arith.addf %add3A_926, %add3A_927 : vector<512x512xf32>
    %sub3A_929 = arith.subf %add3A_928, %mul3A_919 : vector<512x512xf32>
    %add3A_930 = arith.constant 9.99999993E-9 : f32
    %add3A_931 = vector.broadcast %add3A_930 : f32 to vector<512x512xf32>
    %add3A_932 = arith.addf %sub3A_929, %add3A_931 : vector<512x512xf32>
    %div3A_933 = arith.divf %mul3A_919, %add3A_932 : vector<512x512xf32>
    %gt3A_934 = arith.constant 5.000000e-01 : f32
    %gt3A_935 = vector.broadcast %gt3A_934 : f32 to vector<512x512xf32>
    %gt3A_936 = arith.cmpf ogt, %div3A_933, %gt3A_935 : vector<512x512xf32>
    %convert_element_type3A_937 = arith.extui %gt3A_936 : vector<512x512xi1> to vector<512x512xi32>
    %convert_element_type3A_938 = arith.sitofp %convert_element_type3A_937 : vector<512x512xi32> to vector<512x512xf32>
    %mul3A_939 = arith.mulf %convert_element_type3A_938, %convert_element_type3A_27 : vector<512x512xf32>
    %dot_general3A_940 = arith.constant dense<0.000000e+00> : vector<1x512xf32>
    %dot_general3A_941 = tpu.matmul %mul3A_890, %mul3A_939, %dot_general3A_940 {dimension_numbers = #tpu.dot_dimension_numbers<[1], [0], [0], [1], [0, 0, 1, 1], [], []>, transpose_lhs_hint = false} : vector<1x512xf32>, vector<512x512xf32>, vector<1x512xf32> -> vector<1x512xf32>
    %eq3A_942 = arith.constant 0.000000e+00 : f32
    %eq3A_943 = vector.broadcast %eq3A_942 : f32 to vector<1x512xf32>
    %eq3A_944 = arith.cmpf oeq, %dot_general3A_941, %eq3A_943 : vector<1x512xf32>
    %convert_element_type3A_945 = arith.extui %eq3A_944 : vector<1x512xi1> to vector<1x512xi32>
    %convert_element_type3A_946 = arith.sitofp %convert_element_type3A_945 : vector<1x512xi32> to vector<1x512xf32>
    %mul3A_947 = arith.mulf %mul3A_890, %convert_element_type3A_946 : vector<1x512xf32>
    %while3A_948:2 = scf.while (%while3A_1186 = %mul3A_947, %while3A_1187 = %mul3A_890) : (vector<1x512xf32>, vector<1x512xf32>) -> (vector<1x512xf32>, vector<1x512xf32>) {
      %ne3A = arith.cmpf one, %while3A_1186, %while3A_1187 : vector<1x512xf32>
      %reduce_or3A = arith.constant 1.000000e+00 : f32
      %reduce_or3A_1188 = arith.constant 0.000000e+00 : f32
      %reduce_or3A_1189 = vector.broadcast %reduce_or3A : f32 to vector<1x512xf32>
      %reduce_or3A_1190 = vector.broadcast %reduce_or3A_1188 : f32 to vector<1x512xf32>
      %reduce_or3A_1191 = arith.select %ne3A, %reduce_or3A_1189, %reduce_or3A_1190 : vector<1x512xi1>, vector<1x512xf32>
      %reduce_or3A_1192 = vector.shape_cast %reduce_or3A_1191 : vector<1x512xf32> to vector<1x1x512xf32>
      %reduce_or3A_1193 = arith.constant dense<0xFF800000> : vector<1xf32>
      %reduce_or3A_1194 = vector.multi_reduction <maximumf>, %reduce_or3A_1192, %reduce_or3A_1193 [1, 2] : vector<1x1x512xf32> to vector<1xf32>
      %reduce_or3A_1195 = vector.shape_cast %reduce_or3A_1194 : vector<1xf32> to vector<1x1x1xf32>
      %reduce_or3A_1196 = vector.extract %reduce_or3A_1195[0, 0, 0] : f32 from vector<1x1x1xf32>
      %reduce_or3A_1197 = arith.constant 0.000000e+00 : f32
      %reduce_or3A_1198 = arith.cmpf ogt, %reduce_or3A_1196, %reduce_or3A_1197 : f32
      scf.condition(%reduce_or3A_1198) %while3A_1186, %while3A_1187 : vector<1x512xf32>, vector<1x512xf32>
    } do {
    ^bb0(%while3A_1186: vector<1x512xf32>, %while3A_1187: vector<1x512xf32>):
      %dot_general3A_1188 = arith.constant dense<0.000000e+00> : vector<1x512xf32>
      %dot_general3A_1189 = tpu.matmul %while3A_1186, %mul3A_939, %dot_general3A_1188 {dimension_numbers = #tpu.dot_dimension_numbers<[1], [0], [0], [1], [0, 0, 1, 1], [], []>, transpose_lhs_hint = false} : vector<1x512xf32>, vector<512x512xf32>, vector<1x512xf32> -> vector<1x512xf32>
      %eq3A_1190 = arith.constant 0.000000e+00 : f32
      %eq3A_1191 = vector.broadcast %eq3A_1190 : f32 to vector<1x512xf32>
      %eq3A_1192 = arith.cmpf oeq, %dot_general3A_1189, %eq3A_1191 : vector<1x512xf32>
      %convert_element_type3A_1193 = arith.extui %eq3A_1192 : vector<1x512xi1> to vector<1x512xi32>
      %convert_element_type3A_1194 = arith.sitofp %convert_element_type3A_1193 : vector<1x512xi32> to vector<1x512xf32>
      %mul3A_1195 = arith.mulf %mul3A_890, %convert_element_type3A_1194 : vector<1x512xf32>
      scf.yield %mul3A_1195, %while3A_1186 : vector<1x512xf32>, vector<1x512xf32>
    }
    %swap3A_949 = arith.constant 0 : index
    %swap3A_950 = arith.constant 3584 : index
    %swap3A_951 = vector.load %arg6[%swap3A_949, %swap3A_950] : memref<1x5120xf32, #tpu.memory_space<vmem>>, vector<1x512xf32>
    tpu.vector_store %arg6[%swap3A_949, %swap3A_950], %while3A_948#0 {strides = array<i32>} : memref<1x5120xf32, #tpu.memory_space<vmem>>, vector<1x512xf32>,
    %get3A_952 = arith.constant 0 : index
    %get3A_953 = arith.constant 4096 : index
    %get3A_954 = vector.load %arg5[%get3A_952, %get3A_953] : memref<1x5120xf32, #tpu.memory_space<vmem>>, vector<1x512xf32>
    %gt3A_955 = arith.constant 2.000000e-01 : f32
    %gt3A_956 = vector.broadcast %gt3A_955 : f32 to vector<1x512xf32>
    %gt3A_957 = arith.cmpf ogt, %get3A_954, %gt3A_956 : vector<1x512xf32>
    %convert_element_type3A_958 = arith.extui %gt3A_957 : vector<1x512xi1> to vector<1x512xi32>
    %convert_element_type3A_959 = arith.sitofp %convert_element_type3A_958 : vector<1x512xi32> to vector<1x512xf32>
    %broadcast_in_dim3A_960 = arith.constant 0.000000e+00 : f32
    %broadcast_in_dim3A_961 = vector.broadcast %broadcast_in_dim3A_960 : f32 to vector<1x512xf32>
    %swap3A_962 = arith.constant 0 : index
    %swap3A_963 = arith.constant 0 : index
    %swap3A_964 = vector.load %arg7[%swap3A_962, %swap3A_963] : memref<1x512xf32, #tpu.memory_space<vmem>>, vector<1x512xf32>
    tpu.vector_store %arg7[%swap3A_962, %swap3A_963], %broadcast_in_dim3A_961 {strides = array<i32>} : memref<1x512xf32, #tpu.memory_space<vmem>>, vector<1x512xf32>,
    %eq3A_965 = arith.cmpi eq, %reduce_max3A_116, %reduce_min3A_98 : i32
    %convert_element_type3A_966 = arith.extui %eq3A_965 : i1 to i32
    %cond3A_967 = arith.constant 0 : i32
    %cond3A_968 = arith.cmpi ne, %convert_element_type3A_966, %cond3A_967 : i32
    scf.if %cond3A_968 {
      %slice3A_1186 = vector.extract_strided_slice %add3A_15 {offsets = [0, 0], sizes = [512, 1], strides = [1, 1]} : vector<5120x4xf32> to vector<512x1xf32>
      %slice3A_1187 = vector.extract_strided_slice %add3A_15 {offsets = [0, 1], sizes = [512, 1], strides = [1, 1]} : vector<5120x4xf32> to vector<512x1xf32>
      %slice3A_1188 = vector.extract_strided_slice %add3A_15 {offsets = [0, 2], sizes = [512, 1], strides = [1, 1]} : vector<5120x4xf32> to vector<512x1xf32>
      %slice3A_1189 = vector.extract_strided_slice %add3A_15 {offsets = [0, 3], sizes = [512, 1], strides = [1, 1]} : vector<5120x4xf32> to vector<512x1xf32>
      %slice3A_1190 = vector.extract_strided_slice %add3A_25 {offsets = [0, 4096], sizes = [1, 512], strides = [1, 1]} : vector<4x5120xf32> to vector<1x512xf32>
      %slice3A_1191 = vector.extract_strided_slice %add3A_25 {offsets = [1, 4096], sizes = [1, 512], strides = [1, 1]} : vector<4x5120xf32> to vector<1x512xf32>
      %slice3A_1192 = vector.extract_strided_slice %add3A_25 {offsets = [2, 4096], sizes = [1, 512], strides = [1, 1]} : vector<4x5120xf32> to vector<1x512xf32>
      %slice3A_1193 = vector.extract_strided_slice %add3A_25 {offsets = [3, 4096], sizes = [1, 512], strides = [1, 1]} : vector<4x5120xf32> to vector<1x512xf32>
      %max3A_1194 = vector.broadcast %slice3A_1186 : vector<512x1xf32> to vector<512x512xf32>
      %max3A_1195 = vector.broadcast %slice3A_1190 : vector<1x512xf32> to vector<512x512xf32>
      %max3A_1196 = arith.maximumf %max3A_1194, %max3A_1195 : vector<512x512xf32>
      %max3A_1197 = vector.broadcast %slice3A_1187 : vector<512x1xf32> to vector<512x512xf32>
      %max3A_1198 = vector.broadcast %slice3A_1191 : vector<1x512xf32> to vector<512x512xf32>
      %max3A_1199 = arith.maximumf %max3A_1197, %max3A_1198 : vector<512x512xf32>
      %min3A_1200 = vector.broadcast %slice3A_1188 : vector<512x1xf32> to vector<512x512xf32>
      %min3A_1201 = vector.broadcast %slice3A_1192 : vector<1x512xf32> to vector<512x512xf32>
      %min3A_1202 = arith.minimumf %min3A_1200, %min3A_1201 : vector<512x512xf32>
      %min3A_1203 = vector.broadcast %slice3A_1189 : vector<512x1xf32> to vector<512x512xf32>
      %min3A_1204 = vector.broadcast %slice3A_1193 : vector<1x512xf32> to vector<512x512xf32>
      %min3A_1205 = arith.minimumf %min3A_1203, %min3A_1204 : vector<512x512xf32>
      %sub3A_1206 = arith.subf %min3A_1202, %max3A_1196 : vector<512x512xf32>
      %jit3A_1207 = arith.constant 0.000000e+00 : f32
      %max3A_1208 = vector.broadcast %jit3A_1207 : f32 to vector<512x512xf32>
      %max3A_1209 = arith.maximumf %max3A_1208, %sub3A_1206 : vector<512x512xf32>
      %sub3A_1210 = arith.subf %min3A_1205, %max3A_1199 : vector<512x512xf32>
      %jit3A_1211 = arith.constant 0.000000e+00 : f32
      %max3A_1212 = vector.broadcast %jit3A_1211 : f32 to vector<512x512xf32>
      %max3A_1213 = arith.maximumf %max3A_1212, %sub3A_1210 : vector<512x512xf32>
      %mul3A_1214 = arith.mulf %max3A_1209, %max3A_1213 : vector<512x512xf32>
      %sub3A_1215 = arith.subf %slice3A_1188, %slice3A_1186 : vector<512x1xf32>
      %sub3A_1216 = arith.subf %slice3A_1189, %slice3A_1187 : vector<512x1xf32>
      %mul3A_1217 = arith.mulf %sub3A_1215, %sub3A_1216 : vector<512x1xf32>
      %sub3A_1218 = arith.subf %slice3A_1192, %slice3A_1190 : vector<1x512xf32>
      %sub3A_1219 = arith.subf %slice3A_1193, %slice3A_1191 : vector<1x512xf32>
      %mul3A_1220 = arith.mulf %sub3A_1218, %sub3A_1219 : vector<1x512xf32>
      %add3A_1221 = vector.broadcast %mul3A_1217 : vector<512x1xf32> to vector<512x512xf32>
      %add3A_1222 = vector.broadcast %mul3A_1220 : vector<1x512xf32> to vector<512x512xf32>
      %add3A_1223 = arith.addf %add3A_1221, %add3A_1222 : vector<512x512xf32>
      %sub3A_1224 = arith.subf %add3A_1223, %mul3A_1214 : vector<512x512xf32>
      %add3A_1225 = arith.constant 9.99999993E-9 : f32
      %add3A_1226 = vector.broadcast %add3A_1225 : f32 to vector<512x512xf32>
      %add3A_1227 = arith.addf %sub3A_1224, %add3A_1226 : vector<512x512xf32>
      %div3A_1228 = arith.divf %mul3A_1214, %add3A_1227 : vector<512x512xf32>
      %gt3A_1229 = arith.constant 5.000000e-01 : f32
      %gt3A_1230 = vector.broadcast %gt3A_1229 : f32 to vector<512x512xf32>
      %gt3A_1231 = arith.cmpf ogt, %div3A_1228, %gt3A_1230 : vector<512x512xf32>
      %convert_element_type3A_1232 = arith.extui %gt3A_1231 : vector<512x512xi1> to vector<512x512xi32>
      %convert_element_type3A_1233 = arith.sitofp %convert_element_type3A_1232 : vector<512x512xi32> to vector<512x512xf32>
      %get3A_1234 = arith.constant 0 : index
      %get3A_1235 = arith.constant 0 : index
      %get3A_1236 = vector.load %arg6[%get3A_1234, %get3A_1235] : memref<1x5120xf32, #tpu.memory_space<vmem>>, vector<1x512xf32>
      %get3A_1237 = arith.constant 0 : index
      %get3A_1238 = arith.constant 0 : index
      %get3A_1239 = vector.load %arg7[%get3A_1237, %get3A_1238] : memref<1x512xf32, #tpu.memory_space<vmem>>, vector<1x512xf32>
      %dot_general3A_1240 = arith.constant dense<0.000000e+00> : vector<1x512xf32>
      %dot_general3A_1241 = tpu.matmul %get3A_1236, %convert_element_type3A_1233, %dot_general3A_1240 {dimension_numbers = #tpu.dot_dimension_numbers<[1], [0], [0], [1], [0, 0, 1, 1], [], []>, transpose_lhs_hint = false} : vector<1x512xf32>, vector<512x512xf32>, vector<1x512xf32> -> vector<1x512xf32>
      %add3A_1242 = arith.addf %get3A_1239, %dot_general3A_1241 : vector<1x512xf32>
      %swap3A_1243 = arith.constant 0 : index
      %swap3A_1244 = arith.constant 0 : index
      %swap3A_1245 = vector.load %arg7[%swap3A_1243, %swap3A_1244] : memref<1x512xf32, #tpu.memory_space<vmem>>, vector<1x512xf32>
      tpu.vector_store %arg7[%swap3A_1243, %swap3A_1244], %add3A_1242 {strides = array<i32>} : memref<1x512xf32, #tpu.memory_space<vmem>>, vector<1x512xf32>,
    } else {
    }
    %eq3A_969 = arith.cmpi eq, %reduce_max3A_125, %reduce_min3A_98 : i32
    %convert_element_type3A_970 = arith.extui %eq3A_969 : i1 to i32
    %cond3A_971 = arith.constant 0 : i32
    %cond3A_972 = arith.cmpi ne, %convert_element_type3A_970, %cond3A_971 : i32
    scf.if %cond3A_972 {
      %slice3A_1186 = vector.extract_strided_slice %add3A_15 {offsets = [512, 0], sizes = [512, 1], strides = [1, 1]} : vector<5120x4xf32> to vector<512x1xf32>
      %slice3A_1187 = vector.extract_strided_slice %add3A_15 {offsets = [512, 1], sizes = [512, 1], strides = [1, 1]} : vector<5120x4xf32> to vector<512x1xf32>
      %slice3A_1188 = vector.extract_strided_slice %add3A_15 {offsets = [512, 2], sizes = [512, 1], strides = [1, 1]} : vector<5120x4xf32> to vector<512x1xf32>
      %slice3A_1189 = vector.extract_strided_slice %add3A_15 {offsets = [512, 3], sizes = [512, 1], strides = [1, 1]} : vector<5120x4xf32> to vector<512x1xf32>
      %slice3A_1190 = vector.extract_strided_slice %add3A_25 {offsets = [0, 4096], sizes = [1, 512], strides = [1, 1]} : vector<4x5120xf32> to vector<1x512xf32>
      %slice3A_1191 = vector.extract_strided_slice %add3A_25 {offsets = [1, 4096], sizes = [1, 512], strides = [1, 1]} : vector<4x5120xf32> to vector<1x512xf32>
      %slice3A_1192 = vector.extract_strided_slice %add3A_25 {offsets = [2, 4096], sizes = [1, 512], strides = [1, 1]} : vector<4x5120xf32> to vector<1x512xf32>
      %slice3A_1193 = vector.extract_strided_slice %add3A_25 {offsets = [3, 4096], sizes = [1, 512], strides = [1, 1]} : vector<4x5120xf32> to vector<1x512xf32>
      %max3A_1194 = vector.broadcast %slice3A_1186 : vector<512x1xf32> to vector<512x512xf32>
      %max3A_1195 = vector.broadcast %slice3A_1190 : vector<1x512xf32> to vector<512x512xf32>
      %max3A_1196 = arith.maximumf %max3A_1194, %max3A_1195 : vector<512x512xf32>
      %max3A_1197 = vector.broadcast %slice3A_1187 : vector<512x1xf32> to vector<512x512xf32>
      %max3A_1198 = vector.broadcast %slice3A_1191 : vector<1x512xf32> to vector<512x512xf32>
      %max3A_1199 = arith.maximumf %max3A_1197, %max3A_1198 : vector<512x512xf32>
      %min3A_1200 = vector.broadcast %slice3A_1188 : vector<512x1xf32> to vector<512x512xf32>
      %min3A_1201 = vector.broadcast %slice3A_1192 : vector<1x512xf32> to vector<512x512xf32>
      %min3A_1202 = arith.minimumf %min3A_1200, %min3A_1201 : vector<512x512xf32>
      %min3A_1203 = vector.broadcast %slice3A_1189 : vector<512x1xf32> to vector<512x512xf32>
      %min3A_1204 = vector.broadcast %slice3A_1193 : vector<1x512xf32> to vector<512x512xf32>
      %min3A_1205 = arith.minimumf %min3A_1203, %min3A_1204 : vector<512x512xf32>
      %sub3A_1206 = arith.subf %min3A_1202, %max3A_1196 : vector<512x512xf32>
      %jit3A_1207 = arith.constant 0.000000e+00 : f32
      %max3A_1208 = vector.broadcast %jit3A_1207 : f32 to vector<512x512xf32>
      %max3A_1209 = arith.maximumf %max3A_1208, %sub3A_1206 : vector<512x512xf32>
      %sub3A_1210 = arith.subf %min3A_1205, %max3A_1199 : vector<512x512xf32>
      %jit3A_1211 = arith.constant 0.000000e+00 : f32
      %max3A_1212 = vector.broadcast %jit3A_1211 : f32 to vector<512x512xf32>
      %max3A_1213 = arith.maximumf %max3A_1212, %sub3A_1210 : vector<512x512xf32>
      %mul3A_1214 = arith.mulf %max3A_1209, %max3A_1213 : vector<512x512xf32>
      %sub3A_1215 = arith.subf %slice3A_1188, %slice3A_1186 : vector<512x1xf32>
      %sub3A_1216 = arith.subf %slice3A_1189, %slice3A_1187 : vector<512x1xf32>
      %mul3A_1217 = arith.mulf %sub3A_1215, %sub3A_1216 : vector<512x1xf32>
      %sub3A_1218 = arith.subf %slice3A_1192, %slice3A_1190 : vector<1x512xf32>
      %sub3A_1219 = arith.subf %slice3A_1193, %slice3A_1191 : vector<1x512xf32>
      %mul3A_1220 = arith.mulf %sub3A_1218, %sub3A_1219 : vector<1x512xf32>
      %add3A_1221 = vector.broadcast %mul3A_1217 : vector<512x1xf32> to vector<512x512xf32>
      %add3A_1222 = vector.broadcast %mul3A_1220 : vector<1x512xf32> to vector<512x512xf32>
      %add3A_1223 = arith.addf %add3A_1221, %add3A_1222 : vector<512x512xf32>
      %sub3A_1224 = arith.subf %add3A_1223, %mul3A_1214 : vector<512x512xf32>
      %add3A_1225 = arith.constant 9.99999993E-9 : f32
      %add3A_1226 = vector.broadcast %add3A_1225 : f32 to vector<512x512xf32>
      %add3A_1227 = arith.addf %sub3A_1224, %add3A_1226 : vector<512x512xf32>
      %div3A_1228 = arith.divf %mul3A_1214, %add3A_1227 : vector<512x512xf32>
      %gt3A_1229 = arith.constant 5.000000e-01 : f32
      %gt3A_1230 = vector.broadcast %gt3A_1229 : f32 to vector<512x512xf32>
      %gt3A_1231 = arith.cmpf ogt, %div3A_1228, %gt3A_1230 : vector<512x512xf32>
      %convert_element_type3A_1232 = arith.extui %gt3A_1231 : vector<512x512xi1> to vector<512x512xi32>
      %convert_element_type3A_1233 = arith.sitofp %convert_element_type3A_1232 : vector<512x512xi32> to vector<512x512xf32>
      %get3A_1234 = arith.constant 0 : index
      %get3A_1235 = arith.constant 512 : index
      %get3A_1236 = vector.load %arg6[%get3A_1234, %get3A_1235] : memref<1x5120xf32, #tpu.memory_space<vmem>>, vector<1x512xf32>
      %get3A_1237 = arith.constant 0 : index
      %get3A_1238 = arith.constant 0 : index
      %get3A_1239 = vector.load %arg7[%get3A_1237, %get3A_1238] : memref<1x512xf32, #tpu.memory_space<vmem>>, vector<1x512xf32>
      %dot_general3A_1240 = arith.constant dense<0.000000e+00> : vector<1x512xf32>
      %dot_general3A_1241 = tpu.matmul %get3A_1236, %convert_element_type3A_1233, %dot_general3A_1240 {dimension_numbers = #tpu.dot_dimension_numbers<[1], [0], [0], [1], [0, 0, 1, 1], [], []>, transpose_lhs_hint = false} : vector<1x512xf32>, vector<512x512xf32>, vector<1x512xf32> -> vector<1x512xf32>
      %add3A_1242 = arith.addf %get3A_1239, %dot_general3A_1241 : vector<1x512xf32>
      %swap3A_1243 = arith.constant 0 : index
      %swap3A_1244 = arith.constant 0 : index
      %swap3A_1245 = vector.load %arg7[%swap3A_1243, %swap3A_1244] : memref<1x512xf32, #tpu.memory_space<vmem>>, vector<1x512xf32>
      tpu.vector_store %arg7[%swap3A_1243, %swap3A_1244], %add3A_1242 {strides = array<i32>} : memref<1x512xf32, #tpu.memory_space<vmem>>, vector<1x512xf32>,
    } else {
    }
    %eq3A_973 = arith.cmpi eq, %reduce_max3A_134, %reduce_min3A_98 : i32
    %convert_element_type3A_974 = arith.extui %eq3A_973 : i1 to i32
    %cond3A_975 = arith.constant 0 : i32
    %cond3A_976 = arith.cmpi ne, %convert_element_type3A_974, %cond3A_975 : i32
    scf.if %cond3A_976 {
      %slice3A_1186 = vector.extract_strided_slice %add3A_15 {offsets = [1024, 0], sizes = [512, 1], strides = [1, 1]} : vector<5120x4xf32> to vector<512x1xf32>
      %slice3A_1187 = vector.extract_strided_slice %add3A_15 {offsets = [1024, 1], sizes = [512, 1], strides = [1, 1]} : vector<5120x4xf32> to vector<512x1xf32>
      %slice3A_1188 = vector.extract_strided_slice %add3A_15 {offsets = [1024, 2], sizes = [512, 1], strides = [1, 1]} : vector<5120x4xf32> to vector<512x1xf32>
      %slice3A_1189 = vector.extract_strided_slice %add3A_15 {offsets = [1024, 3], sizes = [512, 1], strides = [1, 1]} : vector<5120x4xf32> to vector<512x1xf32>
      %slice3A_1190 = vector.extract_strided_slice %add3A_25 {offsets = [0, 4096], sizes = [1, 512], strides = [1, 1]} : vector<4x5120xf32> to vector<1x512xf32>
      %slice3A_1191 = vector.extract_strided_slice %add3A_25 {offsets = [1, 4096], sizes = [1, 512], strides = [1, 1]} : vector<4x5120xf32> to vector<1x512xf32>
      %slice3A_1192 = vector.extract_strided_slice %add3A_25 {offsets = [2, 4096], sizes = [1, 512], strides = [1, 1]} : vector<4x5120xf32> to vector<1x512xf32>
      %slice3A_1193 = vector.extract_strided_slice %add3A_25 {offsets = [3, 4096], sizes = [1, 512], strides = [1, 1]} : vector<4x5120xf32> to vector<1x512xf32>
      %max3A_1194 = vector.broadcast %slice3A_1186 : vector<512x1xf32> to vector<512x512xf32>
      %max3A_1195 = vector.broadcast %slice3A_1190 : vector<1x512xf32> to vector<512x512xf32>
      %max3A_1196 = arith.maximumf %max3A_1194, %max3A_1195 : vector<512x512xf32>
      %max3A_1197 = vector.broadcast %slice3A_1187 : vector<512x1xf32> to vector<512x512xf32>
      %max3A_1198 = vector.broadcast %slice3A_1191 : vector<1x512xf32> to vector<512x512xf32>
      %max3A_1199 = arith.maximumf %max3A_1197, %max3A_1198 : vector<512x512xf32>
      %min3A_1200 = vector.broadcast %slice3A_1188 : vector<512x1xf32> to vector<512x512xf32>
      %min3A_1201 = vector.broadcast %slice3A_1192 : vector<1x512xf32> to vector<512x512xf32>
      %min3A_1202 = arith.minimumf %min3A_1200, %min3A_1201 : vector<512x512xf32>
      %min3A_1203 = vector.broadcast %slice3A_1189 : vector<512x1xf32> to vector<512x512xf32>
      %min3A_1204 = vector.broadcast %slice3A_1193 : vector<1x512xf32> to vector<512x512xf32>
      %min3A_1205 = arith.minimumf %min3A_1203, %min3A_1204 : vector<512x512xf32>
      %sub3A_1206 = arith.subf %min3A_1202, %max3A_1196 : vector<512x512xf32>
      %jit3A_1207 = arith.constant 0.000000e+00 : f32
      %max3A_1208 = vector.broadcast %jit3A_1207 : f32 to vector<512x512xf32>
      %max3A_1209 = arith.maximumf %max3A_1208, %sub3A_1206 : vector<512x512xf32>
      %sub3A_1210 = arith.subf %min3A_1205, %max3A_1199 : vector<512x512xf32>
      %jit3A_1211 = arith.constant 0.000000e+00 : f32
      %max3A_1212 = vector.broadcast %jit3A_1211 : f32 to vector<512x512xf32>
      %max3A_1213 = arith.maximumf %max3A_1212, %sub3A_1210 : vector<512x512xf32>
      %mul3A_1214 = arith.mulf %max3A_1209, %max3A_1213 : vector<512x512xf32>
      %sub3A_1215 = arith.subf %slice3A_1188, %slice3A_1186 : vector<512x1xf32>
      %sub3A_1216 = arith.subf %slice3A_1189, %slice3A_1187 : vector<512x1xf32>
      %mul3A_1217 = arith.mulf %sub3A_1215, %sub3A_1216 : vector<512x1xf32>
      %sub3A_1218 = arith.subf %slice3A_1192, %slice3A_1190 : vector<1x512xf32>
      %sub3A_1219 = arith.subf %slice3A_1193, %slice3A_1191 : vector<1x512xf32>
      %mul3A_1220 = arith.mulf %sub3A_1218, %sub3A_1219 : vector<1x512xf32>
      %add3A_1221 = vector.broadcast %mul3A_1217 : vector<512x1xf32> to vector<512x512xf32>
      %add3A_1222 = vector.broadcast %mul3A_1220 : vector<1x512xf32> to vector<512x512xf32>
      %add3A_1223 = arith.addf %add3A_1221, %add3A_1222 : vector<512x512xf32>
      %sub3A_1224 = arith.subf %add3A_1223, %mul3A_1214 : vector<512x512xf32>
      %add3A_1225 = arith.constant 9.99999993E-9 : f32
      %add3A_1226 = vector.broadcast %add3A_1225 : f32 to vector<512x512xf32>
      %add3A_1227 = arith.addf %sub3A_1224, %add3A_1226 : vector<512x512xf32>
      %div3A_1228 = arith.divf %mul3A_1214, %add3A_1227 : vector<512x512xf32>
      %gt3A_1229 = arith.constant 5.000000e-01 : f32
      %gt3A_1230 = vector.broadcast %gt3A_1229 : f32 to vector<512x512xf32>
      %gt3A_1231 = arith.cmpf ogt, %div3A_1228, %gt3A_1230 : vector<512x512xf32>
      %convert_element_type3A_1232 = arith.extui %gt3A_1231 : vector<512x512xi1> to vector<512x512xi32>
      %convert_element_type3A_1233 = arith.sitofp %convert_element_type3A_1232 : vector<512x512xi32> to vector<512x512xf32>
      %get3A_1234 = arith.constant 0 : index
      %get3A_1235 = arith.constant 1024 : index
      %get3A_1236 = vector.load %arg6[%get3A_1234, %get3A_1235] : memref<1x5120xf32, #tpu.memory_space<vmem>>, vector<1x512xf32>
      %get3A_1237 = arith.constant 0 : index
      %get3A_1238 = arith.constant 0 : index
      %get3A_1239 = vector.load %arg7[%get3A_1237, %get3A_1238] : memref<1x512xf32, #tpu.memory_space<vmem>>, vector<1x512xf32>
      %dot_general3A_1240 = arith.constant dense<0.000000e+00> : vector<1x512xf32>
      %dot_general3A_1241 = tpu.matmul %get3A_1236, %convert_element_type3A_1233, %dot_general3A_1240 {dimension_numbers = #tpu.dot_dimension_numbers<[1], [0], [0], [1], [0, 0, 1, 1], [], []>, transpose_lhs_hint = false} : vector<1x512xf32>, vector<512x512xf32>, vector<1x512xf32> -> vector<1x512xf32>
      %add3A_1242 = arith.addf %get3A_1239, %dot_general3A_1241 : vector<1x512xf32>
      %swap3A_1243 = arith.constant 0 : index
      %swap3A_1244 = arith.constant 0 : index
      %swap3A_1245 = vector.load %arg7[%swap3A_1243, %swap3A_1244] : memref<1x512xf32, #tpu.memory_space<vmem>>, vector<1x512xf32>
      tpu.vector_store %arg7[%swap3A_1243, %swap3A_1244], %add3A_1242 {strides = array<i32>} : memref<1x512xf32, #tpu.memory_space<vmem>>, vector<1x512xf32>,
    } else {
    }
    %eq3A_977 = arith.cmpi eq, %reduce_max3A_143, %reduce_min3A_98 : i32
    %convert_element_type3A_978 = arith.extui %eq3A_977 : i1 to i32
    %cond3A_979 = arith.constant 0 : i32
    %cond3A_980 = arith.cmpi ne, %convert_element_type3A_978, %cond3A_979 : i32
    scf.if %cond3A_980 {
      %slice3A_1186 = vector.extract_strided_slice %add3A_15 {offsets = [1536, 0], sizes = [512, 1], strides = [1, 1]} : vector<5120x4xf32> to vector<512x1xf32>
      %slice3A_1187 = vector.extract_strided_slice %add3A_15 {offsets = [1536, 1], sizes = [512, 1], strides = [1, 1]} : vector<5120x4xf32> to vector<512x1xf32>
      %slice3A_1188 = vector.extract_strided_slice %add3A_15 {offsets = [1536, 2], sizes = [512, 1], strides = [1, 1]} : vector<5120x4xf32> to vector<512x1xf32>
      %slice3A_1189 = vector.extract_strided_slice %add3A_15 {offsets = [1536, 3], sizes = [512, 1], strides = [1, 1]} : vector<5120x4xf32> to vector<512x1xf32>
      %slice3A_1190 = vector.extract_strided_slice %add3A_25 {offsets = [0, 4096], sizes = [1, 512], strides = [1, 1]} : vector<4x5120xf32> to vector<1x512xf32>
      %slice3A_1191 = vector.extract_strided_slice %add3A_25 {offsets = [1, 4096], sizes = [1, 512], strides = [1, 1]} : vector<4x5120xf32> to vector<1x512xf32>
      %slice3A_1192 = vector.extract_strided_slice %add3A_25 {offsets = [2, 4096], sizes = [1, 512], strides = [1, 1]} : vector<4x5120xf32> to vector<1x512xf32>
      %slice3A_1193 = vector.extract_strided_slice %add3A_25 {offsets = [3, 4096], sizes = [1, 512], strides = [1, 1]} : vector<4x5120xf32> to vector<1x512xf32>
      %max3A_1194 = vector.broadcast %slice3A_1186 : vector<512x1xf32> to vector<512x512xf32>
      %max3A_1195 = vector.broadcast %slice3A_1190 : vector<1x512xf32> to vector<512x512xf32>
      %max3A_1196 = arith.maximumf %max3A_1194, %max3A_1195 : vector<512x512xf32>
      %max3A_1197 = vector.broadcast %slice3A_1187 : vector<512x1xf32> to vector<512x512xf32>
      %max3A_1198 = vector.broadcast %slice3A_1191 : vector<1x512xf32> to vector<512x512xf32>
      %max3A_1199 = arith.maximumf %max3A_1197, %max3A_1198 : vector<512x512xf32>
      %min3A_1200 = vector.broadcast %slice3A_1188 : vector<512x1xf32> to vector<512x512xf32>
      %min3A_1201 = vector.broadcast %slice3A_1192 : vector<1x512xf32> to vector<512x512xf32>
      %min3A_1202 = arith.minimumf %min3A_1200, %min3A_1201 : vector<512x512xf32>
      %min3A_1203 = vector.broadcast %slice3A_1189 : vector<512x1xf32> to vector<512x512xf32>
      %min3A_1204 = vector.broadcast %slice3A_1193 : vector<1x512xf32> to vector<512x512xf32>
      %min3A_1205 = arith.minimumf %min3A_1203, %min3A_1204 : vector<512x512xf32>
      %sub3A_1206 = arith.subf %min3A_1202, %max3A_1196 : vector<512x512xf32>
      %jit3A_1207 = arith.constant 0.000000e+00 : f32
      %max3A_1208 = vector.broadcast %jit3A_1207 : f32 to vector<512x512xf32>
      %max3A_1209 = arith.maximumf %max3A_1208, %sub3A_1206 : vector<512x512xf32>
      %sub3A_1210 = arith.subf %min3A_1205, %max3A_1199 : vector<512x512xf32>
      %jit3A_1211 = arith.constant 0.000000e+00 : f32
      %max3A_1212 = vector.broadcast %jit3A_1211 : f32 to vector<512x512xf32>
      %max3A_1213 = arith.maximumf %max3A_1212, %sub3A_1210 : vector<512x512xf32>
      %mul3A_1214 = arith.mulf %max3A_1209, %max3A_1213 : vector<512x512xf32>
      %sub3A_1215 = arith.subf %slice3A_1188, %slice3A_1186 : vector<512x1xf32>
      %sub3A_1216 = arith.subf %slice3A_1189, %slice3A_1187 : vector<512x1xf32>
      %mul3A_1217 = arith.mulf %sub3A_1215, %sub3A_1216 : vector<512x1xf32>
      %sub3A_1218 = arith.subf %slice3A_1192, %slice3A_1190 : vector<1x512xf32>
      %sub3A_1219 = arith.subf %slice3A_1193, %slice3A_1191 : vector<1x512xf32>
      %mul3A_1220 = arith.mulf %sub3A_1218, %sub3A_1219 : vector<1x512xf32>
      %add3A_1221 = vector.broadcast %mul3A_1217 : vector<512x1xf32> to vector<512x512xf32>
      %add3A_1222 = vector.broadcast %mul3A_1220 : vector<1x512xf32> to vector<512x512xf32>
      %add3A_1223 = arith.addf %add3A_1221, %add3A_1222 : vector<512x512xf32>
      %sub3A_1224 = arith.subf %add3A_1223, %mul3A_1214 : vector<512x512xf32>
      %add3A_1225 = arith.constant 9.99999993E-9 : f32
      %add3A_1226 = vector.broadcast %add3A_1225 : f32 to vector<512x512xf32>
      %add3A_1227 = arith.addf %sub3A_1224, %add3A_1226 : vector<512x512xf32>
      %div3A_1228 = arith.divf %mul3A_1214, %add3A_1227 : vector<512x512xf32>
      %gt3A_1229 = arith.constant 5.000000e-01 : f32
      %gt3A_1230 = vector.broadcast %gt3A_1229 : f32 to vector<512x512xf32>
      %gt3A_1231 = arith.cmpf ogt, %div3A_1228, %gt3A_1230 : vector<512x512xf32>
      %convert_element_type3A_1232 = arith.extui %gt3A_1231 : vector<512x512xi1> to vector<512x512xi32>
      %convert_element_type3A_1233 = arith.sitofp %convert_element_type3A_1232 : vector<512x512xi32> to vector<512x512xf32>
      %get3A_1234 = arith.constant 0 : index
      %get3A_1235 = arith.constant 1536 : index
      %get3A_1236 = vector.load %arg6[%get3A_1234, %get3A_1235] : memref<1x5120xf32, #tpu.memory_space<vmem>>, vector<1x512xf32>
      %get3A_1237 = arith.constant 0 : index
      %get3A_1238 = arith.constant 0 : index
      %get3A_1239 = vector.load %arg7[%get3A_1237, %get3A_1238] : memref<1x512xf32, #tpu.memory_space<vmem>>, vector<1x512xf32>
      %dot_general3A_1240 = arith.constant dense<0.000000e+00> : vector<1x512xf32>
      %dot_general3A_1241 = tpu.matmul %get3A_1236, %convert_element_type3A_1233, %dot_general3A_1240 {dimension_numbers = #tpu.dot_dimension_numbers<[1], [0], [0], [1], [0, 0, 1, 1], [], []>, transpose_lhs_hint = false} : vector<1x512xf32>, vector<512x512xf32>, vector<1x512xf32> -> vector<1x512xf32>
      %add3A_1242 = arith.addf %get3A_1239, %dot_general3A_1241 : vector<1x512xf32>
      %swap3A_1243 = arith.constant 0 : index
      %swap3A_1244 = arith.constant 0 : index
      %swap3A_1245 = vector.load %arg7[%swap3A_1243, %swap3A_1244] : memref<1x512xf32, #tpu.memory_space<vmem>>, vector<1x512xf32>
      tpu.vector_store %arg7[%swap3A_1243, %swap3A_1244], %add3A_1242 {strides = array<i32>} : memref<1x512xf32, #tpu.memory_space<vmem>>, vector<1x512xf32>,
    } else {
    }
    %eq3A_981 = arith.cmpi eq, %reduce_max3A_152, %reduce_min3A_98 : i32
    %convert_element_type3A_982 = arith.extui %eq3A_981 : i1 to i32
    %cond3A_983 = arith.constant 0 : i32
    %cond3A_984 = arith.cmpi ne, %convert_element_type3A_982, %cond3A_983 : i32
    scf.if %cond3A_984 {
      %slice3A_1186 = vector.extract_strided_slice %add3A_15 {offsets = [2048, 0], sizes = [512, 1], strides = [1, 1]} : vector<5120x4xf32> to vector<512x1xf32>
      %slice3A_1187 = vector.extract_strided_slice %add3A_15 {offsets = [2048, 1], sizes = [512, 1], strides = [1, 1]} : vector<5120x4xf32> to vector<512x1xf32>
      %slice3A_1188 = vector.extract_strided_slice %add3A_15 {offsets = [2048, 2], sizes = [512, 1], strides = [1, 1]} : vector<5120x4xf32> to vector<512x1xf32>
      %slice3A_1189 = vector.extract_strided_slice %add3A_15 {offsets = [2048, 3], sizes = [512, 1], strides = [1, 1]} : vector<5120x4xf32> to vector<512x1xf32>
      %slice3A_1190 = vector.extract_strided_slice %add3A_25 {offsets = [0, 4096], sizes = [1, 512], strides = [1, 1]} : vector<4x5120xf32> to vector<1x512xf32>
      %slice3A_1191 = vector.extract_strided_slice %add3A_25 {offsets = [1, 4096], sizes = [1, 512], strides = [1, 1]} : vector<4x5120xf32> to vector<1x512xf32>
      %slice3A_1192 = vector.extract_strided_slice %add3A_25 {offsets = [2, 4096], sizes = [1, 512], strides = [1, 1]} : vector<4x5120xf32> to vector<1x512xf32>
      %slice3A_1193 = vector.extract_strided_slice %add3A_25 {offsets = [3, 4096], sizes = [1, 512], strides = [1, 1]} : vector<4x5120xf32> to vector<1x512xf32>
      %max3A_1194 = vector.broadcast %slice3A_1186 : vector<512x1xf32> to vector<512x512xf32>
      %max3A_1195 = vector.broadcast %slice3A_1190 : vector<1x512xf32> to vector<512x512xf32>
      %max3A_1196 = arith.maximumf %max3A_1194, %max3A_1195 : vector<512x512xf32>
      %max3A_1197 = vector.broadcast %slice3A_1187 : vector<512x1xf32> to vector<512x512xf32>
      %max3A_1198 = vector.broadcast %slice3A_1191 : vector<1x512xf32> to vector<512x512xf32>
      %max3A_1199 = arith.maximumf %max3A_1197, %max3A_1198 : vector<512x512xf32>
      %min3A_1200 = vector.broadcast %slice3A_1188 : vector<512x1xf32> to vector<512x512xf32>
      %min3A_1201 = vector.broadcast %slice3A_1192 : vector<1x512xf32> to vector<512x512xf32>
      %min3A_1202 = arith.minimumf %min3A_1200, %min3A_1201 : vector<512x512xf32>
      %min3A_1203 = vector.broadcast %slice3A_1189 : vector<512x1xf32> to vector<512x512xf32>
      %min3A_1204 = vector.broadcast %slice3A_1193 : vector<1x512xf32> to vector<512x512xf32>
      %min3A_1205 = arith.minimumf %min3A_1203, %min3A_1204 : vector<512x512xf32>
      %sub3A_1206 = arith.subf %min3A_1202, %max3A_1196 : vector<512x512xf32>
      %jit3A_1207 = arith.constant 0.000000e+00 : f32
      %max3A_1208 = vector.broadcast %jit3A_1207 : f32 to vector<512x512xf32>
      %max3A_1209 = arith.maximumf %max3A_1208, %sub3A_1206 : vector<512x512xf32>
      %sub3A_1210 = arith.subf %min3A_1205, %max3A_1199 : vector<512x512xf32>
      %jit3A_1211 = arith.constant 0.000000e+00 : f32
      %max3A_1212 = vector.broadcast %jit3A_1211 : f32 to vector<512x512xf32>
      %max3A_1213 = arith.maximumf %max3A_1212, %sub3A_1210 : vector<512x512xf32>
      %mul3A_1214 = arith.mulf %max3A_1209, %max3A_1213 : vector<512x512xf32>
      %sub3A_1215 = arith.subf %slice3A_1188, %slice3A_1186 : vector<512x1xf32>
      %sub3A_1216 = arith.subf %slice3A_1189, %slice3A_1187 : vector<512x1xf32>
      %mul3A_1217 = arith.mulf %sub3A_1215, %sub3A_1216 : vector<512x1xf32>
      %sub3A_1218 = arith.subf %slice3A_1192, %slice3A_1190 : vector<1x512xf32>
      %sub3A_1219 = arith.subf %slice3A_1193, %slice3A_1191 : vector<1x512xf32>
      %mul3A_1220 = arith.mulf %sub3A_1218, %sub3A_1219 : vector<1x512xf32>
      %add3A_1221 = vector.broadcast %mul3A_1217 : vector<512x1xf32> to vector<512x512xf32>
      %add3A_1222 = vector.broadcast %mul3A_1220 : vector<1x512xf32> to vector<512x512xf32>
      %add3A_1223 = arith.addf %add3A_1221, %add3A_1222 : vector<512x512xf32>
      %sub3A_1224 = arith.subf %add3A_1223, %mul3A_1214 : vector<512x512xf32>
      %add3A_1225 = arith.constant 9.99999993E-9 : f32
      %add3A_1226 = vector.broadcast %add3A_1225 : f32 to vector<512x512xf32>
      %add3A_1227 = arith.addf %sub3A_1224, %add3A_1226 : vector<512x512xf32>
      %div3A_1228 = arith.divf %mul3A_1214, %add3A_1227 : vector<512x512xf32>
      %gt3A_1229 = arith.constant 5.000000e-01 : f32
      %gt3A_1230 = vector.broadcast %gt3A_1229 : f32 to vector<512x512xf32>
      %gt3A_1231 = arith.cmpf ogt, %div3A_1228, %gt3A_1230 : vector<512x512xf32>
      %convert_element_type3A_1232 = arith.extui %gt3A_1231 : vector<512x512xi1> to vector<512x512xi32>
      %convert_element_type3A_1233 = arith.sitofp %convert_element_type3A_1232 : vector<512x512xi32> to vector<512x512xf32>
      %get3A_1234 = arith.constant 0 : index
      %get3A_1235 = arith.constant 2048 : index
      %get3A_1236 = vector.load %arg6[%get3A_1234, %get3A_1235] : memref<1x5120xf32, #tpu.memory_space<vmem>>, vector<1x512xf32>
      %get3A_1237 = arith.constant 0 : index
      %get3A_1238 = arith.constant 0 : index
      %get3A_1239 = vector.load %arg7[%get3A_1237, %get3A_1238] : memref<1x512xf32, #tpu.memory_space<vmem>>, vector<1x512xf32>
      %dot_general3A_1240 = arith.constant dense<0.000000e+00> : vector<1x512xf32>
      %dot_general3A_1241 = tpu.matmul %get3A_1236, %convert_element_type3A_1233, %dot_general3A_1240 {dimension_numbers = #tpu.dot_dimension_numbers<[1], [0], [0], [1], [0, 0, 1, 1], [], []>, transpose_lhs_hint = false} : vector<1x512xf32>, vector<512x512xf32>, vector<1x512xf32> -> vector<1x512xf32>
      %add3A_1242 = arith.addf %get3A_1239, %dot_general3A_1241 : vector<1x512xf32>
      %swap3A_1243 = arith.constant 0 : index
      %swap3A_1244 = arith.constant 0 : index
      %swap3A_1245 = vector.load %arg7[%swap3A_1243, %swap3A_1244] : memref<1x512xf32, #tpu.memory_space<vmem>>, vector<1x512xf32>
      tpu.vector_store %arg7[%swap3A_1243, %swap3A_1244], %add3A_1242 {strides = array<i32>} : memref<1x512xf32, #tpu.memory_space<vmem>>, vector<1x512xf32>,
    } else {
    }
    %eq3A_985 = arith.cmpi eq, %reduce_max3A_161, %reduce_min3A_98 : i32
    %convert_element_type3A_986 = arith.extui %eq3A_985 : i1 to i32
    %cond3A_987 = arith.constant 0 : i32
    %cond3A_988 = arith.cmpi ne, %convert_element_type3A_986, %cond3A_987 : i32
    scf.if %cond3A_988 {
      %slice3A_1186 = vector.extract_strided_slice %add3A_15 {offsets = [2560, 0], sizes = [512, 1], strides = [1, 1]} : vector<5120x4xf32> to vector<512x1xf32>
      %slice3A_1187 = vector.extract_strided_slice %add3A_15 {offsets = [2560, 1], sizes = [512, 1], strides = [1, 1]} : vector<5120x4xf32> to vector<512x1xf32>
      %slice3A_1188 = vector.extract_strided_slice %add3A_15 {offsets = [2560, 2], sizes = [512, 1], strides = [1, 1]} : vector<5120x4xf32> to vector<512x1xf32>
      %slice3A_1189 = vector.extract_strided_slice %add3A_15 {offsets = [2560, 3], sizes = [512, 1], strides = [1, 1]} : vector<5120x4xf32> to vector<512x1xf32>
      %slice3A_1190 = vector.extract_strided_slice %add3A_25 {offsets = [0, 4096], sizes = [1, 512], strides = [1, 1]} : vector<4x5120xf32> to vector<1x512xf32>
      %slice3A_1191 = vector.extract_strided_slice %add3A_25 {offsets = [1, 4096], sizes = [1, 512], strides = [1, 1]} : vector<4x5120xf32> to vector<1x512xf32>
      %slice3A_1192 = vector.extract_strided_slice %add3A_25 {offsets = [2, 4096], sizes = [1, 512], strides = [1, 1]} : vector<4x5120xf32> to vector<1x512xf32>
      %slice3A_1193 = vector.extract_strided_slice %add3A_25 {offsets = [3, 4096], sizes = [1, 512], strides = [1, 1]} : vector<4x5120xf32> to vector<1x512xf32>
      %max3A_1194 = vector.broadcast %slice3A_1186 : vector<512x1xf32> to vector<512x512xf32>
      %max3A_1195 = vector.broadcast %slice3A_1190 : vector<1x512xf32> to vector<512x512xf32>
      %max3A_1196 = arith.maximumf %max3A_1194, %max3A_1195 : vector<512x512xf32>
      %max3A_1197 = vector.broadcast %slice3A_1187 : vector<512x1xf32> to vector<512x512xf32>
      %max3A_1198 = vector.broadcast %slice3A_1191 : vector<1x512xf32> to vector<512x512xf32>
      %max3A_1199 = arith.maximumf %max3A_1197, %max3A_1198 : vector<512x512xf32>
      %min3A_1200 = vector.broadcast %slice3A_1188 : vector<512x1xf32> to vector<512x512xf32>
      %min3A_1201 = vector.broadcast %slice3A_1192 : vector<1x512xf32> to vector<512x512xf32>
      %min3A_1202 = arith.minimumf %min3A_1200, %min3A_1201 : vector<512x512xf32>
      %min3A_1203 = vector.broadcast %slice3A_1189 : vector<512x1xf32> to vector<512x512xf32>
      %min3A_1204 = vector.broadcast %slice3A_1193 : vector<1x512xf32> to vector<512x512xf32>
      %min3A_1205 = arith.minimumf %min3A_1203, %min3A_1204 : vector<512x512xf32>
      %sub3A_1206 = arith.subf %min3A_1202, %max3A_1196 : vector<512x512xf32>
      %jit3A_1207 = arith.constant 0.000000e+00 : f32
      %max3A_1208 = vector.broadcast %jit3A_1207 : f32 to vector<512x512xf32>
      %max3A_1209 = arith.maximumf %max3A_1208, %sub3A_1206 : vector<512x512xf32>
      %sub3A_1210 = arith.subf %min3A_1205, %max3A_1199 : vector<512x512xf32>
      %jit3A_1211 = arith.constant 0.000000e+00 : f32
      %max3A_1212 = vector.broadcast %jit3A_1211 : f32 to vector<512x512xf32>
      %max3A_1213 = arith.maximumf %max3A_1212, %sub3A_1210 : vector<512x512xf32>
      %mul3A_1214 = arith.mulf %max3A_1209, %max3A_1213 : vector<512x512xf32>
      %sub3A_1215 = arith.subf %slice3A_1188, %slice3A_1186 : vector<512x1xf32>
      %sub3A_1216 = arith.subf %slice3A_1189, %slice3A_1187 : vector<512x1xf32>
      %mul3A_1217 = arith.mulf %sub3A_1215, %sub3A_1216 : vector<512x1xf32>
      %sub3A_1218 = arith.subf %slice3A_1192, %slice3A_1190 : vector<1x512xf32>
      %sub3A_1219 = arith.subf %slice3A_1193, %slice3A_1191 : vector<1x512xf32>
      %mul3A_1220 = arith.mulf %sub3A_1218, %sub3A_1219 : vector<1x512xf32>
      %add3A_1221 = vector.broadcast %mul3A_1217 : vector<512x1xf32> to vector<512x512xf32>
      %add3A_1222 = vector.broadcast %mul3A_1220 : vector<1x512xf32> to vector<512x512xf32>
      %add3A_1223 = arith.addf %add3A_1221, %add3A_1222 : vector<512x512xf32>
      %sub3A_1224 = arith.subf %add3A_1223, %mul3A_1214 : vector<512x512xf32>
      %add3A_1225 = arith.constant 9.99999993E-9 : f32
      %add3A_1226 = vector.broadcast %add3A_1225 : f32 to vector<512x512xf32>
      %add3A_1227 = arith.addf %sub3A_1224, %add3A_1226 : vector<512x512xf32>
      %div3A_1228 = arith.divf %mul3A_1214, %add3A_1227 : vector<512x512xf32>
      %gt3A_1229 = arith.constant 5.000000e-01 : f32
      %gt3A_1230 = vector.broadcast %gt3A_1229 : f32 to vector<512x512xf32>
      %gt3A_1231 = arith.cmpf ogt, %div3A_1228, %gt3A_1230 : vector<512x512xf32>
      %convert_element_type3A_1232 = arith.extui %gt3A_1231 : vector<512x512xi1> to vector<512x512xi32>
      %convert_element_type3A_1233 = arith.sitofp %convert_element_type3A_1232 : vector<512x512xi32> to vector<512x512xf32>
      %get3A_1234 = arith.constant 0 : index
      %get3A_1235 = arith.constant 2560 : index
      %get3A_1236 = vector.load %arg6[%get3A_1234, %get3A_1235] : memref<1x5120xf32, #tpu.memory_space<vmem>>, vector<1x512xf32>
      %get3A_1237 = arith.constant 0 : index
      %get3A_1238 = arith.constant 0 : index
      %get3A_1239 = vector.load %arg7[%get3A_1237, %get3A_1238] : memref<1x512xf32, #tpu.memory_space<vmem>>, vector<1x512xf32>
      %dot_general3A_1240 = arith.constant dense<0.000000e+00> : vector<1x512xf32>
      %dot_general3A_1241 = tpu.matmul %get3A_1236, %convert_element_type3A_1233, %dot_general3A_1240 {dimension_numbers = #tpu.dot_dimension_numbers<[1], [0], [0], [1], [0, 0, 1, 1], [], []>, transpose_lhs_hint = false} : vector<1x512xf32>, vector<512x512xf32>, vector<1x512xf32> -> vector<1x512xf32>
      %add3A_1242 = arith.addf %get3A_1239, %dot_general3A_1241 : vector<1x512xf32>
      %swap3A_1243 = arith.constant 0 : index
      %swap3A_1244 = arith.constant 0 : index
      %swap3A_1245 = vector.load %arg7[%swap3A_1243, %swap3A_1244] : memref<1x512xf32, #tpu.memory_space<vmem>>, vector<1x512xf32>
      tpu.vector_store %arg7[%swap3A_1243, %swap3A_1244], %add3A_1242 {strides = array<i32>} : memref<1x512xf32, #tpu.memory_space<vmem>>, vector<1x512xf32>,
    } else {
    }
    %eq3A_989 = arith.cmpi eq, %reduce_max3A_170, %reduce_min3A_98 : i32
    %convert_element_type3A_990 = arith.extui %eq3A_989 : i1 to i32
    %cond3A_991 = arith.constant 0 : i32
    %cond3A_992 = arith.cmpi ne, %convert_element_type3A_990, %cond3A_991 : i32
    scf.if %cond3A_992 {
      %slice3A_1186 = vector.extract_strided_slice %add3A_15 {offsets = [3072, 0], sizes = [512, 1], strides = [1, 1]} : vector<5120x4xf32> to vector<512x1xf32>
      %slice3A_1187 = vector.extract_strided_slice %add3A_15 {offsets = [3072, 1], sizes = [512, 1], strides = [1, 1]} : vector<5120x4xf32> to vector<512x1xf32>
      %slice3A_1188 = vector.extract_strided_slice %add3A_15 {offsets = [3072, 2], sizes = [512, 1], strides = [1, 1]} : vector<5120x4xf32> to vector<512x1xf32>
      %slice3A_1189 = vector.extract_strided_slice %add3A_15 {offsets = [3072, 3], sizes = [512, 1], strides = [1, 1]} : vector<5120x4xf32> to vector<512x1xf32>
      %slice3A_1190 = vector.extract_strided_slice %add3A_25 {offsets = [0, 4096], sizes = [1, 512], strides = [1, 1]} : vector<4x5120xf32> to vector<1x512xf32>
      %slice3A_1191 = vector.extract_strided_slice %add3A_25 {offsets = [1, 4096], sizes = [1, 512], strides = [1, 1]} : vector<4x5120xf32> to vector<1x512xf32>
      %slice3A_1192 = vector.extract_strided_slice %add3A_25 {offsets = [2, 4096], sizes = [1, 512], strides = [1, 1]} : vector<4x5120xf32> to vector<1x512xf32>
      %slice3A_1193 = vector.extract_strided_slice %add3A_25 {offsets = [3, 4096], sizes = [1, 512], strides = [1, 1]} : vector<4x5120xf32> to vector<1x512xf32>
      %max3A_1194 = vector.broadcast %slice3A_1186 : vector<512x1xf32> to vector<512x512xf32>
      %max3A_1195 = vector.broadcast %slice3A_1190 : vector<1x512xf32> to vector<512x512xf32>
      %max3A_1196 = arith.maximumf %max3A_1194, %max3A_1195 : vector<512x512xf32>
      %max3A_1197 = vector.broadcast %slice3A_1187 : vector<512x1xf32> to vector<512x512xf32>
      %max3A_1198 = vector.broadcast %slice3A_1191 : vector<1x512xf32> to vector<512x512xf32>
      %max3A_1199 = arith.maximumf %max3A_1197, %max3A_1198 : vector<512x512xf32>
      %min3A_1200 = vector.broadcast %slice3A_1188 : vector<512x1xf32> to vector<512x512xf32>
      %min3A_1201 = vector.broadcast %slice3A_1192 : vector<1x512xf32> to vector<512x512xf32>
      %min3A_1202 = arith.minimumf %min3A_1200, %min3A_1201 : vector<512x512xf32>
      %min3A_1203 = vector.broadcast %slice3A_1189 : vector<512x1xf32> to vector<512x512xf32>
      %min3A_1204 = vector.broadcast %slice3A_1193 : vector<1x512xf32> to vector<512x512xf32>
      %min3A_1205 = arith.minimumf %min3A_1203, %min3A_1204 : vector<512x512xf32>
      %sub3A_1206 = arith.subf %min3A_1202, %max3A_1196 : vector<512x512xf32>
      %jit3A_1207 = arith.constant 0.000000e+00 : f32
      %max3A_1208 = vector.broadcast %jit3A_1207 : f32 to vector<512x512xf32>
      %max3A_1209 = arith.maximumf %max3A_1208, %sub3A_1206 : vector<512x512xf32>
      %sub3A_1210 = arith.subf %min3A_1205, %max3A_1199 : vector<512x512xf32>
      %jit3A_1211 = arith.constant 0.000000e+00 : f32
      %max3A_1212 = vector.broadcast %jit3A_1211 : f32 to vector<512x512xf32>
      %max3A_1213 = arith.maximumf %max3A_1212, %sub3A_1210 : vector<512x512xf32>
      %mul3A_1214 = arith.mulf %max3A_1209, %max3A_1213 : vector<512x512xf32>
      %sub3A_1215 = arith.subf %slice3A_1188, %slice3A_1186 : vector<512x1xf32>
      %sub3A_1216 = arith.subf %slice3A_1189, %slice3A_1187 : vector<512x1xf32>
      %mul3A_1217 = arith.mulf %sub3A_1215, %sub3A_1216 : vector<512x1xf32>
      %sub3A_1218 = arith.subf %slice3A_1192, %slice3A_1190 : vector<1x512xf32>
      %sub3A_1219 = arith.subf %slice3A_1193, %slice3A_1191 : vector<1x512xf32>
      %mul3A_1220 = arith.mulf %sub3A_1218, %sub3A_1219 : vector<1x512xf32>
      %add3A_1221 = vector.broadcast %mul3A_1217 : vector<512x1xf32> to vector<512x512xf32>
      %add3A_1222 = vector.broadcast %mul3A_1220 : vector<1x512xf32> to vector<512x512xf32>
      %add3A_1223 = arith.addf %add3A_1221, %add3A_1222 : vector<512x512xf32>
      %sub3A_1224 = arith.subf %add3A_1223, %mul3A_1214 : vector<512x512xf32>
      %add3A_1225 = arith.constant 9.99999993E-9 : f32
      %add3A_1226 = vector.broadcast %add3A_1225 : f32 to vector<512x512xf32>
      %add3A_1227 = arith.addf %sub3A_1224, %add3A_1226 : vector<512x512xf32>
      %div3A_1228 = arith.divf %mul3A_1214, %add3A_1227 : vector<512x512xf32>
      %gt3A_1229 = arith.constant 5.000000e-01 : f32
      %gt3A_1230 = vector.broadcast %gt3A_1229 : f32 to vector<512x512xf32>
      %gt3A_1231 = arith.cmpf ogt, %div3A_1228, %gt3A_1230 : vector<512x512xf32>
      %convert_element_type3A_1232 = arith.extui %gt3A_1231 : vector<512x512xi1> to vector<512x512xi32>
      %convert_element_type3A_1233 = arith.sitofp %convert_element_type3A_1232 : vector<512x512xi32> to vector<512x512xf32>
      %get3A_1234 = arith.constant 0 : index
      %get3A_1235 = arith.constant 3072 : index
      %get3A_1236 = vector.load %arg6[%get3A_1234, %get3A_1235] : memref<1x5120xf32, #tpu.memory_space<vmem>>, vector<1x512xf32>
      %get3A_1237 = arith.constant 0 : index
      %get3A_1238 = arith.constant 0 : index
      %get3A_1239 = vector.load %arg7[%get3A_1237, %get3A_1238] : memref<1x512xf32, #tpu.memory_space<vmem>>, vector<1x512xf32>
      %dot_general3A_1240 = arith.constant dense<0.000000e+00> : vector<1x512xf32>
      %dot_general3A_1241 = tpu.matmul %get3A_1236, %convert_element_type3A_1233, %dot_general3A_1240 {dimension_numbers = #tpu.dot_dimension_numbers<[1], [0], [0], [1], [0, 0, 1, 1], [], []>, transpose_lhs_hint = false} : vector<1x512xf32>, vector<512x512xf32>, vector<1x512xf32> -> vector<1x512xf32>
      %add3A_1242 = arith.addf %get3A_1239, %dot_general3A_1241 : vector<1x512xf32>
      %swap3A_1243 = arith.constant 0 : index
      %swap3A_1244 = arith.constant 0 : index
      %swap3A_1245 = vector.load %arg7[%swap3A_1243, %swap3A_1244] : memref<1x512xf32, #tpu.memory_space<vmem>>, vector<1x512xf32>
      tpu.vector_store %arg7[%swap3A_1243, %swap3A_1244], %add3A_1242 {strides = array<i32>} : memref<1x512xf32, #tpu.memory_space<vmem>>, vector<1x512xf32>,
    } else {
    }
    %eq3A_993 = arith.cmpi eq, %reduce_max3A_179, %reduce_min3A_98 : i32
    %convert_element_type3A_994 = arith.extui %eq3A_993 : i1 to i32
    %cond3A_995 = arith.constant 0 : i32
    %cond3A_996 = arith.cmpi ne, %convert_element_type3A_994, %cond3A_995 : i32
    scf.if %cond3A_996 {
      %slice3A_1186 = vector.extract_strided_slice %add3A_15 {offsets = [3584, 0], sizes = [512, 1], strides = [1, 1]} : vector<5120x4xf32> to vector<512x1xf32>
      %slice3A_1187 = vector.extract_strided_slice %add3A_15 {offsets = [3584, 1], sizes = [512, 1], strides = [1, 1]} : vector<5120x4xf32> to vector<512x1xf32>
      %slice3A_1188 = vector.extract_strided_slice %add3A_15 {offsets = [3584, 2], sizes = [512, 1], strides = [1, 1]} : vector<5120x4xf32> to vector<512x1xf32>
      %slice3A_1189 = vector.extract_strided_slice %add3A_15 {offsets = [3584, 3], sizes = [512, 1], strides = [1, 1]} : vector<5120x4xf32> to vector<512x1xf32>
      %slice3A_1190 = vector.extract_strided_slice %add3A_25 {offsets = [0, 4096], sizes = [1, 512], strides = [1, 1]} : vector<4x5120xf32> to vector<1x512xf32>
      %slice3A_1191 = vector.extract_strided_slice %add3A_25 {offsets = [1, 4096], sizes = [1, 512], strides = [1, 1]} : vector<4x5120xf32> to vector<1x512xf32>
      %slice3A_1192 = vector.extract_strided_slice %add3A_25 {offsets = [2, 4096], sizes = [1, 512], strides = [1, 1]} : vector<4x5120xf32> to vector<1x512xf32>
      %slice3A_1193 = vector.extract_strided_slice %add3A_25 {offsets = [3, 4096], sizes = [1, 512], strides = [1, 1]} : vector<4x5120xf32> to vector<1x512xf32>
      %max3A_1194 = vector.broadcast %slice3A_1186 : vector<512x1xf32> to vector<512x512xf32>
      %max3A_1195 = vector.broadcast %slice3A_1190 : vector<1x512xf32> to vector<512x512xf32>
      %max3A_1196 = arith.maximumf %max3A_1194, %max3A_1195 : vector<512x512xf32>
      %max3A_1197 = vector.broadcast %slice3A_1187 : vector<512x1xf32> to vector<512x512xf32>
      %max3A_1198 = vector.broadcast %slice3A_1191 : vector<1x512xf32> to vector<512x512xf32>
      %max3A_1199 = arith.maximumf %max3A_1197, %max3A_1198 : vector<512x512xf32>
      %min3A_1200 = vector.broadcast %slice3A_1188 : vector<512x1xf32> to vector<512x512xf32>
      %min3A_1201 = vector.broadcast %slice3A_1192 : vector<1x512xf32> to vector<512x512xf32>
      %min3A_1202 = arith.minimumf %min3A_1200, %min3A_1201 : vector<512x512xf32>
      %min3A_1203 = vector.broadcast %slice3A_1189 : vector<512x1xf32> to vector<512x512xf32>
      %min3A_1204 = vector.broadcast %slice3A_1193 : vector<1x512xf32> to vector<512x512xf32>
      %min3A_1205 = arith.minimumf %min3A_1203, %min3A_1204 : vector<512x512xf32>
      %sub3A_1206 = arith.subf %min3A_1202, %max3A_1196 : vector<512x512xf32>
      %jit3A_1207 = arith.constant 0.000000e+00 : f32
      %max3A_1208 = vector.broadcast %jit3A_1207 : f32 to vector<512x512xf32>
      %max3A_1209 = arith.maximumf %max3A_1208, %sub3A_1206 : vector<512x512xf32>
      %sub3A_1210 = arith.subf %min3A_1205, %max3A_1199 : vector<512x512xf32>
      %jit3A_1211 = arith.constant 0.000000e+00 : f32
      %max3A_1212 = vector.broadcast %jit3A_1211 : f32 to vector<512x512xf32>
      %max3A_1213 = arith.maximumf %max3A_1212, %sub3A_1210 : vector<512x512xf32>
      %mul3A_1214 = arith.mulf %max3A_1209, %max3A_1213 : vector<512x512xf32>
      %sub3A_1215 = arith.subf %slice3A_1188, %slice3A_1186 : vector<512x1xf32>
      %sub3A_1216 = arith.subf %slice3A_1189, %slice3A_1187 : vector<512x1xf32>
      %mul3A_1217 = arith.mulf %sub3A_1215, %sub3A_1216 : vector<512x1xf32>
      %sub3A_1218 = arith.subf %slice3A_1192, %slice3A_1190 : vector<1x512xf32>
      %sub3A_1219 = arith.subf %slice3A_1193, %slice3A_1191 : vector<1x512xf32>
      %mul3A_1220 = arith.mulf %sub3A_1218, %sub3A_1219 : vector<1x512xf32>
      %add3A_1221 = vector.broadcast %mul3A_1217 : vector<512x1xf32> to vector<512x512xf32>
      %add3A_1222 = vector.broadcast %mul3A_1220 : vector<1x512xf32> to vector<512x512xf32>
      %add3A_1223 = arith.addf %add3A_1221, %add3A_1222 : vector<512x512xf32>
      %sub3A_1224 = arith.subf %add3A_1223, %mul3A_1214 : vector<512x512xf32>
      %add3A_1225 = arith.constant 9.99999993E-9 : f32
      %add3A_1226 = vector.broadcast %add3A_1225 : f32 to vector<512x512xf32>
      %add3A_1227 = arith.addf %sub3A_1224, %add3A_1226 : vector<512x512xf32>
      %div3A_1228 = arith.divf %mul3A_1214, %add3A_1227 : vector<512x512xf32>
      %gt3A_1229 = arith.constant 5.000000e-01 : f32
      %gt3A_1230 = vector.broadcast %gt3A_1229 : f32 to vector<512x512xf32>
      %gt3A_1231 = arith.cmpf ogt, %div3A_1228, %gt3A_1230 : vector<512x512xf32>
      %convert_element_type3A_1232 = arith.extui %gt3A_1231 : vector<512x512xi1> to vector<512x512xi32>
      %convert_element_type3A_1233 = arith.sitofp %convert_element_type3A_1232 : vector<512x512xi32> to vector<512x512xf32>
      %get3A_1234 = arith.constant 0 : index
      %get3A_1235 = arith.constant 3584 : index
      %get3A_1236 = vector.load %arg6[%get3A_1234, %get3A_1235] : memref<1x5120xf32, #tpu.memory_space<vmem>>, vector<1x512xf32>
      %get3A_1237 = arith.constant 0 : index
      %get3A_1238 = arith.constant 0 : index
      %get3A_1239 = vector.load %arg7[%get3A_1237, %get3A_1238] : memref<1x512xf32, #tpu.memory_space<vmem>>, vector<1x512xf32>
      %dot_general3A_1240 = arith.constant dense<0.000000e+00> : vector<1x512xf32>
      %dot_general3A_1241 = tpu.matmul %get3A_1236, %convert_element_type3A_1233, %dot_general3A_1240 {dimension_numbers = #tpu.dot_dimension_numbers<[1], [0], [0], [1], [0, 0, 1, 1], [], []>, transpose_lhs_hint = false} : vector<1x512xf32>, vector<512x512xf32>, vector<1x512xf32> -> vector<1x512xf32>
      %add3A_1242 = arith.addf %get3A_1239, %dot_general3A_1241 : vector<1x512xf32>
      %swap3A_1243 = arith.constant 0 : index
      %swap3A_1244 = arith.constant 0 : index
      %swap3A_1245 = vector.load %arg7[%swap3A_1243, %swap3A_1244] : memref<1x512xf32, #tpu.memory_space<vmem>>, vector<1x512xf32>
      tpu.vector_store %arg7[%swap3A_1243, %swap3A_1244], %add3A_1242 {strides = array<i32>} : memref<1x512xf32, #tpu.memory_space<vmem>>, vector<1x512xf32>,
    } else {
    }
    %get3A_997 = arith.constant 0 : index
    %get3A_998 = arith.constant 0 : index
    %get3A_999 = vector.load %arg7[%get3A_997, %get3A_998] : memref<1x512xf32, #tpu.memory_space<vmem>>, vector<1x512xf32>
    %eq3A_1000 = arith.constant 0.000000e+00 : f32
    %eq3A_1001 = vector.broadcast %eq3A_1000 : f32 to vector<1x512xf32>
    %eq3A_1002 = arith.cmpf oeq, %get3A_999, %eq3A_1001 : vector<1x512xf32>
    %convert_element_type3A_1003 = arith.extui %eq3A_1002 : vector<1x512xi1> to vector<1x512xi32>
    %convert_element_type3A_1004 = arith.sitofp %convert_element_type3A_1003 : vector<1x512xi32> to vector<1x512xf32>
    %mul3A_1005 = arith.mulf %convert_element_type3A_959, %convert_element_type3A_1004 : vector<1x512xf32>
    %slice3A_1006 = vector.extract_strided_slice %add3A_15 {offsets = [4096, 0], sizes = [512, 1], strides = [1, 1]} : vector<5120x4xf32> to vector<512x1xf32>
    %slice3A_1007 = vector.extract_strided_slice %add3A_15 {offsets = [4096, 1], sizes = [512, 1], strides = [1, 1]} : vector<5120x4xf32> to vector<512x1xf32>
    %slice3A_1008 = vector.extract_strided_slice %add3A_15 {offsets = [4096, 2], sizes = [512, 1], strides = [1, 1]} : vector<5120x4xf32> to vector<512x1xf32>
    %slice3A_1009 = vector.extract_strided_slice %add3A_15 {offsets = [4096, 3], sizes = [512, 1], strides = [1, 1]} : vector<5120x4xf32> to vector<512x1xf32>
    %slice3A_1010 = vector.extract_strided_slice %add3A_25 {offsets = [0, 4096], sizes = [1, 512], strides = [1, 1]} : vector<4x5120xf32> to vector<1x512xf32>
    %slice3A_1011 = vector.extract_strided_slice %add3A_25 {offsets = [1, 4096], sizes = [1, 512], strides = [1, 1]} : vector<4x5120xf32> to vector<1x512xf32>
    %slice3A_1012 = vector.extract_strided_slice %add3A_25 {offsets = [2, 4096], sizes = [1, 512], strides = [1, 1]} : vector<4x5120xf32> to vector<1x512xf32>
    %slice3A_1013 = vector.extract_strided_slice %add3A_25 {offsets = [3, 4096], sizes = [1, 512], strides = [1, 1]} : vector<4x5120xf32> to vector<1x512xf32>
    %max3A_1014 = vector.broadcast %slice3A_1006 : vector<512x1xf32> to vector<512x512xf32>
    %max3A_1015 = vector.broadcast %slice3A_1010 : vector<1x512xf32> to vector<512x512xf32>
    %max3A_1016 = arith.maximumf %max3A_1014, %max3A_1015 : vector<512x512xf32>
    %max3A_1017 = vector.broadcast %slice3A_1007 : vector<512x1xf32> to vector<512x512xf32>
    %max3A_1018 = vector.broadcast %slice3A_1011 : vector<1x512xf32> to vector<512x512xf32>
    %max3A_1019 = arith.maximumf %max3A_1017, %max3A_1018 : vector<512x512xf32>
    %min3A_1020 = vector.broadcast %slice3A_1008 : vector<512x1xf32> to vector<512x512xf32>
    %min3A_1021 = vector.broadcast %slice3A_1012 : vector<1x512xf32> to vector<512x512xf32>
    %min3A_1022 = arith.minimumf %min3A_1020, %min3A_1021 : vector<512x512xf32>
    %min3A_1023 = vector.broadcast %slice3A_1009 : vector<512x1xf32> to vector<512x512xf32>
    %min3A_1024 = vector.broadcast %slice3A_1013 : vector<1x512xf32> to vector<512x512xf32>
    %min3A_1025 = arith.minimumf %min3A_1023, %min3A_1024 : vector<512x512xf32>
    %sub3A_1026 = arith.subf %min3A_1022, %max3A_1016 : vector<512x512xf32>
    %jit3A_1027 = arith.constant 0.000000e+00 : f32
    %max3A_1028 = vector.broadcast %jit3A_1027 : f32 to vector<512x512xf32>
    %max3A_1029 = arith.maximumf %max3A_1028, %sub3A_1026 : vector<512x512xf32>
    %sub3A_1030 = arith.subf %min3A_1025, %max3A_1019 : vector<512x512xf32>
    %jit3A_1031 = arith.constant 0.000000e+00 : f32
    %max3A_1032 = vector.broadcast %jit3A_1031 : f32 to vector<512x512xf32>
    %max3A_1033 = arith.maximumf %max3A_1032, %sub3A_1030 : vector<512x512xf32>
    %mul3A_1034 = arith.mulf %max3A_1029, %max3A_1033 : vector<512x512xf32>
    %sub3A_1035 = arith.subf %slice3A_1008, %slice3A_1006 : vector<512x1xf32>
    %sub3A_1036 = arith.subf %slice3A_1009, %slice3A_1007 : vector<512x1xf32>
    %mul3A_1037 = arith.mulf %sub3A_1035, %sub3A_1036 : vector<512x1xf32>
    %sub3A_1038 = arith.subf %slice3A_1012, %slice3A_1010 : vector<1x512xf32>
    %sub3A_1039 = arith.subf %slice3A_1013, %slice3A_1011 : vector<1x512xf32>
    %mul3A_1040 = arith.mulf %sub3A_1038, %sub3A_1039 : vector<1x512xf32>
    %add3A_1041 = vector.broadcast %mul3A_1037 : vector<512x1xf32> to vector<512x512xf32>
    %add3A_1042 = vector.broadcast %mul3A_1040 : vector<1x512xf32> to vector<512x512xf32>
    %add3A_1043 = arith.addf %add3A_1041, %add3A_1042 : vector<512x512xf32>
    %sub3A_1044 = arith.subf %add3A_1043, %mul3A_1034 : vector<512x512xf32>
    %add3A_1045 = arith.constant 9.99999993E-9 : f32
    %add3A_1046 = vector.broadcast %add3A_1045 : f32 to vector<512x512xf32>
    %add3A_1047 = arith.addf %sub3A_1044, %add3A_1046 : vector<512x512xf32>
    %div3A_1048 = arith.divf %mul3A_1034, %add3A_1047 : vector<512x512xf32>
    %gt3A_1049 = arith.constant 5.000000e-01 : f32
    %gt3A_1050 = vector.broadcast %gt3A_1049 : f32 to vector<512x512xf32>
    %gt3A_1051 = arith.cmpf ogt, %div3A_1048, %gt3A_1050 : vector<512x512xf32>
    %convert_element_type3A_1052 = arith.extui %gt3A_1051 : vector<512x512xi1> to vector<512x512xi32>
    %convert_element_type3A_1053 = arith.sitofp %convert_element_type3A_1052 : vector<512x512xi32> to vector<512x512xf32>
    %mul3A_1054 = arith.mulf %convert_element_type3A_1053, %convert_element_type3A_27 : vector<512x512xf32>
    %dot_general3A_1055 = arith.constant dense<0.000000e+00> : vector<1x512xf32>
    %dot_general3A_1056 = tpu.matmul %mul3A_1005, %mul3A_1054, %dot_general3A_1055 {dimension_numbers = #tpu.dot_dimension_numbers<[1], [0], [0], [1], [0, 0, 1, 1], [], []>, transpose_lhs_hint = false} : vector<1x512xf32>, vector<512x512xf32>, vector<1x512xf32> -> vector<1x512xf32>
    %eq3A_1057 = arith.constant 0.000000e+00 : f32
    %eq3A_1058 = vector.broadcast %eq3A_1057 : f32 to vector<1x512xf32>
    %eq3A_1059 = arith.cmpf oeq, %dot_general3A_1056, %eq3A_1058 : vector<1x512xf32>
    %convert_element_type3A_1060 = arith.extui %eq3A_1059 : vector<1x512xi1> to vector<1x512xi32>
    %convert_element_type3A_1061 = arith.sitofp %convert_element_type3A_1060 : vector<1x512xi32> to vector<1x512xf32>
    %mul3A_1062 = arith.mulf %mul3A_1005, %convert_element_type3A_1061 : vector<1x512xf32>
    %while3A_1063:2 = scf.while (%while3A_1186 = %mul3A_1062, %while3A_1187 = %mul3A_1005) : (vector<1x512xf32>, vector<1x512xf32>) -> (vector<1x512xf32>, vector<1x512xf32>) {
      %ne3A = arith.cmpf one, %while3A_1186, %while3A_1187 : vector<1x512xf32>
      %reduce_or3A = arith.constant 1.000000e+00 : f32
      %reduce_or3A_1188 = arith.constant 0.000000e+00 : f32
      %reduce_or3A_1189 = vector.broadcast %reduce_or3A : f32 to vector<1x512xf32>
      %reduce_or3A_1190 = vector.broadcast %reduce_or3A_1188 : f32 to vector<1x512xf32>
      %reduce_or3A_1191 = arith.select %ne3A, %reduce_or3A_1189, %reduce_or3A_1190 : vector<1x512xi1>, vector<1x512xf32>
      %reduce_or3A_1192 = vector.shape_cast %reduce_or3A_1191 : vector<1x512xf32> to vector<1x1x512xf32>
      %reduce_or3A_1193 = arith.constant dense<0xFF800000> : vector<1xf32>
      %reduce_or3A_1194 = vector.multi_reduction <maximumf>, %reduce_or3A_1192, %reduce_or3A_1193 [1, 2] : vector<1x1x512xf32> to vector<1xf32>
      %reduce_or3A_1195 = vector.shape_cast %reduce_or3A_1194 : vector<1xf32> to vector<1x1x1xf32>
      %reduce_or3A_1196 = vector.extract %reduce_or3A_1195[0, 0, 0] : f32 from vector<1x1x1xf32>
      %reduce_or3A_1197 = arith.constant 0.000000e+00 : f32
      %reduce_or3A_1198 = arith.cmpf ogt, %reduce_or3A_1196, %reduce_or3A_1197 : f32
      scf.condition(%reduce_or3A_1198) %while3A_1186, %while3A_1187 : vector<1x512xf32>, vector<1x512xf32>
    } do {
    ^bb0(%while3A_1186: vector<1x512xf32>, %while3A_1187: vector<1x512xf32>):
      %dot_general3A_1188 = arith.constant dense<0.000000e+00> : vector<1x512xf32>
      %dot_general3A_1189 = tpu.matmul %while3A_1186, %mul3A_1054, %dot_general3A_1188 {dimension_numbers = #tpu.dot_dimension_numbers<[1], [0], [0], [1], [0, 0, 1, 1], [], []>, transpose_lhs_hint = false} : vector<1x512xf32>, vector<512x512xf32>, vector<1x512xf32> -> vector<1x512xf32>
      %eq3A_1190 = arith.constant 0.000000e+00 : f32
      %eq3A_1191 = vector.broadcast %eq3A_1190 : f32 to vector<1x512xf32>
      %eq3A_1192 = arith.cmpf oeq, %dot_general3A_1189, %eq3A_1191 : vector<1x512xf32>
      %convert_element_type3A_1193 = arith.extui %eq3A_1192 : vector<1x512xi1> to vector<1x512xi32>
      %convert_element_type3A_1194 = arith.sitofp %convert_element_type3A_1193 : vector<1x512xi32> to vector<1x512xf32>
      %mul3A_1195 = arith.mulf %mul3A_1005, %convert_element_type3A_1194 : vector<1x512xf32>
      scf.yield %mul3A_1195, %while3A_1186 : vector<1x512xf32>, vector<1x512xf32>
    }
    %swap3A_1064 = arith.constant 0 : index
    %swap3A_1065 = arith.constant 4096 : index
    %swap3A_1066 = vector.load %arg6[%swap3A_1064, %swap3A_1065] : memref<1x5120xf32, #tpu.memory_space<vmem>>, vector<1x512xf32>
    tpu.vector_store %arg6[%swap3A_1064, %swap3A_1065], %while3A_1063#0 {strides = array<i32>} : memref<1x5120xf32, #tpu.memory_space<vmem>>, vector<1x512xf32>,
    %get3A_1067 = arith.constant 0 : index
    %get3A_1068 = arith.constant 4608 : index
    %get3A_1069 = vector.load %arg5[%get3A_1067, %get3A_1068] : memref<1x5120xf32, #tpu.memory_space<vmem>>, vector<1x512xf32>
    %gt3A_1070 = arith.constant 2.000000e-01 : f32
    %gt3A_1071 = vector.broadcast %gt3A_1070 : f32 to vector<1x512xf32>
    %gt3A_1072 = arith.cmpf ogt, %get3A_1069, %gt3A_1071 : vector<1x512xf32>
    %convert_element_type3A_1073 = arith.extui %gt3A_1072 : vector<1x512xi1> to vector<1x512xi32>
    %convert_element_type3A_1074 = arith.sitofp %convert_element_type3A_1073 : vector<1x512xi32> to vector<1x512xf32>
    %broadcast_in_dim3A_1075 = arith.constant 0.000000e+00 : f32
    %broadcast_in_dim3A_1076 = vector.broadcast %broadcast_in_dim3A_1075 : f32 to vector<1x512xf32>
    %swap3A_1077 = arith.constant 0 : index
    %swap3A_1078 = arith.constant 0 : index
    %swap3A_1079 = vector.load %arg7[%swap3A_1077, %swap3A_1078] : memref<1x512xf32, #tpu.memory_space<vmem>>, vector<1x512xf32>
    tpu.vector_store %arg7[%swap3A_1077, %swap3A_1078], %broadcast_in_dim3A_1076 {strides = array<i32>} : memref<1x512xf32, #tpu.memory_space<vmem>>, vector<1x512xf32>,
    %eq3A_1080 = arith.cmpi eq, %reduce_max3A_116, %reduce_min3A_107 : i32
    %convert_element_type3A_1081 = arith.extui %eq3A_1080 : i1 to i32
    %cond3A_1082 = arith.constant 0 : i32
    %cond3A_1083 = arith.cmpi ne, %convert_element_type3A_1081, %cond3A_1082 : i32
    scf.if %cond3A_1083 {
      %slice3A_1186 = vector.extract_strided_slice %add3A_15 {offsets = [0, 0], sizes = [512, 1], strides = [1, 1]} : vector<5120x4xf32> to vector<512x1xf32>
      %slice3A_1187 = vector.extract_strided_slice %add3A_15 {offsets = [0, 1], sizes = [512, 1], strides = [1, 1]} : vector<5120x4xf32> to vector<512x1xf32>
      %slice3A_1188 = vector.extract_strided_slice %add3A_15 {offsets = [0, 2], sizes = [512, 1], strides = [1, 1]} : vector<5120x4xf32> to vector<512x1xf32>
      %slice3A_1189 = vector.extract_strided_slice %add3A_15 {offsets = [0, 3], sizes = [512, 1], strides = [1, 1]} : vector<5120x4xf32> to vector<512x1xf32>
      %slice3A_1190 = vector.extract_strided_slice %add3A_25 {offsets = [0, 4608], sizes = [1, 512], strides = [1, 1]} : vector<4x5120xf32> to vector<1x512xf32>
      %slice3A_1191 = vector.extract_strided_slice %add3A_25 {offsets = [1, 4608], sizes = [1, 512], strides = [1, 1]} : vector<4x5120xf32> to vector<1x512xf32>
      %slice3A_1192 = vector.extract_strided_slice %add3A_25 {offsets = [2, 4608], sizes = [1, 512], strides = [1, 1]} : vector<4x5120xf32> to vector<1x512xf32>
      %slice3A_1193 = vector.extract_strided_slice %add3A_25 {offsets = [3, 4608], sizes = [1, 512], strides = [1, 1]} : vector<4x5120xf32> to vector<1x512xf32>
      %max3A_1194 = vector.broadcast %slice3A_1186 : vector<512x1xf32> to vector<512x512xf32>
      %max3A_1195 = vector.broadcast %slice3A_1190 : vector<1x512xf32> to vector<512x512xf32>
      %max3A_1196 = arith.maximumf %max3A_1194, %max3A_1195 : vector<512x512xf32>
      %max3A_1197 = vector.broadcast %slice3A_1187 : vector<512x1xf32> to vector<512x512xf32>
      %max3A_1198 = vector.broadcast %slice3A_1191 : vector<1x512xf32> to vector<512x512xf32>
      %max3A_1199 = arith.maximumf %max3A_1197, %max3A_1198 : vector<512x512xf32>
      %min3A_1200 = vector.broadcast %slice3A_1188 : vector<512x1xf32> to vector<512x512xf32>
      %min3A_1201 = vector.broadcast %slice3A_1192 : vector<1x512xf32> to vector<512x512xf32>
      %min3A_1202 = arith.minimumf %min3A_1200, %min3A_1201 : vector<512x512xf32>
      %min3A_1203 = vector.broadcast %slice3A_1189 : vector<512x1xf32> to vector<512x512xf32>
      %min3A_1204 = vector.broadcast %slice3A_1193 : vector<1x512xf32> to vector<512x512xf32>
      %min3A_1205 = arith.minimumf %min3A_1203, %min3A_1204 : vector<512x512xf32>
      %sub3A_1206 = arith.subf %min3A_1202, %max3A_1196 : vector<512x512xf32>
      %jit3A_1207 = arith.constant 0.000000e+00 : f32
      %max3A_1208 = vector.broadcast %jit3A_1207 : f32 to vector<512x512xf32>
      %max3A_1209 = arith.maximumf %max3A_1208, %sub3A_1206 : vector<512x512xf32>
      %sub3A_1210 = arith.subf %min3A_1205, %max3A_1199 : vector<512x512xf32>
      %jit3A_1211 = arith.constant 0.000000e+00 : f32
      %max3A_1212 = vector.broadcast %jit3A_1211 : f32 to vector<512x512xf32>
      %max3A_1213 = arith.maximumf %max3A_1212, %sub3A_1210 : vector<512x512xf32>
      %mul3A_1214 = arith.mulf %max3A_1209, %max3A_1213 : vector<512x512xf32>
      %sub3A_1215 = arith.subf %slice3A_1188, %slice3A_1186 : vector<512x1xf32>
      %sub3A_1216 = arith.subf %slice3A_1189, %slice3A_1187 : vector<512x1xf32>
      %mul3A_1217 = arith.mulf %sub3A_1215, %sub3A_1216 : vector<512x1xf32>
      %sub3A_1218 = arith.subf %slice3A_1192, %slice3A_1190 : vector<1x512xf32>
      %sub3A_1219 = arith.subf %slice3A_1193, %slice3A_1191 : vector<1x512xf32>
      %mul3A_1220 = arith.mulf %sub3A_1218, %sub3A_1219 : vector<1x512xf32>
      %add3A_1221 = vector.broadcast %mul3A_1217 : vector<512x1xf32> to vector<512x512xf32>
      %add3A_1222 = vector.broadcast %mul3A_1220 : vector<1x512xf32> to vector<512x512xf32>
      %add3A_1223 = arith.addf %add3A_1221, %add3A_1222 : vector<512x512xf32>
      %sub3A_1224 = arith.subf %add3A_1223, %mul3A_1214 : vector<512x512xf32>
      %add3A_1225 = arith.constant 9.99999993E-9 : f32
      %add3A_1226 = vector.broadcast %add3A_1225 : f32 to vector<512x512xf32>
      %add3A_1227 = arith.addf %sub3A_1224, %add3A_1226 : vector<512x512xf32>
      %div3A_1228 = arith.divf %mul3A_1214, %add3A_1227 : vector<512x512xf32>
      %gt3A_1229 = arith.constant 5.000000e-01 : f32
      %gt3A_1230 = vector.broadcast %gt3A_1229 : f32 to vector<512x512xf32>
      %gt3A_1231 = arith.cmpf ogt, %div3A_1228, %gt3A_1230 : vector<512x512xf32>
      %convert_element_type3A_1232 = arith.extui %gt3A_1231 : vector<512x512xi1> to vector<512x512xi32>
      %convert_element_type3A_1233 = arith.sitofp %convert_element_type3A_1232 : vector<512x512xi32> to vector<512x512xf32>
      %get3A_1234 = arith.constant 0 : index
      %get3A_1235 = arith.constant 0 : index
      %get3A_1236 = vector.load %arg6[%get3A_1234, %get3A_1235] : memref<1x5120xf32, #tpu.memory_space<vmem>>, vector<1x512xf32>
      %get3A_1237 = arith.constant 0 : index
      %get3A_1238 = arith.constant 0 : index
      %get3A_1239 = vector.load %arg7[%get3A_1237, %get3A_1238] : memref<1x512xf32, #tpu.memory_space<vmem>>, vector<1x512xf32>
      %dot_general3A_1240 = arith.constant dense<0.000000e+00> : vector<1x512xf32>
      %dot_general3A_1241 = tpu.matmul %get3A_1236, %convert_element_type3A_1233, %dot_general3A_1240 {dimension_numbers = #tpu.dot_dimension_numbers<[1], [0], [0], [1], [0, 0, 1, 1], [], []>, transpose_lhs_hint = false} : vector<1x512xf32>, vector<512x512xf32>, vector<1x512xf32> -> vector<1x512xf32>
      %add3A_1242 = arith.addf %get3A_1239, %dot_general3A_1241 : vector<1x512xf32>
      %swap3A_1243 = arith.constant 0 : index
      %swap3A_1244 = arith.constant 0 : index
      %swap3A_1245 = vector.load %arg7[%swap3A_1243, %swap3A_1244] : memref<1x512xf32, #tpu.memory_space<vmem>>, vector<1x512xf32>
      tpu.vector_store %arg7[%swap3A_1243, %swap3A_1244], %add3A_1242 {strides = array<i32>} : memref<1x512xf32, #tpu.memory_space<vmem>>, vector<1x512xf32>,
    } else {
    }
    %eq3A_1084 = arith.cmpi eq, %reduce_max3A_125, %reduce_min3A_107 : i32
    %convert_element_type3A_1085 = arith.extui %eq3A_1084 : i1 to i32
    %cond3A_1086 = arith.constant 0 : i32
    %cond3A_1087 = arith.cmpi ne, %convert_element_type3A_1085, %cond3A_1086 : i32
    scf.if %cond3A_1087 {
      %slice3A_1186 = vector.extract_strided_slice %add3A_15 {offsets = [512, 0], sizes = [512, 1], strides = [1, 1]} : vector<5120x4xf32> to vector<512x1xf32>
      %slice3A_1187 = vector.extract_strided_slice %add3A_15 {offsets = [512, 1], sizes = [512, 1], strides = [1, 1]} : vector<5120x4xf32> to vector<512x1xf32>
      %slice3A_1188 = vector.extract_strided_slice %add3A_15 {offsets = [512, 2], sizes = [512, 1], strides = [1, 1]} : vector<5120x4xf32> to vector<512x1xf32>
      %slice3A_1189 = vector.extract_strided_slice %add3A_15 {offsets = [512, 3], sizes = [512, 1], strides = [1, 1]} : vector<5120x4xf32> to vector<512x1xf32>
      %slice3A_1190 = vector.extract_strided_slice %add3A_25 {offsets = [0, 4608], sizes = [1, 512], strides = [1, 1]} : vector<4x5120xf32> to vector<1x512xf32>
      %slice3A_1191 = vector.extract_strided_slice %add3A_25 {offsets = [1, 4608], sizes = [1, 512], strides = [1, 1]} : vector<4x5120xf32> to vector<1x512xf32>
      %slice3A_1192 = vector.extract_strided_slice %add3A_25 {offsets = [2, 4608], sizes = [1, 512], strides = [1, 1]} : vector<4x5120xf32> to vector<1x512xf32>
      %slice3A_1193 = vector.extract_strided_slice %add3A_25 {offsets = [3, 4608], sizes = [1, 512], strides = [1, 1]} : vector<4x5120xf32> to vector<1x512xf32>
      %max3A_1194 = vector.broadcast %slice3A_1186 : vector<512x1xf32> to vector<512x512xf32>
      %max3A_1195 = vector.broadcast %slice3A_1190 : vector<1x512xf32> to vector<512x512xf32>
      %max3A_1196 = arith.maximumf %max3A_1194, %max3A_1195 : vector<512x512xf32>
      %max3A_1197 = vector.broadcast %slice3A_1187 : vector<512x1xf32> to vector<512x512xf32>
      %max3A_1198 = vector.broadcast %slice3A_1191 : vector<1x512xf32> to vector<512x512xf32>
      %max3A_1199 = arith.maximumf %max3A_1197, %max3A_1198 : vector<512x512xf32>
      %min3A_1200 = vector.broadcast %slice3A_1188 : vector<512x1xf32> to vector<512x512xf32>
      %min3A_1201 = vector.broadcast %slice3A_1192 : vector<1x512xf32> to vector<512x512xf32>
      %min3A_1202 = arith.minimumf %min3A_1200, %min3A_1201 : vector<512x512xf32>
      %min3A_1203 = vector.broadcast %slice3A_1189 : vector<512x1xf32> to vector<512x512xf32>
      %min3A_1204 = vector.broadcast %slice3A_1193 : vector<1x512xf32> to vector<512x512xf32>
      %min3A_1205 = arith.minimumf %min3A_1203, %min3A_1204 : vector<512x512xf32>
      %sub3A_1206 = arith.subf %min3A_1202, %max3A_1196 : vector<512x512xf32>
      %jit3A_1207 = arith.constant 0.000000e+00 : f32
      %max3A_1208 = vector.broadcast %jit3A_1207 : f32 to vector<512x512xf32>
      %max3A_1209 = arith.maximumf %max3A_1208, %sub3A_1206 : vector<512x512xf32>
      %sub3A_1210 = arith.subf %min3A_1205, %max3A_1199 : vector<512x512xf32>
      %jit3A_1211 = arith.constant 0.000000e+00 : f32
      %max3A_1212 = vector.broadcast %jit3A_1211 : f32 to vector<512x512xf32>
      %max3A_1213 = arith.maximumf %max3A_1212, %sub3A_1210 : vector<512x512xf32>
      %mul3A_1214 = arith.mulf %max3A_1209, %max3A_1213 : vector<512x512xf32>
      %sub3A_1215 = arith.subf %slice3A_1188, %slice3A_1186 : vector<512x1xf32>
      %sub3A_1216 = arith.subf %slice3A_1189, %slice3A_1187 : vector<512x1xf32>
      %mul3A_1217 = arith.mulf %sub3A_1215, %sub3A_1216 : vector<512x1xf32>
      %sub3A_1218 = arith.subf %slice3A_1192, %slice3A_1190 : vector<1x512xf32>
      %sub3A_1219 = arith.subf %slice3A_1193, %slice3A_1191 : vector<1x512xf32>
      %mul3A_1220 = arith.mulf %sub3A_1218, %sub3A_1219 : vector<1x512xf32>
      %add3A_1221 = vector.broadcast %mul3A_1217 : vector<512x1xf32> to vector<512x512xf32>
      %add3A_1222 = vector.broadcast %mul3A_1220 : vector<1x512xf32> to vector<512x512xf32>
      %add3A_1223 = arith.addf %add3A_1221, %add3A_1222 : vector<512x512xf32>
      %sub3A_1224 = arith.subf %add3A_1223, %mul3A_1214 : vector<512x512xf32>
      %add3A_1225 = arith.constant 9.99999993E-9 : f32
      %add3A_1226 = vector.broadcast %add3A_1225 : f32 to vector<512x512xf32>
      %add3A_1227 = arith.addf %sub3A_1224, %add3A_1226 : vector<512x512xf32>
      %div3A_1228 = arith.divf %mul3A_1214, %add3A_1227 : vector<512x512xf32>
      %gt3A_1229 = arith.constant 5.000000e-01 : f32
      %gt3A_1230 = vector.broadcast %gt3A_1229 : f32 to vector<512x512xf32>
      %gt3A_1231 = arith.cmpf ogt, %div3A_1228, %gt3A_1230 : vector<512x512xf32>
      %convert_element_type3A_1232 = arith.extui %gt3A_1231 : vector<512x512xi1> to vector<512x512xi32>
      %convert_element_type3A_1233 = arith.sitofp %convert_element_type3A_1232 : vector<512x512xi32> to vector<512x512xf32>
      %get3A_1234 = arith.constant 0 : index
      %get3A_1235 = arith.constant 512 : index
      %get3A_1236 = vector.load %arg6[%get3A_1234, %get3A_1235] : memref<1x5120xf32, #tpu.memory_space<vmem>>, vector<1x512xf32>
      %get3A_1237 = arith.constant 0 : index
      %get3A_1238 = arith.constant 0 : index
      %get3A_1239 = vector.load %arg7[%get3A_1237, %get3A_1238] : memref<1x512xf32, #tpu.memory_space<vmem>>, vector<1x512xf32>
      %dot_general3A_1240 = arith.constant dense<0.000000e+00> : vector<1x512xf32>
      %dot_general3A_1241 = tpu.matmul %get3A_1236, %convert_element_type3A_1233, %dot_general3A_1240 {dimension_numbers = #tpu.dot_dimension_numbers<[1], [0], [0], [1], [0, 0, 1, 1], [], []>, transpose_lhs_hint = false} : vector<1x512xf32>, vector<512x512xf32>, vector<1x512xf32> -> vector<1x512xf32>
      %add3A_1242 = arith.addf %get3A_1239, %dot_general3A_1241 : vector<1x512xf32>
      %swap3A_1243 = arith.constant 0 : index
      %swap3A_1244 = arith.constant 0 : index
      %swap3A_1245 = vector.load %arg7[%swap3A_1243, %swap3A_1244] : memref<1x512xf32, #tpu.memory_space<vmem>>, vector<1x512xf32>
      tpu.vector_store %arg7[%swap3A_1243, %swap3A_1244], %add3A_1242 {strides = array<i32>} : memref<1x512xf32, #tpu.memory_space<vmem>>, vector<1x512xf32>,
    } else {
    }
    %eq3A_1088 = arith.cmpi eq, %reduce_max3A_134, %reduce_min3A_107 : i32
    %convert_element_type3A_1089 = arith.extui %eq3A_1088 : i1 to i32
    %cond3A_1090 = arith.constant 0 : i32
    %cond3A_1091 = arith.cmpi ne, %convert_element_type3A_1089, %cond3A_1090 : i32
    scf.if %cond3A_1091 {
      %slice3A_1186 = vector.extract_strided_slice %add3A_15 {offsets = [1024, 0], sizes = [512, 1], strides = [1, 1]} : vector<5120x4xf32> to vector<512x1xf32>
      %slice3A_1187 = vector.extract_strided_slice %add3A_15 {offsets = [1024, 1], sizes = [512, 1], strides = [1, 1]} : vector<5120x4xf32> to vector<512x1xf32>
      %slice3A_1188 = vector.extract_strided_slice %add3A_15 {offsets = [1024, 2], sizes = [512, 1], strides = [1, 1]} : vector<5120x4xf32> to vector<512x1xf32>
      %slice3A_1189 = vector.extract_strided_slice %add3A_15 {offsets = [1024, 3], sizes = [512, 1], strides = [1, 1]} : vector<5120x4xf32> to vector<512x1xf32>
      %slice3A_1190 = vector.extract_strided_slice %add3A_25 {offsets = [0, 4608], sizes = [1, 512], strides = [1, 1]} : vector<4x5120xf32> to vector<1x512xf32>
      %slice3A_1191 = vector.extract_strided_slice %add3A_25 {offsets = [1, 4608], sizes = [1, 512], strides = [1, 1]} : vector<4x5120xf32> to vector<1x512xf32>
      %slice3A_1192 = vector.extract_strided_slice %add3A_25 {offsets = [2, 4608], sizes = [1, 512], strides = [1, 1]} : vector<4x5120xf32> to vector<1x512xf32>
      %slice3A_1193 = vector.extract_strided_slice %add3A_25 {offsets = [3, 4608], sizes = [1, 512], strides = [1, 1]} : vector<4x5120xf32> to vector<1x512xf32>
      %max3A_1194 = vector.broadcast %slice3A_1186 : vector<512x1xf32> to vector<512x512xf32>
      %max3A_1195 = vector.broadcast %slice3A_1190 : vector<1x512xf32> to vector<512x512xf32>
      %max3A_1196 = arith.maximumf %max3A_1194, %max3A_1195 : vector<512x512xf32>
      %max3A_1197 = vector.broadcast %slice3A_1187 : vector<512x1xf32> to vector<512x512xf32>
      %max3A_1198 = vector.broadcast %slice3A_1191 : vector<1x512xf32> to vector<512x512xf32>
      %max3A_1199 = arith.maximumf %max3A_1197, %max3A_1198 : vector<512x512xf32>
      %min3A_1200 = vector.broadcast %slice3A_1188 : vector<512x1xf32> to vector<512x512xf32>
      %min3A_1201 = vector.broadcast %slice3A_1192 : vector<1x512xf32> to vector<512x512xf32>
      %min3A_1202 = arith.minimumf %min3A_1200, %min3A_1201 : vector<512x512xf32>
      %min3A_1203 = vector.broadcast %slice3A_1189 : vector<512x1xf32> to vector<512x512xf32>
      %min3A_1204 = vector.broadcast %slice3A_1193 : vector<1x512xf32> to vector<512x512xf32>
      %min3A_1205 = arith.minimumf %min3A_1203, %min3A_1204 : vector<512x512xf32>
      %sub3A_1206 = arith.subf %min3A_1202, %max3A_1196 : vector<512x512xf32>
      %jit3A_1207 = arith.constant 0.000000e+00 : f32
      %max3A_1208 = vector.broadcast %jit3A_1207 : f32 to vector<512x512xf32>
      %max3A_1209 = arith.maximumf %max3A_1208, %sub3A_1206 : vector<512x512xf32>
      %sub3A_1210 = arith.subf %min3A_1205, %max3A_1199 : vector<512x512xf32>
      %jit3A_1211 = arith.constant 0.000000e+00 : f32
      %max3A_1212 = vector.broadcast %jit3A_1211 : f32 to vector<512x512xf32>
      %max3A_1213 = arith.maximumf %max3A_1212, %sub3A_1210 : vector<512x512xf32>
      %mul3A_1214 = arith.mulf %max3A_1209, %max3A_1213 : vector<512x512xf32>
      %sub3A_1215 = arith.subf %slice3A_1188, %slice3A_1186 : vector<512x1xf32>
      %sub3A_1216 = arith.subf %slice3A_1189, %slice3A_1187 : vector<512x1xf32>
      %mul3A_1217 = arith.mulf %sub3A_1215, %sub3A_1216 : vector<512x1xf32>
      %sub3A_1218 = arith.subf %slice3A_1192, %slice3A_1190 : vector<1x512xf32>
      %sub3A_1219 = arith.subf %slice3A_1193, %slice3A_1191 : vector<1x512xf32>
      %mul3A_1220 = arith.mulf %sub3A_1218, %sub3A_1219 : vector<1x512xf32>
      %add3A_1221 = vector.broadcast %mul3A_1217 : vector<512x1xf32> to vector<512x512xf32>
      %add3A_1222 = vector.broadcast %mul3A_1220 : vector<1x512xf32> to vector<512x512xf32>
      %add3A_1223 = arith.addf %add3A_1221, %add3A_1222 : vector<512x512xf32>
      %sub3A_1224 = arith.subf %add3A_1223, %mul3A_1214 : vector<512x512xf32>
      %add3A_1225 = arith.constant 9.99999993E-9 : f32
      %add3A_1226 = vector.broadcast %add3A_1225 : f32 to vector<512x512xf32>
      %add3A_1227 = arith.addf %sub3A_1224, %add3A_1226 : vector<512x512xf32>
      %div3A_1228 = arith.divf %mul3A_1214, %add3A_1227 : vector<512x512xf32>
      %gt3A_1229 = arith.constant 5.000000e-01 : f32
      %gt3A_1230 = vector.broadcast %gt3A_1229 : f32 to vector<512x512xf32>
      %gt3A_1231 = arith.cmpf ogt, %div3A_1228, %gt3A_1230 : vector<512x512xf32>
      %convert_element_type3A_1232 = arith.extui %gt3A_1231 : vector<512x512xi1> to vector<512x512xi32>
      %convert_element_type3A_1233 = arith.sitofp %convert_element_type3A_1232 : vector<512x512xi32> to vector<512x512xf32>
      %get3A_1234 = arith.constant 0 : index
      %get3A_1235 = arith.constant 1024 : index
      %get3A_1236 = vector.load %arg6[%get3A_1234, %get3A_1235] : memref<1x5120xf32, #tpu.memory_space<vmem>>, vector<1x512xf32>
      %get3A_1237 = arith.constant 0 : index
      %get3A_1238 = arith.constant 0 : index
      %get3A_1239 = vector.load %arg7[%get3A_1237, %get3A_1238] : memref<1x512xf32, #tpu.memory_space<vmem>>, vector<1x512xf32>
      %dot_general3A_1240 = arith.constant dense<0.000000e+00> : vector<1x512xf32>
      %dot_general3A_1241 = tpu.matmul %get3A_1236, %convert_element_type3A_1233, %dot_general3A_1240 {dimension_numbers = #tpu.dot_dimension_numbers<[1], [0], [0], [1], [0, 0, 1, 1], [], []>, transpose_lhs_hint = false} : vector<1x512xf32>, vector<512x512xf32>, vector<1x512xf32> -> vector<1x512xf32>
      %add3A_1242 = arith.addf %get3A_1239, %dot_general3A_1241 : vector<1x512xf32>
      %swap3A_1243 = arith.constant 0 : index
      %swap3A_1244 = arith.constant 0 : index
      %swap3A_1245 = vector.load %arg7[%swap3A_1243, %swap3A_1244] : memref<1x512xf32, #tpu.memory_space<vmem>>, vector<1x512xf32>
      tpu.vector_store %arg7[%swap3A_1243, %swap3A_1244], %add3A_1242 {strides = array<i32>} : memref<1x512xf32, #tpu.memory_space<vmem>>, vector<1x512xf32>,
    } else {
    }
    %eq3A_1092 = arith.cmpi eq, %reduce_max3A_143, %reduce_min3A_107 : i32
    %convert_element_type3A_1093 = arith.extui %eq3A_1092 : i1 to i32
    %cond3A_1094 = arith.constant 0 : i32
    %cond3A_1095 = arith.cmpi ne, %convert_element_type3A_1093, %cond3A_1094 : i32
    scf.if %cond3A_1095 {
      %slice3A_1186 = vector.extract_strided_slice %add3A_15 {offsets = [1536, 0], sizes = [512, 1], strides = [1, 1]} : vector<5120x4xf32> to vector<512x1xf32>
      %slice3A_1187 = vector.extract_strided_slice %add3A_15 {offsets = [1536, 1], sizes = [512, 1], strides = [1, 1]} : vector<5120x4xf32> to vector<512x1xf32>
      %slice3A_1188 = vector.extract_strided_slice %add3A_15 {offsets = [1536, 2], sizes = [512, 1], strides = [1, 1]} : vector<5120x4xf32> to vector<512x1xf32>
      %slice3A_1189 = vector.extract_strided_slice %add3A_15 {offsets = [1536, 3], sizes = [512, 1], strides = [1, 1]} : vector<5120x4xf32> to vector<512x1xf32>
      %slice3A_1190 = vector.extract_strided_slice %add3A_25 {offsets = [0, 4608], sizes = [1, 512], strides = [1, 1]} : vector<4x5120xf32> to vector<1x512xf32>
      %slice3A_1191 = vector.extract_strided_slice %add3A_25 {offsets = [1, 4608], sizes = [1, 512], strides = [1, 1]} : vector<4x5120xf32> to vector<1x512xf32>
      %slice3A_1192 = vector.extract_strided_slice %add3A_25 {offsets = [2, 4608], sizes = [1, 512], strides = [1, 1]} : vector<4x5120xf32> to vector<1x512xf32>
      %slice3A_1193 = vector.extract_strided_slice %add3A_25 {offsets = [3, 4608], sizes = [1, 512], strides = [1, 1]} : vector<4x5120xf32> to vector<1x512xf32>
      %max3A_1194 = vector.broadcast %slice3A_1186 : vector<512x1xf32> to vector<512x512xf32>
      %max3A_1195 = vector.broadcast %slice3A_1190 : vector<1x512xf32> to vector<512x512xf32>
      %max3A_1196 = arith.maximumf %max3A_1194, %max3A_1195 : vector<512x512xf32>
      %max3A_1197 = vector.broadcast %slice3A_1187 : vector<512x1xf32> to vector<512x512xf32>
      %max3A_1198 = vector.broadcast %slice3A_1191 : vector<1x512xf32> to vector<512x512xf32>
      %max3A_1199 = arith.maximumf %max3A_1197, %max3A_1198 : vector<512x512xf32>
      %min3A_1200 = vector.broadcast %slice3A_1188 : vector<512x1xf32> to vector<512x512xf32>
      %min3A_1201 = vector.broadcast %slice3A_1192 : vector<1x512xf32> to vector<512x512xf32>
      %min3A_1202 = arith.minimumf %min3A_1200, %min3A_1201 : vector<512x512xf32>
      %min3A_1203 = vector.broadcast %slice3A_1189 : vector<512x1xf32> to vector<512x512xf32>
      %min3A_1204 = vector.broadcast %slice3A_1193 : vector<1x512xf32> to vector<512x512xf32>
      %min3A_1205 = arith.minimumf %min3A_1203, %min3A_1204 : vector<512x512xf32>
      %sub3A_1206 = arith.subf %min3A_1202, %max3A_1196 : vector<512x512xf32>
      %jit3A_1207 = arith.constant 0.000000e+00 : f32
      %max3A_1208 = vector.broadcast %jit3A_1207 : f32 to vector<512x512xf32>
      %max3A_1209 = arith.maximumf %max3A_1208, %sub3A_1206 : vector<512x512xf32>
      %sub3A_1210 = arith.subf %min3A_1205, %max3A_1199 : vector<512x512xf32>
      %jit3A_1211 = arith.constant 0.000000e+00 : f32
      %max3A_1212 = vector.broadcast %jit3A_1211 : f32 to vector<512x512xf32>
      %max3A_1213 = arith.maximumf %max3A_1212, %sub3A_1210 : vector<512x512xf32>
      %mul3A_1214 = arith.mulf %max3A_1209, %max3A_1213 : vector<512x512xf32>
      %sub3A_1215 = arith.subf %slice3A_1188, %slice3A_1186 : vector<512x1xf32>
      %sub3A_1216 = arith.subf %slice3A_1189, %slice3A_1187 : vector<512x1xf32>
      %mul3A_1217 = arith.mulf %sub3A_1215, %sub3A_1216 : vector<512x1xf32>
      %sub3A_1218 = arith.subf %slice3A_1192, %slice3A_1190 : vector<1x512xf32>
      %sub3A_1219 = arith.subf %slice3A_1193, %slice3A_1191 : vector<1x512xf32>
      %mul3A_1220 = arith.mulf %sub3A_1218, %sub3A_1219 : vector<1x512xf32>
      %add3A_1221 = vector.broadcast %mul3A_1217 : vector<512x1xf32> to vector<512x512xf32>
      %add3A_1222 = vector.broadcast %mul3A_1220 : vector<1x512xf32> to vector<512x512xf32>
      %add3A_1223 = arith.addf %add3A_1221, %add3A_1222 : vector<512x512xf32>
      %sub3A_1224 = arith.subf %add3A_1223, %mul3A_1214 : vector<512x512xf32>
      %add3A_1225 = arith.constant 9.99999993E-9 : f32
      %add3A_1226 = vector.broadcast %add3A_1225 : f32 to vector<512x512xf32>
      %add3A_1227 = arith.addf %sub3A_1224, %add3A_1226 : vector<512x512xf32>
      %div3A_1228 = arith.divf %mul3A_1214, %add3A_1227 : vector<512x512xf32>
      %gt3A_1229 = arith.constant 5.000000e-01 : f32
      %gt3A_1230 = vector.broadcast %gt3A_1229 : f32 to vector<512x512xf32>
      %gt3A_1231 = arith.cmpf ogt, %div3A_1228, %gt3A_1230 : vector<512x512xf32>
      %convert_element_type3A_1232 = arith.extui %gt3A_1231 : vector<512x512xi1> to vector<512x512xi32>
      %convert_element_type3A_1233 = arith.sitofp %convert_element_type3A_1232 : vector<512x512xi32> to vector<512x512xf32>
      %get3A_1234 = arith.constant 0 : index
      %get3A_1235 = arith.constant 1536 : index
      %get3A_1236 = vector.load %arg6[%get3A_1234, %get3A_1235] : memref<1x5120xf32, #tpu.memory_space<vmem>>, vector<1x512xf32>
      %get3A_1237 = arith.constant 0 : index
      %get3A_1238 = arith.constant 0 : index
      %get3A_1239 = vector.load %arg7[%get3A_1237, %get3A_1238] : memref<1x512xf32, #tpu.memory_space<vmem>>, vector<1x512xf32>
      %dot_general3A_1240 = arith.constant dense<0.000000e+00> : vector<1x512xf32>
      %dot_general3A_1241 = tpu.matmul %get3A_1236, %convert_element_type3A_1233, %dot_general3A_1240 {dimension_numbers = #tpu.dot_dimension_numbers<[1], [0], [0], [1], [0, 0, 1, 1], [], []>, transpose_lhs_hint = false} : vector<1x512xf32>, vector<512x512xf32>, vector<1x512xf32> -> vector<1x512xf32>
      %add3A_1242 = arith.addf %get3A_1239, %dot_general3A_1241 : vector<1x512xf32>
      %swap3A_1243 = arith.constant 0 : index
      %swap3A_1244 = arith.constant 0 : index
      %swap3A_1245 = vector.load %arg7[%swap3A_1243, %swap3A_1244] : memref<1x512xf32, #tpu.memory_space<vmem>>, vector<1x512xf32>
      tpu.vector_store %arg7[%swap3A_1243, %swap3A_1244], %add3A_1242 {strides = array<i32>} : memref<1x512xf32, #tpu.memory_space<vmem>>, vector<1x512xf32>,
    } else {
    }
    %eq3A_1096 = arith.cmpi eq, %reduce_max3A_152, %reduce_min3A_107 : i32
    %convert_element_type3A_1097 = arith.extui %eq3A_1096 : i1 to i32
    %cond3A_1098 = arith.constant 0 : i32
    %cond3A_1099 = arith.cmpi ne, %convert_element_type3A_1097, %cond3A_1098 : i32
    scf.if %cond3A_1099 {
      %slice3A_1186 = vector.extract_strided_slice %add3A_15 {offsets = [2048, 0], sizes = [512, 1], strides = [1, 1]} : vector<5120x4xf32> to vector<512x1xf32>
      %slice3A_1187 = vector.extract_strided_slice %add3A_15 {offsets = [2048, 1], sizes = [512, 1], strides = [1, 1]} : vector<5120x4xf32> to vector<512x1xf32>
      %slice3A_1188 = vector.extract_strided_slice %add3A_15 {offsets = [2048, 2], sizes = [512, 1], strides = [1, 1]} : vector<5120x4xf32> to vector<512x1xf32>
      %slice3A_1189 = vector.extract_strided_slice %add3A_15 {offsets = [2048, 3], sizes = [512, 1], strides = [1, 1]} : vector<5120x4xf32> to vector<512x1xf32>
      %slice3A_1190 = vector.extract_strided_slice %add3A_25 {offsets = [0, 4608], sizes = [1, 512], strides = [1, 1]} : vector<4x5120xf32> to vector<1x512xf32>
      %slice3A_1191 = vector.extract_strided_slice %add3A_25 {offsets = [1, 4608], sizes = [1, 512], strides = [1, 1]} : vector<4x5120xf32> to vector<1x512xf32>
      %slice3A_1192 = vector.extract_strided_slice %add3A_25 {offsets = [2, 4608], sizes = [1, 512], strides = [1, 1]} : vector<4x5120xf32> to vector<1x512xf32>
      %slice3A_1193 = vector.extract_strided_slice %add3A_25 {offsets = [3, 4608], sizes = [1, 512], strides = [1, 1]} : vector<4x5120xf32> to vector<1x512xf32>
      %max3A_1194 = vector.broadcast %slice3A_1186 : vector<512x1xf32> to vector<512x512xf32>
      %max3A_1195 = vector.broadcast %slice3A_1190 : vector<1x512xf32> to vector<512x512xf32>
      %max3A_1196 = arith.maximumf %max3A_1194, %max3A_1195 : vector<512x512xf32>
      %max3A_1197 = vector.broadcast %slice3A_1187 : vector<512x1xf32> to vector<512x512xf32>
      %max3A_1198 = vector.broadcast %slice3A_1191 : vector<1x512xf32> to vector<512x512xf32>
      %max3A_1199 = arith.maximumf %max3A_1197, %max3A_1198 : vector<512x512xf32>
      %min3A_1200 = vector.broadcast %slice3A_1188 : vector<512x1xf32> to vector<512x512xf32>
      %min3A_1201 = vector.broadcast %slice3A_1192 : vector<1x512xf32> to vector<512x512xf32>
      %min3A_1202 = arith.minimumf %min3A_1200, %min3A_1201 : vector<512x512xf32>
      %min3A_1203 = vector.broadcast %slice3A_1189 : vector<512x1xf32> to vector<512x512xf32>
      %min3A_1204 = vector.broadcast %slice3A_1193 : vector<1x512xf32> to vector<512x512xf32>
      %min3A_1205 = arith.minimumf %min3A_1203, %min3A_1204 : vector<512x512xf32>
      %sub3A_1206 = arith.subf %min3A_1202, %max3A_1196 : vector<512x512xf32>
      %jit3A_1207 = arith.constant 0.000000e+00 : f32
      %max3A_1208 = vector.broadcast %jit3A_1207 : f32 to vector<512x512xf32>
      %max3A_1209 = arith.maximumf %max3A_1208, %sub3A_1206 : vector<512x512xf32>
      %sub3A_1210 = arith.subf %min3A_1205, %max3A_1199 : vector<512x512xf32>
      %jit3A_1211 = arith.constant 0.000000e+00 : f32
      %max3A_1212 = vector.broadcast %jit3A_1211 : f32 to vector<512x512xf32>
      %max3A_1213 = arith.maximumf %max3A_1212, %sub3A_1210 : vector<512x512xf32>
      %mul3A_1214 = arith.mulf %max3A_1209, %max3A_1213 : vector<512x512xf32>
      %sub3A_1215 = arith.subf %slice3A_1188, %slice3A_1186 : vector<512x1xf32>
      %sub3A_1216 = arith.subf %slice3A_1189, %slice3A_1187 : vector<512x1xf32>
      %mul3A_1217 = arith.mulf %sub3A_1215, %sub3A_1216 : vector<512x1xf32>
      %sub3A_1218 = arith.subf %slice3A_1192, %slice3A_1190 : vector<1x512xf32>
      %sub3A_1219 = arith.subf %slice3A_1193, %slice3A_1191 : vector<1x512xf32>
      %mul3A_1220 = arith.mulf %sub3A_1218, %sub3A_1219 : vector<1x512xf32>
      %add3A_1221 = vector.broadcast %mul3A_1217 : vector<512x1xf32> to vector<512x512xf32>
      %add3A_1222 = vector.broadcast %mul3A_1220 : vector<1x512xf32> to vector<512x512xf32>
      %add3A_1223 = arith.addf %add3A_1221, %add3A_1222 : vector<512x512xf32>
      %sub3A_1224 = arith.subf %add3A_1223, %mul3A_1214 : vector<512x512xf32>
      %add3A_1225 = arith.constant 9.99999993E-9 : f32
      %add3A_1226 = vector.broadcast %add3A_1225 : f32 to vector<512x512xf32>
      %add3A_1227 = arith.addf %sub3A_1224, %add3A_1226 : vector<512x512xf32>
      %div3A_1228 = arith.divf %mul3A_1214, %add3A_1227 : vector<512x512xf32>
      %gt3A_1229 = arith.constant 5.000000e-01 : f32
      %gt3A_1230 = vector.broadcast %gt3A_1229 : f32 to vector<512x512xf32>
      %gt3A_1231 = arith.cmpf ogt, %div3A_1228, %gt3A_1230 : vector<512x512xf32>
      %convert_element_type3A_1232 = arith.extui %gt3A_1231 : vector<512x512xi1> to vector<512x512xi32>
      %convert_element_type3A_1233 = arith.sitofp %convert_element_type3A_1232 : vector<512x512xi32> to vector<512x512xf32>
      %get3A_1234 = arith.constant 0 : index
      %get3A_1235 = arith.constant 2048 : index
      %get3A_1236 = vector.load %arg6[%get3A_1234, %get3A_1235] : memref<1x5120xf32, #tpu.memory_space<vmem>>, vector<1x512xf32>
      %get3A_1237 = arith.constant 0 : index
      %get3A_1238 = arith.constant 0 : index
      %get3A_1239 = vector.load %arg7[%get3A_1237, %get3A_1238] : memref<1x512xf32, #tpu.memory_space<vmem>>, vector<1x512xf32>
      %dot_general3A_1240 = arith.constant dense<0.000000e+00> : vector<1x512xf32>
      %dot_general3A_1241 = tpu.matmul %get3A_1236, %convert_element_type3A_1233, %dot_general3A_1240 {dimension_numbers = #tpu.dot_dimension_numbers<[1], [0], [0], [1], [0, 0, 1, 1], [], []>, transpose_lhs_hint = false} : vector<1x512xf32>, vector<512x512xf32>, vector<1x512xf32> -> vector<1x512xf32>
      %add3A_1242 = arith.addf %get3A_1239, %dot_general3A_1241 : vector<1x512xf32>
      %swap3A_1243 = arith.constant 0 : index
      %swap3A_1244 = arith.constant 0 : index
      %swap3A_1245 = vector.load %arg7[%swap3A_1243, %swap3A_1244] : memref<1x512xf32, #tpu.memory_space<vmem>>, vector<1x512xf32>
      tpu.vector_store %arg7[%swap3A_1243, %swap3A_1244], %add3A_1242 {strides = array<i32>} : memref<1x512xf32, #tpu.memory_space<vmem>>, vector<1x512xf32>,
    } else {
    }
    %eq3A_1100 = arith.cmpi eq, %reduce_max3A_161, %reduce_min3A_107 : i32
    %convert_element_type3A_1101 = arith.extui %eq3A_1100 : i1 to i32
    %cond3A_1102 = arith.constant 0 : i32
    %cond3A_1103 = arith.cmpi ne, %convert_element_type3A_1101, %cond3A_1102 : i32
    scf.if %cond3A_1103 {
      %slice3A_1186 = vector.extract_strided_slice %add3A_15 {offsets = [2560, 0], sizes = [512, 1], strides = [1, 1]} : vector<5120x4xf32> to vector<512x1xf32>
      %slice3A_1187 = vector.extract_strided_slice %add3A_15 {offsets = [2560, 1], sizes = [512, 1], strides = [1, 1]} : vector<5120x4xf32> to vector<512x1xf32>
      %slice3A_1188 = vector.extract_strided_slice %add3A_15 {offsets = [2560, 2], sizes = [512, 1], strides = [1, 1]} : vector<5120x4xf32> to vector<512x1xf32>
      %slice3A_1189 = vector.extract_strided_slice %add3A_15 {offsets = [2560, 3], sizes = [512, 1], strides = [1, 1]} : vector<5120x4xf32> to vector<512x1xf32>
      %slice3A_1190 = vector.extract_strided_slice %add3A_25 {offsets = [0, 4608], sizes = [1, 512], strides = [1, 1]} : vector<4x5120xf32> to vector<1x512xf32>
      %slice3A_1191 = vector.extract_strided_slice %add3A_25 {offsets = [1, 4608], sizes = [1, 512], strides = [1, 1]} : vector<4x5120xf32> to vector<1x512xf32>
      %slice3A_1192 = vector.extract_strided_slice %add3A_25 {offsets = [2, 4608], sizes = [1, 512], strides = [1, 1]} : vector<4x5120xf32> to vector<1x512xf32>
      %slice3A_1193 = vector.extract_strided_slice %add3A_25 {offsets = [3, 4608], sizes = [1, 512], strides = [1, 1]} : vector<4x5120xf32> to vector<1x512xf32>
      %max3A_1194 = vector.broadcast %slice3A_1186 : vector<512x1xf32> to vector<512x512xf32>
      %max3A_1195 = vector.broadcast %slice3A_1190 : vector<1x512xf32> to vector<512x512xf32>
      %max3A_1196 = arith.maximumf %max3A_1194, %max3A_1195 : vector<512x512xf32>
      %max3A_1197 = vector.broadcast %slice3A_1187 : vector<512x1xf32> to vector<512x512xf32>
      %max3A_1198 = vector.broadcast %slice3A_1191 : vector<1x512xf32> to vector<512x512xf32>
      %max3A_1199 = arith.maximumf %max3A_1197, %max3A_1198 : vector<512x512xf32>
      %min3A_1200 = vector.broadcast %slice3A_1188 : vector<512x1xf32> to vector<512x512xf32>
      %min3A_1201 = vector.broadcast %slice3A_1192 : vector<1x512xf32> to vector<512x512xf32>
      %min3A_1202 = arith.minimumf %min3A_1200, %min3A_1201 : vector<512x512xf32>
      %min3A_1203 = vector.broadcast %slice3A_1189 : vector<512x1xf32> to vector<512x512xf32>
      %min3A_1204 = vector.broadcast %slice3A_1193 : vector<1x512xf32> to vector<512x512xf32>
      %min3A_1205 = arith.minimumf %min3A_1203, %min3A_1204 : vector<512x512xf32>
      %sub3A_1206 = arith.subf %min3A_1202, %max3A_1196 : vector<512x512xf32>
      %jit3A_1207 = arith.constant 0.000000e+00 : f32
      %max3A_1208 = vector.broadcast %jit3A_1207 : f32 to vector<512x512xf32>
      %max3A_1209 = arith.maximumf %max3A_1208, %sub3A_1206 : vector<512x512xf32>
      %sub3A_1210 = arith.subf %min3A_1205, %max3A_1199 : vector<512x512xf32>
      %jit3A_1211 = arith.constant 0.000000e+00 : f32
      %max3A_1212 = vector.broadcast %jit3A_1211 : f32 to vector<512x512xf32>
      %max3A_1213 = arith.maximumf %max3A_1212, %sub3A_1210 : vector<512x512xf32>
      %mul3A_1214 = arith.mulf %max3A_1209, %max3A_1213 : vector<512x512xf32>
      %sub3A_1215 = arith.subf %slice3A_1188, %slice3A_1186 : vector<512x1xf32>
      %sub3A_1216 = arith.subf %slice3A_1189, %slice3A_1187 : vector<512x1xf32>
      %mul3A_1217 = arith.mulf %sub3A_1215, %sub3A_1216 : vector<512x1xf32>
      %sub3A_1218 = arith.subf %slice3A_1192, %slice3A_1190 : vector<1x512xf32>
      %sub3A_1219 = arith.subf %slice3A_1193, %slice3A_1191 : vector<1x512xf32>
      %mul3A_1220 = arith.mulf %sub3A_1218, %sub3A_1219 : vector<1x512xf32>
      %add3A_1221 = vector.broadcast %mul3A_1217 : vector<512x1xf32> to vector<512x512xf32>
      %add3A_1222 = vector.broadcast %mul3A_1220 : vector<1x512xf32> to vector<512x512xf32>
      %add3A_1223 = arith.addf %add3A_1221, %add3A_1222 : vector<512x512xf32>
      %sub3A_1224 = arith.subf %add3A_1223, %mul3A_1214 : vector<512x512xf32>
      %add3A_1225 = arith.constant 9.99999993E-9 : f32
      %add3A_1226 = vector.broadcast %add3A_1225 : f32 to vector<512x512xf32>
      %add3A_1227 = arith.addf %sub3A_1224, %add3A_1226 : vector<512x512xf32>
      %div3A_1228 = arith.divf %mul3A_1214, %add3A_1227 : vector<512x512xf32>
      %gt3A_1229 = arith.constant 5.000000e-01 : f32
      %gt3A_1230 = vector.broadcast %gt3A_1229 : f32 to vector<512x512xf32>
      %gt3A_1231 = arith.cmpf ogt, %div3A_1228, %gt3A_1230 : vector<512x512xf32>
      %convert_element_type3A_1232 = arith.extui %gt3A_1231 : vector<512x512xi1> to vector<512x512xi32>
      %convert_element_type3A_1233 = arith.sitofp %convert_element_type3A_1232 : vector<512x512xi32> to vector<512x512xf32>
      %get3A_1234 = arith.constant 0 : index
      %get3A_1235 = arith.constant 2560 : index
      %get3A_1236 = vector.load %arg6[%get3A_1234, %get3A_1235] : memref<1x5120xf32, #tpu.memory_space<vmem>>, vector<1x512xf32>
      %get3A_1237 = arith.constant 0 : index
      %get3A_1238 = arith.constant 0 : index
      %get3A_1239 = vector.load %arg7[%get3A_1237, %get3A_1238] : memref<1x512xf32, #tpu.memory_space<vmem>>, vector<1x512xf32>
      %dot_general3A_1240 = arith.constant dense<0.000000e+00> : vector<1x512xf32>
      %dot_general3A_1241 = tpu.matmul %get3A_1236, %convert_element_type3A_1233, %dot_general3A_1240 {dimension_numbers = #tpu.dot_dimension_numbers<[1], [0], [0], [1], [0, 0, 1, 1], [], []>, transpose_lhs_hint = false} : vector<1x512xf32>, vector<512x512xf32>, vector<1x512xf32> -> vector<1x512xf32>
      %add3A_1242 = arith.addf %get3A_1239, %dot_general3A_1241 : vector<1x512xf32>
      %swap3A_1243 = arith.constant 0 : index
      %swap3A_1244 = arith.constant 0 : index
      %swap3A_1245 = vector.load %arg7[%swap3A_1243, %swap3A_1244] : memref<1x512xf32, #tpu.memory_space<vmem>>, vector<1x512xf32>
      tpu.vector_store %arg7[%swap3A_1243, %swap3A_1244], %add3A_1242 {strides = array<i32>} : memref<1x512xf32, #tpu.memory_space<vmem>>, vector<1x512xf32>,
    } else {
    }
    %eq3A_1104 = arith.cmpi eq, %reduce_max3A_170, %reduce_min3A_107 : i32
    %convert_element_type3A_1105 = arith.extui %eq3A_1104 : i1 to i32
    %cond3A_1106 = arith.constant 0 : i32
    %cond3A_1107 = arith.cmpi ne, %convert_element_type3A_1105, %cond3A_1106 : i32
    scf.if %cond3A_1107 {
      %slice3A_1186 = vector.extract_strided_slice %add3A_15 {offsets = [3072, 0], sizes = [512, 1], strides = [1, 1]} : vector<5120x4xf32> to vector<512x1xf32>
      %slice3A_1187 = vector.extract_strided_slice %add3A_15 {offsets = [3072, 1], sizes = [512, 1], strides = [1, 1]} : vector<5120x4xf32> to vector<512x1xf32>
      %slice3A_1188 = vector.extract_strided_slice %add3A_15 {offsets = [3072, 2], sizes = [512, 1], strides = [1, 1]} : vector<5120x4xf32> to vector<512x1xf32>
      %slice3A_1189 = vector.extract_strided_slice %add3A_15 {offsets = [3072, 3], sizes = [512, 1], strides = [1, 1]} : vector<5120x4xf32> to vector<512x1xf32>
      %slice3A_1190 = vector.extract_strided_slice %add3A_25 {offsets = [0, 4608], sizes = [1, 512], strides = [1, 1]} : vector<4x5120xf32> to vector<1x512xf32>
      %slice3A_1191 = vector.extract_strided_slice %add3A_25 {offsets = [1, 4608], sizes = [1, 512], strides = [1, 1]} : vector<4x5120xf32> to vector<1x512xf32>
      %slice3A_1192 = vector.extract_strided_slice %add3A_25 {offsets = [2, 4608], sizes = [1, 512], strides = [1, 1]} : vector<4x5120xf32> to vector<1x512xf32>
      %slice3A_1193 = vector.extract_strided_slice %add3A_25 {offsets = [3, 4608], sizes = [1, 512], strides = [1, 1]} : vector<4x5120xf32> to vector<1x512xf32>
      %max3A_1194 = vector.broadcast %slice3A_1186 : vector<512x1xf32> to vector<512x512xf32>
      %max3A_1195 = vector.broadcast %slice3A_1190 : vector<1x512xf32> to vector<512x512xf32>
      %max3A_1196 = arith.maximumf %max3A_1194, %max3A_1195 : vector<512x512xf32>
      %max3A_1197 = vector.broadcast %slice3A_1187 : vector<512x1xf32> to vector<512x512xf32>
      %max3A_1198 = vector.broadcast %slice3A_1191 : vector<1x512xf32> to vector<512x512xf32>
      %max3A_1199 = arith.maximumf %max3A_1197, %max3A_1198 : vector<512x512xf32>
      %min3A_1200 = vector.broadcast %slice3A_1188 : vector<512x1xf32> to vector<512x512xf32>
      %min3A_1201 = vector.broadcast %slice3A_1192 : vector<1x512xf32> to vector<512x512xf32>
      %min3A_1202 = arith.minimumf %min3A_1200, %min3A_1201 : vector<512x512xf32>
      %min3A_1203 = vector.broadcast %slice3A_1189 : vector<512x1xf32> to vector<512x512xf32>
      %min3A_1204 = vector.broadcast %slice3A_1193 : vector<1x512xf32> to vector<512x512xf32>
      %min3A_1205 = arith.minimumf %min3A_1203, %min3A_1204 : vector<512x512xf32>
      %sub3A_1206 = arith.subf %min3A_1202, %max3A_1196 : vector<512x512xf32>
      %jit3A_1207 = arith.constant 0.000000e+00 : f32
      %max3A_1208 = vector.broadcast %jit3A_1207 : f32 to vector<512x512xf32>
      %max3A_1209 = arith.maximumf %max3A_1208, %sub3A_1206 : vector<512x512xf32>
      %sub3A_1210 = arith.subf %min3A_1205, %max3A_1199 : vector<512x512xf32>
      %jit3A_1211 = arith.constant 0.000000e+00 : f32
      %max3A_1212 = vector.broadcast %jit3A_1211 : f32 to vector<512x512xf32>
      %max3A_1213 = arith.maximumf %max3A_1212, %sub3A_1210 : vector<512x512xf32>
      %mul3A_1214 = arith.mulf %max3A_1209, %max3A_1213 : vector<512x512xf32>
      %sub3A_1215 = arith.subf %slice3A_1188, %slice3A_1186 : vector<512x1xf32>
      %sub3A_1216 = arith.subf %slice3A_1189, %slice3A_1187 : vector<512x1xf32>
      %mul3A_1217 = arith.mulf %sub3A_1215, %sub3A_1216 : vector<512x1xf32>
      %sub3A_1218 = arith.subf %slice3A_1192, %slice3A_1190 : vector<1x512xf32>
      %sub3A_1219 = arith.subf %slice3A_1193, %slice3A_1191 : vector<1x512xf32>
      %mul3A_1220 = arith.mulf %sub3A_1218, %sub3A_1219 : vector<1x512xf32>
      %add3A_1221 = vector.broadcast %mul3A_1217 : vector<512x1xf32> to vector<512x512xf32>
      %add3A_1222 = vector.broadcast %mul3A_1220 : vector<1x512xf32> to vector<512x512xf32>
      %add3A_1223 = arith.addf %add3A_1221, %add3A_1222 : vector<512x512xf32>
      %sub3A_1224 = arith.subf %add3A_1223, %mul3A_1214 : vector<512x512xf32>
      %add3A_1225 = arith.constant 9.99999993E-9 : f32
      %add3A_1226 = vector.broadcast %add3A_1225 : f32 to vector<512x512xf32>
      %add3A_1227 = arith.addf %sub3A_1224, %add3A_1226 : vector<512x512xf32>
      %div3A_1228 = arith.divf %mul3A_1214, %add3A_1227 : vector<512x512xf32>
      %gt3A_1229 = arith.constant 5.000000e-01 : f32
      %gt3A_1230 = vector.broadcast %gt3A_1229 : f32 to vector<512x512xf32>
      %gt3A_1231 = arith.cmpf ogt, %div3A_1228, %gt3A_1230 : vector<512x512xf32>
      %convert_element_type3A_1232 = arith.extui %gt3A_1231 : vector<512x512xi1> to vector<512x512xi32>
      %convert_element_type3A_1233 = arith.sitofp %convert_element_type3A_1232 : vector<512x512xi32> to vector<512x512xf32>
      %get3A_1234 = arith.constant 0 : index
      %get3A_1235 = arith.constant 3072 : index
      %get3A_1236 = vector.load %arg6[%get3A_1234, %get3A_1235] : memref<1x5120xf32, #tpu.memory_space<vmem>>, vector<1x512xf32>
      %get3A_1237 = arith.constant 0 : index
      %get3A_1238 = arith.constant 0 : index
      %get3A_1239 = vector.load %arg7[%get3A_1237, %get3A_1238] : memref<1x512xf32, #tpu.memory_space<vmem>>, vector<1x512xf32>
      %dot_general3A_1240 = arith.constant dense<0.000000e+00> : vector<1x512xf32>
      %dot_general3A_1241 = tpu.matmul %get3A_1236, %convert_element_type3A_1233, %dot_general3A_1240 {dimension_numbers = #tpu.dot_dimension_numbers<[1], [0], [0], [1], [0, 0, 1, 1], [], []>, transpose_lhs_hint = false} : vector<1x512xf32>, vector<512x512xf32>, vector<1x512xf32> -> vector<1x512xf32>
      %add3A_1242 = arith.addf %get3A_1239, %dot_general3A_1241 : vector<1x512xf32>
      %swap3A_1243 = arith.constant 0 : index
      %swap3A_1244 = arith.constant 0 : index
      %swap3A_1245 = vector.load %arg7[%swap3A_1243, %swap3A_1244] : memref<1x512xf32, #tpu.memory_space<vmem>>, vector<1x512xf32>
      tpu.vector_store %arg7[%swap3A_1243, %swap3A_1244], %add3A_1242 {strides = array<i32>} : memref<1x512xf32, #tpu.memory_space<vmem>>, vector<1x512xf32>,
    } else {
    }
    %eq3A_1108 = arith.cmpi eq, %reduce_max3A_179, %reduce_min3A_107 : i32
    %convert_element_type3A_1109 = arith.extui %eq3A_1108 : i1 to i32
    %cond3A_1110 = arith.constant 0 : i32
    %cond3A_1111 = arith.cmpi ne, %convert_element_type3A_1109, %cond3A_1110 : i32
    scf.if %cond3A_1111 {
      %slice3A_1186 = vector.extract_strided_slice %add3A_15 {offsets = [3584, 0], sizes = [512, 1], strides = [1, 1]} : vector<5120x4xf32> to vector<512x1xf32>
      %slice3A_1187 = vector.extract_strided_slice %add3A_15 {offsets = [3584, 1], sizes = [512, 1], strides = [1, 1]} : vector<5120x4xf32> to vector<512x1xf32>
      %slice3A_1188 = vector.extract_strided_slice %add3A_15 {offsets = [3584, 2], sizes = [512, 1], strides = [1, 1]} : vector<5120x4xf32> to vector<512x1xf32>
      %slice3A_1189 = vector.extract_strided_slice %add3A_15 {offsets = [3584, 3], sizes = [512, 1], strides = [1, 1]} : vector<5120x4xf32> to vector<512x1xf32>
      %slice3A_1190 = vector.extract_strided_slice %add3A_25 {offsets = [0, 4608], sizes = [1, 512], strides = [1, 1]} : vector<4x5120xf32> to vector<1x512xf32>
      %slice3A_1191 = vector.extract_strided_slice %add3A_25 {offsets = [1, 4608], sizes = [1, 512], strides = [1, 1]} : vector<4x5120xf32> to vector<1x512xf32>
      %slice3A_1192 = vector.extract_strided_slice %add3A_25 {offsets = [2, 4608], sizes = [1, 512], strides = [1, 1]} : vector<4x5120xf32> to vector<1x512xf32>
      %slice3A_1193 = vector.extract_strided_slice %add3A_25 {offsets = [3, 4608], sizes = [1, 512], strides = [1, 1]} : vector<4x5120xf32> to vector<1x512xf32>
      %max3A_1194 = vector.broadcast %slice3A_1186 : vector<512x1xf32> to vector<512x512xf32>
      %max3A_1195 = vector.broadcast %slice3A_1190 : vector<1x512xf32> to vector<512x512xf32>
      %max3A_1196 = arith.maximumf %max3A_1194, %max3A_1195 : vector<512x512xf32>
      %max3A_1197 = vector.broadcast %slice3A_1187 : vector<512x1xf32> to vector<512x512xf32>
      %max3A_1198 = vector.broadcast %slice3A_1191 : vector<1x512xf32> to vector<512x512xf32>
      %max3A_1199 = arith.maximumf %max3A_1197, %max3A_1198 : vector<512x512xf32>
      %min3A_1200 = vector.broadcast %slice3A_1188 : vector<512x1xf32> to vector<512x512xf32>
      %min3A_1201 = vector.broadcast %slice3A_1192 : vector<1x512xf32> to vector<512x512xf32>
      %min3A_1202 = arith.minimumf %min3A_1200, %min3A_1201 : vector<512x512xf32>
      %min3A_1203 = vector.broadcast %slice3A_1189 : vector<512x1xf32> to vector<512x512xf32>
      %min3A_1204 = vector.broadcast %slice3A_1193 : vector<1x512xf32> to vector<512x512xf32>
      %min3A_1205 = arith.minimumf %min3A_1203, %min3A_1204 : vector<512x512xf32>
      %sub3A_1206 = arith.subf %min3A_1202, %max3A_1196 : vector<512x512xf32>
      %jit3A_1207 = arith.constant 0.000000e+00 : f32
      %max3A_1208 = vector.broadcast %jit3A_1207 : f32 to vector<512x512xf32>
      %max3A_1209 = arith.maximumf %max3A_1208, %sub3A_1206 : vector<512x512xf32>
      %sub3A_1210 = arith.subf %min3A_1205, %max3A_1199 : vector<512x512xf32>
      %jit3A_1211 = arith.constant 0.000000e+00 : f32
      %max3A_1212 = vector.broadcast %jit3A_1211 : f32 to vector<512x512xf32>
      %max3A_1213 = arith.maximumf %max3A_1212, %sub3A_1210 : vector<512x512xf32>
      %mul3A_1214 = arith.mulf %max3A_1209, %max3A_1213 : vector<512x512xf32>
      %sub3A_1215 = arith.subf %slice3A_1188, %slice3A_1186 : vector<512x1xf32>
      %sub3A_1216 = arith.subf %slice3A_1189, %slice3A_1187 : vector<512x1xf32>
      %mul3A_1217 = arith.mulf %sub3A_1215, %sub3A_1216 : vector<512x1xf32>
      %sub3A_1218 = arith.subf %slice3A_1192, %slice3A_1190 : vector<1x512xf32>
      %sub3A_1219 = arith.subf %slice3A_1193, %slice3A_1191 : vector<1x512xf32>
      %mul3A_1220 = arith.mulf %sub3A_1218, %sub3A_1219 : vector<1x512xf32>
      %add3A_1221 = vector.broadcast %mul3A_1217 : vector<512x1xf32> to vector<512x512xf32>
      %add3A_1222 = vector.broadcast %mul3A_1220 : vector<1x512xf32> to vector<512x512xf32>
      %add3A_1223 = arith.addf %add3A_1221, %add3A_1222 : vector<512x512xf32>
      %sub3A_1224 = arith.subf %add3A_1223, %mul3A_1214 : vector<512x512xf32>
      %add3A_1225 = arith.constant 9.99999993E-9 : f32
      %add3A_1226 = vector.broadcast %add3A_1225 : f32 to vector<512x512xf32>
      %add3A_1227 = arith.addf %sub3A_1224, %add3A_1226 : vector<512x512xf32>
      %div3A_1228 = arith.divf %mul3A_1214, %add3A_1227 : vector<512x512xf32>
      %gt3A_1229 = arith.constant 5.000000e-01 : f32
      %gt3A_1230 = vector.broadcast %gt3A_1229 : f32 to vector<512x512xf32>
      %gt3A_1231 = arith.cmpf ogt, %div3A_1228, %gt3A_1230 : vector<512x512xf32>
      %convert_element_type3A_1232 = arith.extui %gt3A_1231 : vector<512x512xi1> to vector<512x512xi32>
      %convert_element_type3A_1233 = arith.sitofp %convert_element_type3A_1232 : vector<512x512xi32> to vector<512x512xf32>
      %get3A_1234 = arith.constant 0 : index
      %get3A_1235 = arith.constant 3584 : index
      %get3A_1236 = vector.load %arg6[%get3A_1234, %get3A_1235] : memref<1x5120xf32, #tpu.memory_space<vmem>>, vector<1x512xf32>
      %get3A_1237 = arith.constant 0 : index
      %get3A_1238 = arith.constant 0 : index
      %get3A_1239 = vector.load %arg7[%get3A_1237, %get3A_1238] : memref<1x512xf32, #tpu.memory_space<vmem>>, vector<1x512xf32>
      %dot_general3A_1240 = arith.constant dense<0.000000e+00> : vector<1x512xf32>
      %dot_general3A_1241 = tpu.matmul %get3A_1236, %convert_element_type3A_1233, %dot_general3A_1240 {dimension_numbers = #tpu.dot_dimension_numbers<[1], [0], [0], [1], [0, 0, 1, 1], [], []>, transpose_lhs_hint = false} : vector<1x512xf32>, vector<512x512xf32>, vector<1x512xf32> -> vector<1x512xf32>
      %add3A_1242 = arith.addf %get3A_1239, %dot_general3A_1241 : vector<1x512xf32>
      %swap3A_1243 = arith.constant 0 : index
      %swap3A_1244 = arith.constant 0 : index
      %swap3A_1245 = vector.load %arg7[%swap3A_1243, %swap3A_1244] : memref<1x512xf32, #tpu.memory_space<vmem>>, vector<1x512xf32>
      tpu.vector_store %arg7[%swap3A_1243, %swap3A_1244], %add3A_1242 {strides = array<i32>} : memref<1x512xf32, #tpu.memory_space<vmem>>, vector<1x512xf32>,
    } else {
    }
    %eq3A_1112 = arith.cmpi eq, %reduce_max3A_188, %reduce_min3A_107 : i32
    %convert_element_type3A_1113 = arith.extui %eq3A_1112 : i1 to i32
    %cond3A_1114 = arith.constant 0 : i32
    %cond3A_1115 = arith.cmpi ne, %convert_element_type3A_1113, %cond3A_1114 : i32
    scf.if %cond3A_1115 {
      %slice3A_1186 = vector.extract_strided_slice %add3A_15 {offsets = [4096, 0], sizes = [512, 1], strides = [1, 1]} : vector<5120x4xf32> to vector<512x1xf32>
      %slice3A_1187 = vector.extract_strided_slice %add3A_15 {offsets = [4096, 1], sizes = [512, 1], strides = [1, 1]} : vector<5120x4xf32> to vector<512x1xf32>
      %slice3A_1188 = vector.extract_strided_slice %add3A_15 {offsets = [4096, 2], sizes = [512, 1], strides = [1, 1]} : vector<5120x4xf32> to vector<512x1xf32>
      %slice3A_1189 = vector.extract_strided_slice %add3A_15 {offsets = [4096, 3], sizes = [512, 1], strides = [1, 1]} : vector<5120x4xf32> to vector<512x1xf32>
      %slice3A_1190 = vector.extract_strided_slice %add3A_25 {offsets = [0, 4608], sizes = [1, 512], strides = [1, 1]} : vector<4x5120xf32> to vector<1x512xf32>
      %slice3A_1191 = vector.extract_strided_slice %add3A_25 {offsets = [1, 4608], sizes = [1, 512], strides = [1, 1]} : vector<4x5120xf32> to vector<1x512xf32>
      %slice3A_1192 = vector.extract_strided_slice %add3A_25 {offsets = [2, 4608], sizes = [1, 512], strides = [1, 1]} : vector<4x5120xf32> to vector<1x512xf32>
      %slice3A_1193 = vector.extract_strided_slice %add3A_25 {offsets = [3, 4608], sizes = [1, 512], strides = [1, 1]} : vector<4x5120xf32> to vector<1x512xf32>
      %max3A_1194 = vector.broadcast %slice3A_1186 : vector<512x1xf32> to vector<512x512xf32>
      %max3A_1195 = vector.broadcast %slice3A_1190 : vector<1x512xf32> to vector<512x512xf32>
      %max3A_1196 = arith.maximumf %max3A_1194, %max3A_1195 : vector<512x512xf32>
      %max3A_1197 = vector.broadcast %slice3A_1187 : vector<512x1xf32> to vector<512x512xf32>
      %max3A_1198 = vector.broadcast %slice3A_1191 : vector<1x512xf32> to vector<512x512xf32>
      %max3A_1199 = arith.maximumf %max3A_1197, %max3A_1198 : vector<512x512xf32>
      %min3A_1200 = vector.broadcast %slice3A_1188 : vector<512x1xf32> to vector<512x512xf32>
      %min3A_1201 = vector.broadcast %slice3A_1192 : vector<1x512xf32> to vector<512x512xf32>
      %min3A_1202 = arith.minimumf %min3A_1200, %min3A_1201 : vector<512x512xf32>
      %min3A_1203 = vector.broadcast %slice3A_1189 : vector<512x1xf32> to vector<512x512xf32>
      %min3A_1204 = vector.broadcast %slice3A_1193 : vector<1x512xf32> to vector<512x512xf32>
      %min3A_1205 = arith.minimumf %min3A_1203, %min3A_1204 : vector<512x512xf32>
      %sub3A_1206 = arith.subf %min3A_1202, %max3A_1196 : vector<512x512xf32>
      %jit3A_1207 = arith.constant 0.000000e+00 : f32
      %max3A_1208 = vector.broadcast %jit3A_1207 : f32 to vector<512x512xf32>
      %max3A_1209 = arith.maximumf %max3A_1208, %sub3A_1206 : vector<512x512xf32>
      %sub3A_1210 = arith.subf %min3A_1205, %max3A_1199 : vector<512x512xf32>
      %jit3A_1211 = arith.constant 0.000000e+00 : f32
      %max3A_1212 = vector.broadcast %jit3A_1211 : f32 to vector<512x512xf32>
      %max3A_1213 = arith.maximumf %max3A_1212, %sub3A_1210 : vector<512x512xf32>
      %mul3A_1214 = arith.mulf %max3A_1209, %max3A_1213 : vector<512x512xf32>
      %sub3A_1215 = arith.subf %slice3A_1188, %slice3A_1186 : vector<512x1xf32>
      %sub3A_1216 = arith.subf %slice3A_1189, %slice3A_1187 : vector<512x1xf32>
      %mul3A_1217 = arith.mulf %sub3A_1215, %sub3A_1216 : vector<512x1xf32>
      %sub3A_1218 = arith.subf %slice3A_1192, %slice3A_1190 : vector<1x512xf32>
      %sub3A_1219 = arith.subf %slice3A_1193, %slice3A_1191 : vector<1x512xf32>
      %mul3A_1220 = arith.mulf %sub3A_1218, %sub3A_1219 : vector<1x512xf32>
      %add3A_1221 = vector.broadcast %mul3A_1217 : vector<512x1xf32> to vector<512x512xf32>
      %add3A_1222 = vector.broadcast %mul3A_1220 : vector<1x512xf32> to vector<512x512xf32>
      %add3A_1223 = arith.addf %add3A_1221, %add3A_1222 : vector<512x512xf32>
      %sub3A_1224 = arith.subf %add3A_1223, %mul3A_1214 : vector<512x512xf32>
      %add3A_1225 = arith.constant 9.99999993E-9 : f32
      %add3A_1226 = vector.broadcast %add3A_1225 : f32 to vector<512x512xf32>
      %add3A_1227 = arith.addf %sub3A_1224, %add3A_1226 : vector<512x512xf32>
      %div3A_1228 = arith.divf %mul3A_1214, %add3A_1227 : vector<512x512xf32>
      %gt3A_1229 = arith.constant 5.000000e-01 : f32
      %gt3A_1230 = vector.broadcast %gt3A_1229 : f32 to vector<512x512xf32>
      %gt3A_1231 = arith.cmpf ogt, %div3A_1228, %gt3A_1230 : vector<512x512xf32>
      %convert_element_type3A_1232 = arith.extui %gt3A_1231 : vector<512x512xi1> to vector<512x512xi32>
      %convert_element_type3A_1233 = arith.sitofp %convert_element_type3A_1232 : vector<512x512xi32> to vector<512x512xf32>
      %get3A_1234 = arith.constant 0 : index
      %get3A_1235 = arith.constant 4096 : index
      %get3A_1236 = vector.load %arg6[%get3A_1234, %get3A_1235] : memref<1x5120xf32, #tpu.memory_space<vmem>>, vector<1x512xf32>
      %get3A_1237 = arith.constant 0 : index
      %get3A_1238 = arith.constant 0 : index
      %get3A_1239 = vector.load %arg7[%get3A_1237, %get3A_1238] : memref<1x512xf32, #tpu.memory_space<vmem>>, vector<1x512xf32>
      %dot_general3A_1240 = arith.constant dense<0.000000e+00> : vector<1x512xf32>
      %dot_general3A_1241 = tpu.matmul %get3A_1236, %convert_element_type3A_1233, %dot_general3A_1240 {dimension_numbers = #tpu.dot_dimension_numbers<[1], [0], [0], [1], [0, 0, 1, 1], [], []>, transpose_lhs_hint = false} : vector<1x512xf32>, vector<512x512xf32>, vector<1x512xf32> -> vector<1x512xf32>
      %add3A_1242 = arith.addf %get3A_1239, %dot_general3A_1241 : vector<1x512xf32>
      %swap3A_1243 = arith.constant 0 : index
      %swap3A_1244 = arith.constant 0 : index
      %swap3A_1245 = vector.load %arg7[%swap3A_1243, %swap3A_1244] : memref<1x512xf32, #tpu.memory_space<vmem>>, vector<1x512xf32>
      tpu.vector_store %arg7[%swap3A_1243, %swap3A_1244], %add3A_1242 {strides = array<i32>} : memref<1x512xf32, #tpu.memory_space<vmem>>, vector<1x512xf32>,
    } else {
    }
    %get3A_1116 = arith.constant 0 : index
    %get3A_1117 = arith.constant 0 : index
    %get3A_1118 = vector.load %arg7[%get3A_1116, %get3A_1117] : memref<1x512xf32, #tpu.memory_space<vmem>>, vector<1x512xf32>
    %eq3A_1119 = arith.constant 0.000000e+00 : f32
    %eq3A_1120 = vector.broadcast %eq3A_1119 : f32 to vector<1x512xf32>
    %eq3A_1121 = arith.cmpf oeq, %get3A_1118, %eq3A_1120 : vector<1x512xf32>
    %convert_element_type3A_1122 = arith.extui %eq3A_1121 : vector<1x512xi1> to vector<1x512xi32>
    %convert_element_type3A_1123 = arith.sitofp %convert_element_type3A_1122 : vector<1x512xi32> to vector<1x512xf32>
    %mul3A_1124 = arith.mulf %convert_element_type3A_1074, %convert_element_type3A_1123 : vector<1x512xf32>
    %slice3A_1125 = vector.extract_strided_slice %add3A_15 {offsets = [4608, 0], sizes = [512, 1], strides = [1, 1]} : vector<5120x4xf32> to vector<512x1xf32>
    %slice3A_1126 = vector.extract_strided_slice %add3A_15 {offsets = [4608, 1], sizes = [512, 1], strides = [1, 1]} : vector<5120x4xf32> to vector<512x1xf32>
    %slice3A_1127 = vector.extract_strided_slice %add3A_15 {offsets = [4608, 2], sizes = [512, 1], strides = [1, 1]} : vector<5120x4xf32> to vector<512x1xf32>
    %slice3A_1128 = vector.extract_strided_slice %add3A_15 {offsets = [4608, 3], sizes = [512, 1], strides = [1, 1]} : vector<5120x4xf32> to vector<512x1xf32>
    %slice3A_1129 = vector.extract_strided_slice %add3A_25 {offsets = [0, 4608], sizes = [1, 512], strides = [1, 1]} : vector<4x5120xf32> to vector<1x512xf32>
    %slice3A_1130 = vector.extract_strided_slice %add3A_25 {offsets = [1, 4608], sizes = [1, 512], strides = [1, 1]} : vector<4x5120xf32> to vector<1x512xf32>
    %slice3A_1131 = vector.extract_strided_slice %add3A_25 {offsets = [2, 4608], sizes = [1, 512], strides = [1, 1]} : vector<4x5120xf32> to vector<1x512xf32>
    %slice3A_1132 = vector.extract_strided_slice %add3A_25 {offsets = [3, 4608], sizes = [1, 512], strides = [1, 1]} : vector<4x5120xf32> to vector<1x512xf32>
    %max3A_1133 = vector.broadcast %slice3A_1125 : vector<512x1xf32> to vector<512x512xf32>
    %max3A_1134 = vector.broadcast %slice3A_1129 : vector<1x512xf32> to vector<512x512xf32>
    %max3A_1135 = arith.maximumf %max3A_1133, %max3A_1134 : vector<512x512xf32>
    %max3A_1136 = vector.broadcast %slice3A_1126 : vector<512x1xf32> to vector<512x512xf32>
    %max3A_1137 = vector.broadcast %slice3A_1130 : vector<1x512xf32> to vector<512x512xf32>
    %max3A_1138 = arith.maximumf %max3A_1136, %max3A_1137 : vector<512x512xf32>
    %min3A_1139 = vector.broadcast %slice3A_1127 : vector<512x1xf32> to vector<512x512xf32>
    %min3A_1140 = vector.broadcast %slice3A_1131 : vector<1x512xf32> to vector<512x512xf32>
    %min3A_1141 = arith.minimumf %min3A_1139, %min3A_1140 : vector<512x512xf32>
    %min3A_1142 = vector.broadcast %slice3A_1128 : vector<512x1xf32> to vector<512x512xf32>
    %min3A_1143 = vector.broadcast %slice3A_1132 : vector<1x512xf32> to vector<512x512xf32>
    %min3A_1144 = arith.minimumf %min3A_1142, %min3A_1143 : vector<512x512xf32>
    %sub3A_1145 = arith.subf %min3A_1141, %max3A_1135 : vector<512x512xf32>
    %jit3A_1146 = arith.constant 0.000000e+00 : f32
    %max3A_1147 = vector.broadcast %jit3A_1146 : f32 to vector<512x512xf32>
    %max3A_1148 = arith.maximumf %max3A_1147, %sub3A_1145 : vector<512x512xf32>
    %sub3A_1149 = arith.subf %min3A_1144, %max3A_1138 : vector<512x512xf32>
    %jit3A_1150 = arith.constant 0.000000e+00 : f32
    %max3A_1151 = vector.broadcast %jit3A_1150 : f32 to vector<512x512xf32>
    %max3A_1152 = arith.maximumf %max3A_1151, %sub3A_1149 : vector<512x512xf32>
    %mul3A_1153 = arith.mulf %max3A_1148, %max3A_1152 : vector<512x512xf32>
    %sub3A_1154 = arith.subf %slice3A_1127, %slice3A_1125 : vector<512x1xf32>
    %sub3A_1155 = arith.subf %slice3A_1128, %slice3A_1126 : vector<512x1xf32>
    %mul3A_1156 = arith.mulf %sub3A_1154, %sub3A_1155 : vector<512x1xf32>
    %sub3A_1157 = arith.subf %slice3A_1131, %slice3A_1129 : vector<1x512xf32>
    %sub3A_1158 = arith.subf %slice3A_1132, %slice3A_1130 : vector<1x512xf32>
    %mul3A_1159 = arith.mulf %sub3A_1157, %sub3A_1158 : vector<1x512xf32>
    %add3A_1160 = vector.broadcast %mul3A_1156 : vector<512x1xf32> to vector<512x512xf32>
    %add3A_1161 = vector.broadcast %mul3A_1159 : vector<1x512xf32> to vector<512x512xf32>
    %add3A_1162 = arith.addf %add3A_1160, %add3A_1161 : vector<512x512xf32>
    %sub3A_1163 = arith.subf %add3A_1162, %mul3A_1153 : vector<512x512xf32>
    %add3A_1164 = arith.constant 9.99999993E-9 : f32
    %add3A_1165 = vector.broadcast %add3A_1164 : f32 to vector<512x512xf32>
    %add3A_1166 = arith.addf %sub3A_1163, %add3A_1165 : vector<512x512xf32>
    %div3A_1167 = arith.divf %mul3A_1153, %add3A_1166 : vector<512x512xf32>
    %gt3A_1168 = arith.constant 5.000000e-01 : f32
    %gt3A_1169 = vector.broadcast %gt3A_1168 : f32 to vector<512x512xf32>
    %gt3A_1170 = arith.cmpf ogt, %div3A_1167, %gt3A_1169 : vector<512x512xf32>
    %convert_element_type3A_1171 = arith.extui %gt3A_1170 : vector<512x512xi1> to vector<512x512xi32>
    %convert_element_type3A_1172 = arith.sitofp %convert_element_type3A_1171 : vector<512x512xi32> to vector<512x512xf32>
    %mul3A_1173 = arith.mulf %convert_element_type3A_1172, %convert_element_type3A_27 : vector<512x512xf32>
    %dot_general3A_1174 = arith.constant dense<0.000000e+00> : vector<1x512xf32>
    %dot_general3A_1175 = tpu.matmul %mul3A_1124, %mul3A_1173, %dot_general3A_1174 {dimension_numbers = #tpu.dot_dimension_numbers<[1], [0], [0], [1], [0, 0, 1, 1], [], []>, transpose_lhs_hint = false} : vector<1x512xf32>, vector<512x512xf32>, vector<1x512xf32> -> vector<1x512xf32>
    %eq3A_1176 = arith.constant 0.000000e+00 : f32
    %eq3A_1177 = vector.broadcast %eq3A_1176 : f32 to vector<1x512xf32>
    %eq3A_1178 = arith.cmpf oeq, %dot_general3A_1175, %eq3A_1177 : vector<1x512xf32>
    %convert_element_type3A_1179 = arith.extui %eq3A_1178 : vector<1x512xi1> to vector<1x512xi32>
    %convert_element_type3A_1180 = arith.sitofp %convert_element_type3A_1179 : vector<1x512xi32> to vector<1x512xf32>
    %mul3A_1181 = arith.mulf %mul3A_1124, %convert_element_type3A_1180 : vector<1x512xf32>
    %while3A_1182:2 = scf.while (%while3A_1186 = %mul3A_1181, %while3A_1187 = %mul3A_1124) : (vector<1x512xf32>, vector<1x512xf32>) -> (vector<1x512xf32>, vector<1x512xf32>) {
      %ne3A = arith.cmpf one, %while3A_1186, %while3A_1187 : vector<1x512xf32>
      %reduce_or3A = arith.constant 1.000000e+00 : f32
      %reduce_or3A_1188 = arith.constant 0.000000e+00 : f32
      %reduce_or3A_1189 = vector.broadcast %reduce_or3A : f32 to vector<1x512xf32>
      %reduce_or3A_1190 = vector.broadcast %reduce_or3A_1188 : f32 to vector<1x512xf32>
      %reduce_or3A_1191 = arith.select %ne3A, %reduce_or3A_1189, %reduce_or3A_1190 : vector<1x512xi1>, vector<1x512xf32>
      %reduce_or3A_1192 = vector.shape_cast %reduce_or3A_1191 : vector<1x512xf32> to vector<1x1x512xf32>
      %reduce_or3A_1193 = arith.constant dense<0xFF800000> : vector<1xf32>
      %reduce_or3A_1194 = vector.multi_reduction <maximumf>, %reduce_or3A_1192, %reduce_or3A_1193 [1, 2] : vector<1x1x512xf32> to vector<1xf32>
      %reduce_or3A_1195 = vector.shape_cast %reduce_or3A_1194 : vector<1xf32> to vector<1x1x1xf32>
      %reduce_or3A_1196 = vector.extract %reduce_or3A_1195[0, 0, 0] : f32 from vector<1x1x1xf32>
      %reduce_or3A_1197 = arith.constant 0.000000e+00 : f32
      %reduce_or3A_1198 = arith.cmpf ogt, %reduce_or3A_1196, %reduce_or3A_1197 : f32
      scf.condition(%reduce_or3A_1198) %while3A_1186, %while3A_1187 : vector<1x512xf32>, vector<1x512xf32>
    } do {
    ^bb0(%while3A_1186: vector<1x512xf32>, %while3A_1187: vector<1x512xf32>):
      %dot_general3A_1188 = arith.constant dense<0.000000e+00> : vector<1x512xf32>
      %dot_general3A_1189 = tpu.matmul %while3A_1186, %mul3A_1173, %dot_general3A_1188 {dimension_numbers = #tpu.dot_dimension_numbers<[1], [0], [0], [1], [0, 0, 1, 1], [], []>, transpose_lhs_hint = false} : vector<1x512xf32>, vector<512x512xf32>, vector<1x512xf32> -> vector<1x512xf32>
      %eq3A_1190 = arith.constant 0.000000e+00 : f32
      %eq3A_1191 = vector.broadcast %eq3A_1190 : f32 to vector<1x512xf32>
      %eq3A_1192 = arith.cmpf oeq, %dot_general3A_1189, %eq3A_1191 : vector<1x512xf32>
      %convert_element_type3A_1193 = arith.extui %eq3A_1192 : vector<1x512xi1> to vector<1x512xi32>
      %convert_element_type3A_1194 = arith.sitofp %convert_element_type3A_1193 : vector<1x512xi32> to vector<1x512xf32>
      %mul3A_1195 = arith.mulf %mul3A_1124, %convert_element_type3A_1194 : vector<1x512xf32>
      scf.yield %mul3A_1195, %while3A_1186 : vector<1x512xf32>, vector<1x512xf32>
    }
    %swap3A_1183 = arith.constant 0 : index
    %swap3A_1184 = arith.constant 4608 : index
    %swap3A_1185 = vector.load %arg6[%swap3A_1183, %swap3A_1184] : memref<1x5120xf32, #tpu.memory_space<vmem>>, vector<1x512xf32>
    tpu.vector_store %arg6[%swap3A_1183, %swap3A_1184], %while3A_1182#0 {strides = array<i32>} : memref<1x5120xf32, #tpu.memory_space<vmem>>, vector<1x512xf32>,
    return
  }
}

module attributes {stable_mosaic.version = 14 : i64} {
  func.func @_mlp1_body(%arg0: i32, %arg1: memref<512x1792xf32, #tpu.memory_space<vmem>>, %arg2: memref<1792x1024xf32, #tpu.memory_space<vmem>>, %arg3: memref<1x1024xf32, #tpu.memory_space<vmem>>, %arg4: memref<512x1024xf32, #tpu.memory_space<vmem>>) attributes {dimension_semantics = [#tpu.dimension_semantics<arbitrary>], iteration_bounds = array<i64: 7>, scalar_prefetch = 0 : i64, scratch_operands = 0 : i64, tpu.core_type = #tpu.core_type<tc>, window_params = [{transform_indices = @transform_0, window_bounds = array<i64: 512, 1792>}, {transform_indices = @transform_1, window_bounds = array<i64: 1792, 1024>}, {pipeline_mode = #tpu.pipeline_mode<synchronous>, transform_indices = @transform_2, window_bounds = array<i64: 1, 1024>}, {pipeline_mode = #tpu.pipeline_mode<synchronous>, transform_indices = @transform_3, window_bounds = array<i64: 512, 1024>}]} {
    %eq3A = arith.constant 0 : i32
    %eq3A_0 = arith.cmpi eq, %arg0, %eq3A : i32
    %convert_element_type3A = arith.extui %eq3A_0 : i1 to i32
    %cond3A = arith.constant 0 : i32
    %cond3A_1 = arith.cmpi ne, %convert_element_type3A, %cond3A : i32
    scf.if %cond3A_1 {
      %get3A_20 = arith.constant 0 : index
      %get3A_21 = arith.constant 0 : index
      %get3A_22 = vector.load %arg3[%get3A_20, %get3A_21] : memref<1x1024xf32, #tpu.memory_space<vmem>>, vector<1x1024xf32>
      %broadcast_in_dim3A = vector.shape_cast %get3A_22 : vector<1x1024xf32> to vector<1x1024xf32>
      %broadcast_in_dim3A_23 = vector.broadcast %broadcast_in_dim3A : vector<1x1024xf32> to vector<512x1024xf32>
      %swap3A_24 = arith.constant 0 : index
      %swap3A_25 = arith.constant 0 : index
      %swap3A_26 = vector.load %arg4[%swap3A_24, %swap3A_25] : memref<512x1024xf32, #tpu.memory_space<vmem>>, vector<512x1024xf32>
      tpu.vector_store %arg4[%swap3A_24, %swap3A_25], %broadcast_in_dim3A_23 {strides = array<i32>} : memref<512x1024xf32, #tpu.memory_space<vmem>>, vector<512x1024xf32>,
    } else {
    }
    %get3A = arith.constant 0 : index
    %get3A_2 = arith.constant 0 : index
    %get3A_3 = vector.load %arg4[%get3A, %get3A_2] : memref<512x1024xf32, #tpu.memory_space<vmem>>, vector<512x1024xf32>
    %get3A_4 = arith.constant 0 : index
    %get3A_5 = arith.constant 0 : index
    %get3A_6 = vector.load %arg1[%get3A_4, %get3A_5] : memref<512x1792xf32, #tpu.memory_space<vmem>>, vector<512x1792xf32>
    %convert_element_type3A_7 = arith.truncf %get3A_6 : vector<512x1792xf32> to vector<512x1792xbf16>
    %get3A_8 = arith.constant 0 : index
    %get3A_9 = arith.constant 0 : index
    %get3A_10 = vector.load %arg2[%get3A_8, %get3A_9] : memref<1792x1024xf32, #tpu.memory_space<vmem>>, vector<1792x1024xf32>
    %convert_element_type3A_11 = arith.truncf %get3A_10 : vector<1792x1024xf32> to vector<1792x1024xbf16>
    %dot_general3A = arith.constant dense<0.000000e+00> : vector<512x1024xf32>
    %dot_general3A_12 = tpu.matmul %convert_element_type3A_7, %convert_element_type3A_11, %dot_general3A {dimension_numbers = #tpu.dot_dimension_numbers<[1], [0], [0], [1], [0, 0, 1, 1], [], []>, transpose_lhs_hint = false} : vector<512x1792xbf16>, vector<1792x1024xbf16>, vector<512x1024xf32> -> vector<512x1024xf32>
    %add3A = arith.addf %get3A_3, %dot_general3A_12 : vector<512x1024xf32>
    %swap3A = arith.constant 0 : index
    %swap3A_13 = arith.constant 0 : index
    %swap3A_14 = vector.load %arg4[%swap3A, %swap3A_13] : memref<512x1024xf32, #tpu.memory_space<vmem>>, vector<512x1024xf32>
    tpu.vector_store %arg4[%swap3A, %swap3A_13], %add3A {strides = array<i32>} : memref<512x1024xf32, #tpu.memory_space<vmem>>, vector<512x1024xf32>,
    %eq3A_15 = arith.constant 6 : i32
    %eq3A_16 = arith.cmpi eq, %arg0, %eq3A_15 : i32
    %convert_element_type3A_17 = arith.extui %eq3A_16 : i1 to i32
    %cond3A_18 = arith.constant 0 : i32
    %cond3A_19 = arith.cmpi ne, %convert_element_type3A_17, %cond3A_18 : i32
    scf.if %cond3A_19 {
      %get3A_20 = arith.constant 0 : index
      %get3A_21 = arith.constant 0 : index
      %get3A_22 = vector.load %arg4[%get3A_20, %get3A_21] : memref<512x1024xf32, #tpu.memory_space<vmem>>, vector<512x1024xf32>
      %max3A = arith.constant 0.000000e+00 : f32
      %max3A_23 = vector.broadcast %max3A : f32 to vector<512x1024xf32>
      %max3A_24 = arith.maximumf %get3A_22, %max3A_23 : vector<512x1024xf32>
      %swap3A_25 = arith.constant 0 : index
      %swap3A_26 = arith.constant 0 : index
      %swap3A_27 = vector.load %arg4[%swap3A_25, %swap3A_26] : memref<512x1024xf32, #tpu.memory_space<vmem>>, vector<512x1024xf32>
      tpu.vector_store %arg4[%swap3A_25, %swap3A_26], %max3A_24 {strides = array<i32>} : memref<512x1024xf32, #tpu.memory_space<vmem>>, vector<512x1024xf32>,
    } else {
    }
    return
  }
  func.func @transform_0(%arg0: i32) -> (i32, i32) {
    %c0_i32 = arith.constant 0 : i32
    %c0_i32_0 = arith.constant 0 : i32
    return %c0_i32, %arg0 : i32, i32
  }
  func.func @transform_1(%arg0: i32) -> (i32, i32) {
    %c0_i32 = arith.constant 0 : i32
    %c0_i32_0 = arith.constant 0 : i32
    return %arg0, %c0_i32 : i32, i32
  }
  func.func @transform_2(%arg0: i32) -> (i32, i32) {
    %c0_i32 = arith.constant 0 : i32
    %c0_i32_0 = arith.constant 0 : i32
    %c0_i32_1 = arith.constant 0 : i32
    return %c0_i32, %c0_i32_0 : i32, i32
  }
  func.func @transform_3(%arg0: i32) -> (i32, i32) {
    %c0_i32 = arith.constant 0 : i32
    %c0_i32_0 = arith.constant 0 : i32
    %c0_i32_1 = arith.constant 0 : i32
    return %c0_i32, %c0_i32_0 : i32, i32
  }
}

module attributes {stable_mosaic.version = 14 : i64} {
  func.func @_mlp2_body(%arg0: memref<512x1024xf32, #tpu.memory_space<vmem>>, %arg1: memref<1024x1024xf32, #tpu.memory_space<vmem>>, %arg2: memref<1x1024xf32, #tpu.memory_space<vmem>>, %arg3: memref<1024x128xf32, #tpu.memory_space<vmem>>, %arg4: memref<1x128xf32, #tpu.memory_space<vmem>>, %arg5: memref<512x128xf32, #tpu.memory_space<vmem>>, %arg6: memref<512x128xf32, #tpu.memory_space<vmem>>) attributes {dimension_semantics = [], scalar_prefetch = 0 : i64, scratch_operands = 0 : i64, tpu.core_type = #tpu.core_type<tc>} {
    %get3A = arith.constant 0 : index
    %get3A_0 = arith.constant 0 : index
    %get3A_1 = vector.load %arg0[%get3A, %get3A_0] : memref<512x1024xf32, #tpu.memory_space<vmem>>, vector<512x1024xf32>
    %get3A_2 = arith.constant 0 : index
    %get3A_3 = arith.constant 0 : index
    %get3A_4 = vector.load %arg1[%get3A_2, %get3A_3] : memref<1024x1024xf32, #tpu.memory_space<vmem>>, vector<1024x1024xf32>
    %dot_general3A = arith.constant dense<0.000000e+00> : vector<512x1024xf32>
    %dot_general3A_5 = tpu.matmul %get3A_1, %get3A_4, %dot_general3A {dimension_numbers = #tpu.dot_dimension_numbers<[1], [0], [0], [1], [0, 0, 1, 1], [], []>, transpose_lhs_hint = false} : vector<512x1024xf32>, vector<1024x1024xf32>, vector<512x1024xf32> -> vector<512x1024xf32>
    %get3A_6 = arith.constant 0 : index
    %get3A_7 = arith.constant 0 : index
    %get3A_8 = vector.load %arg2[%get3A_6, %get3A_7] : memref<1x1024xf32, #tpu.memory_space<vmem>>, vector<1x1024xf32>
    %add3A = vector.broadcast %get3A_8 : vector<1x1024xf32> to vector<512x1024xf32>
    %add3A_9 = arith.addf %dot_general3A_5, %add3A : vector<512x1024xf32>
    %max3A = arith.constant 0.000000e+00 : f32
    %max3A_10 = vector.broadcast %max3A : f32 to vector<512x1024xf32>
    %max3A_11 = arith.maximumf %add3A_9, %max3A_10 : vector<512x1024xf32>
    %get3A_12 = arith.constant 0 : index
    %get3A_13 = arith.constant 0 : index
    %get3A_14 = vector.load %arg3[%get3A_12, %get3A_13] : memref<1024x128xf32, #tpu.memory_space<vmem>>, vector<1024x128xf32>
    %dot_general3A_15 = arith.constant dense<0.000000e+00> : vector<512x128xf32>
    %dot_general3A_16 = tpu.matmul %max3A_11, %get3A_14, %dot_general3A_15 {dimension_numbers = #tpu.dot_dimension_numbers<[1], [0], [0], [1], [0, 0, 1, 1], [], []>, transpose_lhs_hint = false} : vector<512x1024xf32>, vector<1024x128xf32>, vector<512x128xf32> -> vector<512x128xf32>
    %get3A_17 = arith.constant 0 : index
    %get3A_18 = arith.constant 0 : index
    %get3A_19 = vector.load %arg4[%get3A_17, %get3A_18] : memref<1x128xf32, #tpu.memory_space<vmem>>, vector<1x128xf32>
    %add3A_20 = vector.broadcast %get3A_19 : vector<1x128xf32> to vector<512x128xf32>
    %add3A_21 = arith.addf %dot_general3A_16, %add3A_20 : vector<512x128xf32>
    %neg3A = arith.constant 0.000000e+00 : f32
    %neg3A_22 = vector.broadcast %neg3A : f32 to vector<512x128xf32>
    %neg3A_23 = arith.subf %neg3A_22, %add3A_21 : vector<512x128xf32>
    %exp3A = math.exp %neg3A_23 : vector<512x128xf32>
    %add3A_24 = arith.constant 1.000000e+00 : f32
    %add3A_25 = vector.broadcast %add3A_24 : f32 to vector<512x128xf32>
    %add3A_26 = arith.addf %add3A_25, %exp3A : vector<512x128xf32>
    %div3A = arith.constant 1.000000e+00 : f32
    %div3A_27 = vector.broadcast %div3A : f32 to vector<512x128xf32>
    %div3A_28 = arith.divf %div3A_27, %add3A_26 : vector<512x128xf32>
    %get3A_29 = arith.constant 0 : index
    %get3A_30 = arith.constant 0 : index
    %get3A_31 = vector.load %arg5[%get3A_29, %get3A_30] : memref<512x128xf32, #tpu.memory_space<vmem>>, vector<512x128xf32>
    %mul3A = arith.mulf %div3A_28, %get3A_31 : vector<512x128xf32>
    %swap3A = arith.constant 0 : index
    %swap3A_32 = arith.constant 0 : index
    %swap3A_33 = vector.load %arg6[%swap3A, %swap3A_32] : memref<512x128xf32, #tpu.memory_space<vmem>>, vector<512x128xf32>
    tpu.vector_store %arg6[%swap3A, %swap3A_32], %mul3A {strides = array<i32>} : memref<512x128xf32, #tpu.memory_space<vmem>>, vector<512x128xf32>,
    return
  }
}

</mosaic_0001>

<sc_bundles>
// kernel: kernel.6.cloned.1.call-start
scs
__scs_entry_jumppad:
0x0: {  	(pc) =	sbr.rel $0x88, $3  }
0x1: {  	(tag) =	ssettag $0x0;
	lr =	simm.s32 $0x1  }
0x2: {  	[smem:$0x3F95] =	sst lr;
	_ =	strace $0xD0000000  }
0x3: {  	_ = 	snop  }
0x4: {  	_ = 	snop  }
0x5: {  	_ = 	snop  }
0x6: {  	_ = 	snop  }
0x7: {  	_ = 	snop  }
__scs_overlays_trampoline_lowered:
0x8: {  	[smem:$0x3FA4] =	sst s0  }
0x9: {  	[smem:$0x3FA5] =	sst s1  }
0xa: {  	[smem:$0x3FA6] =	sst s2  }
0xb: {  	[smem:$0x3FA7] =	sst s3  }
0xc: {  	[smem:$0x3FA8] =	sst s4  }
0xd: {  	[smem:$0x3FA9] =	sst s5  }
0xe: {  	[smem:$0x3FAA] =	sst s6  }
0xf: {  	[smem:$0x3FAB] =	sst s7  }
0x10: {  	[smem:$0x3FAC] =	sst s8  }
0x11: {  	[smem:$0x3FAD] =	sst s9;
	s0 =	simm.s32 @!p0 $0x0  }
0x12: {  	s1 =	sld [smem:$0x3F93];
	s0 =	simm.s32 @p0 $0x1  }
0x13: {  	[smem:$0x3FAE] =	sst s0;
	s0 =	simm.s32 @!p1 $0x0  }
0x14: {  	s2 =	sld [smem:$0x3F92];
	s0 =	simm.s32 @p1 $0x1  }
0x15: {  	[smem:$0x3FAF] =	sst s0;
	s0 =	simm.s32 @!p2 $0x0  }
0x16: {  	s3 =	sld [smem:$0x3FDB];
	s0 =	simm.s32 @p2 $0x1  }
0x17: {  	s4 =	simm.s32 $0x1BF5;
	[smem:$0x3FB1] =	sst s0  }
0x18: {  	s0 =	sld [smem:$0x3F94];
	_ =	swait.ge [sflag:s4], $0x0  }
0x19: {  	s7 =	sld [smem:$0x3F95]  }
0x1a: {  	s8 =	sadd.s32 $0xFFFFE003, lr  }
0x1b: {  	s9 =	sadd.s32 $0xFFFFFEF7, lr;
	s5 =	simm.s32 $0xFFFFFFFF;
	p2 =	slt.u32 s8, $0xFFFFF086  }
0x1c: {  	p1 =	slt.u32 s9, $0xF7A;
	s5 =	simm.s32 @!p2 $0x0  }
0x1d: {  	s5 =	simm.s32 @p1 $0x1;
	p0 =	seq.s32 s7, s2  }
0x1e: {  	s7 =	smul.u32 @!p0 $0xF7A, s2;
	p2 =	seq.s32 @!p0 s5, $0x0  }
0x1f: {  	s9 =	smul.u32 $0xF7A, s1;
	s8 =	simm.s32 @!p0 $0x1BF5;
	p2 =	por !p2, p0  }
0x20: {  	[sflag:s8] =	ssyncset.s32 @!p0 $0xFFFFF086;
	s6 =	sadd.s32 @!p0 s3, s7;
	s7 =	simm.s32 @!p0 $0x108  }
0x21: {  	s3 =	sadd.s32 s3, s9;
	s6 =	sadd.s32 @!p0 $0x88, s6;
	s7 =	simm.s32 @p2 $0x1082  }
0x22: {  	[simem:s7], [sflag:s8] =	dma.local @!p0 [hbm:s6], $0xF7A  }
0x23: {  	s9 =	sor.u32 $0xD0000000, s2;
	s6 =	simm.s32 $0x108;
	_ =	swait.ge @!p0 [sflag:s8], $0x0  }
0x24: {  	s3 =	sadd.s32 $0x88, s3;
	s6 =	simm.s32 @!p1 $0x1082;
	[sflag:s4] =	ssyncset.s32 $0xFFFFF086  }
0x25: {  	[simem:s6], [sflag:s4] =	dma.local [hbm:s3], $0xF7A  }
0x26: {  	[smem:$0x3F95] =	sst s1;
	(tag) =	ssettag s2;
	_ =	strace s9  }
0x27: {  	s1 =	sld [smem:$0x3FA5]  }
0x28: {  	s2 =	sld [smem:$0x3FA6]  }
0x29: {  	s4 =	sld [smem:$0x3FA8]  }
0x2a: {  	p0 =	seq.s32 s5, $0x0;
	s5 =	sld [smem:$0x3FA9]  }
0x2b: {  	s6 =	sld [smem:$0x3FAA]  }
0x2c: {  	s7 =	sld [smem:$0x3FAB]  }
0x2d: {  	s3 =	simm.s32 $0x108;
	s8 =	sld [smem:$0x3FAC]  }
0x2e: {  	s3 =	simm.s32 @!p0 $0x1082;
	s9 =	sld [smem:$0x3FAD]  }
0x2f: {  	lr =	sadd.s32 s0, s3;
	s0 =	sld [smem:$0x3FA4]  }
0x30: {  	s3 =	sld [smem:$0x3FA7]  }
0x31: {  	[smem:$0x3FB0] =	sst s10  }
0x32: {  	s10 =	sld [smem:$0x3FAE];
	_ =	sdelay $0x3  }
0x33: {  	p0 =	seq.s32 s10, $0x1;
	s10 =	sld [smem:$0x3FB0];
	_ =	sdelay $0x3  }
0x34: {  	[smem:$0x3FB0] =	sst s10  }
0x35: {  	s10 =	sld [smem:$0x3FAF];
	_ =	sdelay $0x3  }
0x36: {  	p1 =	seq.s32 s10, $0x1;
	s10 =	sld [smem:$0x3FB0];
	_ =	sdelay $0x3  }
0x37: {  	[smem:$0x3FB0] =	sst s10  }
0x38: {  	s10 =	sld [smem:$0x3FB1]  }
0x39: {  	_ = 	snop;
	(pc) =	sbr.ind lr, $3  }
0x3a: {  	_ = 	snop  }
0x3b: {  	_ = 	snop  }
0x3c: {  	p2 =	seq.s32 s10, $0x1;
	s10 =	sld [smem:$0x3FB0]  }
0x3d: {  	_ =	shalt  }
0x3e: {  	_ =	shalt  }
0x3f: {  	_ =	shalt  }
0x40: {  	_ =	shalt  }
0x41: {  	_ =	shalt  }
0x42: {  	_ =	shalt  }
0x43: {  	_ =	shalt  }
0x44: {  	_ =	shalt  }
0x45: {  	_ =	shalt  }
0x46: {  	_ =	shalt  }
0x47: {  	_ =	shalt  }
0x48: {  	_ =	shalt  }
0x49: {  	_ =	shalt  }
0x4a: {  	_ =	shalt  }
0x4b: {  	_ =	shalt  }
0x4c: {  	_ =	shalt  }
0x4d: {  	_ =	shalt  }
0x4e: {  	_ =	shalt  }
0x4f: {  	_ =	shalt  }
0x50: {  	_ =	shalt  }
0x51: {  	_ =	shalt  }
0x52: {  	_ =	shalt  }
0x53: {  	_ =	shalt  }
0x54: {  	_ =	shalt  }
0x55: {  	_ =	shalt  }
0x56: {  	_ =	shalt  }
0x57: {  	_ =	shalt  }
0x58: {  	_ =	shalt  }
0x59: {  	_ =	shalt  }
0x5a: {  	_ =	shalt  }
0x5b: {  	_ =	shalt  }
0x5c: {  	_ =	shalt  }
0x5d: {  	_ =	shalt  }
0x5e: {  	_ =	shalt  }
0x5f: {  	_ =	shalt  }
0x60: {  	_ =	shalt  }
0x61: {  	_ =	shalt  }
0x62: {  	_ =	shalt  }
0x63: {  	_ =	shalt  }
0x64: {  	_ =	shalt  }
0x65: {  	_ =	shalt  }
0x66: {  	_ =	shalt  }
0x67: {  	_ =	shalt  }
0x68: {  	_ =	shalt  }
0x69: {  	_ =	shalt  }
0x6a: {  	_ =	shalt  }
0x6b: {  	_ =	shalt  }
0x6c: {  	_ =	shalt  }
0x6d: {  	_ =	shalt  }
0x6e: {  	_ =	shalt  }
0x6f: {  	_ =	shalt  }
0x70: {  	_ =	shalt  }
0x71: {  	_ =	shalt  }
0x72: {  	_ =	shalt  }
0x73: {  	_ =	shalt  }
0x74: {  	_ =	shalt  }
0x75: {  	_ =	shalt  }
0x76: {  	_ =	shalt  }
0x77: {  	_ =	shalt  }
0x78: {  	_ =	shalt  }
0x79: {  	_ =	shalt  }
0x7a: {  	_ =	shalt  }
0x7b: {  	_ =	shalt  }
0x7c: {  	_ =	shalt  }
0x7d: {  	_ =	shalt  }
0x7e: {  	_ =	shalt  }
0x7f: {  	_ =	shalt  }
0x80: {  	_ =	shalt  }
0x81: {  	_ =	shalt  }
0x82: {  	_ =	shalt  }
0x83: {  	_ =	shalt  }
0x84: {  	_ =	shalt  }
0x85: {  	_ =	shalt  }
0x86: {  	_ =	shalt  }
0x87: {  	_ =	shalt  }
.Lfunc_end0:
.L_simem_size_0:
called_computation_lowered:
.L_overlay_start_0:
0x88: {  	s2 =	sld [smem:$0x3FD9]  }
0x89: {  	s3 =	sld [smem:$0x3FFE];
	_ =	sdelay $0x1  }
0x8a: {  	s1 =	srdreg.scid  }
0x8b: {  	s0 =	sand.u32 $0x1, s1  }
0x8c: {  	s17 =	sshll.u32 s0, $0xA;
	s2 =	sadd.s32 s3, s2  }
0x8d: {  	s2 =	sadd.s32 s2, s17  }
0x8e: {  	[smem:$0x3FBC] =	sst s2  }
0x8f: {  	_ = 	snop  }
0x90: {  	s2 =	sld [smem:$0x3FD0];
	(tm) =	ssettm $0x1  }
0x91: {  	s18 =	sld [smem:$0x3FFB];
	_ =	sdelay $0x3  }
0x92: {  	_ =	strace s18  }
0x93: {  	s3 =	sld [smem:$0x3FFC];
	_ =	sdelay $0x3  }
0x94: {  	_ =	strace s3  }
0x95: {  	s3 =	sld [smem:$0x3FFD];
	_ =	sdelay $0x3  }
0x96: {  	_ =	strace s3  }
0x97: {  	_ =	strace $0x8FFFFFFF  }
0x98: {  	s19 =	sld [smem:$0x3FDB];
	_ =	sdelay $0x1  }
0x99: {  	s4 =	simm.s32 $_scs_section_size  }
0x9a: {  	s5 =	simm.s32 $_size__tile_overlayer_lowered;
	s6 =	simm.s32 $_tile_overlayer_lowered  }
0x9b: {  	s22 =	simm.s32 $0x1BFF;
	s21 =	sshll.u32 s6, $0x1;
	s3 =	sadd.s32 s4, s19  }
0x9c: {  	s7 =	simm.s32 $0x0;
	s20 =	sshll.u32 s5, $0x1;
	s5 =	sadd.s32 s21, s3  }
0x9d: {  	[timem:s7], [sflag:s22] =	dma.local [hbm:s5], s20  }
0x9e: {  	_ =	swait.ge [sflag:s22], s20  }
0x9f: {  	s4 =	ssub.s32 $0x0, s20;
	[sflag:s22] =	ssyncset.done $0x0  }
0xa0: {  	[sflag:s22] =	ssyncadd.s32 s4;
	_ =	sdelay $0x1  }
0xa1: {  	s23 =	simm.s32 $0x1B8B  }
0xa2: {  	_ =	swait.ge [sflag:s23], $0x1  }
0xa3: {  	[sflag:s23] =	ssyncset.done $0x0  }
0xa4: {  	s25 =	simm.s32 $0x1B8E;
	s24 =	sld [smem:$0x3FFE];
	[sflag:s23] =	ssyncadd.s32 $0xFFFFFFFF  }
0xa5: {  	s26 =	simm.s32 $execute0_lowered;
	[smem:$0x3FD2] =	sst s25  }
0xa6: {  	s5 =	sshll.u32 s26, $0x1;
	_ =	strace $0x80000046;
	[dreg:$0x1] =	wrdreg $0xFFFFFFFF  }
0xa7: {  	s28 =	simm.s32 $_size_execute0_lowered;
	s3 =	sadd.s32 s3, s5;
	[dreg:$0x0] =	wrdreg $0x0  }
0xa8: {  	s5 =	sshll.u32 s28, $0x1;
	[dreg:$0x2] =	wrdreg s3  }
0xa9: {  	[dreg:$0x3] =	wrdreg s5  }
0xaa: {  	[dreg:$0x4] =	wrdreg $0xC0  }
0xab: {  	_ =	task [dreg:s7], $0x5FFFF  }
0xac: {  	[dreg:$0x1] =	wrdreg $0xFFFFFFFF  }
0xad: {  	[dreg:$0x0] =	wrdreg $0x60  }
0xae: {  	[dreg:$0x2] =	wrdreg s24  }
0xaf: {  	[dreg:$0x3] =	wrdreg s2  }
0xb0: {  	[dreg:$0x4] =	wrdreg $0x9  }
0xb1: {  	_ =	task.clear_ibuf [dreg:s7], $0x5FFFF;
	_ =	strace $0x90000046  }
0xb2: {  	s29 =	simm.s32 $0x9;
	_ =	strace $0x80000048  }
0xb3: {  	_ =	swait.ge [sflag:s29], $0x1  }
0xb4: {  	[sflag:s29] =	ssyncadd.s32 $0xFFFFFFFF  }
0xb5: {  	_ =	strace $0x90000048  }
0xb6: {  	_ =	sfence  }
0xb7: {  	s30 =	sld [smem:$0x0];
	_ =	sdelay $0x2  }
0xb8: {  	s31 =	sshll.u32 s1, $0xD;
	s1 =	sshrl.u32 s1, $0x2  }
0xb9: {  	s3 =	sand.u32 $0x4000, s31;
	s1 =	sadd.s32 s1, s30  }
0xba: {  	s0 =	sor.u32 s3, s0;
	s1 =	sshll.u32 s1, $0x11  }
0xbb: {  	s0 =	sor.u32 s1, s0  }
0xbc: {  	s0 =	sadd.s32 $0x8F2B, s0  }
0xbd: {  	[sflag:s0] =	ssyncadd.remote.s32 $0x1  }
0xbe: {  	_ =	sfence.sel $0xFFFF  }
0xbf: {  	[dreg:$0x0] =	wrdreg $0xFFFFFFFF;
	(pc) =	sbr.abs _section_cstart, $3  }
0xc0: {  	[dreg:$0x1] =	wrdreg $0xFFFFFFFF  }
0xc1: {  	_ =	task.clear_ibuf [dreg:s7], $0x2FFFF;
	_ =	strace $0x9FFFFFFF  }
0xc2: {  	(tm) =	ssettm $0x7FFFFFFF  }
0xc3: {  	_ =	shalt  }
tec
execute0_lowered:
.L_overlay_start_1:
0x0: {  	(tag) =	ssettag $0x1  }
0x1: {  	s1 =	rddreg [dreg:$0x0]  }
0x2: {  	s2 =	rddreg [dreg:$0x1]  }
0x3: {  	s0 =	rddreg [dreg:$0x2];
	s4 =	simm.s32 $0x0;
	s6 =	srdreg.scid  }
0x4: {  	s3 =	stileid.u32;
	s13 =	simm.s32 $0x1400;
	s14 =	simm.s32 $0x3C00  }
0x5: {  	s15 =	simm.s32 $0x5000;
	s16 =	simm.s32 $0x6400;
	s17 =	simm.s32 $0x8C00  }
0x6: {  	s18 =	simm.s32 $0x8C80;
	s19 =	simm.s32 $0x2800;
	s20 =	simm.s32 $0x8D00  }
0x7: {  	s21 =	simm.s32 $0x0;
	[smem:$0x7FF] =	sst s4;
	s5 =	sadd.s32 $0x1000, s1  }
0x8: {  	s8 =	sand.u32 $0x1, s6;
	s9 =	sshll.u32 s3, $0x1;
	s6 =	sadd.s32 $0x800, s1  }
0x9: {  	s7 =	sadd.s32 $0x400, s1;
	_ =	strace $0x80000047;
	s9 =	sor.u32 s8, s9  }
0xa: {  	s8 =	ssub.s32 $0x2, s8;
	s10 =	sshll.u32 s9, $0x1;
	s9 =	sshll.u32 s9, $0x8  }
0xb: {  	s31 =	sshrl.u32 s8, $0x1;
	s10 =	sadd.s32 s10, s1;
	s11 =	sadd.s32 s9, s1  }
0xc: {  	v1 =	vlaneseq.u32;
	s12 =	ssub.s32 s8, s31;
	s8 =	sadd.s32 $0xE00, s10;
	s9 =	sadd.s32 $0xC00, s10  }
0xd: {  	v0 =	vimm.s32 $0x0;
	v1 =	vmul.u32 $0x80, v1;
	s10 =	sadd.s32 $0x1400, s11;
	s11 =	smax.u32 s12, $0x1;
	s12 =	simm.s32 $0x1  }
.LBB2_1:
0xe: {  	[tilespmem:s4], [sflag:$0x1] =	stream.linear.gather [hbm4b:s5+s4], $0x1400, $0x38;
	[tilespmem:$0x9500] =	vst v63  }
0xf: {  	_ =	swait.ge [sflag:s12], $0x1400  }
0x10: {  	[sflag:s12] =	ssyncset.done $0x0  }
0x11: {  	[sflag:s12] =	ssyncadd.s32 $0xFFFFEC00  }
0x12: {  	[tilespmem:s13], [sflag:$0x1] =	stream.linear.gather [hbm4b:s6+s4], $0x1400, $0x38;
	[tilespmem:$0x9500] =	vst v63  }
0x13: {  	_ =	swait.ge [sflag:s12], $0x1400  }
0x14: {  	[sflag:s12] =	ssyncset.done $0x0  }
0x15: {  	[sflag:s12] =	ssyncadd.s32 $0xFFFFEC00  }
0x16: {  	[tilespmem:s14], [sflag:$0x1] =	stream.linear.gather [hbm4b:s1+s4], $0x1400, $0x38;
	[tilespmem:$0x9500] =	vst v63  }
0x17: {  	_ =	swait.ge [sflag:s12], $0x1400  }
0x18: {  	[sflag:s12] =	ssyncset.done $0x0  }
0x19: {  	[sflag:s12] =	ssyncadd.s32 $0xFFFFEC00  }
0x1a: {  	[tilespmem:s15], [sflag:$0x1] =	stream.linear.gather [hbm4b:s7+s4], $0x1400, $0x38;
	[tilespmem:$0x9500] =	vst v63  }
0x1b: {  	_ =	swait.ge [sflag:s12], $0x1400  }
0x1c: {  	[sflag:s12] =	ssyncset.done $0x0  }
0x1d: {  	[sflag:s12] =	ssyncadd.s32 $0xFFFFEC00  }
0x1e: {  	[tilespmem:s16], [sflag:$0x1] =	stream.linear.gather [hbm4b:s2+s4], $0x2800, $0x38;
	[tilespmem:$0x9500] =	vst v63  }
0x1f: {  	_ =	swait.ge [sflag:s12], $0x2800  }
0x20: {  	[sflag:s12] =	ssyncset.done $0x0  }
0x21: {  	[sflag:s12] =	ssyncadd.s32 $0xFFFFD800  }
0x22: {  	[tilespmem:s17], [sflag:$0x1] =	stream.linear.gather [hbm4b:s8+s4], $0x10, $0x38;
	[tilespmem:$0x9500] =	vst v63  }
0x23: {  	_ =	swait.ge [sflag:s12], $0x10  }
0x24: {  	[sflag:s12] =	ssyncset.done $0x0  }
0x25: {  	[sflag:s12] =	ssyncadd.s32 $0xFFFFFFF0  }
0x26: {  	[tilespmem:s18], [sflag:$0x1] =	stream.linear.gather [hbm4b:s9+s4], $0x10, $0x38;
	[tilespmem:$0x9500] =	vst v63  }
0x27: {  	_ =	swait.ge [sflag:s12], $0x10  }
0x28: {  	[sflag:s12] =	ssyncset.done $0x0  }
0x29: {  	s23 =	simm.s32 $0x0;
	s22 =	simm.s32 $0x40;
	[sflag:s12] =	ssyncadd.s32 $0xFFFFFFF0  }
.LBB2_2:
0x2a: {  	p0 =	sne.s32 s22, $0x4FC0;
	v2 =	vld [tilespmem:s23+$0x1400];
	_ =	sdelay $0x2  }
0x2b: {  	v3 =	vld [tilespmem:s23+$0x0]  }
.Ltmp0:
0x2c: {  	(pc) =	sbr.rel @p0 .LBB2_2-.Ltmp0, $2  }
0x2d: {  	_ =	sdelay $0x2  }
0x2e: {  	s23 =	sshra.s32 s22, $0x2;
	s22 =	sadd.s32 $0x40, s22;
	[tilespmem:v2+s19+$0x0] =	vst.idx.msk $0xffff, v3  }
0x2f: {  	v2 =	vld [tilespmem:s23+$0x1400];
	_ =	sdelay $0x2  }
0x30: {  	v3 =	vld [tilespmem:s23+$0x0];
	_ =	sdelay $0x4  }
0x31: {  	[tilespmem:v2+s19+$0x0] =	vst.idx.msk $0xffff, v3  }
0x32: {  	v2 =	vld [tilespmem:$0x8C00]  }
0x33: {  	v3 =	vld [tilespmem:$0x8C80];
	_ =	sdelay $0x6  }
0x34: {  	v4 =	vld.idx.msk [tilespmem:v2+s14+$0x0], $0xffff  }
0x35: {  	v5 =	vld.idx.msk [tilespmem:v3+s14+$0x0], $0xffff  }
0x36: {  	v6 =	vld.idx.msk [tilespmem:v3+s15+$0x0], $0xffff  }
0x37: {  	v7 =	vld.idx.msk [tilespmem:v2+s19+$0x0], $0xffff;
	_ =	sdelay $0x1  }
0x38: {  	v8 =	vld.idx.msk [tilespmem:v3+s19+$0x0], $0xffff  }
0x39: {  	v4 =	vmul.f32 v5, v4  }
0x3a: {  	v5 =	vshll.u32 v6, $0x7  }
0x3b: {  	v4 =	vmul.f32 v7, v4;
	_ =	sdelay $0x1  }
0x3c: {  	vm0 =	vne.s32 v2, v3;
	v2 =	vmul.f32 v8, v4  }
0x3d: {  	v3 =	vsel vm0, $0x3F800000, v0  }
0x3e: {  	s22 =	simm.s32 $0x0;
	s23 =	simm.s32 $0x1;
	v4 =	vld.idx.msk [tilespmem:v5+s16+$0x0], $0xffff;
	v2 =	vmul.f32 v3, v2;
	v3 =	vor.u32 $0x1, v5  }
.LBB2_4:
0x3f: {  	p0 =	sne.s32 s23, $0x7F;
	_ =	sdelay $0x1  }
0x40: {  	v5 =	vor.u32 s22, v1  }
0x41: {  	v6 =	vadd.s32 s22, v3;
	s22 =	smov.u32 s23  }
.Ltmp1:
0x42: {  	(pc) =	sbr.rel @p0 .LBB2_4-.Ltmp1, $3  }
0x43: {  	v4 =	vmul.f32 v4, v2;
	_ =	sdelay $0x1  }
0x44: {  	[tilespmem:v5+s20+$0x0] =	vst.idx.msk $0xffff, v4  }
0x45: {  	s23 =	sadd.s32 $0x1, s23;
	v4 =	vld.idx.msk [tilespmem:v6+s16+$0x0], $0xffff  }
0x46: {  	_ = 	snop  }
0x47: {  	v3 =	vor.u32 s22, v1;
	_ =	sdelay $0x2  }
0x48: {  	s21 =	sadd.s32 $0x1, s21;
	v2 =	vmul.f32 v4, v2  }
0x49: {  	p0 =	sne.s32 s21, s11  }
.Ltmp2:
0x4a: {  	[tilespmem:v3+s20+$0x0] =	vst.idx.msk $0xffff, v2;
	(pc) =	sbr.rel @p0 .LBB2_1-.Ltmp2, $4  }
0x4b: {  	[hbm4b:s10+s4] =	stream.linear.scatter [tilespmem:s20], [sflag:$0x1], $0x800, $0x38;
	[tilespmem:$0x9500] =	vst v63  }
0x4c: {  	_ =	swait.ge [sflag:s12], $0x800  }
0x4d: {  	[sflag:s12] =	ssyncset.done $0x0  }
0x4e: {  	[sflag:s12] =	ssyncadd.s32 $0xFFFFF800  }
0x4f: {  	_ =	sfence.sel $0x180000  }
0x50: {  	[bflag:$0x0] =	sbarrier.arrive $0xFFFF  }
0x51: {  	p0 =	sne.s32 s3, $0x0;
	_ =	strace $0x90000047  }
0x52: {  	s0 =	sadd.s32 @!p0 $0x100000, s0;
	[bflag:$0x2] =	sbarrier.arrive $0xFFFF  }
0x53: {  	[sflag:s0] =	ssyncadd.tile.s32 @!p0 $0x1;
	_ =	shalt  }
.Lfunc_end2:
_tile_overlayer_lowered:
.L_overlay_start_2:
0x54: {  	(tag) =	ssettag $0x2  }
0x55: {  	s0 =	rddreg [dreg:$0x0];
	s2 =	stileid.u32  }
0x56: {  	s1 =	rddreg [dreg:$0x1];
	p0 =	sne.s32 s2, $0x0  }
0x57: {  	s3 =	rddreg [dreg:$0x2];
	[bflag:$0x3] =	sbarrier.arrive $0xFFFF;
	s2 =	simm.s32 @!p0 $0x1C01  }
0x58: {  	[timem:s3], [sflag:s2] =	dma.local @!p0 [hbm:s0], s1  }
0x59: {  	s0 =	simm.s32 @!p0 $0x1  }
0x5a: {  	_ =	swait.ge @!p0 [sflag:s0], s1  }
0x5b: {  	s1 =	ssub.s32 @!p0 $0x0, s1;
	[sflag:s0] =	ssyncset.done @!p0 $0x0  }
0x5c: {  	[sflag:s0] =	ssyncadd.s32 @!p0 s1  }
0x5d: {  	[bflag:$0x3] =	sbarrier.arrive $0xFFFF  }
0x5e: {  	_ =	shalt  }

</sc_bundles>
